<compile_context>
chip_gen: v7x
topology: tpu7x:2x2x1
jax: 0.10.2.dev20260603
libtpu: 0.0.44.dev20260713+nightly
codegen_flags: <defaults>
</compile_context>

<pallas_src>
import functools

import jax
import jax.numpy as jnp
from jax import lax
from jax.experimental import pallas as pl
from jax.experimental.pallas import tpu as pltpu
from jax.experimental.pallas import tpu_sc as plsc

N = 10000
E = 320000
D = 128
KS = [8000, 6400, 5120, 4096]

NC = 2
NS = 16
NW = NC * NS
CH = 128
ZR = 64
BR = 1024
NEG_INF = float("-inf")
IMIN = -2147483648

E_PAD = 323584


def _np_pad(n_rows):
    return ((n_rows + 2047) // 2048) * 2048


NP0 = _np_pad(N + 1)



def _agg_body(np_pad, n_ch, per_w, with_comp, *refs):
    if with_comp:
        (xp_hbm, src_hbm, dst_hbm, comp_hbm, out_hbm,
         sidx_v, didx_v, csrc_v, cdst_v, rows_v, zbuf_v, acc_sh, sem) = refs
    else:
        (xp_hbm, src_hbm, dst_hbm, out_hbm,
         sidx_v, didx_v, csrc_v, cdst_v, rows_v, zbuf_v, acc_sh, sem) = refs
    cid = lax.axis_index("c")
    sid = lax.axis_index("s")
    wid = sid * NC + cid

    def _zrow(i, _):
        def _zcol(j, __):
            zbuf_v[i, pl.ds(j * 16, 16)] = jnp.zeros((16,), jnp.float32)
            return __
        return lax.fori_loop(0, D // 16, _zcol, 0)
    lax.fori_loop(0, ZR, _zrow, 0)

    rt = np_pad // NS
    def _zfill(i, _):
        pltpu.sync_copy(zbuf_v, acc_sh.at[pl.ds(sid * rt + i * ZR, ZR)])
        return _
    lax.fori_loop(0, rt // ZR, _zfill, 0)
    plsc.subcore_barrier()

    base = wid * per_w

    def _edge(c, _):
        off = base + c * CH
        pltpu.sync_copy(src_hbm.at[pl.ds(off, CH)], sidx_v)
        pltpu.sync_copy(dst_hbm.at[pl.ds(off, CH)], didx_v)
        if with_comp:
            pltpu.async_copy(comp_hbm.at[sidx_v], csrc_v, sem).wait()
            pltpu.async_copy(comp_hbm.at[didx_v], cdst_v, sem).wait()
            gsrc, gdst = csrc_v, cdst_v
        else:
            gsrc, gdst = sidx_v, didx_v
        pltpu.async_copy(xp_hbm.at[gsrc], rows_v, sem).wait()
        pltpu.sync_copy(rows_v, acc_sh.at[gdst], add=True)
        return _
    lax.fori_loop(0, n_ch, _edge, 0)
    plsc.subcore_barrier()

    pltpu.sync_copy(acc_sh.at[pl.ds(sid * rt, rt)],
                    out_hbm.at[cid, pl.ds(sid * rt, rt)])


@functools.cache
def _make_agg(np_rows, with_comp):
    np_pad = _np_pad(np_rows)
    per_w = E_PAD // NW
    n_ch = per_w // CH
    mesh = plsc.VectorSubcoreMesh(core_axis_name="c", subcore_axis_name="s")
    body = functools.partial(_agg_body, np_pad, n_ch, per_w, with_comp)
    return pl.kernel(
        body,
        out_type=jax.ShapeDtypeStruct((NC, np_pad, D), jnp.float32),
        mesh=mesh,
        scratch_types=[
            pltpu.VMEM((CH,), jnp.int32),
            pltpu.VMEM((CH,), jnp.int32),
            pltpu.VMEM((CH,), jnp.int32),
            pltpu.VMEM((CH,), jnp.int32),
            pltpu.VMEM((CH, D), jnp.float32),
            pltpu.VMEM((ZR, D), jnp.float32),
            pltpu.VMEM_SHARED((np_pad, D), jnp.float32),
            pltpu.SemaphoreType.DMA,
        ],
        name=f"gin_agg_{np_rows}_{int(with_comp)}",
    )



def _mlp_body(n, k_prev, G, xc_ref, agg_ref, W1_ref, b1_ref, W2_ref, b2_ref,
              x2_ref, *rest):
    if k_prev is not None:
        ro_ref = rest[0]
        ro_acc = rest[1]
    r = pl.program_id(0)
    xc = xc_ref[...]
    h = xc + (agg_ref[0] + agg_ref[1])
    y = jnp.maximum(jnp.dot(h, W1_ref[...],
                            preferred_element_type=jnp.float32) + b1_ref[...],
                    0.0)
    x2 = jnp.maximum(jnp.dot(y, W2_ref[...],
                             preferred_element_type=jnp.float32) + b2_ref[...],
                     0.0)
    x2_ref[...] = x2

    if k_prev is not None:
        rid = lax.broadcasted_iota(jnp.int32, (BR, 1), 0) + r * BR
        xm = jnp.where(rid < k_prev, xc, NEG_INF)
        bmax = jnp.max(xm, axis=0, keepdims=True)
        bsum = jnp.sum(xc, axis=0, keepdims=True)

        @pl.when(r == 0)
        def _init():
            ro_acc[0, :] = bmax[0]
            ro_acc[1, :] = bsum[0]

        @pl.when(r > 0)
        def _acc():
            ro_acc[0, :] = jnp.maximum(ro_acc[0, :], bmax[0])
            ro_acc[1, :] = ro_acc[1, :] + bsum[0]

        @pl.when(r == G - 1)
        def _fin():
            ro_ref[0, pl.ds(0, 128)] = ro_acc[0, :]
            ro_ref[0, pl.ds(128, 128)] = ro_acc[1, :] / float(k_prev)


@functools.cache
def _make_mlp(n, k_prev):
    np_pad = _np_pad(n + 1)
    G = np_pad // BR
    out_shapes = [jax.ShapeDtypeStruct((np_pad, D), jnp.float32)]
    out_specs = [pl.BlockSpec((BR, D), lambda r: (r, 0))]
    scratch = []
    if k_prev is not None:
        out_shapes.append(jax.ShapeDtypeStruct((1, 2 * D), jnp.float32))
        out_specs.append(pl.BlockSpec((1, 2 * D), lambda r: (0, 0)))
        scratch.append(pltpu.VMEM((2, D), jnp.float32))
    return pl.pallas_call(
        functools.partial(_mlp_body, n, k_prev, G),
        grid=(G,),
        in_specs=[
            pl.BlockSpec((BR, D), lambda r: (r, 0)),
            pl.BlockSpec((NC, BR, D), lambda r: (0, r, 0)),
            pl.BlockSpec((D, D), lambda r: (0, 0)),
            pl.BlockSpec((1, D), lambda r: (0, 0)),
            pl.BlockSpec((D, D), lambda r: (0, 0)),
            pl.BlockSpec((1, D), lambda r: (0, 0)),
        ],
        out_specs=out_specs,
        out_shape=out_shapes,
        scratch_shapes=scratch,
        name=f"gin_mlp_{n}",
    )



def _head_body(k4, G, xc_ref, ros_ref, l1W_ref, l1b_ref, l2W_ref, l2b_ref,
               l3W_ref, l3b_ref, out_ref, ro_acc):
    r = pl.program_id(0)
    xc = xc_ref[...]
    bmax = jnp.max(xc, axis=0, keepdims=True)
    bsum = jnp.sum(xc, axis=0, keepdims=True)

    @pl.when(r == 0)
    def _init():
        ro_acc[0, :] = bmax[0]
        ro_acc[1, :] = bsum[0]

    @pl.when(r > 0)
    def _acc():
        ro_acc[0, :] = jnp.maximum(ro_acc[0, :], bmax[0])
        ro_acc[1, :] = ro_acc[1, :] + bsum[0]

    @pl.when(r == G - 1)
    def _fin():
        ro4 = jnp.concatenate(
            [ro_acc[0, :].reshape(1, D),
             (ro_acc[1, :] / float(k4)).reshape(1, D)], axis=1)
        ros = ros_ref[...]
        h = ros[0:1] + ros[1:2] + ros[2:3] + ro4
        h = jnp.maximum(jnp.dot(h, l1W_ref[...],
                                preferred_element_type=jnp.float32)
                        + l1b_ref[...], 0.0)
        h = jnp.maximum(jnp.dot(h, l2W_ref[...],
                                preferred_element_type=jnp.float32)
                        + l2b_ref[...], 0.0)
        out_ref[...] = jnp.dot(h, l3W_ref[...],
                               preferred_element_type=jnp.float32) + l3b_ref[...]


@functools.cache
def _make_head(k4, np4, C):
    G = k4 // BR
    return pl.pallas_call(
        functools.partial(_head_body, k4, G),
        grid=(G,),
        in_specs=[
            pl.BlockSpec((BR, D), lambda r: (r, 0)),
            pl.BlockSpec((3, 2 * D), lambda r: (0, 0)),
            pl.BlockSpec((2 * D, D), lambda r: (0, 0)),
            pl.BlockSpec((1, D), lambda r: (0, 0)),
            pl.BlockSpec((D, D // 2), lambda r: (0, 0)),
            pl.BlockSpec((1, D // 2), lambda r: (0, 0)),
            pl.BlockSpec((D // 2, C), lambda r: (0, 0)),
            pl.BlockSpec((1, C), lambda r: (0, 0)),
        ],
        out_specs=pl.BlockSpec((1, C), lambda r: (0, 0)),
        out_shape=jax.ShapeDtypeStruct((1, C), jnp.float32),
        scratch_shapes=[pltpu.VMEM((2, D), jnp.float32)],
        name="gin_head",
    )



def kernel(x, edge_index, edge_attr, batch,
           W1a, b1a, W1b, b1b, p1,
           W2a, b2a, W2b, b2b, p2,
           W3a, b3a, W3b, b3b, p3,
           W4a, b4a, W4b, b4b, p4,
           l1W, l1b, l2W, l2b, l3W, l3b):
    del edge_attr, batch
    Ws = [(W1a, b1a, W1b, b1b, p1), (W2a, b2a, W2b, b2b, p2),
          (W3a, b3a, W3b, b3b, p3), (W4a, b4a, W4b, b4b, p4)]

    epad = jnp.full((E_PAD - E,), N, jnp.int32)
    src = jnp.concatenate([edge_index[0], epad])
    dst = jnp.concatenate([edge_index[1], epad])

    np_cur = _np_pad(N + 1)
    xc = jnp.zeros((np_cur, D), jnp.float32).at[:N].set(x)
    comp = None
    n = N
    ros = []
    for i in range(4):
        W1, b1, W2, b2, p = Ws[i]
        k = KS[i]
        if i == 0:
            agg = _make_agg(n + 1, False)(xc, src, dst)
        else:
            agg = _make_agg(n + 1, True)(xc, src, dst, comp)
        k_prev = None if i == 0 else KS[i - 1]
        mlp_outs = _make_mlp(n, k_prev)(
            xc, agg, W1, b1.reshape(1, D), W2, b2.reshape(1, D))
        x2 = mlp_outs[0]
        if k_prev is not None:
            ros.append(mlp_outs[1])
        score = jnp.tanh((x2[:n] @ p) / jnp.linalg.norm(p))
        vals, perm = lax.top_k(score, k)
        xnew = x2[perm] * vals[:, None]
        mapping = jnp.full((n + 1,), k, jnp.int32).at[perm].set(
            jnp.arange(k, dtype=jnp.int32))
        if i == 0:
            comp = jnp.concatenate(
                [jnp.arange(N, dtype=jnp.int32),
                 jnp.full((NP0 - N,), N, jnp.int32)])
        comp = mapping[comp]
        np_cur = _np_pad(k + 1)
        xc = jnp.zeros((np_cur, D), jnp.float32).at[:k].set(xnew)
        n = k

    ros_cat = jnp.concatenate(ros, axis=0)
    out = _make_head(KS[3], np_cur, 10)(
        xc, ros_cat, l1W, l1b.reshape(1, D), l2W, l2b.reshape(1, D // 2),
        l3W, l3b.reshape(1, 10))
    return out

# --- scband reference (transcript-rebuilt; emitter-appended) ---
"""Pipeline reference for scband-gintop-k-37065567765121 (READ-ONLY COPY).

The authoritative reference and input builder live on the scoring server;
editing this copy changes nothing except your own understanding.
"""

import jax, jax.numpy as jnp
import numpy as np

N = 10000; E = 320000; D = 128; H = 128; C = 10
KS = [8000, 6400, 5120, 4096]
PN = ["W1a","b1a","W1b","b1b","p1","W2a","b2a","W2b","b2b","p2","W3a","b3a","W3b","b3b","p3","W4a","b4a","W4b","b4b","p4","l1W","l1b","l2W","l2b","l3W","l3b"]

def _param_shapes():
    s = {}
    ins = [D, H, H, H]
    for i in range(1, 5):
        s["W%da" % i] = (ins[i-1], H); s["b%da" % i] = (H,)
        s["W%db" % i] = (H, H); s["b%db" % i] = (H,)
        s["p%d" % i] = (H,)
    s["l1W"] = (2*H, H); s["l1b"] = (H,)
    s["l2W"] = (H, H//2); s["l2b"] = (H//2,)
    s["l3W"] = (H//2, C); s["l3b"] = (C,)
    return s

def setup_inputs(seed=0):
    key = jax.random.key(seed)
    inp = {}
    inp["x"] = jax.random.normal(jax.random.fold_in(key, 1), (N, D), dtype=jnp.float32)
    inp["edge_index"] = jax.random.randint(jax.random.fold_in(key, 2), (2, E), 0, N, dtype=jnp.int32)
    inp["edge_attr"] = jax.random.normal(jax.random.fold_in(key, 3), (E, 4), dtype=jnp.float32)
    inp["batch"] = jnp.zeros((N,), dtype=jnp.int32)
    shapes = _param_shapes()
    for j, n in enumerate(PN):
        inp[n] = jax.random.normal(jax.random.fold_in(key, 10 + j), shapes[n], dtype=jnp.float32) * 0.1
    return inp

def _gin(x, src, dst, W1, b1, W2, b2):
    # GINConv with eps=0: mlp(x + sum_{j->i} x_j); dummy index n routes invalid edges to a dropped row
    n = x.shape[0]
    xp = jnp.concatenate([x, jnp.zeros((1, x.shape[1]), x.dtype)], axis=0)
    agg = jax.ops.segment_sum(xp[src], dst, num_segments=n + 1)[:n]
    h = x + agg
    return jnp.maximum(h @ W1 + b1, 0.0) @ W2 + b2

def _pool(x, src, dst, w, k):
    # TopKPooling(ratio=0.8), single graph so k is static
    n = x.shape[0]
    score = jnp.tanh((x @ w) / jnp.linalg.norm(w))
    vals, perm = jax.lax.top_k(score, k)
    x_new = x[perm] * vals[:, None]
    mapping = jnp.full((n + 1,), k, dtype=src.dtype).at[perm].set(jnp.arange(k, dtype=src.dtype))
    return x_new, mapping[src], mapping[dst]

def _forward(d, src, dst):
    x = d["x"]
    outs = []
    for i in range(1, 5):
        x = jnp.maximum(_gin(x, src, dst, d["W%da" % i], d["b%da" % i], d["W%db" % i], d["b%db" % i]), 0.0)
        x, src, dst = _pool(x, src, dst, d["p%d" % i], KS[i - 1])
        # gmp || gap over the single graph
        outs.append(jnp.concatenate([jnp.max(x, axis=0, keepdims=True), jnp.mean(x, axis=0, keepdims=True)], axis=1))
    h = outs[0] + outs[1] + outs[2] + outs[3]
    h = jnp.maximum(h @ d["l1W"] + d["l1b"], 0.0)
    # dropout is identity in eval mode
    h = jnp.maximum(h @ d["l2W"] + d["l2b"], 0.0)
    return h @ d["l3W"] + d["l3b"]

def reference(x, edge_index, edge_attr, batch,
              W1a, b1a, W1b, b1b, p1,
              W2a, b2a, W2b, b2b, p2,
              W3a, b3a, W3b, b3b, p3,
              W4a, b4a, W4b, b4b, p4,
              l1W, l1b, l2W, l2b, l3W, l3b):
    kw = {
        "x": x, "edge_index": edge_index, "edge_attr": edge_attr, "batch": batch,
        "W1a": W1a, "b1a": b1a, "W1b": W1b, "b1b": b1b, "p1": p1,
        "W2a": W2a, "b2a": b2a, "W2b": W2b, "b2b": b2b, "p2": p2,
        "W3a": W3a, "b3a": b3a, "W3b": W3b, "b3b": b3b, "p3": p3,
        "W4a": W4a, "b4a": b4a, "W4b": W4b, "b4b": b4b, "p4": p4,
        "l1W": l1W, "l1b": l1b, "l2W": l2W, "l2b": l2b, "l3W": l3W, "l3b": l3b,
    }
    src, dst = kw["edge_index"][0], kw["edge_index"][1]
    return _forward(kw, src, dst)

if __name__ == "__main__":
    import jax
    _d = setup_inputs()
    print(jax.jit(kernel)(*tuple(_d.values())))

</pallas_src>

<mosaic_0001>
#map = affine_map<(d0, d1) -> (0, 0)>
#map1 = affine_map<(d0, d1) -> (0)>
#map2 = affine_map<(d0, d1) -> (0, 0, 0)>
module attributes {stable_mosaic.version = 14 : i64} {
  func.func @gin_agg_10001_0(%arg0: i32, %arg1: i32, %arg2: memref<10240x128xf32, #tpu.memory_space<hbm>>, %arg3: memref<323584xi32, #tpu.memory_space<hbm>>, %arg4: memref<323584xi32, #tpu.memory_space<hbm>>, %arg5: memref<2x10240x128xf32, #tpu.memory_space<hbm>>, %arg6: memref<128xi32, #tpu.memory_space<vmem>>, %arg7: memref<128xi32, #tpu.memory_space<vmem>>, %arg8: memref<128xi32, #tpu.memory_space<vmem>>, %arg9: memref<128xi32, #tpu.memory_space<vmem>>, %arg10: memref<128x128xf32, #tpu.memory_space<vmem>>, %arg11: memref<64x128xf32, #tpu.memory_space<vmem>>, %arg12: memref<10240x128xf32, #tpu.memory_space<vmem_shared>>, %arg13: memref<!tpu.dma_semaphore, #tpu.memory_space<semaphore_mem>>) attributes {dimension_semantics = [#tpu.dimension_semantics<core_parallel>, #tpu.dimension_semantics<subcore_parallel>], iteration_bounds = array<i64: 2, 16>, scalar_prefetch = 0 : i64, scratch_operands = 8 : i64, tpu.core_type = #tpu.core_type<sc_vector_subcore>, window_params = [{transform_indices = #map}, {transform_indices = #map1}, {transform_indices = #map1}, {transform_indices = #map2}]} {
    %mul3A = arith.constant 2 : i32
    %mul3A_0 = arith.muli %arg1, %mul3A : i32
    %add3A = arith.addi %mul3A_0, %arg0 : i32
    %scan3A = arith.constant 0 : i32
    %scan3A_1 = arith.constant 0 : i32
    %scan3A_2 = arith.constant 64 : i32
    %scan3A_3 = arith.addi %scan3A_1, %scan3A_2 : i32
    %scan3A_4 = arith.constant 1 : i32
    %scan3A_5 = scf.for %scan3A_26 = %scan3A_1 to %scan3A_3 step %scan3A_4 iter_args(%scan3A_27 = %scan3A) -> (i32)  : i32 {
      %scan3A_28 = arith.constant 0 : i32
      %scan3A_29 = arith.constant 0 : i32
      %scan3A_30 = arith.constant 8 : i32
      %scan3A_31 = arith.addi %scan3A_29, %scan3A_30 : i32
      %scan3A_32 = arith.constant 1 : i32
      scf.for %scan3A_35 = %scan3A_29 to %scan3A_31 step %scan3A_32  : i32 {
        %broadcast_in_dim3A = arith.constant 0.000000e+00 : f32
        %broadcast_in_dim3A_36 = vector.broadcast %broadcast_in_dim3A : f32 to vector<16xf32>
        %mul3A_37 = arith.constant 16 : i32
        %mul3A_38 = arith.muli %scan3A_35, %mul3A_37 : i32
        %swap3A = arith.index_cast %scan3A_26 : i32 to index
        %swap3A_39 = arith.index_cast %mul3A_38 : i32 to index
        %swap3A_40 = tpu.vector_load %arg11[%swap3A, %swap3A_39] {strides = array<i32>} : memref<64x128xf32, #tpu.memory_space<vmem>>, vector<1x16xf32>,
        %swap3A_41 = vector.shape_cast %swap3A_40 : vector<1x16xf32> to vector<16xf32>
        %swap3A_42 = vector.shape_cast %broadcast_in_dim3A_36 : vector<16xf32> to vector<1x16xf32>
        tpu.vector_store %arg11[%swap3A, %swap3A_39], %swap3A_42 {strides = array<i32>} : memref<64x128xf32, #tpu.memory_space<vmem>>, vector<1x16xf32>,
      }
      %scan3A_33 = arith.constant 8 : i32
      %scan3A_34 = arith.constant 0 : i32
      scf.yield %scan3A_34 : i32
    }
    %scan3A_6 = arith.constant 64 : i32
    %scan3A_7 = arith.constant 0 : i32
    %scan3A_8 = arith.constant 0 : i32
    %scan3A_9 = arith.constant 10 : i32
    %scan3A_10 = arith.addi %scan3A_8, %scan3A_9 : i32
    %scan3A_11 = arith.constant 1 : i32
    scf.for %scan3A_26 = %scan3A_8 to %scan3A_10 step %scan3A_11  : i32 {
      %mul3A_27 = arith.constant 640 : i32
      %mul3A_28 = arith.muli %arg1, %mul3A_27 : i32
      %mul3A_29 = arith.constant 64 : i32
      %mul3A_30 = arith.muli %scan3A_26, %mul3A_29 : i32
      %add3A_31 = arith.addi %mul3A_28, %mul3A_30 : i32
      "tpu.region"() ({
        %run_scoped3A = tpu.sem_alloc : memref<!tpu.dma_semaphore, #tpu.memory_space<semaphore_mem>>
        %dma_start3A = arith.constant 0 : i32
        %dma_start3A_32 = tpu.memref_slice %arg12[%add3A_31, %dma_start3A] : memref<10240x128xf32, #tpu.memory_space<vmem_shared>> -> memref<64x128xf32, #tpu.memory_space<vmem_shared>>
        %dma_start3A_33 = arith.constant 0 : i32
        %dma_start3A_34 = tpu.memref_slice %arg12[%add3A_31, %dma_start3A_33] : memref<10240x128xf32, #tpu.memory_space<vmem_shared>> -> memref<64x128xf32, #tpu.memory_space<vmem_shared>>
        tpu.enqueue_dma source(%arg11 : memref<64x128xf32, #tpu.memory_space<vmem>>) target(%dma_start3A_34 : memref<64x128xf32, #tpu.memory_space<vmem_shared>>) target_semaphore(%run_scoped3A : memref<!tpu.dma_semaphore, #tpu.memory_space<semaphore_mem>>)
        %dma_wait3A = arith.constant 0 : i32
        %dma_wait3A_35 = tpu.memref_slice %arg12[%add3A_31, %dma_wait3A] : memref<10240x128xf32, #tpu.memory_space<vmem_shared>> -> memref<64x128xf32, #tpu.memory_space<vmem_shared>>
        %dma_wait3A_36 = arith.constant 0 : i32
        %dma_wait3A_37 = tpu.memref_slice %arg12[%add3A_31, %dma_wait3A_36] : memref<10240x128xf32, #tpu.memory_space<vmem_shared>> -> memref<64x128xf32, #tpu.memory_space<vmem_shared>>
        tpu.wait_dma2 semaphore(%run_scoped3A : memref<!tpu.dma_semaphore, #tpu.memory_space<semaphore_mem>>) src(%arg11 : memref<64x128xf32, #tpu.memory_space<vmem>>) dst(%dma_wait3A_37 : memref<64x128xf32, #tpu.memory_space<vmem_shared>>)
        tpu.yield
      }) : () -> ()
    }
    %scan3A_12 = arith.constant 10 : i32
    %barrier3A = arith.constant 0 : index
    tpu.barrier barrier_id(%barrier3A)
    %mul3A_13 = arith.constant 10112 : i32
    %mul3A_14 = arith.muli %add3A, %mul3A_13 : i32
    %scan3A_15 = arith.constant 0 : i32
    %scan3A_16 = arith.constant 0 : i32
    %scan3A_17 = arith.constant 79 : i32
    %scan3A_18 = arith.addi %scan3A_16, %scan3A_17 : i32
    %scan3A_19 = arith.constant 1 : i32
    scf.for %scan3A_26 = %scan3A_16 to %scan3A_18 step %scan3A_19  : i32 {
      %mul3A_27 = arith.constant 128 : i32
      %mul3A_28 = arith.muli %scan3A_26, %mul3A_27 : i32
      %add3A_29 = arith.addi %mul3A_14, %mul3A_28 : i32
      "tpu.region"() ({
        %run_scoped3A = tpu.sem_alloc : memref<!tpu.dma_semaphore, #tpu.memory_space<semaphore_mem>>
        %dma_start3A_34 = tpu.memref_slice %arg3[%add3A_29] : memref<323584xi32, #tpu.memory_space<hbm>> -> memref<128xi32, #tpu.memory_space<hbm>>
        %dma_start3A_35 = tpu.memref_slice %arg3[%add3A_29] : memref<323584xi32, #tpu.memory_space<hbm>> -> memref<128xi32, #tpu.memory_space<hbm>>
        tpu.enqueue_dma source(%dma_start3A_35 : memref<128xi32, #tpu.memory_space<hbm>>) target(%arg6 : memref<128xi32, #tpu.memory_space<vmem>>) target_semaphore(%run_scoped3A : memref<!tpu.dma_semaphore, #tpu.memory_space<semaphore_mem>>)
        %dma_wait3A_36 = tpu.memref_slice %arg3[%add3A_29] : memref<323584xi32, #tpu.memory_space<hbm>> -> memref<128xi32, #tpu.memory_space<hbm>>
        %dma_wait3A_37 = tpu.memref_slice %arg3[%add3A_29] : memref<323584xi32, #tpu.memory_space<hbm>> -> memref<128xi32, #tpu.memory_space<hbm>>
        tpu.wait_dma2 semaphore(%run_scoped3A : memref<!tpu.dma_semaphore, #tpu.memory_space<semaphore_mem>>) src(%dma_wait3A_37 : memref<128xi32, #tpu.memory_space<hbm>>) dst(%arg6 : memref<128xi32, #tpu.memory_space<vmem>>)
        tpu.yield
      }) : () -> ()
      "tpu.region"() ({
        %run_scoped3A = tpu.sem_alloc : memref<!tpu.dma_semaphore, #tpu.memory_space<semaphore_mem>>
        %dma_start3A_34 = tpu.memref_slice %arg4[%add3A_29] : memref<323584xi32, #tpu.memory_space<hbm>> -> memref<128xi32, #tpu.memory_space<hbm>>
        %dma_start3A_35 = tpu.memref_slice %arg4[%add3A_29] : memref<323584xi32, #tpu.memory_space<hbm>> -> memref<128xi32, #tpu.memory_space<hbm>>
        tpu.enqueue_dma source(%dma_start3A_35 : memref<128xi32, #tpu.memory_space<hbm>>) target(%arg7 : memref<128xi32, #tpu.memory_space<vmem>>) target_semaphore(%run_scoped3A : memref<!tpu.dma_semaphore, #tpu.memory_space<semaphore_mem>>)
        %dma_wait3A_36 = tpu.memref_slice %arg4[%add3A_29] : memref<323584xi32, #tpu.memory_space<hbm>> -> memref<128xi32, #tpu.memory_space<hbm>>
        %dma_wait3A_37 = tpu.memref_slice %arg4[%add3A_29] : memref<323584xi32, #tpu.memory_space<hbm>> -> memref<128xi32, #tpu.memory_space<hbm>>
        tpu.wait_dma2 semaphore(%run_scoped3A : memref<!tpu.dma_semaphore, #tpu.memory_space<semaphore_mem>>) src(%dma_wait3A_37 : memref<128xi32, #tpu.memory_space<hbm>>) dst(%arg7 : memref<128xi32, #tpu.memory_space<vmem>>)
        tpu.yield
      }) : () -> ()
      %dma_start3A = arith.constant 0 : i32
      %dma_start3A_30 = arith.constant 0 : i32
      %dma_start3A_31 = tpu.memref_slice %arg2[%dma_start3A, %dma_start3A_30] : memref<10240x128xf32, #tpu.memory_space<hbm>> -> memref<10240x128xf32, #tpu.memory_space<hbm>>
      tpu.enqueue_indirect_dma source(%dma_start3A_31 : memref<10240x128xf32, #tpu.memory_space<hbm>>) target(%arg10 : memref<128x128xf32, #tpu.memory_space<vmem>>) offsets(%arg6 : memref<128xi32, #tpu.memory_space<vmem>>) semaphore(%arg13 : memref<!tpu.dma_semaphore, #tpu.memory_space<semaphore_mem>>)
      %dma_wait3A = arith.constant 0 : i32
      %dma_wait3A_32 = arith.constant 0 : i32
      %dma_wait3A_33 = tpu.memref_slice %arg2[%dma_wait3A, %dma_wait3A_32] : memref<10240x128xf32, #tpu.memory_space<hbm>> -> memref<10240x128xf32, #tpu.memory_space<hbm>>
      tpu.wait_indirect_dma semaphore(%arg13 : memref<!tpu.dma_semaphore, #tpu.memory_space<semaphore_mem>>) src(%dma_wait3A_33 : memref<10240x128xf32, #tpu.memory_space<hbm>>) dst(%arg10 : memref<128x128xf32, #tpu.memory_space<vmem>>)
      "tpu.region"() ({
        %run_scoped3A = tpu.sem_alloc : memref<!tpu.dma_semaphore, #tpu.memory_space<semaphore_mem>>
        %dma_start3A_34 = arith.constant 0 : i32
        %dma_start3A_35 = arith.constant 0 : i32
        %dma_start3A_36 = tpu.memref_slice %arg12[%dma_start3A_34, %dma_start3A_35] : memref<10240x128xf32, #tpu.memory_space<vmem_shared>> -> memref<10240x128xf32, #tpu.memory_space<vmem_shared>>
        tpu.enqueue_indirect_dma source(%arg10 : memref<128x128xf32, #tpu.memory_space<vmem>>) target(%dma_start3A_36 : memref<10240x128xf32, #tpu.memory_space<vmem_shared>>) offsets(%arg7 : memref<128xi32, #tpu.memory_space<vmem>>) semaphore(%run_scoped3A : memref<!tpu.dma_semaphore, #tpu.memory_space<semaphore_mem>>) {add = true}
        %dma_wait3A_37 = arith.constant 0 : i32
        %dma_wait3A_38 = arith.constant 0 : i32
        %dma_wait3A_39 = tpu.memref_slice %arg12[%dma_wait3A_37, %dma_wait3A_38] : memref<10240x128xf32, #tpu.memory_space<vmem_shared>> -> memref<10240x128xf32, #tpu.memory_space<vmem_shared>>
        tpu.wait_indirect_dma semaphore(%run_scoped3A : memref<!tpu.dma_semaphore, #tpu.memory_space<semaphore_mem>>) src(%arg10 : memref<128x128xf32, #tpu.memory_space<vmem>>) dst(%dma_wait3A_39 : memref<10240x128xf32, #tpu.memory_space<vmem_shared>>)
        tpu.yield
      }) : () -> ()
    }
    %scan3A_20 = arith.constant 79 : i32
    %barrier3A_21 = arith.constant 0 : index
    tpu.barrier barrier_id(%barrier3A_21)
    %mul3A_22 = arith.constant 640 : i32
    %mul3A_23 = arith.muli %arg1, %mul3A_22 : i32
    %mul3A_24 = arith.constant 640 : i32
    %mul3A_25 = arith.muli %arg1, %mul3A_24 : i32
    "tpu.region"() ({
      %run_scoped3A = tpu.sem_alloc : memref<!tpu.dma_semaphore, #tpu.memory_space<semaphore_mem>>
      %dma_start3A = arith.constant 0 : i32
      %dma_start3A_26 = tpu.memref_slice %arg5[%arg0, %mul3A_25, %dma_start3A] : memref<2x10240x128xf32, #tpu.memory_space<hbm>> -> memref<1x640x128xf32, #tpu.memory_space<hbm>>
      %dma_start3A_27 = tpu.memref_squeeze %dma_start3A_26 : memref<1x640x128xf32, #tpu.memory_space<hbm>> -> memref<640x128xf32, #tpu.memory_space<hbm>>
      %dma_start3A_28 = arith.constant 0 : i32
      %dma_start3A_29 = tpu.memref_slice %arg12[%mul3A_23, %dma_start3A_28] : memref<10240x128xf32, #tpu.memory_space<vmem_shared>> -> memref<640x128xf32, #tpu.memory_space<vmem_shared>>
      tpu.enqueue_dma source(%dma_start3A_29 : memref<640x128xf32, #tpu.memory_space<vmem_shared>>) target(%dma_start3A_27 : memref<640x128xf32, #tpu.memory_space<hbm>>) target_semaphore(%run_scoped3A : memref<!tpu.dma_semaphore, #tpu.memory_space<semaphore_mem>>)
      %dma_wait3A = arith.constant 0 : i32
      %dma_wait3A_30 = tpu.memref_slice %arg5[%arg0, %mul3A_25, %dma_wait3A] : memref<2x10240x128xf32, #tpu.memory_space<hbm>> -> memref<1x640x128xf32, #tpu.memory_space<hbm>>
      %dma_wait3A_31 = tpu.memref_squeeze %dma_wait3A_30 : memref<1x640x128xf32, #tpu.memory_space<hbm>> -> memref<640x128xf32, #tpu.memory_space<hbm>>
      %dma_wait3A_32 = arith.constant 0 : i32
      %dma_wait3A_33 = tpu.memref_slice %arg12[%mul3A_23, %dma_wait3A_32] : memref<10240x128xf32, #tpu.memory_space<vmem_shared>> -> memref<640x128xf32, #tpu.memory_space<vmem_shared>>
      tpu.wait_dma2 semaphore(%run_scoped3A : memref<!tpu.dma_semaphore, #tpu.memory_space<semaphore_mem>>) src(%dma_wait3A_33 : memref<640x128xf32, #tpu.memory_space<vmem_shared>>) dst(%dma_wait3A_31 : memref<640x128xf32, #tpu.memory_space<hbm>>)
      tpu.yield
    }) : () -> ()
    return
  }
}

#map = affine_map<(d0, d1) -> (0, 0)>
#map1 = affine_map<(d0, d1) -> (0)>
#map2 = affine_map<(d0, d1) -> (0, 0, 0)>
module attributes {stable_mosaic.version = 14 : i64} {
  func.func @gin_agg_8001_1(%arg0: i32, %arg1: i32, %arg2: memref<8192x128xf32, #tpu.memory_space<hbm>>, %arg3: memref<323584xi32, #tpu.memory_space<hbm>>, %arg4: memref<323584xi32, #tpu.memory_space<hbm>>, %arg5: memref<10240xi32, #tpu.memory_space<hbm>>, %arg6: memref<2x8192x128xf32, #tpu.memory_space<hbm>>, %arg7: memref<128xi32, #tpu.memory_space<vmem>>, %arg8: memref<128xi32, #tpu.memory_space<vmem>>, %arg9: memref<128xi32, #tpu.memory_space<vmem>>, %arg10: memref<128xi32, #tpu.memory_space<vmem>>, %arg11: memref<128x128xf32, #tpu.memory_space<vmem>>, %arg12: memref<64x128xf32, #tpu.memory_space<vmem>>, %arg13: memref<8192x128xf32, #tpu.memory_space<vmem_shared>>, %arg14: memref<!tpu.dma_semaphore, #tpu.memory_space<semaphore_mem>>) attributes {dimension_semantics = [#tpu.dimension_semantics<core_parallel>, #tpu.dimension_semantics<subcore_parallel>], iteration_bounds = array<i64: 2, 16>, scalar_prefetch = 0 : i64, scratch_operands = 8 : i64, tpu.core_type = #tpu.core_type<sc_vector_subcore>, window_params = [{transform_indices = #map}, {transform_indices = #map1}, {transform_indices = #map1}, {transform_indices = #map1}, {transform_indices = #map2}]} {
    %mul3A = arith.constant 2 : i32
    %mul3A_0 = arith.muli %arg1, %mul3A : i32
    %add3A = arith.addi %mul3A_0, %arg0 : i32
    %scan3A = arith.constant 0 : i32
    %scan3A_1 = arith.constant 0 : i32
    %scan3A_2 = arith.constant 64 : i32
    %scan3A_3 = arith.addi %scan3A_1, %scan3A_2 : i32
    %scan3A_4 = arith.constant 1 : i32
    %scan3A_5 = scf.for %scan3A_26 = %scan3A_1 to %scan3A_3 step %scan3A_4 iter_args(%scan3A_27 = %scan3A) -> (i32)  : i32 {
      %scan3A_28 = arith.constant 0 : i32
      %scan3A_29 = arith.constant 0 : i32
      %scan3A_30 = arith.constant 8 : i32
      %scan3A_31 = arith.addi %scan3A_29, %scan3A_30 : i32
      %scan3A_32 = arith.constant 1 : i32
      scf.for %scan3A_35 = %scan3A_29 to %scan3A_31 step %scan3A_32  : i32 {
        %broadcast_in_dim3A = arith.constant 0.000000e+00 : f32
        %broadcast_in_dim3A_36 = vector.broadcast %broadcast_in_dim3A : f32 to vector<16xf32>
        %mul3A_37 = arith.constant 16 : i32
        %mul3A_38 = arith.muli %scan3A_35, %mul3A_37 : i32
        %swap3A = arith.index_cast %scan3A_26 : i32 to index
        %swap3A_39 = arith.index_cast %mul3A_38 : i32 to index
        %swap3A_40 = tpu.vector_load %arg12[%swap3A, %swap3A_39] {strides = array<i32>} : memref<64x128xf32, #tpu.memory_space<vmem>>, vector<1x16xf32>,
        %swap3A_41 = vector.shape_cast %swap3A_40 : vector<1x16xf32> to vector<16xf32>
        %swap3A_42 = vector.shape_cast %broadcast_in_dim3A_36 : vector<16xf32> to vector<1x16xf32>
        tpu.vector_store %arg12[%swap3A, %swap3A_39], %swap3A_42 {strides = array<i32>} : memref<64x128xf32, #tpu.memory_space<vmem>>, vector<1x16xf32>,
      }
      %scan3A_33 = arith.constant 8 : i32
      %scan3A_34 = arith.constant 0 : i32
      scf.yield %scan3A_34 : i32
    }
    %scan3A_6 = arith.constant 64 : i32
    %scan3A_7 = arith.constant 0 : i32
    %scan3A_8 = arith.constant 0 : i32
    %scan3A_9 = arith.constant 8 : i32
    %scan3A_10 = arith.addi %scan3A_8, %scan3A_9 : i32
    %scan3A_11 = arith.constant 1 : i32
    scf.for %scan3A_26 = %scan3A_8 to %scan3A_10 step %scan3A_11  : i32 {
      %mul3A_27 = arith.constant 512 : i32
      %mul3A_28 = arith.muli %arg1, %mul3A_27 : i32
      %mul3A_29 = arith.constant 64 : i32
      %mul3A_30 = arith.muli %scan3A_26, %mul3A_29 : i32
      %add3A_31 = arith.addi %mul3A_28, %mul3A_30 : i32
      "tpu.region"() ({
        %run_scoped3A = tpu.sem_alloc : memref<!tpu.dma_semaphore, #tpu.memory_space<semaphore_mem>>
        %dma_start3A = arith.constant 0 : i32
        %dma_start3A_32 = tpu.memref_slice %arg13[%add3A_31, %dma_start3A] : memref<8192x128xf32, #tpu.memory_space<vmem_shared>> -> memref<64x128xf32, #tpu.memory_space<vmem_shared>>
        %dma_start3A_33 = arith.constant 0 : i32
        %dma_start3A_34 = tpu.memref_slice %arg13[%add3A_31, %dma_start3A_33] : memref<8192x128xf32, #tpu.memory_space<vmem_shared>> -> memref<64x128xf32, #tpu.memory_space<vmem_shared>>
        tpu.enqueue_dma source(%arg12 : memref<64x128xf32, #tpu.memory_space<vmem>>) target(%dma_start3A_34 : memref<64x128xf32, #tpu.memory_space<vmem_shared>>) target_semaphore(%run_scoped3A : memref<!tpu.dma_semaphore, #tpu.memory_space<semaphore_mem>>)
        %dma_wait3A = arith.constant 0 : i32
        %dma_wait3A_35 = tpu.memref_slice %arg13[%add3A_31, %dma_wait3A] : memref<8192x128xf32, #tpu.memory_space<vmem_shared>> -> memref<64x128xf32, #tpu.memory_space<vmem_shared>>
        %dma_wait3A_36 = arith.constant 0 : i32
        %dma_wait3A_37 = tpu.memref_slice %arg13[%add3A_31, %dma_wait3A_36] : memref<8192x128xf32, #tpu.memory_space<vmem_shared>> -> memref<64x128xf32, #tpu.memory_space<vmem_shared>>
        tpu.wait_dma2 semaphore(%run_scoped3A : memref<!tpu.dma_semaphore, #tpu.memory_space<semaphore_mem>>) src(%arg12 : memref<64x128xf32, #tpu.memory_space<vmem>>) dst(%dma_wait3A_37 : memref<64x128xf32, #tpu.memory_space<vmem_shared>>)
        tpu.yield
      }) : () -> ()
    }
    %scan3A_12 = arith.constant 8 : i32
    %barrier3A = arith.constant 0 : index
    tpu.barrier barrier_id(%barrier3A)
    %mul3A_13 = arith.constant 10112 : i32
    %mul3A_14 = arith.muli %add3A, %mul3A_13 : i32
    %scan3A_15 = arith.constant 0 : i32
    %scan3A_16 = arith.constant 0 : i32
    %scan3A_17 = arith.constant 79 : i32
    %scan3A_18 = arith.addi %scan3A_16, %scan3A_17 : i32
    %scan3A_19 = arith.constant 1 : i32
    scf.for %scan3A_26 = %scan3A_16 to %scan3A_18 step %scan3A_19  : i32 {
      %mul3A_27 = arith.constant 128 : i32
      %mul3A_28 = arith.muli %scan3A_26, %mul3A_27 : i32
      %add3A_29 = arith.addi %mul3A_14, %mul3A_28 : i32
      "tpu.region"() ({
        %run_scoped3A = tpu.sem_alloc : memref<!tpu.dma_semaphore, #tpu.memory_space<semaphore_mem>>
        %dma_start3A_42 = tpu.memref_slice %arg3[%add3A_29] : memref<323584xi32, #tpu.memory_space<hbm>> -> memref<128xi32, #tpu.memory_space<hbm>>
        %dma_start3A_43 = tpu.memref_slice %arg3[%add3A_29] : memref<323584xi32, #tpu.memory_space<hbm>> -> memref<128xi32, #tpu.memory_space<hbm>>
        tpu.enqueue_dma source(%dma_start3A_43 : memref<128xi32, #tpu.memory_space<hbm>>) target(%arg7 : memref<128xi32, #tpu.memory_space<vmem>>) target_semaphore(%run_scoped3A : memref<!tpu.dma_semaphore, #tpu.memory_space<semaphore_mem>>)
        %dma_wait3A_44 = tpu.memref_slice %arg3[%add3A_29] : memref<323584xi32, #tpu.memory_space<hbm>> -> memref<128xi32, #tpu.memory_space<hbm>>
        %dma_wait3A_45 = tpu.memref_slice %arg3[%add3A_29] : memref<323584xi32, #tpu.memory_space<hbm>> -> memref<128xi32, #tpu.memory_space<hbm>>
        tpu.wait_dma2 semaphore(%run_scoped3A : memref<!tpu.dma_semaphore, #tpu.memory_space<semaphore_mem>>) src(%dma_wait3A_45 : memref<128xi32, #tpu.memory_space<hbm>>) dst(%arg7 : memref<128xi32, #tpu.memory_space<vmem>>)
        tpu.yield
      }) : () -> ()
      "tpu.region"() ({
        %run_scoped3A = tpu.sem_alloc : memref<!tpu.dma_semaphore, #tpu.memory_space<semaphore_mem>>
        %dma_start3A_42 = tpu.memref_slice %arg4[%add3A_29] : memref<323584xi32, #tpu.memory_space<hbm>> -> memref<128xi32, #tpu.memory_space<hbm>>
        %dma_start3A_43 = tpu.memref_slice %arg4[%add3A_29] : memref<323584xi32, #tpu.memory_space<hbm>> -> memref<128xi32, #tpu.memory_space<hbm>>
        tpu.enqueue_dma source(%dma_start3A_43 : memref<128xi32, #tpu.memory_space<hbm>>) target(%arg8 : memref<128xi32, #tpu.memory_space<vmem>>) target_semaphore(%run_scoped3A : memref<!tpu.dma_semaphore, #tpu.memory_space<semaphore_mem>>)
        %dma_wait3A_44 = tpu.memref_slice %arg4[%add3A_29] : memref<323584xi32, #tpu.memory_space<hbm>> -> memref<128xi32, #tpu.memory_space<hbm>>
        %dma_wait3A_45 = tpu.memref_slice %arg4[%add3A_29] : memref<323584xi32, #tpu.memory_space<hbm>> -> memref<128xi32, #tpu.memory_space<hbm>>
        tpu.wait_dma2 semaphore(%run_scoped3A : memref<!tpu.dma_semaphore, #tpu.memory_space<semaphore_mem>>) src(%dma_wait3A_45 : memref<128xi32, #tpu.memory_space<hbm>>) dst(%arg8 : memref<128xi32, #tpu.memory_space<vmem>>)
        tpu.yield
      }) : () -> ()
      %dma_start3A = arith.constant 0 : i32
      %dma_start3A_30 = tpu.memref_slice %arg5[%dma_start3A] : memref<10240xi32, #tpu.memory_space<hbm>> -> memref<10240xi32, #tpu.memory_space<hbm>>
      tpu.enqueue_indirect_dma source(%dma_start3A_30 : memref<10240xi32, #tpu.memory_space<hbm>>) target(%arg9 : memref<128xi32, #tpu.memory_space<vmem>>) offsets(%arg7 : memref<128xi32, #tpu.memory_space<vmem>>) semaphore(%arg14 : memref<!tpu.dma_semaphore, #tpu.memory_space<semaphore_mem>>)
      %dma_wait3A = arith.constant 0 : i32
      %dma_wait3A_31 = tpu.memref_slice %arg5[%dma_wait3A] : memref<10240xi32, #tpu.memory_space<hbm>> -> memref<10240xi32, #tpu.memory_space<hbm>>
      tpu.wait_indirect_dma semaphore(%arg14 : memref<!tpu.dma_semaphore, #tpu.memory_space<semaphore_mem>>) src(%dma_wait3A_31 : memref<10240xi32, #tpu.memory_space<hbm>>) dst(%arg9 : memref<128xi32, #tpu.memory_space<vmem>>)
      %dma_start3A_32 = arith.constant 0 : i32
      %dma_start3A_33 = tpu.memref_slice %arg5[%dma_start3A_32] : memref<10240xi32, #tpu.memory_space<hbm>> -> memref<10240xi32, #tpu.memory_space<hbm>>
      tpu.enqueue_indirect_dma source(%dma_start3A_33 : memref<10240xi32, #tpu.memory_space<hbm>>) target(%arg10 : memref<128xi32, #tpu.memory_space<vmem>>) offsets(%arg8 : memref<128xi32, #tpu.memory_space<vmem>>) semaphore(%arg14 : memref<!tpu.dma_semaphore, #tpu.memory_space<semaphore_mem>>)
      %dma_wait3A_34 = arith.constant 0 : i32
      %dma_wait3A_35 = tpu.memref_slice %arg5[%dma_wait3A_34] : memref<10240xi32, #tpu.memory_space<hbm>> -> memref<10240xi32, #tpu.memory_space<hbm>>
      tpu.wait_indirect_dma semaphore(%arg14 : memref<!tpu.dma_semaphore, #tpu.memory_space<semaphore_mem>>) src(%dma_wait3A_35 : memref<10240xi32, #tpu.memory_space<hbm>>) dst(%arg10 : memref<128xi32, #tpu.memory_space<vmem>>)
      %dma_start3A_36 = arith.constant 0 : i32
      %dma_start3A_37 = arith.constant 0 : i32
      %dma_start3A_38 = tpu.memref_slice %arg2[%dma_start3A_36, %dma_start3A_37] : memref<8192x128xf32, #tpu.memory_space<hbm>> -> memref<8192x128xf32, #tpu.memory_space<hbm>>
      tpu.enqueue_indirect_dma source(%dma_start3A_38 : memref<8192x128xf32, #tpu.memory_space<hbm>>) target(%arg11 : memref<128x128xf32, #tpu.memory_space<vmem>>) offsets(%arg9 : memref<128xi32, #tpu.memory_space<vmem>>) semaphore(%arg14 : memref<!tpu.dma_semaphore, #tpu.memory_space<semaphore_mem>>)
      %dma_wait3A_39 = arith.constant 0 : i32
      %dma_wait3A_40 = arith.constant 0 : i32
      %dma_wait3A_41 = tpu.memref_slice %arg2[%dma_wait3A_39, %dma_wait3A_40] : memref<8192x128xf32, #tpu.memory_space<hbm>> -> memref<8192x128xf32, #tpu.memory_space<hbm>>
      tpu.wait_indirect_dma semaphore(%arg14 : memref<!tpu.dma_semaphore, #tpu.memory_space<semaphore_mem>>) src(%dma_wait3A_41 : memref<8192x128xf32, #tpu.memory_space<hbm>>) dst(%arg11 : memref<128x128xf32, #tpu.memory_space<vmem>>)
      "tpu.region"() ({
        %run_scoped3A = tpu.sem_alloc : memref<!tpu.dma_semaphore, #tpu.memory_space<semaphore_mem>>
        %dma_start3A_42 = arith.constant 0 : i32
        %dma_start3A_43 = arith.constant 0 : i32
        %dma_start3A_44 = tpu.memref_slice %arg13[%dma_start3A_42, %dma_start3A_43] : memref<8192x128xf32, #tpu.memory_space<vmem_shared>> -> memref<8192x128xf32, #tpu.memory_space<vmem_shared>>
        tpu.enqueue_indirect_dma source(%arg11 : memref<128x128xf32, #tpu.memory_space<vmem>>) target(%dma_start3A_44 : memref<8192x128xf32, #tpu.memory_space<vmem_shared>>) offsets(%arg10 : memref<128xi32, #tpu.memory_space<vmem>>) semaphore(%run_scoped3A : memref<!tpu.dma_semaphore, #tpu.memory_space<semaphore_mem>>) {add = true}
        %dma_wait3A_45 = arith.constant 0 : i32
        %dma_wait3A_46 = arith.constant 0 : i32
        %dma_wait3A_47 = tpu.memref_slice %arg13[%dma_wait3A_45, %dma_wait3A_46] : memref<8192x128xf32, #tpu.memory_space<vmem_shared>> -> memref<8192x128xf32, #tpu.memory_space<vmem_shared>>
        tpu.wait_indirect_dma semaphore(%run_scoped3A : memref<!tpu.dma_semaphore, #tpu.memory_space<semaphore_mem>>) src(%arg11 : memref<128x128xf32, #tpu.memory_space<vmem>>) dst(%dma_wait3A_47 : memref<8192x128xf32, #tpu.memory_space<vmem_shared>>)
        tpu.yield
      }) : () -> ()
    }
    %scan3A_20 = arith.constant 79 : i32
    %barrier3A_21 = arith.constant 0 : index
    tpu.barrier barrier_id(%barrier3A_21)
    %mul3A_22 = arith.constant 512 : i32
    %mul3A_23 = arith.muli %arg1, %mul3A_22 : i32
    %mul3A_24 = arith.constant 512 : i32
    %mul3A_25 = arith.muli %arg1, %mul3A_24 : i32
    "tpu.region"() ({
      %run_scoped3A = tpu.sem_alloc : memref<!tpu.dma_semaphore, #tpu.memory_space<semaphore_mem>>
      %dma_start3A = arith.constant 0 : i32
      %dma_start3A_26 = tpu.memref_slice %arg6[%arg0, %mul3A_25, %dma_start3A] : memref<2x8192x128xf32, #tpu.memory_space<hbm>> -> memref<1x512x128xf32, #tpu.memory_space<hbm>>
      %dma_start3A_27 = tpu.memref_squeeze %dma_start3A_26 : memref<1x512x128xf32, #tpu.memory_space<hbm>> -> memref<512x128xf32, #tpu.memory_space<hbm>>
      %dma_start3A_28 = arith.constant 0 : i32
      %dma_start3A_29 = tpu.memref_slice %arg13[%mul3A_23, %dma_start3A_28] : memref<8192x128xf32, #tpu.memory_space<vmem_shared>> -> memref<512x128xf32, #tpu.memory_space<vmem_shared>>
      tpu.enqueue_dma source(%dma_start3A_29 : memref<512x128xf32, #tpu.memory_space<vmem_shared>>) target(%dma_start3A_27 : memref<512x128xf32, #tpu.memory_space<hbm>>) target_semaphore(%run_scoped3A : memref<!tpu.dma_semaphore, #tpu.memory_space<semaphore_mem>>)
      %dma_wait3A = arith.constant 0 : i32
      %dma_wait3A_30 = tpu.memref_slice %arg6[%arg0, %mul3A_25, %dma_wait3A] : memref<2x8192x128xf32, #tpu.memory_space<hbm>> -> memref<1x512x128xf32, #tpu.memory_space<hbm>>
      %dma_wait3A_31 = tpu.memref_squeeze %dma_wait3A_30 : memref<1x512x128xf32, #tpu.memory_space<hbm>> -> memref<512x128xf32, #tpu.memory_space<hbm>>
      %dma_wait3A_32 = arith.constant 0 : i32
      %dma_wait3A_33 = tpu.memref_slice %arg13[%mul3A_23, %dma_wait3A_32] : memref<8192x128xf32, #tpu.memory_space<vmem_shared>> -> memref<512x128xf32, #tpu.memory_space<vmem_shared>>
      tpu.wait_dma2 semaphore(%run_scoped3A : memref<!tpu.dma_semaphore, #tpu.memory_space<semaphore_mem>>) src(%dma_wait3A_33 : memref<512x128xf32, #tpu.memory_space<vmem_shared>>) dst(%dma_wait3A_31 : memref<512x128xf32, #tpu.memory_space<hbm>>)
      tpu.yield
    }) : () -> ()
    return
  }
}

#map = affine_map<(d0, d1) -> (0, 0)>
#map1 = affine_map<(d0, d1) -> (0)>
#map2 = affine_map<(d0, d1) -> (0, 0, 0)>
module attributes {stable_mosaic.version = 14 : i64} {
  func.func @gin_agg_6401_1(%arg0: i32, %arg1: i32, %arg2: memref<8192x128xf32, #tpu.memory_space<hbm>>, %arg3: memref<323584xi32, #tpu.memory_space<hbm>>, %arg4: memref<323584xi32, #tpu.memory_space<hbm>>, %arg5: memref<10240xi32, #tpu.memory_space<hbm>>, %arg6: memref<2x8192x128xf32, #tpu.memory_space<hbm>>, %arg7: memref<128xi32, #tpu.memory_space<vmem>>, %arg8: memref<128xi32, #tpu.memory_space<vmem>>, %arg9: memref<128xi32, #tpu.memory_space<vmem>>, %arg10: memref<128xi32, #tpu.memory_space<vmem>>, %arg11: memref<128x128xf32, #tpu.memory_space<vmem>>, %arg12: memref<64x128xf32, #tpu.memory_space<vmem>>, %arg13: memref<8192x128xf32, #tpu.memory_space<vmem_shared>>, %arg14: memref<!tpu.dma_semaphore, #tpu.memory_space<semaphore_mem>>) attributes {dimension_semantics = [#tpu.dimension_semantics<core_parallel>, #tpu.dimension_semantics<subcore_parallel>], iteration_bounds = array<i64: 2, 16>, scalar_prefetch = 0 : i64, scratch_operands = 8 : i64, tpu.core_type = #tpu.core_type<sc_vector_subcore>, window_params = [{transform_indices = #map}, {transform_indices = #map1}, {transform_indices = #map1}, {transform_indices = #map1}, {transform_indices = #map2}]} {
    %mul3A = arith.constant 2 : i32
    %mul3A_0 = arith.muli %arg1, %mul3A : i32
    %add3A = arith.addi %mul3A_0, %arg0 : i32
    %scan3A = arith.constant 0 : i32
    %scan3A_1 = arith.constant 0 : i32
    %scan3A_2 = arith.constant 64 : i32
    %scan3A_3 = arith.addi %scan3A_1, %scan3A_2 : i32
    %scan3A_4 = arith.constant 1 : i32
    %scan3A_5 = scf.for %scan3A_26 = %scan3A_1 to %scan3A_3 step %scan3A_4 iter_args(%scan3A_27 = %scan3A) -> (i32)  : i32 {
      %scan3A_28 = arith.constant 0 : i32
      %scan3A_29 = arith.constant 0 : i32
      %scan3A_30 = arith.constant 8 : i32
      %scan3A_31 = arith.addi %scan3A_29, %scan3A_30 : i32
      %scan3A_32 = arith.constant 1 : i32
      scf.for %scan3A_35 = %scan3A_29 to %scan3A_31 step %scan3A_32  : i32 {
        %broadcast_in_dim3A = arith.constant 0.000000e+00 : f32
        %broadcast_in_dim3A_36 = vector.broadcast %broadcast_in_dim3A : f32 to vector<16xf32>
        %mul3A_37 = arith.constant 16 : i32
        %mul3A_38 = arith.muli %scan3A_35, %mul3A_37 : i32
        %swap3A = arith.index_cast %scan3A_26 : i32 to index
        %swap3A_39 = arith.index_cast %mul3A_38 : i32 to index
        %swap3A_40 = tpu.vector_load %arg12[%swap3A, %swap3A_39] {strides = array<i32>} : memref<64x128xf32, #tpu.memory_space<vmem>>, vector<1x16xf32>,
        %swap3A_41 = vector.shape_cast %swap3A_40 : vector<1x16xf32> to vector<16xf32>
        %swap3A_42 = vector.shape_cast %broadcast_in_dim3A_36 : vector<16xf32> to vector<1x16xf32>
        tpu.vector_store %arg12[%swap3A, %swap3A_39], %swap3A_42 {strides = array<i32>} : memref<64x128xf32, #tpu.memory_space<vmem>>, vector<1x16xf32>,
      }
      %scan3A_33 = arith.constant 8 : i32
      %scan3A_34 = arith.constant 0 : i32
      scf.yield %scan3A_34 : i32
    }
    %scan3A_6 = arith.constant 64 : i32
    %scan3A_7 = arith.constant 0 : i32
    %scan3A_8 = arith.constant 0 : i32
    %scan3A_9 = arith.constant 8 : i32
    %scan3A_10 = arith.addi %scan3A_8, %scan3A_9 : i32
    %scan3A_11 = arith.constant 1 : i32
    scf.for %scan3A_26 = %scan3A_8 to %scan3A_10 step %scan3A_11  : i32 {
      %mul3A_27 = arith.constant 512 : i32
      %mul3A_28 = arith.muli %arg1, %mul3A_27 : i32
      %mul3A_29 = arith.constant 64 : i32
      %mul3A_30 = arith.muli %scan3A_26, %mul3A_29 : i32
      %add3A_31 = arith.addi %mul3A_28, %mul3A_30 : i32
      "tpu.region"() ({
        %run_scoped3A = tpu.sem_alloc : memref<!tpu.dma_semaphore, #tpu.memory_space<semaphore_mem>>
        %dma_start3A = arith.constant 0 : i32
        %dma_start3A_32 = tpu.memref_slice %arg13[%add3A_31, %dma_start3A] : memref<8192x128xf32, #tpu.memory_space<vmem_shared>> -> memref<64x128xf32, #tpu.memory_space<vmem_shared>>
        %dma_start3A_33 = arith.constant 0 : i32
        %dma_start3A_34 = tpu.memref_slice %arg13[%add3A_31, %dma_start3A_33] : memref<8192x128xf32, #tpu.memory_space<vmem_shared>> -> memref<64x128xf32, #tpu.memory_space<vmem_shared>>
        tpu.enqueue_dma source(%arg12 : memref<64x128xf32, #tpu.memory_space<vmem>>) target(%dma_start3A_34 : memref<64x128xf32, #tpu.memory_space<vmem_shared>>) target_semaphore(%run_scoped3A : memref<!tpu.dma_semaphore, #tpu.memory_space<semaphore_mem>>)
        %dma_wait3A = arith.constant 0 : i32
        %dma_wait3A_35 = tpu.memref_slice %arg13[%add3A_31, %dma_wait3A] : memref<8192x128xf32, #tpu.memory_space<vmem_shared>> -> memref<64x128xf32, #tpu.memory_space<vmem_shared>>
        %dma_wait3A_36 = arith.constant 0 : i32
        %dma_wait3A_37 = tpu.memref_slice %arg13[%add3A_31, %dma_wait3A_36] : memref<8192x128xf32, #tpu.memory_space<vmem_shared>> -> memref<64x128xf32, #tpu.memory_space<vmem_shared>>
        tpu.wait_dma2 semaphore(%run_scoped3A : memref<!tpu.dma_semaphore, #tpu.memory_space<semaphore_mem>>) src(%arg12 : memref<64x128xf32, #tpu.memory_space<vmem>>) dst(%dma_wait3A_37 : memref<64x128xf32, #tpu.memory_space<vmem_shared>>)
        tpu.yield
      }) : () -> ()
    }
    %scan3A_12 = arith.constant 8 : i32
    %barrier3A = arith.constant 0 : index
    tpu.barrier barrier_id(%barrier3A)
    %mul3A_13 = arith.constant 10112 : i32
    %mul3A_14 = arith.muli %add3A, %mul3A_13 : i32
    %scan3A_15 = arith.constant 0 : i32
    %scan3A_16 = arith.constant 0 : i32
    %scan3A_17 = arith.constant 79 : i32
    %scan3A_18 = arith.addi %scan3A_16, %scan3A_17 : i32
    %scan3A_19 = arith.constant 1 : i32
    scf.for %scan3A_26 = %scan3A_16 to %scan3A_18 step %scan3A_19  : i32 {
      %mul3A_27 = arith.constant 128 : i32
      %mul3A_28 = arith.muli %scan3A_26, %mul3A_27 : i32
      %add3A_29 = arith.addi %mul3A_14, %mul3A_28 : i32
      "tpu.region"() ({
        %run_scoped3A = tpu.sem_alloc : memref<!tpu.dma_semaphore, #tpu.memory_space<semaphore_mem>>
        %dma_start3A_42 = tpu.memref_slice %arg3[%add3A_29] : memref<323584xi32, #tpu.memory_space<hbm>> -> memref<128xi32, #tpu.memory_space<hbm>>
        %dma_start3A_43 = tpu.memref_slice %arg3[%add3A_29] : memref<323584xi32, #tpu.memory_space<hbm>> -> memref<128xi32, #tpu.memory_space<hbm>>
        tpu.enqueue_dma source(%dma_start3A_43 : memref<128xi32, #tpu.memory_space<hbm>>) target(%arg7 : memref<128xi32, #tpu.memory_space<vmem>>) target_semaphore(%run_scoped3A : memref<!tpu.dma_semaphore, #tpu.memory_space<semaphore_mem>>)
        %dma_wait3A_44 = tpu.memref_slice %arg3[%add3A_29] : memref<323584xi32, #tpu.memory_space<hbm>> -> memref<128xi32, #tpu.memory_space<hbm>>
        %dma_wait3A_45 = tpu.memref_slice %arg3[%add3A_29] : memref<323584xi32, #tpu.memory_space<hbm>> -> memref<128xi32, #tpu.memory_space<hbm>>
        tpu.wait_dma2 semaphore(%run_scoped3A : memref<!tpu.dma_semaphore, #tpu.memory_space<semaphore_mem>>) src(%dma_wait3A_45 : memref<128xi32, #tpu.memory_space<hbm>>) dst(%arg7 : memref<128xi32, #tpu.memory_space<vmem>>)
        tpu.yield
      }) : () -> ()
      "tpu.region"() ({
        %run_scoped3A = tpu.sem_alloc : memref<!tpu.dma_semaphore, #tpu.memory_space<semaphore_mem>>
        %dma_start3A_42 = tpu.memref_slice %arg4[%add3A_29] : memref<323584xi32, #tpu.memory_space<hbm>> -> memref<128xi32, #tpu.memory_space<hbm>>
        %dma_start3A_43 = tpu.memref_slice %arg4[%add3A_29] : memref<323584xi32, #tpu.memory_space<hbm>> -> memref<128xi32, #tpu.memory_space<hbm>>
        tpu.enqueue_dma source(%dma_start3A_43 : memref<128xi32, #tpu.memory_space<hbm>>) target(%arg8 : memref<128xi32, #tpu.memory_space<vmem>>) target_semaphore(%run_scoped3A : memref<!tpu.dma_semaphore, #tpu.memory_space<semaphore_mem>>)
        %dma_wait3A_44 = tpu.memref_slice %arg4[%add3A_29] : memref<323584xi32, #tpu.memory_space<hbm>> -> memref<128xi32, #tpu.memory_space<hbm>>
        %dma_wait3A_45 = tpu.memref_slice %arg4[%add3A_29] : memref<323584xi32, #tpu.memory_space<hbm>> -> memref<128xi32, #tpu.memory_space<hbm>>
        tpu.wait_dma2 semaphore(%run_scoped3A : memref<!tpu.dma_semaphore, #tpu.memory_space<semaphore_mem>>) src(%dma_wait3A_45 : memref<128xi32, #tpu.memory_space<hbm>>) dst(%arg8 : memref<128xi32, #tpu.memory_space<vmem>>)
        tpu.yield
      }) : () -> ()
      %dma_start3A = arith.constant 0 : i32
      %dma_start3A_30 = tpu.memref_slice %arg5[%dma_start3A] : memref<10240xi32, #tpu.memory_space<hbm>> -> memref<10240xi32, #tpu.memory_space<hbm>>
      tpu.enqueue_indirect_dma source(%dma_start3A_30 : memref<10240xi32, #tpu.memory_space<hbm>>) target(%arg9 : memref<128xi32, #tpu.memory_space<vmem>>) offsets(%arg7 : memref<128xi32, #tpu.memory_space<vmem>>) semaphore(%arg14 : memref<!tpu.dma_semaphore, #tpu.memory_space<semaphore_mem>>)
      %dma_wait3A = arith.constant 0 : i32
      %dma_wait3A_31 = tpu.memref_slice %arg5[%dma_wait3A] : memref<10240xi32, #tpu.memory_space<hbm>> -> memref<10240xi32, #tpu.memory_space<hbm>>
      tpu.wait_indirect_dma semaphore(%arg14 : memref<!tpu.dma_semaphore, #tpu.memory_space<semaphore_mem>>) src(%dma_wait3A_31 : memref<10240xi32, #tpu.memory_space<hbm>>) dst(%arg9 : memref<128xi32, #tpu.memory_space<vmem>>)
      %dma_start3A_32 = arith.constant 0 : i32
      %dma_start3A_33 = tpu.memref_slice %arg5[%dma_start3A_32] : memref<10240xi32, #tpu.memory_space<hbm>> -> memref<10240xi32, #tpu.memory_space<hbm>>
      tpu.enqueue_indirect_dma source(%dma_start3A_33 : memref<10240xi32, #tpu.memory_space<hbm>>) target(%arg10 : memref<128xi32, #tpu.memory_space<vmem>>) offsets(%arg8 : memref<128xi32, #tpu.memory_space<vmem>>) semaphore(%arg14 : memref<!tpu.dma_semaphore, #tpu.memory_space<semaphore_mem>>)
      %dma_wait3A_34 = arith.constant 0 : i32
      %dma_wait3A_35 = tpu.memref_slice %arg5[%dma_wait3A_34] : memref<10240xi32, #tpu.memory_space<hbm>> -> memref<10240xi32, #tpu.memory_space<hbm>>
      tpu.wait_indirect_dma semaphore(%arg14 : memref<!tpu.dma_semaphore, #tpu.memory_space<semaphore_mem>>) src(%dma_wait3A_35 : memref<10240xi32, #tpu.memory_space<hbm>>) dst(%arg10 : memref<128xi32, #tpu.memory_space<vmem>>)
      %dma_start3A_36 = arith.constant 0 : i32
      %dma_start3A_37 = arith.constant 0 : i32
      %dma_start3A_38 = tpu.memref_slice %arg2[%dma_start3A_36, %dma_start3A_37] : memref<8192x128xf32, #tpu.memory_space<hbm>> -> memref<8192x128xf32, #tpu.memory_space<hbm>>
      tpu.enqueue_indirect_dma source(%dma_start3A_38 : memref<8192x128xf32, #tpu.memory_space<hbm>>) target(%arg11 : memref<128x128xf32, #tpu.memory_space<vmem>>) offsets(%arg9 : memref<128xi32, #tpu.memory_space<vmem>>) semaphore(%arg14 : memref<!tpu.dma_semaphore, #tpu.memory_space<semaphore_mem>>)
      %dma_wait3A_39 = arith.constant 0 : i32
      %dma_wait3A_40 = arith.constant 0 : i32
      %dma_wait3A_41 = tpu.memref_slice %arg2[%dma_wait3A_39, %dma_wait3A_40] : memref<8192x128xf32, #tpu.memory_space<hbm>> -> memref<8192x128xf32, #tpu.memory_space<hbm>>
      tpu.wait_indirect_dma semaphore(%arg14 : memref<!tpu.dma_semaphore, #tpu.memory_space<semaphore_mem>>) src(%dma_wait3A_41 : memref<8192x128xf32, #tpu.memory_space<hbm>>) dst(%arg11 : memref<128x128xf32, #tpu.memory_space<vmem>>)
      "tpu.region"() ({
        %run_scoped3A = tpu.sem_alloc : memref<!tpu.dma_semaphore, #tpu.memory_space<semaphore_mem>>
        %dma_start3A_42 = arith.constant 0 : i32
        %dma_start3A_43 = arith.constant 0 : i32
        %dma_start3A_44 = tpu.memref_slice %arg13[%dma_start3A_42, %dma_start3A_43] : memref<8192x128xf32, #tpu.memory_space<vmem_shared>> -> memref<8192x128xf32, #tpu.memory_space<vmem_shared>>
        tpu.enqueue_indirect_dma source(%arg11 : memref<128x128xf32, #tpu.memory_space<vmem>>) target(%dma_start3A_44 : memref<8192x128xf32, #tpu.memory_space<vmem_shared>>) offsets(%arg10 : memref<128xi32, #tpu.memory_space<vmem>>) semaphore(%run_scoped3A : memref<!tpu.dma_semaphore, #tpu.memory_space<semaphore_mem>>) {add = true}
        %dma_wait3A_45 = arith.constant 0 : i32
        %dma_wait3A_46 = arith.constant 0 : i32
        %dma_wait3A_47 = tpu.memref_slice %arg13[%dma_wait3A_45, %dma_wait3A_46] : memref<8192x128xf32, #tpu.memory_space<vmem_shared>> -> memref<8192x128xf32, #tpu.memory_space<vmem_shared>>
        tpu.wait_indirect_dma semaphore(%run_scoped3A : memref<!tpu.dma_semaphore, #tpu.memory_space<semaphore_mem>>) src(%arg11 : memref<128x128xf32, #tpu.memory_space<vmem>>) dst(%dma_wait3A_47 : memref<8192x128xf32, #tpu.memory_space<vmem_shared>>)
        tpu.yield
      }) : () -> ()
    }
    %scan3A_20 = arith.constant 79 : i32
    %barrier3A_21 = arith.constant 0 : index
    tpu.barrier barrier_id(%barrier3A_21)
    %mul3A_22 = arith.constant 512 : i32
    %mul3A_23 = arith.muli %arg1, %mul3A_22 : i32
    %mul3A_24 = arith.constant 512 : i32
    %mul3A_25 = arith.muli %arg1, %mul3A_24 : i32
    "tpu.region"() ({
      %run_scoped3A = tpu.sem_alloc : memref<!tpu.dma_semaphore, #tpu.memory_space<semaphore_mem>>
      %dma_start3A = arith.constant 0 : i32
      %dma_start3A_26 = tpu.memref_slice %arg6[%arg0, %mul3A_25, %dma_start3A] : memref<2x8192x128xf32, #tpu.memory_space<hbm>> -> memref<1x512x128xf32, #tpu.memory_space<hbm>>
      %dma_start3A_27 = tpu.memref_squeeze %dma_start3A_26 : memref<1x512x128xf32, #tpu.memory_space<hbm>> -> memref<512x128xf32, #tpu.memory_space<hbm>>
      %dma_start3A_28 = arith.constant 0 : i32
      %dma_start3A_29 = tpu.memref_slice %arg13[%mul3A_23, %dma_start3A_28] : memref<8192x128xf32, #tpu.memory_space<vmem_shared>> -> memref<512x128xf32, #tpu.memory_space<vmem_shared>>
      tpu.enqueue_dma source(%dma_start3A_29 : memref<512x128xf32, #tpu.memory_space<vmem_shared>>) target(%dma_start3A_27 : memref<512x128xf32, #tpu.memory_space<hbm>>) target_semaphore(%run_scoped3A : memref<!tpu.dma_semaphore, #tpu.memory_space<semaphore_mem>>)
      %dma_wait3A = arith.constant 0 : i32
      %dma_wait3A_30 = tpu.memref_slice %arg6[%arg0, %mul3A_25, %dma_wait3A] : memref<2x8192x128xf32, #tpu.memory_space<hbm>> -> memref<1x512x128xf32, #tpu.memory_space<hbm>>
      %dma_wait3A_31 = tpu.memref_squeeze %dma_wait3A_30 : memref<1x512x128xf32, #tpu.memory_space<hbm>> -> memref<512x128xf32, #tpu.memory_space<hbm>>
      %dma_wait3A_32 = arith.constant 0 : i32
      %dma_wait3A_33 = tpu.memref_slice %arg13[%mul3A_23, %dma_wait3A_32] : memref<8192x128xf32, #tpu.memory_space<vmem_shared>> -> memref<512x128xf32, #tpu.memory_space<vmem_shared>>
      tpu.wait_dma2 semaphore(%run_scoped3A : memref<!tpu.dma_semaphore, #tpu.memory_space<semaphore_mem>>) src(%dma_wait3A_33 : memref<512x128xf32, #tpu.memory_space<vmem_shared>>) dst(%dma_wait3A_31 : memref<512x128xf32, #tpu.memory_space<hbm>>)
      tpu.yield
    }) : () -> ()
    return
  }
}

#map = affine_map<(d0, d1) -> (0, 0)>
#map1 = affine_map<(d0, d1) -> (0)>
#map2 = affine_map<(d0, d1) -> (0, 0, 0)>
module attributes {stable_mosaic.version = 14 : i64} {
  func.func @gin_agg_5121_1(%arg0: i32, %arg1: i32, %arg2: memref<6144x128xf32, #tpu.memory_space<hbm>>, %arg3: memref<323584xi32, #tpu.memory_space<hbm>>, %arg4: memref<323584xi32, #tpu.memory_space<hbm>>, %arg5: memref<10240xi32, #tpu.memory_space<hbm>>, %arg6: memref<2x6144x128xf32, #tpu.memory_space<hbm>>, %arg7: memref<128xi32, #tpu.memory_space<vmem>>, %arg8: memref<128xi32, #tpu.memory_space<vmem>>, %arg9: memref<128xi32, #tpu.memory_space<vmem>>, %arg10: memref<128xi32, #tpu.memory_space<vmem>>, %arg11: memref<128x128xf32, #tpu.memory_space<vmem>>, %arg12: memref<64x128xf32, #tpu.memory_space<vmem>>, %arg13: memref<6144x128xf32, #tpu.memory_space<vmem_shared>>, %arg14: memref<!tpu.dma_semaphore, #tpu.memory_space<semaphore_mem>>) attributes {dimension_semantics = [#tpu.dimension_semantics<core_parallel>, #tpu.dimension_semantics<subcore_parallel>], iteration_bounds = array<i64: 2, 16>, scalar_prefetch = 0 : i64, scratch_operands = 8 : i64, tpu.core_type = #tpu.core_type<sc_vector_subcore>, window_params = [{transform_indices = #map}, {transform_indices = #map1}, {transform_indices = #map1}, {transform_indices = #map1}, {transform_indices = #map2}]} {
    %mul3A = arith.constant 2 : i32
    %mul3A_0 = arith.muli %arg1, %mul3A : i32
    %add3A = arith.addi %mul3A_0, %arg0 : i32
    %scan3A = arith.constant 0 : i32
    %scan3A_1 = arith.constant 0 : i32
    %scan3A_2 = arith.constant 64 : i32
    %scan3A_3 = arith.addi %scan3A_1, %scan3A_2 : i32
    %scan3A_4 = arith.constant 1 : i32
    %scan3A_5 = scf.for %scan3A_26 = %scan3A_1 to %scan3A_3 step %scan3A_4 iter_args(%scan3A_27 = %scan3A) -> (i32)  : i32 {
      %scan3A_28 = arith.constant 0 : i32
      %scan3A_29 = arith.constant 0 : i32
      %scan3A_30 = arith.constant 8 : i32
      %scan3A_31 = arith.addi %scan3A_29, %scan3A_30 : i32
      %scan3A_32 = arith.constant 1 : i32
      scf.for %scan3A_35 = %scan3A_29 to %scan3A_31 step %scan3A_32  : i32 {
        %broadcast_in_dim3A = arith.constant 0.000000e+00 : f32
        %broadcast_in_dim3A_36 = vector.broadcast %broadcast_in_dim3A : f32 to vector<16xf32>
        %mul3A_37 = arith.constant 16 : i32
        %mul3A_38 = arith.muli %scan3A_35, %mul3A_37 : i32
        %swap3A = arith.index_cast %scan3A_26 : i32 to index
        %swap3A_39 = arith.index_cast %mul3A_38 : i32 to index
        %swap3A_40 = tpu.vector_load %arg12[%swap3A, %swap3A_39] {strides = array<i32>} : memref<64x128xf32, #tpu.memory_space<vmem>>, vector<1x16xf32>,
        %swap3A_41 = vector.shape_cast %swap3A_40 : vector<1x16xf32> to vector<16xf32>
        %swap3A_42 = vector.shape_cast %broadcast_in_dim3A_36 : vector<16xf32> to vector<1x16xf32>
        tpu.vector_store %arg12[%swap3A, %swap3A_39], %swap3A_42 {strides = array<i32>} : memref<64x128xf32, #tpu.memory_space<vmem>>, vector<1x16xf32>,
      }
      %scan3A_33 = arith.constant 8 : i32
      %scan3A_34 = arith.constant 0 : i32
      scf.yield %scan3A_34 : i32
    }
    %scan3A_6 = arith.constant 64 : i32
    %scan3A_7 = arith.constant 0 : i32
    %scan3A_8 = arith.constant 0 : i32
    %scan3A_9 = arith.constant 6 : i32
    %scan3A_10 = arith.addi %scan3A_8, %scan3A_9 : i32
    %scan3A_11 = arith.constant 1 : i32
    scf.for %scan3A_26 = %scan3A_8 to %scan3A_10 step %scan3A_11  : i32 {
      %mul3A_27 = arith.constant 384 : i32
      %mul3A_28 = arith.muli %arg1, %mul3A_27 : i32
      %mul3A_29 = arith.constant 64 : i32
      %mul3A_30 = arith.muli %scan3A_26, %mul3A_29 : i32
      %add3A_31 = arith.addi %mul3A_28, %mul3A_30 : i32
      "tpu.region"() ({
        %run_scoped3A = tpu.sem_alloc : memref<!tpu.dma_semaphore, #tpu.memory_space<semaphore_mem>>
        %dma_start3A = arith.constant 0 : i32
        %dma_start3A_32 = tpu.memref_slice %arg13[%add3A_31, %dma_start3A] : memref<6144x128xf32, #tpu.memory_space<vmem_shared>> -> memref<64x128xf32, #tpu.memory_space<vmem_shared>>
        %dma_start3A_33 = arith.constant 0 : i32
        %dma_start3A_34 = tpu.memref_slice %arg13[%add3A_31, %dma_start3A_33] : memref<6144x128xf32, #tpu.memory_space<vmem_shared>> -> memref<64x128xf32, #tpu.memory_space<vmem_shared>>
        tpu.enqueue_dma source(%arg12 : memref<64x128xf32, #tpu.memory_space<vmem>>) target(%dma_start3A_34 : memref<64x128xf32, #tpu.memory_space<vmem_shared>>) target_semaphore(%run_scoped3A : memref<!tpu.dma_semaphore, #tpu.memory_space<semaphore_mem>>)
        %dma_wait3A = arith.constant 0 : i32
        %dma_wait3A_35 = tpu.memref_slice %arg13[%add3A_31, %dma_wait3A] : memref<6144x128xf32, #tpu.memory_space<vmem_shared>> -> memref<64x128xf32, #tpu.memory_space<vmem_shared>>
        %dma_wait3A_36 = arith.constant 0 : i32
        %dma_wait3A_37 = tpu.memref_slice %arg13[%add3A_31, %dma_wait3A_36] : memref<6144x128xf32, #tpu.memory_space<vmem_shared>> -> memref<64x128xf32, #tpu.memory_space<vmem_shared>>
        tpu.wait_dma2 semaphore(%run_scoped3A : memref<!tpu.dma_semaphore, #tpu.memory_space<semaphore_mem>>) src(%arg12 : memref<64x128xf32, #tpu.memory_space<vmem>>) dst(%dma_wait3A_37 : memref<64x128xf32, #tpu.memory_space<vmem_shared>>)
        tpu.yield
      }) : () -> ()
    }
    %scan3A_12 = arith.constant 6 : i32
    %barrier3A = arith.constant 0 : index
    tpu.barrier barrier_id(%barrier3A)
    %mul3A_13 = arith.constant 10112 : i32
    %mul3A_14 = arith.muli %add3A, %mul3A_13 : i32
    %scan3A_15 = arith.constant 0 : i32
    %scan3A_16 = arith.constant 0 : i32
    %scan3A_17 = arith.constant 79 : i32
    %scan3A_18 = arith.addi %scan3A_16, %scan3A_17 : i32
    %scan3A_19 = arith.constant 1 : i32
    scf.for %scan3A_26 = %scan3A_16 to %scan3A_18 step %scan3A_19  : i32 {
      %mul3A_27 = arith.constant 128 : i32
      %mul3A_28 = arith.muli %scan3A_26, %mul3A_27 : i32
      %add3A_29 = arith.addi %mul3A_14, %mul3A_28 : i32
      "tpu.region"() ({
        %run_scoped3A = tpu.sem_alloc : memref<!tpu.dma_semaphore, #tpu.memory_space<semaphore_mem>>
        %dma_start3A_42 = tpu.memref_slice %arg3[%add3A_29] : memref<323584xi32, #tpu.memory_space<hbm>> -> memref<128xi32, #tpu.memory_space<hbm>>
        %dma_start3A_43 = tpu.memref_slice %arg3[%add3A_29] : memref<323584xi32, #tpu.memory_space<hbm>> -> memref<128xi32, #tpu.memory_space<hbm>>
        tpu.enqueue_dma source(%dma_start3A_43 : memref<128xi32, #tpu.memory_space<hbm>>) target(%arg7 : memref<128xi32, #tpu.memory_space<vmem>>) target_semaphore(%run_scoped3A : memref<!tpu.dma_semaphore, #tpu.memory_space<semaphore_mem>>)
        %dma_wait3A_44 = tpu.memref_slice %arg3[%add3A_29] : memref<323584xi32, #tpu.memory_space<hbm>> -> memref<128xi32, #tpu.memory_space<hbm>>
        %dma_wait3A_45 = tpu.memref_slice %arg3[%add3A_29] : memref<323584xi32, #tpu.memory_space<hbm>> -> memref<128xi32, #tpu.memory_space<hbm>>
        tpu.wait_dma2 semaphore(%run_scoped3A : memref<!tpu.dma_semaphore, #tpu.memory_space<semaphore_mem>>) src(%dma_wait3A_45 : memref<128xi32, #tpu.memory_space<hbm>>) dst(%arg7 : memref<128xi32, #tpu.memory_space<vmem>>)
        tpu.yield
      }) : () -> ()
      "tpu.region"() ({
        %run_scoped3A = tpu.sem_alloc : memref<!tpu.dma_semaphore, #tpu.memory_space<semaphore_mem>>
        %dma_start3A_42 = tpu.memref_slice %arg4[%add3A_29] : memref<323584xi32, #tpu.memory_space<hbm>> -> memref<128xi32, #tpu.memory_space<hbm>>
        %dma_start3A_43 = tpu.memref_slice %arg4[%add3A_29] : memref<323584xi32, #tpu.memory_space<hbm>> -> memref<128xi32, #tpu.memory_space<hbm>>
        tpu.enqueue_dma source(%dma_start3A_43 : memref<128xi32, #tpu.memory_space<hbm>>) target(%arg8 : memref<128xi32, #tpu.memory_space<vmem>>) target_semaphore(%run_scoped3A : memref<!tpu.dma_semaphore, #tpu.memory_space<semaphore_mem>>)
        %dma_wait3A_44 = tpu.memref_slice %arg4[%add3A_29] : memref<323584xi32, #tpu.memory_space<hbm>> -> memref<128xi32, #tpu.memory_space<hbm>>
        %dma_wait3A_45 = tpu.memref_slice %arg4[%add3A_29] : memref<323584xi32, #tpu.memory_space<hbm>> -> memref<128xi32, #tpu.memory_space<hbm>>
        tpu.wait_dma2 semaphore(%run_scoped3A : memref<!tpu.dma_semaphore, #tpu.memory_space<semaphore_mem>>) src(%dma_wait3A_45 : memref<128xi32, #tpu.memory_space<hbm>>) dst(%arg8 : memref<128xi32, #tpu.memory_space<vmem>>)
        tpu.yield
      }) : () -> ()
      %dma_start3A = arith.constant 0 : i32
      %dma_start3A_30 = tpu.memref_slice %arg5[%dma_start3A] : memref<10240xi32, #tpu.memory_space<hbm>> -> memref<10240xi32, #tpu.memory_space<hbm>>
      tpu.enqueue_indirect_dma source(%dma_start3A_30 : memref<10240xi32, #tpu.memory_space<hbm>>) target(%arg9 : memref<128xi32, #tpu.memory_space<vmem>>) offsets(%arg7 : memref<128xi32, #tpu.memory_space<vmem>>) semaphore(%arg14 : memref<!tpu.dma_semaphore, #tpu.memory_space<semaphore_mem>>)
      %dma_wait3A = arith.constant 0 : i32
      %dma_wait3A_31 = tpu.memref_slice %arg5[%dma_wait3A] : memref<10240xi32, #tpu.memory_space<hbm>> -> memref<10240xi32, #tpu.memory_space<hbm>>
      tpu.wait_indirect_dma semaphore(%arg14 : memref<!tpu.dma_semaphore, #tpu.memory_space<semaphore_mem>>) src(%dma_wait3A_31 : memref<10240xi32, #tpu.memory_space<hbm>>) dst(%arg9 : memref<128xi32, #tpu.memory_space<vmem>>)
      %dma_start3A_32 = arith.constant 0 : i32
      %dma_start3A_33 = tpu.memref_slice %arg5[%dma_start3A_32] : memref<10240xi32, #tpu.memory_space<hbm>> -> memref<10240xi32, #tpu.memory_space<hbm>>
      tpu.enqueue_indirect_dma source(%dma_start3A_33 : memref<10240xi32, #tpu.memory_space<hbm>>) target(%arg10 : memref<128xi32, #tpu.memory_space<vmem>>) offsets(%arg8 : memref<128xi32, #tpu.memory_space<vmem>>) semaphore(%arg14 : memref<!tpu.dma_semaphore, #tpu.memory_space<semaphore_mem>>)
      %dma_wait3A_34 = arith.constant 0 : i32
      %dma_wait3A_35 = tpu.memref_slice %arg5[%dma_wait3A_34] : memref<10240xi32, #tpu.memory_space<hbm>> -> memref<10240xi32, #tpu.memory_space<hbm>>
      tpu.wait_indirect_dma semaphore(%arg14 : memref<!tpu.dma_semaphore, #tpu.memory_space<semaphore_mem>>) src(%dma_wait3A_35 : memref<10240xi32, #tpu.memory_space<hbm>>) dst(%arg10 : memref<128xi32, #tpu.memory_space<vmem>>)
      %dma_start3A_36 = arith.constant 0 : i32
      %dma_start3A_37 = arith.constant 0 : i32
      %dma_start3A_38 = tpu.memref_slice %arg2[%dma_start3A_36, %dma_start3A_37] : memref<6144x128xf32, #tpu.memory_space<hbm>> -> memref<6144x128xf32, #tpu.memory_space<hbm>>
      tpu.enqueue_indirect_dma source(%dma_start3A_38 : memref<6144x128xf32, #tpu.memory_space<hbm>>) target(%arg11 : memref<128x128xf32, #tpu.memory_space<vmem>>) offsets(%arg9 : memref<128xi32, #tpu.memory_space<vmem>>) semaphore(%arg14 : memref<!tpu.dma_semaphore, #tpu.memory_space<semaphore_mem>>)
      %dma_wait3A_39 = arith.constant 0 : i32
      %dma_wait3A_40 = arith.constant 0 : i32
      %dma_wait3A_41 = tpu.memref_slice %arg2[%dma_wait3A_39, %dma_wait3A_40] : memref<6144x128xf32, #tpu.memory_space<hbm>> -> memref<6144x128xf32, #tpu.memory_space<hbm>>
      tpu.wait_indirect_dma semaphore(%arg14 : memref<!tpu.dma_semaphore, #tpu.memory_space<semaphore_mem>>) src(%dma_wait3A_41 : memref<6144x128xf32, #tpu.memory_space<hbm>>) dst(%arg11 : memref<128x128xf32, #tpu.memory_space<vmem>>)
      "tpu.region"() ({
        %run_scoped3A = tpu.sem_alloc : memref<!tpu.dma_semaphore, #tpu.memory_space<semaphore_mem>>
        %dma_start3A_42 = arith.constant 0 : i32
        %dma_start3A_43 = arith.constant 0 : i32
        %dma_start3A_44 = tpu.memref_slice %arg13[%dma_start3A_42, %dma_start3A_43] : memref<6144x128xf32, #tpu.memory_space<vmem_shared>> -> memref<6144x128xf32, #tpu.memory_space<vmem_shared>>
        tpu.enqueue_indirect_dma source(%arg11 : memref<128x128xf32, #tpu.memory_space<vmem>>) target(%dma_start3A_44 : memref<6144x128xf32, #tpu.memory_space<vmem_shared>>) offsets(%arg10 : memref<128xi32, #tpu.memory_space<vmem>>) semaphore(%run_scoped3A : memref<!tpu.dma_semaphore, #tpu.memory_space<semaphore_mem>>) {add = true}
        %dma_wait3A_45 = arith.constant 0 : i32
        %dma_wait3A_46 = arith.constant 0 : i32
        %dma_wait3A_47 = tpu.memref_slice %arg13[%dma_wait3A_45, %dma_wait3A_46] : memref<6144x128xf32, #tpu.memory_space<vmem_shared>> -> memref<6144x128xf32, #tpu.memory_space<vmem_shared>>
        tpu.wait_indirect_dma semaphore(%run_scoped3A : memref<!tpu.dma_semaphore, #tpu.memory_space<semaphore_mem>>) src(%arg11 : memref<128x128xf32, #tpu.memory_space<vmem>>) dst(%dma_wait3A_47 : memref<6144x128xf32, #tpu.memory_space<vmem_shared>>)
        tpu.yield
      }) : () -> ()
    }
    %scan3A_20 = arith.constant 79 : i32
    %barrier3A_21 = arith.constant 0 : index
    tpu.barrier barrier_id(%barrier3A_21)
    %mul3A_22 = arith.constant 384 : i32
    %mul3A_23 = arith.muli %arg1, %mul3A_22 : i32
    %mul3A_24 = arith.constant 384 : i32
    %mul3A_25 = arith.muli %arg1, %mul3A_24 : i32
    "tpu.region"() ({
      %run_scoped3A = tpu.sem_alloc : memref<!tpu.dma_semaphore, #tpu.memory_space<semaphore_mem>>
      %dma_start3A = arith.constant 0 : i32
      %dma_start3A_26 = tpu.memref_slice %arg6[%arg0, %mul3A_25, %dma_start3A] : memref<2x6144x128xf32, #tpu.memory_space<hbm>> -> memref<1x384x128xf32, #tpu.memory_space<hbm>>
      %dma_start3A_27 = tpu.memref_squeeze %dma_start3A_26 : memref<1x384x128xf32, #tpu.memory_space<hbm>> -> memref<384x128xf32, #tpu.memory_space<hbm>>
      %dma_start3A_28 = arith.constant 0 : i32
      %dma_start3A_29 = tpu.memref_slice %arg13[%mul3A_23, %dma_start3A_28] : memref<6144x128xf32, #tpu.memory_space<vmem_shared>> -> memref<384x128xf32, #tpu.memory_space<vmem_shared>>
      tpu.enqueue_dma source(%dma_start3A_29 : memref<384x128xf32, #tpu.memory_space<vmem_shared>>) target(%dma_start3A_27 : memref<384x128xf32, #tpu.memory_space<hbm>>) target_semaphore(%run_scoped3A : memref<!tpu.dma_semaphore, #tpu.memory_space<semaphore_mem>>)
      %dma_wait3A = arith.constant 0 : i32
      %dma_wait3A_30 = tpu.memref_slice %arg6[%arg0, %mul3A_25, %dma_wait3A] : memref<2x6144x128xf32, #tpu.memory_space<hbm>> -> memref<1x384x128xf32, #tpu.memory_space<hbm>>
      %dma_wait3A_31 = tpu.memref_squeeze %dma_wait3A_30 : memref<1x384x128xf32, #tpu.memory_space<hbm>> -> memref<384x128xf32, #tpu.memory_space<hbm>>
      %dma_wait3A_32 = arith.constant 0 : i32
      %dma_wait3A_33 = tpu.memref_slice %arg13[%mul3A_23, %dma_wait3A_32] : memref<6144x128xf32, #tpu.memory_space<vmem_shared>> -> memref<384x128xf32, #tpu.memory_space<vmem_shared>>
      tpu.wait_dma2 semaphore(%run_scoped3A : memref<!tpu.dma_semaphore, #tpu.memory_space<semaphore_mem>>) src(%dma_wait3A_33 : memref<384x128xf32, #tpu.memory_space<vmem_shared>>) dst(%dma_wait3A_31 : memref<384x128xf32, #tpu.memory_space<hbm>>)
      tpu.yield
    }) : () -> ()
    return
  }
}

module attributes {stable_mosaic.version = 14 : i64} {
  func.func @gin_mlp_10000(%arg0: i32, %arg1: memref<1024x128xf32, #tpu.memory_space<vmem>>, %arg2: memref<2x1024x128xf32, #tpu.memory_space<vmem>>, %arg3: memref<128x128xf32, #tpu.memory_space<vmem>>, %arg4: memref<1x128xf32, #tpu.memory_space<vmem>>, %arg5: memref<128x128xf32, #tpu.memory_space<vmem>>, %arg6: memref<1x128xf32, #tpu.memory_space<vmem>>, %arg7: memref<1024x128xf32, #tpu.memory_space<vmem>>) attributes {dimension_semantics = [#tpu.dimension_semantics<arbitrary>], iteration_bounds = array<i64: 10>, scalar_prefetch = 0 : i64, scratch_operands = 0 : i64, tpu.core_type = #tpu.core_type<tc>, window_params = [{transform_indices = @transform_0, window_bounds = array<i64: 1024, 128>}, {transform_indices = @transform_1, window_bounds = array<i64: 2, 1024, 128>}, {pipeline_mode = #tpu.pipeline_mode<synchronous>, transform_indices = @transform_2, window_bounds = array<i64: 128, 128>}, {pipeline_mode = #tpu.pipeline_mode<synchronous>, transform_indices = @transform_3, window_bounds = array<i64: 1, 128>}, {pipeline_mode = #tpu.pipeline_mode<synchronous>, transform_indices = @transform_4, window_bounds = array<i64: 128, 128>}, {pipeline_mode = #tpu.pipeline_mode<synchronous>, transform_indices = @transform_5, window_bounds = array<i64: 1, 128>}, {transform_indices = @transform_6, window_bounds = array<i64: 1024, 128>}]} {
    %get3A = arith.constant 0 : index
    %get3A_0 = arith.constant 0 : index
    %get3A_1 = vector.load %arg1[%get3A, %get3A_0] : memref<1024x128xf32, #tpu.memory_space<vmem>>, vector<1024x128xf32>
    %get3A_2 = arith.constant 0 : index
    %get3A_3 = arith.constant 0 : index
    %get3A_4 = arith.constant 0 : index
    %get3A_5 = vector.load %arg2[%get3A_2, %get3A_3, %get3A_4] : memref<2x1024x128xf32, #tpu.memory_space<vmem>>, vector<1x1024x128xf32>
    %get3A_6 = vector.shape_cast %get3A_5 : vector<1x1024x128xf32> to vector<1024x128xf32>
    %get3A_7 = arith.constant 1 : index
    %get3A_8 = arith.constant 0 : index
    %get3A_9 = arith.constant 0 : index
    %get3A_10 = vector.load %arg2[%get3A_7, %get3A_8, %get3A_9] : memref<2x1024x128xf32, #tpu.memory_space<vmem>>, vector<1x1024x128xf32>
    %get3A_11 = vector.shape_cast %get3A_10 : vector<1x1024x128xf32> to vector<1024x128xf32>
    %add3A = arith.addf %get3A_6, %get3A_11 : vector<1024x128xf32>
    %add3A_12 = arith.addf %get3A_1, %add3A : vector<1024x128xf32>
    %get3A_13 = arith.constant 0 : index
    %get3A_14 = arith.constant 0 : index
    %get3A_15 = vector.load %arg3[%get3A_13, %get3A_14] : memref<128x128xf32, #tpu.memory_space<vmem>>, vector<128x128xf32>
    %dot_general3A = arith.constant dense<0.000000e+00> : vector<1024x128xf32>
    %dot_general3A_16 = tpu.matmul %add3A_12, %get3A_15, %dot_general3A {dimension_numbers = #tpu.dot_dimension_numbers<[1], [0], [0], [1], [0, 0, 1, 1], [], []>, transpose_lhs_hint = false} : vector<1024x128xf32>, vector<128x128xf32>, vector<1024x128xf32> -> vector<1024x128xf32>
    %get3A_17 = arith.constant 0 : index
    %get3A_18 = arith.constant 0 : index
    %get3A_19 = vector.load %arg4[%get3A_17, %get3A_18] : memref<1x128xf32, #tpu.memory_space<vmem>>, vector<1x128xf32>
    %add3A_20 = vector.broadcast %get3A_19 : vector<1x128xf32> to vector<1024x128xf32>
    %add3A_21 = arith.addf %dot_general3A_16, %add3A_20 : vector<1024x128xf32>
    %max3A = arith.constant 0.000000e+00 : f32
    %max3A_22 = vector.broadcast %max3A : f32 to vector<1024x128xf32>
    %max3A_23 = arith.maximumf %add3A_21, %max3A_22 : vector<1024x128xf32>
    %get3A_24 = arith.constant 0 : index
    %get3A_25 = arith.constant 0 : index
    %get3A_26 = vector.load %arg5[%get3A_24, %get3A_25] : memref<128x128xf32, #tpu.memory_space<vmem>>, vector<128x128xf32>
    %dot_general3A_27 = arith.constant dense<0.000000e+00> : vector<1024x128xf32>
    %dot_general3A_28 = tpu.matmul %max3A_23, %get3A_26, %dot_general3A_27 {dimension_numbers = #tpu.dot_dimension_numbers<[1], [0], [0], [1], [0, 0, 1, 1], [], []>, transpose_lhs_hint = false} : vector<1024x128xf32>, vector<128x128xf32>, vector<1024x128xf32> -> vector<1024x128xf32>
    %get3A_29 = arith.constant 0 : index
    %get3A_30 = arith.constant 0 : index
    %get3A_31 = vector.load %arg6[%get3A_29, %get3A_30] : memref<1x128xf32, #tpu.memory_space<vmem>>, vector<1x128xf32>
    %add3A_32 = vector.broadcast %get3A_31 : vector<1x128xf32> to vector<1024x128xf32>
    %add3A_33 = arith.addf %dot_general3A_28, %add3A_32 : vector<1024x128xf32>
    %max3A_34 = arith.constant 0.000000e+00 : f32
    %max3A_35 = vector.broadcast %max3A_34 : f32 to vector<1024x128xf32>
    %max3A_36 = arith.maximumf %add3A_33, %max3A_35 : vector<1024x128xf32>
    %swap3A = arith.constant 0 : index
    %swap3A_37 = arith.constant 0 : index
    %swap3A_38 = vector.load %arg7[%swap3A, %swap3A_37] : memref<1024x128xf32, #tpu.memory_space<vmem>>, vector<1024x128xf32>
    tpu.vector_store %arg7[%swap3A, %swap3A_37], %max3A_36 {strides = array<i32>} : memref<1024x128xf32, #tpu.memory_space<vmem>>, vector<1024x128xf32>,
    return
  }
  func.func @transform_0(%arg0: i32) -> (i32, i32) {
    %c0_i32 = arith.constant 0 : i32
    %c0_i32_0 = arith.constant 0 : i32
    return %arg0, %c0_i32 : i32, i32
  }
  func.func @transform_1(%arg0: i32) -> (i32, i32, i32) {
    %c0_i32 = arith.constant 0 : i32
    %c0_i32_0 = arith.constant 0 : i32
    %c0_i32_1 = arith.constant 0 : i32
    return %c0_i32, %arg0, %c0_i32_0 : i32, i32, i32
  }
  func.func @transform_2(%arg0: i32) -> (i32, i32) {
    %c0_i32 = arith.constant 0 : i32
    %c0_i32_0 = arith.constant 0 : i32
    %c0_i32_1 = arith.constant 0 : i32
    return %c0_i32, %c0_i32_0 : i32, i32
  }
  func.func @transform_3(%arg0: i32) -> (i32, i32) {
    %c0_i32 = arith.constant 0 : i32
    %c0_i32_0 = arith.constant 0 : i32
    %c0_i32_1 = arith.constant 0 : i32
    return %c0_i32, %c0_i32_0 : i32, i32
  }
  func.func @transform_4(%arg0: i32) -> (i32, i32) {
    %c0_i32 = arith.constant 0 : i32
    %c0_i32_0 = arith.constant 0 : i32
    %c0_i32_1 = arith.constant 0 : i32
    return %c0_i32, %c0_i32_0 : i32, i32
  }
  func.func @transform_5(%arg0: i32) -> (i32, i32) {
    %c0_i32 = arith.constant 0 : i32
    %c0_i32_0 = arith.constant 0 : i32
    %c0_i32_1 = arith.constant 0 : i32
    return %c0_i32, %c0_i32_0 : i32, i32
  }
  func.func @transform_6(%arg0: i32) -> (i32, i32) {
    %c0_i32 = arith.constant 0 : i32
    %c0_i32_0 = arith.constant 0 : i32
    return %arg0, %c0_i32 : i32, i32
  }
}

module attributes {stable_mosaic.version = 14 : i64} {
  func.func @gin_mlp_8000(%arg0: i32, %arg1: memref<1024x128xf32, #tpu.memory_space<vmem>>, %arg2: memref<2x1024x128xf32, #tpu.memory_space<vmem>>, %arg3: memref<128x128xf32, #tpu.memory_space<vmem>>, %arg4: memref<1x128xf32, #tpu.memory_space<vmem>>, %arg5: memref<128x128xf32, #tpu.memory_space<vmem>>, %arg6: memref<1x128xf32, #tpu.memory_space<vmem>>, %arg7: memref<1024x128xf32, #tpu.memory_space<vmem>>, %arg8: memref<1x256xf32, #tpu.memory_space<vmem>>, %arg9: memref<2x128xf32, #tpu.memory_space<vmem>>) attributes {dimension_semantics = [#tpu.dimension_semantics<arbitrary>], iteration_bounds = array<i64: 8>, scalar_prefetch = 0 : i64, scratch_operands = 1 : i64, tpu.core_type = #tpu.core_type<tc>, window_params = [{transform_indices = @transform_0, window_bounds = array<i64: 1024, 128>}, {transform_indices = @transform_1, window_bounds = array<i64: 2, 1024, 128>}, {pipeline_mode = #tpu.pipeline_mode<synchronous>, transform_indices = @transform_2, window_bounds = array<i64: 128, 128>}, {pipeline_mode = #tpu.pipeline_mode<synchronous>, transform_indices = @transform_3, window_bounds = array<i64: 1, 128>}, {pipeline_mode = #tpu.pipeline_mode<synchronous>, transform_indices = @transform_4, window_bounds = array<i64: 128, 128>}, {pipeline_mode = #tpu.pipeline_mode<synchronous>, transform_indices = @transform_5, window_bounds = array<i64: 1, 128>}, {transform_indices = @transform_6, window_bounds = array<i64: 1024, 128>}, {pipeline_mode = #tpu.pipeline_mode<synchronous>, transform_indices = @transform_7, window_bounds = array<i64: 1, 256>}]} {
    %get3A = arith.constant 0 : index
    %get3A_0 = arith.constant 0 : index
    %get3A_1 = vector.load %arg1[%get3A, %get3A_0] : memref<1024x128xf32, #tpu.memory_space<vmem>>, vector<1024x128xf32>
    %get3A_2 = arith.constant 0 : index
    %get3A_3 = arith.constant 0 : index
    %get3A_4 = arith.constant 0 : index
    %get3A_5 = vector.load %arg2[%get3A_2, %get3A_3, %get3A_4] : memref<2x1024x128xf32, #tpu.memory_space<vmem>>, vector<1x1024x128xf32>
    %get3A_6 = vector.shape_cast %get3A_5 : vector<1x1024x128xf32> to vector<1024x128xf32>
    %get3A_7 = arith.constant 1 : index
    %get3A_8 = arith.constant 0 : index
    %get3A_9 = arith.constant 0 : index
    %get3A_10 = vector.load %arg2[%get3A_7, %get3A_8, %get3A_9] : memref<2x1024x128xf32, #tpu.memory_space<vmem>>, vector<1x1024x128xf32>
    %get3A_11 = vector.shape_cast %get3A_10 : vector<1x1024x128xf32> to vector<1024x128xf32>
    %add3A = arith.addf %get3A_6, %get3A_11 : vector<1024x128xf32>
    %add3A_12 = arith.addf %get3A_1, %add3A : vector<1024x128xf32>
    %get3A_13 = arith.constant 0 : index
    %get3A_14 = arith.constant 0 : index
    %get3A_15 = vector.load %arg3[%get3A_13, %get3A_14] : memref<128x128xf32, #tpu.memory_space<vmem>>, vector<128x128xf32>
    %dot_general3A = arith.constant dense<0.000000e+00> : vector<1024x128xf32>
    %dot_general3A_16 = tpu.matmul %add3A_12, %get3A_15, %dot_general3A {dimension_numbers = #tpu.dot_dimension_numbers<[1], [0], [0], [1], [0, 0, 1, 1], [], []>, transpose_lhs_hint = false} : vector<1024x128xf32>, vector<128x128xf32>, vector<1024x128xf32> -> vector<1024x128xf32>
    %get3A_17 = arith.constant 0 : index
    %get3A_18 = arith.constant 0 : index
    %get3A_19 = vector.load %arg4[%get3A_17, %get3A_18] : memref<1x128xf32, #tpu.memory_space<vmem>>, vector<1x128xf32>
    %add3A_20 = vector.broadcast %get3A_19 : vector<1x128xf32> to vector<1024x128xf32>
    %add3A_21 = arith.addf %dot_general3A_16, %add3A_20 : vector<1024x128xf32>
    %max3A = arith.constant 0.000000e+00 : f32
    %max3A_22 = vector.broadcast %max3A : f32 to vector<1024x128xf32>
    %max3A_23 = arith.maximumf %add3A_21, %max3A_22 : vector<1024x128xf32>
    %get3A_24 = arith.constant 0 : index
    %get3A_25 = arith.constant 0 : index
    %get3A_26 = vector.load %arg5[%get3A_24, %get3A_25] : memref<128x128xf32, #tpu.memory_space<vmem>>, vector<128x128xf32>
    %dot_general3A_27 = arith.constant dense<0.000000e+00> : vector<1024x128xf32>
    %dot_general3A_28 = tpu.matmul %max3A_23, %get3A_26, %dot_general3A_27 {dimension_numbers = #tpu.dot_dimension_numbers<[1], [0], [0], [1], [0, 0, 1, 1], [], []>, transpose_lhs_hint = false} : vector<1024x128xf32>, vector<128x128xf32>, vector<1024x128xf32> -> vector<1024x128xf32>
    %get3A_29 = arith.constant 0 : index
    %get3A_30 = arith.constant 0 : index
    %get3A_31 = vector.load %arg6[%get3A_29, %get3A_30] : memref<1x128xf32, #tpu.memory_space<vmem>>, vector<1x128xf32>
    %add3A_32 = vector.broadcast %get3A_31 : vector<1x128xf32> to vector<1024x128xf32>
    %add3A_33 = arith.addf %dot_general3A_28, %add3A_32 : vector<1024x128xf32>
    %max3A_34 = arith.constant 0.000000e+00 : f32
    %max3A_35 = vector.broadcast %max3A_34 : f32 to vector<1024x128xf32>
    %max3A_36 = arith.maximumf %add3A_33, %max3A_35 : vector<1024x128xf32>
    %swap3A = arith.constant 0 : index
    %swap3A_37 = arith.constant 0 : index
    %swap3A_38 = vector.load %arg7[%swap3A, %swap3A_37] : memref<1024x128xf32, #tpu.memory_space<vmem>>, vector<1024x128xf32>
    tpu.vector_store %arg7[%swap3A, %swap3A_37], %max3A_36 {strides = array<i32>} : memref<1024x128xf32, #tpu.memory_space<vmem>>, vector<1024x128xf32>,
    %iota3A = tpu.iota {dimensions = array<i32: 0>} : vector<1024x1xi32>
    %mul3A = arith.constant 1024 : i32
    %mul3A_39 = arith.muli %arg0, %mul3A : i32
    %add3A_40 = vector.broadcast %mul3A_39 : i32 to vector<1024x1xi32>
    %add3A_41 = arith.addi %iota3A, %add3A_40 : vector<1024x1xi32>
    %lt3A = arith.constant 8000 : i32
    %lt3A_42 = vector.broadcast %lt3A : i32 to vector<1024x1xi32>
    %lt3A_43 = arith.cmpi slt, %add3A_41, %lt3A_42 : vector<1024x1xi32>
    %jit3A = arith.constant 0xFF800000 : f32
    %broadcast_in_dim3A = vector.shape_cast %lt3A_43 : vector<1024x1xi1> to vector<1024x1xi1>
    %broadcast_in_dim3A_44 = vector.broadcast %broadcast_in_dim3A : vector<1024x1xi1> to vector<1024x128xi1>
    %broadcast_in_dim3A_45 = vector.broadcast %jit3A : f32 to vector<1024x128xf32>
    %select_n3A = arith.select %broadcast_in_dim3A_44, %get3A_1, %broadcast_in_dim3A_45 : vector<1024x128xi1>, vector<1024x128xf32>
    %reduce_max3A = arith.constant dense<0xFF800000> : vector<128xf32>
    %reduce_max3A_46 = vector.multi_reduction <maximumf>, %select_n3A, %reduce_max3A [0] : vector<1024x128xf32> to vector<128xf32>
    %broadcast_in_dim3A_47 = vector.shape_cast %reduce_max3A_46 : vector<128xf32> to vector<1x128xf32>
    %reduce_sum3A = arith.constant dense<0.000000e+00> : vector<128xf32>
    %reduce_sum3A_48 = vector.multi_reduction <add>, %get3A_1, %reduce_sum3A [0] : vector<1024x128xf32> to vector<128xf32>
    %broadcast_in_dim3A_49 = vector.shape_cast %reduce_sum3A_48 : vector<128xf32> to vector<1x128xf32>
    %eq3A = arith.constant 0 : i32
    %eq3A_50 = arith.cmpi eq, %arg0, %eq3A : i32
    %convert_element_type3A = arith.extui %eq3A_50 : i1 to i32
    %cond3A = arith.constant 0 : i32
    %cond3A_51 = arith.cmpi ne, %convert_element_type3A, %cond3A : i32
    scf.if %cond3A_51 {
      %squeeze3A = vector.shape_cast %broadcast_in_dim3A_47 : vector<1x128xf32> to vector<128xf32>
      %swap3A_61 = arith.constant 0 : index
      %swap3A_62 = arith.constant 0 : index
      %swap3A_63 = vector.load %arg9[%swap3A_61, %swap3A_62] : memref<2x128xf32, #tpu.memory_space<vmem>>, vector<1x128xf32>
      %swap3A_64 = vector.shape_cast %swap3A_63 : vector<1x128xf32> to vector<128xf32>
      %swap3A_65 = vector.shape_cast %squeeze3A : vector<128xf32> to vector<1x128xf32>
      tpu.vector_store %arg9[%swap3A_61, %swap3A_62], %swap3A_65 {strides = array<i32>} : memref<2x128xf32, #tpu.memory_space<vmem>>, vector<1x128xf32>,
      %squeeze3A_66 = vector.shape_cast %broadcast_in_dim3A_49 : vector<1x128xf32> to vector<128xf32>
      %swap3A_67 = arith.constant 1 : index
      %swap3A_68 = arith.constant 0 : index
      %swap3A_69 = vector.load %arg9[%swap3A_67, %swap3A_68] : memref<2x128xf32, #tpu.memory_space<vmem>>, vector<1x128xf32>
      %swap3A_70 = vector.shape_cast %swap3A_69 : vector<1x128xf32> to vector<128xf32>
      %swap3A_71 = vector.shape_cast %squeeze3A_66 : vector<128xf32> to vector<1x128xf32>
      tpu.vector_store %arg9[%swap3A_67, %swap3A_68], %swap3A_71 {strides = array<i32>} : memref<2x128xf32, #tpu.memory_space<vmem>>, vector<1x128xf32>,
    } else {
    }
    %gt3A = arith.constant 0 : i32
    %gt3A_52 = arith.cmpi sgt, %arg0, %gt3A : i32
    %convert_element_type3A_53 = arith.extui %gt3A_52 : i1 to i32
    %cond3A_54 = arith.constant 0 : i32
    %cond3A_55 = arith.cmpi ne, %convert_element_type3A_53, %cond3A_54 : i32
    scf.if %cond3A_55 {
      %get3A_61 = arith.constant 0 : index
      %get3A_62 = arith.constant 0 : index
      %get3A_63 = vector.load %arg9[%get3A_61, %get3A_62] : memref<2x128xf32, #tpu.memory_space<vmem>>, vector<1x128xf32>
      %get3A_64 = vector.shape_cast %get3A_63 : vector<1x128xf32> to vector<128xf32>
      %squeeze3A = vector.shape_cast %broadcast_in_dim3A_47 : vector<1x128xf32> to vector<128xf32>
      %max3A_65 = arith.maximumf %get3A_64, %squeeze3A : vector<128xf32>
      %swap3A_66 = arith.constant 0 : index
      %swap3A_67 = arith.constant 0 : index
      %swap3A_68 = vector.load %arg9[%swap3A_66, %swap3A_67] : memref<2x128xf32, #tpu.memory_space<vmem>>, vector<1x128xf32>
      %swap3A_69 = vector.shape_cast %swap3A_68 : vector<1x128xf32> to vector<128xf32>
      %swap3A_70 = vector.shape_cast %max3A_65 : vector<128xf32> to vector<1x128xf32>
      tpu.vector_store %arg9[%swap3A_66, %swap3A_67], %swap3A_70 {strides = array<i32>} : memref<2x128xf32, #tpu.memory_space<vmem>>, vector<1x128xf32>,
      %get3A_71 = arith.constant 1 : index
      %get3A_72 = arith.constant 0 : index
      %get3A_73 = vector.load %arg9[%get3A_71, %get3A_72] : memref<2x128xf32, #tpu.memory_space<vmem>>, vector<1x128xf32>
      %get3A_74 = vector.shape_cast %get3A_73 : vector<1x128xf32> to vector<128xf32>
      %squeeze3A_75 = vector.shape_cast %broadcast_in_dim3A_49 : vector<1x128xf32> to vector<128xf32>
      %add3A_76 = arith.addf %get3A_74, %squeeze3A_75 : vector<128xf32>
      %swap3A_77 = arith.constant 1 : index
      %swap3A_78 = arith.constant 0 : index
      %swap3A_79 = vector.load %arg9[%swap3A_77, %swap3A_78] : memref<2x128xf32, #tpu.memory_space<vmem>>, vector<1x128xf32>
      %swap3A_80 = vector.shape_cast %swap3A_79 : vector<1x128xf32> to vector<128xf32>
      %swap3A_81 = vector.shape_cast %add3A_76 : vector<128xf32> to vector<1x128xf32>
      tpu.vector_store %arg9[%swap3A_77, %swap3A_78], %swap3A_81 {strides = array<i32>} : memref<2x128xf32, #tpu.memory_space<vmem>>, vector<1x128xf32>,
    } else {
    }
    %eq3A_56 = arith.constant 7 : i32
    %eq3A_57 = arith.cmpi eq, %arg0, %eq3A_56 : i32
    %convert_element_type3A_58 = arith.extui %eq3A_57 : i1 to i32
    %cond3A_59 = arith.constant 0 : i32
    %cond3A_60 = arith.cmpi ne, %convert_element_type3A_58, %cond3A_59 : i32
    scf.if %cond3A_60 {
      %get3A_61 = arith.constant 0 : index
      %get3A_62 = arith.constant 0 : index
      %get3A_63 = vector.load %arg9[%get3A_61, %get3A_62] : memref<2x128xf32, #tpu.memory_space<vmem>>, vector<1x128xf32>
      %get3A_64 = vector.shape_cast %get3A_63 : vector<1x128xf32> to vector<128xf32>
      %swap3A_65 = arith.constant 0 : index
      %swap3A_66 = arith.constant 0 : index
      %swap3A_67 = vector.load %arg8[%swap3A_65, %swap3A_66] : memref<1x256xf32, #tpu.memory_space<vmem>>, vector<1x128xf32>
      %swap3A_68 = vector.shape_cast %swap3A_67 : vector<1x128xf32> to vector<128xf32>
      %swap3A_69 = vector.shape_cast %get3A_64 : vector<128xf32> to vector<1x128xf32>
      tpu.vector_store %arg8[%swap3A_65, %swap3A_66], %swap3A_69 {strides = array<i32>} : memref<1x256xf32, #tpu.memory_space<vmem>>, vector<1x128xf32>,
      %get3A_70 = arith.constant 1 : index
      %get3A_71 = arith.constant 0 : index
      %get3A_72 = vector.load %arg9[%get3A_70, %get3A_71] : memref<2x128xf32, #tpu.memory_space<vmem>>, vector<1x128xf32>
      %get3A_73 = vector.shape_cast %get3A_72 : vector<1x128xf32> to vector<128xf32>
      %div3A = arith.constant 8.000000e+03 : f32
      %div3A_74 = vector.broadcast %div3A : f32 to vector<128xf32>
      %div3A_75 = arith.divf %get3A_73, %div3A_74 : vector<128xf32>
      %swap3A_76 = arith.constant 0 : index
      %swap3A_77 = arith.constant 128 : index
      %swap3A_78 = vector.load %arg8[%swap3A_76, %swap3A_77] : memref<1x256xf32, #tpu.memory_space<vmem>>, vector<1x128xf32>
      %swap3A_79 = vector.shape_cast %swap3A_78 : vector<1x128xf32> to vector<128xf32>
      %swap3A_80 = vector.shape_cast %div3A_75 : vector<128xf32> to vector<1x128xf32>
      tpu.vector_store %arg8[%swap3A_76, %swap3A_77], %swap3A_80 {strides = array<i32>} : memref<1x256xf32, #tpu.memory_space<vmem>>, vector<1x128xf32>,
    } else {
    }
    return
  }
  func.func @transform_0(%arg0: i32) -> (i32, i32) {
    %c0_i32 = arith.constant 0 : i32
    %c0_i32_0 = arith.constant 0 : i32
    return %arg0, %c0_i32 : i32, i32
  }
  func.func @transform_1(%arg0: i32) -> (i32, i32, i32) {
    %c0_i32 = arith.constant 0 : i32
    %c0_i32_0 = arith.constant 0 : i32
    %c0_i32_1 = arith.constant 0 : i32
    return %c0_i32, %arg0, %c0_i32_0 : i32, i32, i32
  }
  func.func @transform_2(%arg0: i32) -> (i32, i32) {
    %c0_i32 = arith.constant 0 : i32
    %c0_i32_0 = arith.constant 0 : i32
    %c0_i32_1 = arith.constant 0 : i32
    return %c0_i32, %c0_i32_0 : i32, i32
  }
  func.func @transform_3(%arg0: i32) -> (i32, i32) {
    %c0_i32 = arith.constant 0 : i32
    %c0_i32_0 = arith.constant 0 : i32
    %c0_i32_1 = arith.constant 0 : i32
    return %c0_i32, %c0_i32_0 : i32, i32
  }
  func.func @transform_4(%arg0: i32) -> (i32, i32) {
    %c0_i32 = arith.constant 0 : i32
    %c0_i32_0 = arith.constant 0 : i32
    %c0_i32_1 = arith.constant 0 : i32
    return %c0_i32, %c0_i32_0 : i32, i32
  }
  func.func @transform_5(%arg0: i32) -> (i32, i32) {
    %c0_i32 = arith.constant 0 : i32
    %c0_i32_0 = arith.constant 0 : i32
    %c0_i32_1 = arith.constant 0 : i32
    return %c0_i32, %c0_i32_0 : i32, i32
  }
  func.func @transform_6(%arg0: i32) -> (i32, i32) {
    %c0_i32 = arith.constant 0 : i32
    %c0_i32_0 = arith.constant 0 : i32
    return %arg0, %c0_i32 : i32, i32
  }
  func.func @transform_7(%arg0: i32) -> (i32, i32) {
    %c0_i32 = arith.constant 0 : i32
    %c0_i32_0 = arith.constant 0 : i32
    %c0_i32_1 = arith.constant 0 : i32
    return %c0_i32, %c0_i32_0 : i32, i32
  }
}

module attributes {stable_mosaic.version = 14 : i64} {
  func.func @gin_mlp_6400(%arg0: i32, %arg1: memref<1024x128xf32, #tpu.memory_space<vmem>>, %arg2: memref<2x1024x128xf32, #tpu.memory_space<vmem>>, %arg3: memref<128x128xf32, #tpu.memory_space<vmem>>, %arg4: memref<1x128xf32, #tpu.memory_space<vmem>>, %arg5: memref<128x128xf32, #tpu.memory_space<vmem>>, %arg6: memref<1x128xf32, #tpu.memory_space<vmem>>, %arg7: memref<1024x128xf32, #tpu.memory_space<vmem>>, %arg8: memref<1x256xf32, #tpu.memory_space<vmem>>, %arg9: memref<2x128xf32, #tpu.memory_space<vmem>>) attributes {dimension_semantics = [#tpu.dimension_semantics<arbitrary>], iteration_bounds = array<i64: 8>, scalar_prefetch = 0 : i64, scratch_operands = 1 : i64, tpu.core_type = #tpu.core_type<tc>, window_params = [{transform_indices = @transform_0, window_bounds = array<i64: 1024, 128>}, {transform_indices = @transform_1, window_bounds = array<i64: 2, 1024, 128>}, {pipeline_mode = #tpu.pipeline_mode<synchronous>, transform_indices = @transform_2, window_bounds = array<i64: 128, 128>}, {pipeline_mode = #tpu.pipeline_mode<synchronous>, transform_indices = @transform_3, window_bounds = array<i64: 1, 128>}, {pipeline_mode = #tpu.pipeline_mode<synchronous>, transform_indices = @transform_4, window_bounds = array<i64: 128, 128>}, {pipeline_mode = #tpu.pipeline_mode<synchronous>, transform_indices = @transform_5, window_bounds = array<i64: 1, 128>}, {transform_indices = @transform_6, window_bounds = array<i64: 1024, 128>}, {pipeline_mode = #tpu.pipeline_mode<synchronous>, transform_indices = @transform_7, window_bounds = array<i64: 1, 256>}]} {
    %get3A = arith.constant 0 : index
    %get3A_0 = arith.constant 0 : index
    %get3A_1 = vector.load %arg1[%get3A, %get3A_0] : memref<1024x128xf32, #tpu.memory_space<vmem>>, vector<1024x128xf32>
    %get3A_2 = arith.constant 0 : index
    %get3A_3 = arith.constant 0 : index
    %get3A_4 = arith.constant 0 : index
    %get3A_5 = vector.load %arg2[%get3A_2, %get3A_3, %get3A_4] : memref<2x1024x128xf32, #tpu.memory_space<vmem>>, vector<1x1024x128xf32>
    %get3A_6 = vector.shape_cast %get3A_5 : vector<1x1024x128xf32> to vector<1024x128xf32>
    %get3A_7 = arith.constant 1 : index
    %get3A_8 = arith.constant 0 : index
    %get3A_9 = arith.constant 0 : index
    %get3A_10 = vector.load %arg2[%get3A_7, %get3A_8, %get3A_9] : memref<2x1024x128xf32, #tpu.memory_space<vmem>>, vector<1x1024x128xf32>
    %get3A_11 = vector.shape_cast %get3A_10 : vector<1x1024x128xf32> to vector<1024x128xf32>
    %add3A = arith.addf %get3A_6, %get3A_11 : vector<1024x128xf32>
    %add3A_12 = arith.addf %get3A_1, %add3A : vector<1024x128xf32>
    %get3A_13 = arith.constant 0 : index
    %get3A_14 = arith.constant 0 : index
    %get3A_15 = vector.load %arg3[%get3A_13, %get3A_14] : memref<128x128xf32, #tpu.memory_space<vmem>>, vector<128x128xf32>
    %dot_general3A = arith.constant dense<0.000000e+00> : vector<1024x128xf32>
    %dot_general3A_16 = tpu.matmul %add3A_12, %get3A_15, %dot_general3A {dimension_numbers = #tpu.dot_dimension_numbers<[1], [0], [0], [1], [0, 0, 1, 1], [], []>, transpose_lhs_hint = false} : vector<1024x128xf32>, vector<128x128xf32>, vector<1024x128xf32> -> vector<1024x128xf32>
    %get3A_17 = arith.constant 0 : index
    %get3A_18 = arith.constant 0 : index
    %get3A_19 = vector.load %arg4[%get3A_17, %get3A_18] : memref<1x128xf32, #tpu.memory_space<vmem>>, vector<1x128xf32>
    %add3A_20 = vector.broadcast %get3A_19 : vector<1x128xf32> to vector<1024x128xf32>
    %add3A_21 = arith.addf %dot_general3A_16, %add3A_20 : vector<1024x128xf32>
    %max3A = arith.constant 0.000000e+00 : f32
    %max3A_22 = vector.broadcast %max3A : f32 to vector<1024x128xf32>
    %max3A_23 = arith.maximumf %add3A_21, %max3A_22 : vector<1024x128xf32>
    %get3A_24 = arith.constant 0 : index
    %get3A_25 = arith.constant 0 : index
    %get3A_26 = vector.load %arg5[%get3A_24, %get3A_25] : memref<128x128xf32, #tpu.memory_space<vmem>>, vector<128x128xf32>
    %dot_general3A_27 = arith.constant dense<0.000000e+00> : vector<1024x128xf32>
    %dot_general3A_28 = tpu.matmul %max3A_23, %get3A_26, %dot_general3A_27 {dimension_numbers = #tpu.dot_dimension_numbers<[1], [0], [0], [1], [0, 0, 1, 1], [], []>, transpose_lhs_hint = false} : vector<1024x128xf32>, vector<128x128xf32>, vector<1024x128xf32> -> vector<1024x128xf32>
    %get3A_29 = arith.constant 0 : index
    %get3A_30 = arith.constant 0 : index
    %get3A_31 = vector.load %arg6[%get3A_29, %get3A_30] : memref<1x128xf32, #tpu.memory_space<vmem>>, vector<1x128xf32>
    %add3A_32 = vector.broadcast %get3A_31 : vector<1x128xf32> to vector<1024x128xf32>
    %add3A_33 = arith.addf %dot_general3A_28, %add3A_32 : vector<1024x128xf32>
    %max3A_34 = arith.constant 0.000000e+00 : f32
    %max3A_35 = vector.broadcast %max3A_34 : f32 to vector<1024x128xf32>
    %max3A_36 = arith.maximumf %add3A_33, %max3A_35 : vector<1024x128xf32>
    %swap3A = arith.constant 0 : index
    %swap3A_37 = arith.constant 0 : index
    %swap3A_38 = vector.load %arg7[%swap3A, %swap3A_37] : memref<1024x128xf32, #tpu.memory_space<vmem>>, vector<1024x128xf32>
    tpu.vector_store %arg7[%swap3A, %swap3A_37], %max3A_36 {strides = array<i32>} : memref<1024x128xf32, #tpu.memory_space<vmem>>, vector<1024x128xf32>,
    %iota3A = tpu.iota {dimensions = array<i32: 0>} : vector<1024x1xi32>
    %mul3A = arith.constant 1024 : i32
    %mul3A_39 = arith.muli %arg0, %mul3A : i32
    %add3A_40 = vector.broadcast %mul3A_39 : i32 to vector<1024x1xi32>
    %add3A_41 = arith.addi %iota3A, %add3A_40 : vector<1024x1xi32>
    %lt3A = arith.constant 6400 : i32
    %lt3A_42 = vector.broadcast %lt3A : i32 to vector<1024x1xi32>
    %lt3A_43 = arith.cmpi slt, %add3A_41, %lt3A_42 : vector<1024x1xi32>
    %jit3A = arith.constant 0xFF800000 : f32
    %broadcast_in_dim3A = vector.shape_cast %lt3A_43 : vector<1024x1xi1> to vector<1024x1xi1>
    %broadcast_in_dim3A_44 = vector.broadcast %broadcast_in_dim3A : vector<1024x1xi1> to vector<1024x128xi1>
    %broadcast_in_dim3A_45 = vector.broadcast %jit3A : f32 to vector<1024x128xf32>
    %select_n3A = arith.select %broadcast_in_dim3A_44, %get3A_1, %broadcast_in_dim3A_45 : vector<1024x128xi1>, vector<1024x128xf32>
    %reduce_max3A = arith.constant dense<0xFF800000> : vector<128xf32>
    %reduce_max3A_46 = vector.multi_reduction <maximumf>, %select_n3A, %reduce_max3A [0] : vector<1024x128xf32> to vector<128xf32>
    %broadcast_in_dim3A_47 = vector.shape_cast %reduce_max3A_46 : vector<128xf32> to vector<1x128xf32>
    %reduce_sum3A = arith.constant dense<0.000000e+00> : vector<128xf32>
    %reduce_sum3A_48 = vector.multi_reduction <add>, %get3A_1, %reduce_sum3A [0] : vector<1024x128xf32> to vector<128xf32>
    %broadcast_in_dim3A_49 = vector.shape_cast %reduce_sum3A_48 : vector<128xf32> to vector<1x128xf32>
    %eq3A = arith.constant 0 : i32
    %eq3A_50 = arith.cmpi eq, %arg0, %eq3A : i32
    %convert_element_type3A = arith.extui %eq3A_50 : i1 to i32
    %cond3A = arith.constant 0 : i32
    %cond3A_51 = arith.cmpi ne, %convert_element_type3A, %cond3A : i32
    scf.if %cond3A_51 {
      %squeeze3A = vector.shape_cast %broadcast_in_dim3A_47 : vector<1x128xf32> to vector<128xf32>
      %swap3A_61 = arith.constant 0 : index
      %swap3A_62 = arith.constant 0 : index
      %swap3A_63 = vector.load %arg9[%swap3A_61, %swap3A_62] : memref<2x128xf32, #tpu.memory_space<vmem>>, vector<1x128xf32>
      %swap3A_64 = vector.shape_cast %swap3A_63 : vector<1x128xf32> to vector<128xf32>
      %swap3A_65 = vector.shape_cast %squeeze3A : vector<128xf32> to vector<1x128xf32>
      tpu.vector_store %arg9[%swap3A_61, %swap3A_62], %swap3A_65 {strides = array<i32>} : memref<2x128xf32, #tpu.memory_space<vmem>>, vector<1x128xf32>,
      %squeeze3A_66 = vector.shape_cast %broadcast_in_dim3A_49 : vector<1x128xf32> to vector<128xf32>
      %swap3A_67 = arith.constant 1 : index
      %swap3A_68 = arith.constant 0 : index
      %swap3A_69 = vector.load %arg9[%swap3A_67, %swap3A_68] : memref<2x128xf32, #tpu.memory_space<vmem>>, vector<1x128xf32>
      %swap3A_70 = vector.shape_cast %swap3A_69 : vector<1x128xf32> to vector<128xf32>
      %swap3A_71 = vector.shape_cast %squeeze3A_66 : vector<128xf32> to vector<1x128xf32>
      tpu.vector_store %arg9[%swap3A_67, %swap3A_68], %swap3A_71 {strides = array<i32>} : memref<2x128xf32, #tpu.memory_space<vmem>>, vector<1x128xf32>,
    } else {
    }
    %gt3A = arith.constant 0 : i32
    %gt3A_52 = arith.cmpi sgt, %arg0, %gt3A : i32
    %convert_element_type3A_53 = arith.extui %gt3A_52 : i1 to i32
    %cond3A_54 = arith.constant 0 : i32
    %cond3A_55 = arith.cmpi ne, %convert_element_type3A_53, %cond3A_54 : i32
    scf.if %cond3A_55 {
      %get3A_61 = arith.constant 0 : index
      %get3A_62 = arith.constant 0 : index
      %get3A_63 = vector.load %arg9[%get3A_61, %get3A_62] : memref<2x128xf32, #tpu.memory_space<vmem>>, vector<1x128xf32>
      %get3A_64 = vector.shape_cast %get3A_63 : vector<1x128xf32> to vector<128xf32>
      %squeeze3A = vector.shape_cast %broadcast_in_dim3A_47 : vector<1x128xf32> to vector<128xf32>
      %max3A_65 = arith.maximumf %get3A_64, %squeeze3A : vector<128xf32>
      %swap3A_66 = arith.constant 0 : index
      %swap3A_67 = arith.constant 0 : index
      %swap3A_68 = vector.load %arg9[%swap3A_66, %swap3A_67] : memref<2x128xf32, #tpu.memory_space<vmem>>, vector<1x128xf32>
      %swap3A_69 = vector.shape_cast %swap3A_68 : vector<1x128xf32> to vector<128xf32>
      %swap3A_70 = vector.shape_cast %max3A_65 : vector<128xf32> to vector<1x128xf32>
      tpu.vector_store %arg9[%swap3A_66, %swap3A_67], %swap3A_70 {strides = array<i32>} : memref<2x128xf32, #tpu.memory_space<vmem>>, vector<1x128xf32>,
      %get3A_71 = arith.constant 1 : index
      %get3A_72 = arith.constant 0 : index
      %get3A_73 = vector.load %arg9[%get3A_71, %get3A_72] : memref<2x128xf32, #tpu.memory_space<vmem>>, vector<1x128xf32>
      %get3A_74 = vector.shape_cast %get3A_73 : vector<1x128xf32> to vector<128xf32>
      %squeeze3A_75 = vector.shape_cast %broadcast_in_dim3A_49 : vector<1x128xf32> to vector<128xf32>
      %add3A_76 = arith.addf %get3A_74, %squeeze3A_75 : vector<128xf32>
      %swap3A_77 = arith.constant 1 : index
      %swap3A_78 = arith.constant 0 : index
      %swap3A_79 = vector.load %arg9[%swap3A_77, %swap3A_78] : memref<2x128xf32, #tpu.memory_space<vmem>>, vector<1x128xf32>
      %swap3A_80 = vector.shape_cast %swap3A_79 : vector<1x128xf32> to vector<128xf32>
      %swap3A_81 = vector.shape_cast %add3A_76 : vector<128xf32> to vector<1x128xf32>
      tpu.vector_store %arg9[%swap3A_77, %swap3A_78], %swap3A_81 {strides = array<i32>} : memref<2x128xf32, #tpu.memory_space<vmem>>, vector<1x128xf32>,
    } else {
    }
    %eq3A_56 = arith.constant 7 : i32
    %eq3A_57 = arith.cmpi eq, %arg0, %eq3A_56 : i32
    %convert_element_type3A_58 = arith.extui %eq3A_57 : i1 to i32
    %cond3A_59 = arith.constant 0 : i32
    %cond3A_60 = arith.cmpi ne, %convert_element_type3A_58, %cond3A_59 : i32
    scf.if %cond3A_60 {
      %get3A_61 = arith.constant 0 : index
      %get3A_62 = arith.constant 0 : index
      %get3A_63 = vector.load %arg9[%get3A_61, %get3A_62] : memref<2x128xf32, #tpu.memory_space<vmem>>, vector<1x128xf32>
      %get3A_64 = vector.shape_cast %get3A_63 : vector<1x128xf32> to vector<128xf32>
      %swap3A_65 = arith.constant 0 : index
      %swap3A_66 = arith.constant 0 : index
      %swap3A_67 = vector.load %arg8[%swap3A_65, %swap3A_66] : memref<1x256xf32, #tpu.memory_space<vmem>>, vector<1x128xf32>
      %swap3A_68 = vector.shape_cast %swap3A_67 : vector<1x128xf32> to vector<128xf32>
      %swap3A_69 = vector.shape_cast %get3A_64 : vector<128xf32> to vector<1x128xf32>
      tpu.vector_store %arg8[%swap3A_65, %swap3A_66], %swap3A_69 {strides = array<i32>} : memref<1x256xf32, #tpu.memory_space<vmem>>, vector<1x128xf32>,
      %get3A_70 = arith.constant 1 : index
      %get3A_71 = arith.constant 0 : index
      %get3A_72 = vector.load %arg9[%get3A_70, %get3A_71] : memref<2x128xf32, #tpu.memory_space<vmem>>, vector<1x128xf32>
      %get3A_73 = vector.shape_cast %get3A_72 : vector<1x128xf32> to vector<128xf32>
      %div3A = arith.constant 6.400000e+03 : f32
      %div3A_74 = vector.broadcast %div3A : f32 to vector<128xf32>
      %div3A_75 = arith.divf %get3A_73, %div3A_74 : vector<128xf32>
      %swap3A_76 = arith.constant 0 : index
      %swap3A_77 = arith.constant 128 : index
      %swap3A_78 = vector.load %arg8[%swap3A_76, %swap3A_77] : memref<1x256xf32, #tpu.memory_space<vmem>>, vector<1x128xf32>
      %swap3A_79 = vector.shape_cast %swap3A_78 : vector<1x128xf32> to vector<128xf32>
      %swap3A_80 = vector.shape_cast %div3A_75 : vector<128xf32> to vector<1x128xf32>
      tpu.vector_store %arg8[%swap3A_76, %swap3A_77], %swap3A_80 {strides = array<i32>} : memref<1x256xf32, #tpu.memory_space<vmem>>, vector<1x128xf32>,
    } else {
    }
    return
  }
  func.func @transform_0(%arg0: i32) -> (i32, i32) {
    %c0_i32 = arith.constant 0 : i32
    %c0_i32_0 = arith.constant 0 : i32
    return %arg0, %c0_i32 : i32, i32
  }
  func.func @transform_1(%arg0: i32) -> (i32, i32, i32) {
    %c0_i32 = arith.constant 0 : i32
    %c0_i32_0 = arith.constant 0 : i32
    %c0_i32_1 = arith.constant 0 : i32
    return %c0_i32, %arg0, %c0_i32_0 : i32, i32, i32
  }
  func.func @transform_2(%arg0: i32) -> (i32, i32) {
    %c0_i32 = arith.constant 0 : i32
    %c0_i32_0 = arith.constant 0 : i32
    %c0_i32_1 = arith.constant 0 : i32
    return %c0_i32, %c0_i32_0 : i32, i32
  }
  func.func @transform_3(%arg0: i32) -> (i32, i32) {
    %c0_i32 = arith.constant 0 : i32
    %c0_i32_0 = arith.constant 0 : i32
    %c0_i32_1 = arith.constant 0 : i32
    return %c0_i32, %c0_i32_0 : i32, i32
  }
  func.func @transform_4(%arg0: i32) -> (i32, i32) {
    %c0_i32 = arith.constant 0 : i32
    %c0_i32_0 = arith.constant 0 : i32
    %c0_i32_1 = arith.constant 0 : i32
    return %c0_i32, %c0_i32_0 : i32, i32
  }
  func.func @transform_5(%arg0: i32) -> (i32, i32) {
    %c0_i32 = arith.constant 0 : i32
    %c0_i32_0 = arith.constant 0 : i32
    %c0_i32_1 = arith.constant 0 : i32
    return %c0_i32, %c0_i32_0 : i32, i32
  }
  func.func @transform_6(%arg0: i32) -> (i32, i32) {
    %c0_i32 = arith.constant 0 : i32
    %c0_i32_0 = arith.constant 0 : i32
    return %arg0, %c0_i32 : i32, i32
  }
  func.func @transform_7(%arg0: i32) -> (i32, i32) {
    %c0_i32 = arith.constant 0 : i32
    %c0_i32_0 = arith.constant 0 : i32
    %c0_i32_1 = arith.constant 0 : i32
    return %c0_i32, %c0_i32_0 : i32, i32
  }
}

module attributes {stable_mosaic.version = 14 : i64} {
  func.func @gin_mlp_5120(%arg0: i32, %arg1: memref<1024x128xf32, #tpu.memory_space<vmem>>, %arg2: memref<2x1024x128xf32, #tpu.memory_space<vmem>>, %arg3: memref<128x128xf32, #tpu.memory_space<vmem>>, %arg4: memref<1x128xf32, #tpu.memory_space<vmem>>, %arg5: memref<128x128xf32, #tpu.memory_space<vmem>>, %arg6: memref<1x128xf32, #tpu.memory_space<vmem>>, %arg7: memref<1024x128xf32, #tpu.memory_space<vmem>>, %arg8: memref<1x256xf32, #tpu.memory_space<vmem>>, %arg9: memref<2x128xf32, #tpu.memory_space<vmem>>) attributes {dimension_semantics = [#tpu.dimension_semantics<arbitrary>], iteration_bounds = array<i64: 6>, scalar_prefetch = 0 : i64, scratch_operands = 1 : i64, tpu.core_type = #tpu.core_type<tc>, window_params = [{transform_indices = @transform_0, window_bounds = array<i64: 1024, 128>}, {transform_indices = @transform_1, window_bounds = array<i64: 2, 1024, 128>}, {pipeline_mode = #tpu.pipeline_mode<synchronous>, transform_indices = @transform_2, window_bounds = array<i64: 128, 128>}, {pipeline_mode = #tpu.pipeline_mode<synchronous>, transform_indices = @transform_3, window_bounds = array<i64: 1, 128>}, {pipeline_mode = #tpu.pipeline_mode<synchronous>, transform_indices = @transform_4, window_bounds = array<i64: 128, 128>}, {pipeline_mode = #tpu.pipeline_mode<synchronous>, transform_indices = @transform_5, window_bounds = array<i64: 1, 128>}, {transform_indices = @transform_6, window_bounds = array<i64: 1024, 128>}, {pipeline_mode = #tpu.pipeline_mode<synchronous>, transform_indices = @transform_7, window_bounds = array<i64: 1, 256>}]} {
    %get3A = arith.constant 0 : index
    %get3A_0 = arith.constant 0 : index
    %get3A_1 = vector.load %arg1[%get3A, %get3A_0] : memref<1024x128xf32, #tpu.memory_space<vmem>>, vector<1024x128xf32>
    %get3A_2 = arith.constant 0 : index
    %get3A_3 = arith.constant 0 : index
    %get3A_4 = arith.constant 0 : index
    %get3A_5 = vector.load %arg2[%get3A_2, %get3A_3, %get3A_4] : memref<2x1024x128xf32, #tpu.memory_space<vmem>>, vector<1x1024x128xf32>
    %get3A_6 = vector.shape_cast %get3A_5 : vector<1x1024x128xf32> to vector<1024x128xf32>
    %get3A_7 = arith.constant 1 : index
    %get3A_8 = arith.constant 0 : index
    %get3A_9 = arith.constant 0 : index
    %get3A_10 = vector.load %arg2[%get3A_7, %get3A_8, %get3A_9] : memref<2x1024x128xf32, #tpu.memory_space<vmem>>, vector<1x1024x128xf32>
    %get3A_11 = vector.shape_cast %get3A_10 : vector<1x1024x128xf32> to vector<1024x128xf32>
    %add3A = arith.addf %get3A_6, %get3A_11 : vector<1024x128xf32>
    %add3A_12 = arith.addf %get3A_1, %add3A : vector<1024x128xf32>
    %get3A_13 = arith.constant 0 : index
    %get3A_14 = arith.constant 0 : index
    %get3A_15 = vector.load %arg3[%get3A_13, %get3A_14] : memref<128x128xf32, #tpu.memory_space<vmem>>, vector<128x128xf32>
    %dot_general3A = arith.constant dense<0.000000e+00> : vector<1024x128xf32>
    %dot_general3A_16 = tpu.matmul %add3A_12, %get3A_15, %dot_general3A {dimension_numbers = #tpu.dot_dimension_numbers<[1], [0], [0], [1], [0, 0, 1, 1], [], []>, transpose_lhs_hint = false} : vector<1024x128xf32>, vector<128x128xf32>, vector<1024x128xf32> -> vector<1024x128xf32>
    %get3A_17 = arith.constant 0 : index
    %get3A_18 = arith.constant 0 : index
    %get3A_19 = vector.load %arg4[%get3A_17, %get3A_18] : memref<1x128xf32, #tpu.memory_space<vmem>>, vector<1x128xf32>
    %add3A_20 = vector.broadcast %get3A_19 : vector<1x128xf32> to vector<1024x128xf32>
    %add3A_21 = arith.addf %dot_general3A_16, %add3A_20 : vector<1024x128xf32>
    %max3A = arith.constant 0.000000e+00 : f32
    %max3A_22 = vector.broadcast %max3A : f32 to vector<1024x128xf32>
    %max3A_23 = arith.maximumf %add3A_21, %max3A_22 : vector<1024x128xf32>
    %get3A_24 = arith.constant 0 : index
    %get3A_25 = arith.constant 0 : index
    %get3A_26 = vector.load %arg5[%get3A_24, %get3A_25] : memref<128x128xf32, #tpu.memory_space<vmem>>, vector<128x128xf32>
    %dot_general3A_27 = arith.constant dense<0.000000e+00> : vector<1024x128xf32>
    %dot_general3A_28 = tpu.matmul %max3A_23, %get3A_26, %dot_general3A_27 {dimension_numbers = #tpu.dot_dimension_numbers<[1], [0], [0], [1], [0, 0, 1, 1], [], []>, transpose_lhs_hint = false} : vector<1024x128xf32>, vector<128x128xf32>, vector<1024x128xf32> -> vector<1024x128xf32>
    %get3A_29 = arith.constant 0 : index
    %get3A_30 = arith.constant 0 : index
    %get3A_31 = vector.load %arg6[%get3A_29, %get3A_30] : memref<1x128xf32, #tpu.memory_space<vmem>>, vector<1x128xf32>
    %add3A_32 = vector.broadcast %get3A_31 : vector<1x128xf32> to vector<1024x128xf32>
    %add3A_33 = arith.addf %dot_general3A_28, %add3A_32 : vector<1024x128xf32>
    %max3A_34 = arith.constant 0.000000e+00 : f32
    %max3A_35 = vector.broadcast %max3A_34 : f32 to vector<1024x128xf32>
    %max3A_36 = arith.maximumf %add3A_33, %max3A_35 : vector<1024x128xf32>
    %swap3A = arith.constant 0 : index
    %swap3A_37 = arith.constant 0 : index
    %swap3A_38 = vector.load %arg7[%swap3A, %swap3A_37] : memref<1024x128xf32, #tpu.memory_space<vmem>>, vector<1024x128xf32>
    tpu.vector_store %arg7[%swap3A, %swap3A_37], %max3A_36 {strides = array<i32>} : memref<1024x128xf32, #tpu.memory_space<vmem>>, vector<1024x128xf32>,
    %iota3A = tpu.iota {dimensions = array<i32: 0>} : vector<1024x1xi32>
    %mul3A = arith.constant 1024 : i32
    %mul3A_39 = arith.muli %arg0, %mul3A : i32
    %add3A_40 = vector.broadcast %mul3A_39 : i32 to vector<1024x1xi32>
    %add3A_41 = arith.addi %iota3A, %add3A_40 : vector<1024x1xi32>
    %lt3A = arith.constant 5120 : i32
    %lt3A_42 = vector.broadcast %lt3A : i32 to vector<1024x1xi32>
    %lt3A_43 = arith.cmpi slt, %add3A_41, %lt3A_42 : vector<1024x1xi32>
    %jit3A = arith.constant 0xFF800000 : f32
    %broadcast_in_dim3A = vector.shape_cast %lt3A_43 : vector<1024x1xi1> to vector<1024x1xi1>
    %broadcast_in_dim3A_44 = vector.broadcast %broadcast_in_dim3A : vector<1024x1xi1> to vector<1024x128xi1>
    %broadcast_in_dim3A_45 = vector.broadcast %jit3A : f32 to vector<1024x128xf32>
    %select_n3A = arith.select %broadcast_in_dim3A_44, %get3A_1, %broadcast_in_dim3A_45 : vector<1024x128xi1>, vector<1024x128xf32>
    %reduce_max3A = arith.constant dense<0xFF800000> : vector<128xf32>
    %reduce_max3A_46 = vector.multi_reduction <maximumf>, %select_n3A, %reduce_max3A [0] : vector<1024x128xf32> to vector<128xf32>
    %broadcast_in_dim3A_47 = vector.shape_cast %reduce_max3A_46 : vector<128xf32> to vector<1x128xf32>
    %reduce_sum3A = arith.constant dense<0.000000e+00> : vector<128xf32>
    %reduce_sum3A_48 = vector.multi_reduction <add>, %get3A_1, %reduce_sum3A [0] : vector<1024x128xf32> to vector<128xf32>
    %broadcast_in_dim3A_49 = vector.shape_cast %reduce_sum3A_48 : vector<128xf32> to vector<1x128xf32>
    %eq3A = arith.constant 0 : i32
    %eq3A_50 = arith.cmpi eq, %arg0, %eq3A : i32
    %convert_element_type3A = arith.extui %eq3A_50 : i1 to i32
    %cond3A = arith.constant 0 : i32
    %cond3A_51 = arith.cmpi ne, %convert_element_type3A, %cond3A : i32
    scf.if %cond3A_51 {
      %squeeze3A = vector.shape_cast %broadcast_in_dim3A_47 : vector<1x128xf32> to vector<128xf32>
      %swap3A_61 = arith.constant 0 : index
      %swap3A_62 = arith.constant 0 : index
      %swap3A_63 = vector.load %arg9[%swap3A_61, %swap3A_62] : memref<2x128xf32, #tpu.memory_space<vmem>>, vector<1x128xf32>
      %swap3A_64 = vector.shape_cast %swap3A_63 : vector<1x128xf32> to vector<128xf32>
      %swap3A_65 = vector.shape_cast %squeeze3A : vector<128xf32> to vector<1x128xf32>
      tpu.vector_store %arg9[%swap3A_61, %swap3A_62], %swap3A_65 {strides = array<i32>} : memref<2x128xf32, #tpu.memory_space<vmem>>, vector<1x128xf32>,
      %squeeze3A_66 = vector.shape_cast %broadcast_in_dim3A_49 : vector<1x128xf32> to vector<128xf32>
      %swap3A_67 = arith.constant 1 : index
      %swap3A_68 = arith.constant 0 : index
      %swap3A_69 = vector.load %arg9[%swap3A_67, %swap3A_68] : memref<2x128xf32, #tpu.memory_space<vmem>>, vector<1x128xf32>
      %swap3A_70 = vector.shape_cast %swap3A_69 : vector<1x128xf32> to vector<128xf32>
      %swap3A_71 = vector.shape_cast %squeeze3A_66 : vector<128xf32> to vector<1x128xf32>
      tpu.vector_store %arg9[%swap3A_67, %swap3A_68], %swap3A_71 {strides = array<i32>} : memref<2x128xf32, #tpu.memory_space<vmem>>, vector<1x128xf32>,
    } else {
    }
    %gt3A = arith.constant 0 : i32
    %gt3A_52 = arith.cmpi sgt, %arg0, %gt3A : i32
    %convert_element_type3A_53 = arith.extui %gt3A_52 : i1 to i32
    %cond3A_54 = arith.constant 0 : i32
    %cond3A_55 = arith.cmpi ne, %convert_element_type3A_53, %cond3A_54 : i32
    scf.if %cond3A_55 {
      %get3A_61 = arith.constant 0 : index
      %get3A_62 = arith.constant 0 : index
      %get3A_63 = vector.load %arg9[%get3A_61, %get3A_62] : memref<2x128xf32, #tpu.memory_space<vmem>>, vector<1x128xf32>
      %get3A_64 = vector.shape_cast %get3A_63 : vector<1x128xf32> to vector<128xf32>
      %squeeze3A = vector.shape_cast %broadcast_in_dim3A_47 : vector<1x128xf32> to vector<128xf32>
      %max3A_65 = arith.maximumf %get3A_64, %squeeze3A : vector<128xf32>
      %swap3A_66 = arith.constant 0 : index
      %swap3A_67 = arith.constant 0 : index
      %swap3A_68 = vector.load %arg9[%swap3A_66, %swap3A_67] : memref<2x128xf32, #tpu.memory_space<vmem>>, vector<1x128xf32>
      %swap3A_69 = vector.shape_cast %swap3A_68 : vector<1x128xf32> to vector<128xf32>
      %swap3A_70 = vector.shape_cast %max3A_65 : vector<128xf32> to vector<1x128xf32>
      tpu.vector_store %arg9[%swap3A_66, %swap3A_67], %swap3A_70 {strides = array<i32>} : memref<2x128xf32, #tpu.memory_space<vmem>>, vector<1x128xf32>,
      %get3A_71 = arith.constant 1 : index
      %get3A_72 = arith.constant 0 : index
      %get3A_73 = vector.load %arg9[%get3A_71, %get3A_72] : memref<2x128xf32, #tpu.memory_space<vmem>>, vector<1x128xf32>
      %get3A_74 = vector.shape_cast %get3A_73 : vector<1x128xf32> to vector<128xf32>
      %squeeze3A_75 = vector.shape_cast %broadcast_in_dim3A_49 : vector<1x128xf32> to vector<128xf32>
      %add3A_76 = arith.addf %get3A_74, %squeeze3A_75 : vector<128xf32>
      %swap3A_77 = arith.constant 1 : index
      %swap3A_78 = arith.constant 0 : index
      %swap3A_79 = vector.load %arg9[%swap3A_77, %swap3A_78] : memref<2x128xf32, #tpu.memory_space<vmem>>, vector<1x128xf32>
      %swap3A_80 = vector.shape_cast %swap3A_79 : vector<1x128xf32> to vector<128xf32>
      %swap3A_81 = vector.shape_cast %add3A_76 : vector<128xf32> to vector<1x128xf32>
      tpu.vector_store %arg9[%swap3A_77, %swap3A_78], %swap3A_81 {strides = array<i32>} : memref<2x128xf32, #tpu.memory_space<vmem>>, vector<1x128xf32>,
    } else {
    }
    %eq3A_56 = arith.constant 5 : i32
    %eq3A_57 = arith.cmpi eq, %arg0, %eq3A_56 : i32
    %convert_element_type3A_58 = arith.extui %eq3A_57 : i1 to i32
    %cond3A_59 = arith.constant 0 : i32
    %cond3A_60 = arith.cmpi ne, %convert_element_type3A_58, %cond3A_59 : i32
    scf.if %cond3A_60 {
      %get3A_61 = arith.constant 0 : index
      %get3A_62 = arith.constant 0 : index
      %get3A_63 = vector.load %arg9[%get3A_61, %get3A_62] : memref<2x128xf32, #tpu.memory_space<vmem>>, vector<1x128xf32>
      %get3A_64 = vector.shape_cast %get3A_63 : vector<1x128xf32> to vector<128xf32>
      %swap3A_65 = arith.constant 0 : index
      %swap3A_66 = arith.constant 0 : index
      %swap3A_67 = vector.load %arg8[%swap3A_65, %swap3A_66] : memref<1x256xf32, #tpu.memory_space<vmem>>, vector<1x128xf32>
      %swap3A_68 = vector.shape_cast %swap3A_67 : vector<1x128xf32> to vector<128xf32>
      %swap3A_69 = vector.shape_cast %get3A_64 : vector<128xf32> to vector<1x128xf32>
      tpu.vector_store %arg8[%swap3A_65, %swap3A_66], %swap3A_69 {strides = array<i32>} : memref<1x256xf32, #tpu.memory_space<vmem>>, vector<1x128xf32>,
      %get3A_70 = arith.constant 1 : index
      %get3A_71 = arith.constant 0 : index
      %get3A_72 = vector.load %arg9[%get3A_70, %get3A_71] : memref<2x128xf32, #tpu.memory_space<vmem>>, vector<1x128xf32>
      %get3A_73 = vector.shape_cast %get3A_72 : vector<1x128xf32> to vector<128xf32>
      %div3A = arith.constant 5.120000e+03 : f32
      %div3A_74 = vector.broadcast %div3A : f32 to vector<128xf32>
      %div3A_75 = arith.divf %get3A_73, %div3A_74 : vector<128xf32>
      %swap3A_76 = arith.constant 0 : index
      %swap3A_77 = arith.constant 128 : index
      %swap3A_78 = vector.load %arg8[%swap3A_76, %swap3A_77] : memref<1x256xf32, #tpu.memory_space<vmem>>, vector<1x128xf32>
      %swap3A_79 = vector.shape_cast %swap3A_78 : vector<1x128xf32> to vector<128xf32>
      %swap3A_80 = vector.shape_cast %div3A_75 : vector<128xf32> to vector<1x128xf32>
      tpu.vector_store %arg8[%swap3A_76, %swap3A_77], %swap3A_80 {strides = array<i32>} : memref<1x256xf32, #tpu.memory_space<vmem>>, vector<1x128xf32>,
    } else {
    }
    return
  }
  func.func @transform_0(%arg0: i32) -> (i32, i32) {
    %c0_i32 = arith.constant 0 : i32
    %c0_i32_0 = arith.constant 0 : i32
    return %arg0, %c0_i32 : i32, i32
  }
  func.func @transform_1(%arg0: i32) -> (i32, i32, i32) {
    %c0_i32 = arith.constant 0 : i32
    %c0_i32_0 = arith.constant 0 : i32
    %c0_i32_1 = arith.constant 0 : i32
    return %c0_i32, %arg0, %c0_i32_0 : i32, i32, i32
  }
  func.func @transform_2(%arg0: i32) -> (i32, i32) {
    %c0_i32 = arith.constant 0 : i32
    %c0_i32_0 = arith.constant 0 : i32
    %c0_i32_1 = arith.constant 0 : i32
    return %c0_i32, %c0_i32_0 : i32, i32
  }
  func.func @transform_3(%arg0: i32) -> (i32, i32) {
    %c0_i32 = arith.constant 0 : i32
    %c0_i32_0 = arith.constant 0 : i32
    %c0_i32_1 = arith.constant 0 : i32
    return %c0_i32, %c0_i32_0 : i32, i32
  }
  func.func @transform_4(%arg0: i32) -> (i32, i32) {
    %c0_i32 = arith.constant 0 : i32
    %c0_i32_0 = arith.constant 0 : i32
    %c0_i32_1 = arith.constant 0 : i32
    return %c0_i32, %c0_i32_0 : i32, i32
  }
  func.func @transform_5(%arg0: i32) -> (i32, i32) {
    %c0_i32 = arith.constant 0 : i32
    %c0_i32_0 = arith.constant 0 : i32
    %c0_i32_1 = arith.constant 0 : i32
    return %c0_i32, %c0_i32_0 : i32, i32
  }
  func.func @transform_6(%arg0: i32) -> (i32, i32) {
    %c0_i32 = arith.constant 0 : i32
    %c0_i32_0 = arith.constant 0 : i32
    return %arg0, %c0_i32 : i32, i32
  }
  func.func @transform_7(%arg0: i32) -> (i32, i32) {
    %c0_i32 = arith.constant 0 : i32
    %c0_i32_0 = arith.constant 0 : i32
    %c0_i32_1 = arith.constant 0 : i32
    return %c0_i32, %c0_i32_0 : i32, i32
  }
}

module attributes {stable_mosaic.version = 14 : i64} {
  func.func @gin_head(%arg0: i32, %arg1: memref<1024x128xf32, #tpu.memory_space<vmem>>, %arg2: memref<3x256xf32, #tpu.memory_space<vmem>>, %arg3: memref<256x128xf32, #tpu.memory_space<vmem>>, %arg4: memref<1x128xf32, #tpu.memory_space<vmem>>, %arg5: memref<128x64xf32, #tpu.memory_space<vmem>>, %arg6: memref<1x64xf32, #tpu.memory_space<vmem>>, %arg7: memref<64x10xf32, #tpu.memory_space<vmem>>, %arg8: memref<1x10xf32, #tpu.memory_space<vmem>>, %arg9: memref<1x10xf32, #tpu.memory_space<vmem>>, %arg10: memref<2x128xf32, #tpu.memory_space<vmem>>) attributes {dimension_semantics = [#tpu.dimension_semantics<arbitrary>], iteration_bounds = array<i64: 4>, scalar_prefetch = 0 : i64, scratch_operands = 1 : i64, tpu.core_type = #tpu.core_type<tc>, window_params = [{transform_indices = @transform_0, window_bounds = array<i64: 1024, 128>}, {pipeline_mode = #tpu.pipeline_mode<synchronous>, transform_indices = @transform_1, window_bounds = array<i64: 3, 256>}, {pipeline_mode = #tpu.pipeline_mode<synchronous>, transform_indices = @transform_2, window_bounds = array<i64: 256, 128>}, {pipeline_mode = #tpu.pipeline_mode<synchronous>, transform_indices = @transform_3, window_bounds = array<i64: 1, 128>}, {pipeline_mode = #tpu.pipeline_mode<synchronous>, transform_indices = @transform_4, window_bounds = array<i64: 128, 64>}, {pipeline_mode = #tpu.pipeline_mode<synchronous>, transform_indices = @transform_5, window_bounds = array<i64: 1, 64>}, {pipeline_mode = #tpu.pipeline_mode<synchronous>, transform_indices = @transform_6, window_bounds = array<i64: 64, 10>}, {pipeline_mode = #tpu.pipeline_mode<synchronous>, transform_indices = @transform_7, window_bounds = array<i64: 1, 10>}, {pipeline_mode = #tpu.pipeline_mode<synchronous>, transform_indices = @transform_8, window_bounds = array<i64: 1, 10>}]} {
    %get3A = arith.constant 0 : index
    %get3A_0 = arith.constant 0 : index
    %get3A_1 = vector.load %arg1[%get3A, %get3A_0] : memref<1024x128xf32, #tpu.memory_space<vmem>>, vector<1024x128xf32>
    %reduce_max3A = arith.constant dense<0xFF800000> : vector<128xf32>
    %reduce_max3A_2 = vector.multi_reduction <maximumf>, %get3A_1, %reduce_max3A [0] : vector<1024x128xf32> to vector<128xf32>
    %broadcast_in_dim3A = vector.shape_cast %reduce_max3A_2 : vector<128xf32> to vector<1x128xf32>
    %reduce_sum3A = arith.constant dense<0.000000e+00> : vector<128xf32>
    %reduce_sum3A_3 = vector.multi_reduction <add>, %get3A_1, %reduce_sum3A [0] : vector<1024x128xf32> to vector<128xf32>
    %broadcast_in_dim3A_4 = vector.shape_cast %reduce_sum3A_3 : vector<128xf32> to vector<1x128xf32>
    %eq3A = arith.constant 0 : i32
    %eq3A_5 = arith.cmpi eq, %arg0, %eq3A : i32
    %convert_element_type3A = arith.extui %eq3A_5 : i1 to i32
    %cond3A = arith.constant 0 : i32
    %cond3A_6 = arith.cmpi ne, %convert_element_type3A, %cond3A : i32
    scf.if %cond3A_6 {
      %squeeze3A = vector.shape_cast %broadcast_in_dim3A : vector<1x128xf32> to vector<128xf32>
      %swap3A = arith.constant 0 : index
      %swap3A_16 = arith.constant 0 : index
      %swap3A_17 = vector.load %arg10[%swap3A, %swap3A_16] : memref<2x128xf32, #tpu.memory_space<vmem>>, vector<1x128xf32>
      %swap3A_18 = vector.shape_cast %swap3A_17 : vector<1x128xf32> to vector<128xf32>
      %swap3A_19 = vector.shape_cast %squeeze3A : vector<128xf32> to vector<1x128xf32>
      tpu.vector_store %arg10[%swap3A, %swap3A_16], %swap3A_19 {strides = array<i32>} : memref<2x128xf32, #tpu.memory_space<vmem>>, vector<1x128xf32>,
      %squeeze3A_20 = vector.shape_cast %broadcast_in_dim3A_4 : vector<1x128xf32> to vector<128xf32>
      %swap3A_21 = arith.constant 1 : index
      %swap3A_22 = arith.constant 0 : index
      %swap3A_23 = vector.load %arg10[%swap3A_21, %swap3A_22] : memref<2x128xf32, #tpu.memory_space<vmem>>, vector<1x128xf32>
      %swap3A_24 = vector.shape_cast %swap3A_23 : vector<1x128xf32> to vector<128xf32>
      %swap3A_25 = vector.shape_cast %squeeze3A_20 : vector<128xf32> to vector<1x128xf32>
      tpu.vector_store %arg10[%swap3A_21, %swap3A_22], %swap3A_25 {strides = array<i32>} : memref<2x128xf32, #tpu.memory_space<vmem>>, vector<1x128xf32>,
    } else {
    }
    %gt3A = arith.constant 0 : i32
    %gt3A_7 = arith.cmpi sgt, %arg0, %gt3A : i32
    %convert_element_type3A_8 = arith.extui %gt3A_7 : i1 to i32
    %cond3A_9 = arith.constant 0 : i32
    %cond3A_10 = arith.cmpi ne, %convert_element_type3A_8, %cond3A_9 : i32
    scf.if %cond3A_10 {
      %get3A_16 = arith.constant 0 : index
      %get3A_17 = arith.constant 0 : index
      %get3A_18 = vector.load %arg10[%get3A_16, %get3A_17] : memref<2x128xf32, #tpu.memory_space<vmem>>, vector<1x128xf32>
      %get3A_19 = vector.shape_cast %get3A_18 : vector<1x128xf32> to vector<128xf32>
      %squeeze3A = vector.shape_cast %broadcast_in_dim3A : vector<1x128xf32> to vector<128xf32>
      %max3A = arith.maximumf %get3A_19, %squeeze3A : vector<128xf32>
      %swap3A = arith.constant 0 : index
      %swap3A_20 = arith.constant 0 : index
      %swap3A_21 = vector.load %arg10[%swap3A, %swap3A_20] : memref<2x128xf32, #tpu.memory_space<vmem>>, vector<1x128xf32>
      %swap3A_22 = vector.shape_cast %swap3A_21 : vector<1x128xf32> to vector<128xf32>
      %swap3A_23 = vector.shape_cast %max3A : vector<128xf32> to vector<1x128xf32>
      tpu.vector_store %arg10[%swap3A, %swap3A_20], %swap3A_23 {strides = array<i32>} : memref<2x128xf32, #tpu.memory_space<vmem>>, vector<1x128xf32>,
      %get3A_24 = arith.constant 1 : index
      %get3A_25 = arith.constant 0 : index
      %get3A_26 = vector.load %arg10[%get3A_24, %get3A_25] : memref<2x128xf32, #tpu.memory_space<vmem>>, vector<1x128xf32>
      %get3A_27 = vector.shape_cast %get3A_26 : vector<1x128xf32> to vector<128xf32>
      %squeeze3A_28 = vector.shape_cast %broadcast_in_dim3A_4 : vector<1x128xf32> to vector<128xf32>
      %add3A = arith.addf %get3A_27, %squeeze3A_28 : vector<128xf32>
      %swap3A_29 = arith.constant 1 : index
      %swap3A_30 = arith.constant 0 : index
      %swap3A_31 = vector.load %arg10[%swap3A_29, %swap3A_30] : memref<2x128xf32, #tpu.memory_space<vmem>>, vector<1x128xf32>
      %swap3A_32 = vector.shape_cast %swap3A_31 : vector<1x128xf32> to vector<128xf32>
      %swap3A_33 = vector.shape_cast %add3A : vector<128xf32> to vector<1x128xf32>
      tpu.vector_store %arg10[%swap3A_29, %swap3A_30], %swap3A_33 {strides = array<i32>} : memref<2x128xf32, #tpu.memory_space<vmem>>, vector<1x128xf32>,
    } else {
    }
    %eq3A_11 = arith.constant 3 : i32
    %eq3A_12 = arith.cmpi eq, %arg0, %eq3A_11 : i32
    %convert_element_type3A_13 = arith.extui %eq3A_12 : i1 to i32
    %cond3A_14 = arith.constant 0 : i32
    %cond3A_15 = arith.cmpi ne, %convert_element_type3A_13, %cond3A_14 : i32
    scf.if %cond3A_15 {
      %get3A_16 = arith.constant 0 : index
      %get3A_17 = arith.constant 0 : index
      %get3A_18 = vector.load %arg10[%get3A_16, %get3A_17] : memref<2x128xf32, #tpu.memory_space<vmem>>, vector<1x128xf32>
      %get3A_19 = vector.shape_cast %get3A_18 : vector<1x128xf32> to vector<128xf32>
      %reshape3A = vector.shape_cast %get3A_19 : vector<128xf32> to vector<1x128xf32>
      %get3A_20 = arith.constant 1 : index
      %get3A_21 = arith.constant 0 : index
      %get3A_22 = vector.load %arg10[%get3A_20, %get3A_21] : memref<2x128xf32, #tpu.memory_space<vmem>>, vector<1x128xf32>
      %get3A_23 = vector.shape_cast %get3A_22 : vector<1x128xf32> to vector<128xf32>
      %div3A = arith.constant 4.096000e+03 : f32
      %div3A_24 = vector.broadcast %div3A : f32 to vector<128xf32>
      %div3A_25 = arith.divf %get3A_23, %div3A_24 : vector<128xf32>
      %reshape3A_26 = vector.shape_cast %div3A_25 : vector<128xf32> to vector<1x128xf32>
      %concatenate3A = tpu.concatenate %reshape3A, %reshape3A_26 in 1 : vector<1x128xf32>, vector<1x128xf32> -> vector<1x256xf32>
      %get3A_27 = arith.constant 0 : index
      %get3A_28 = arith.constant 0 : index
      %get3A_29 = vector.load %arg2[%get3A_27, %get3A_28] : memref<3x256xf32, #tpu.memory_space<vmem>>, vector<3x256xf32>
      %slice3A = vector.extract_strided_slice %get3A_29 {offsets = [0, 0], sizes = [1, 256], strides = [1, 1]} : vector<3x256xf32> to vector<1x256xf32>
      %slice3A_30 = vector.extract_strided_slice %get3A_29 {offsets = [1, 0], sizes = [1, 256], strides = [1, 1]} : vector<3x256xf32> to vector<1x256xf32>
      %add3A = arith.addf %slice3A, %slice3A_30 : vector<1x256xf32>
      %slice3A_31 = vector.extract_strided_slice %get3A_29 {offsets = [2, 0], sizes = [1, 256], strides = [1, 1]} : vector<3x256xf32> to vector<1x256xf32>
      %add3A_32 = arith.addf %add3A, %slice3A_31 : vector<1x256xf32>
      %add3A_33 = arith.addf %add3A_32, %concatenate3A : vector<1x256xf32>
      %get3A_34 = arith.constant 0 : index
      %get3A_35 = arith.constant 0 : index
      %get3A_36 = vector.load %arg3[%get3A_34, %get3A_35] : memref<256x128xf32, #tpu.memory_space<vmem>>, vector<256x128xf32>
      %dot_general3A = arith.constant dense<0.000000e+00> : vector<1x128xf32>
      %dot_general3A_37 = tpu.matmul %add3A_33, %get3A_36, %dot_general3A {dimension_numbers = #tpu.dot_dimension_numbers<[1], [0], [0], [1], [0, 0, 1, 1], [], []>, transpose_lhs_hint = false} : vector<1x256xf32>, vector<256x128xf32>, vector<1x128xf32> -> vector<1x128xf32>
      %get3A_38 = arith.constant 0 : index
      %get3A_39 = arith.constant 0 : index
      %get3A_40 = vector.load %arg4[%get3A_38, %get3A_39] : memref<1x128xf32, #tpu.memory_space<vmem>>, vector<1x128xf32>
      %add3A_41 = arith.addf %dot_general3A_37, %get3A_40 : vector<1x128xf32>
      %max3A = arith.constant 0.000000e+00 : f32
      %max3A_42 = vector.broadcast %max3A : f32 to vector<1x128xf32>
      %max3A_43 = arith.maximumf %add3A_41, %max3A_42 : vector<1x128xf32>
      %get3A_44 = arith.constant 0 : index
      %get3A_45 = arith.constant 0 : index
      %get3A_46 = vector.load %arg5[%get3A_44, %get3A_45] : memref<128x64xf32, #tpu.memory_space<vmem>>, vector<128x64xf32>
      %dot_general3A_47 = arith.constant dense<0.000000e+00> : vector<1x64xf32>
      %dot_general3A_48 = tpu.matmul %max3A_43, %get3A_46, %dot_general3A_47 {dimension_numbers = #tpu.dot_dimension_numbers<[1], [0], [0], [1], [0, 0, 1, 1], [], []>, transpose_lhs_hint = false} : vector<1x128xf32>, vector<128x64xf32>, vector<1x64xf32> -> vector<1x64xf32>
      %get3A_49 = arith.constant 0 : index
      %get3A_50 = arith.constant 0 : index
      %get3A_51 = vector.load %arg6[%get3A_49, %get3A_50] : memref<1x64xf32, #tpu.memory_space<vmem>>, vector<1x64xf32>
      %add3A_52 = arith.addf %dot_general3A_48, %get3A_51 : vector<1x64xf32>
      %max3A_53 = arith.constant 0.000000e+00 : f32
      %max3A_54 = vector.broadcast %max3A_53 : f32 to vector<1x64xf32>
      %max3A_55 = arith.maximumf %add3A_52, %max3A_54 : vector<1x64xf32>
      %get3A_56 = arith.constant 0 : index
      %get3A_57 = arith.constant 0 : index
      %get3A_58 = vector.load %arg7[%get3A_56, %get3A_57] : memref<64x10xf32, #tpu.memory_space<vmem>>, vector<64x10xf32>
      %dot_general3A_59 = arith.constant dense<0.000000e+00> : vector<1x10xf32>
      %dot_general3A_60 = tpu.matmul %max3A_55, %get3A_58, %dot_general3A_59 {dimension_numbers = #tpu.dot_dimension_numbers<[1], [0], [0], [1], [0, 0, 1, 1], [], []>, transpose_lhs_hint = false} : vector<1x64xf32>, vector<64x10xf32>, vector<1x10xf32> -> vector<1x10xf32>
      %get3A_61 = arith.constant 0 : index
      %get3A_62 = arith.constant 0 : index
      %get3A_63 = vector.load %arg8[%get3A_61, %get3A_62] : memref<1x10xf32, #tpu.memory_space<vmem>>, vector<1x10xf32>
      %add3A_64 = arith.addf %dot_general3A_60, %get3A_63 : vector<1x10xf32>
      %swap3A = arith.constant 0 : index
      %swap3A_65 = arith.constant 0 : index
      %swap3A_66 = vector.load %arg9[%swap3A, %swap3A_65] : memref<1x10xf32, #tpu.memory_space<vmem>>, vector<1x10xf32>
      tpu.vector_store %arg9[%swap3A, %swap3A_65], %add3A_64 {strides = array<i32>} : memref<1x10xf32, #tpu.memory_space<vmem>>, vector<1x10xf32>,
    } else {
    }
    return
  }
  func.func @transform_0(%arg0: i32) -> (i32, i32) {
    %c0_i32 = arith.constant 0 : i32
    %c0_i32_0 = arith.constant 0 : i32
    return %arg0, %c0_i32 : i32, i32
  }
  func.func @transform_1(%arg0: i32) -> (i32, i32) {
    %c0_i32 = arith.constant 0 : i32
    %c0_i32_0 = arith.constant 0 : i32
    %c0_i32_1 = arith.constant 0 : i32
    return %c0_i32, %c0_i32_0 : i32, i32
  }
  func.func @transform_2(%arg0: i32) -> (i32, i32) {
    %c0_i32 = arith.constant 0 : i32
    %c0_i32_0 = arith.constant 0 : i32
    %c0_i32_1 = arith.constant 0 : i32
    return %c0_i32, %c0_i32_0 : i32, i32
  }
  func.func @transform_3(%arg0: i32) -> (i32, i32) {
    %c0_i32 = arith.constant 0 : i32
    %c0_i32_0 = arith.constant 0 : i32
    %c0_i32_1 = arith.constant 0 : i32
    return %c0_i32, %c0_i32_0 : i32, i32
  }
  func.func @transform_4(%arg0: i32) -> (i32, i32) {
    %c0_i32 = arith.constant 0 : i32
    %c0_i32_0 = arith.constant 0 : i32
    %c0_i32_1 = arith.constant 0 : i32
    return %c0_i32, %c0_i32_0 : i32, i32
  }
  func.func @transform_5(%arg0: i32) -> (i32, i32) {
    %c0_i32 = arith.constant 0 : i32
    %c0_i32_0 = arith.constant 0 : i32
    %c0_i32_1 = arith.constant 0 : i32
    return %c0_i32, %c0_i32_0 : i32, i32
  }
  func.func @transform_6(%arg0: i32) -> (i32, i32) {
    %c0_i32 = arith.constant 0 : i32
    %c0_i32_0 = arith.constant 0 : i32
    %c0_i32_1 = arith.constant 0 : i32
    return %c0_i32, %c0_i32_0 : i32, i32
  }
  func.func @transform_7(%arg0: i32) -> (i32, i32) {
    %c0_i32 = arith.constant 0 : i32
    %c0_i32_0 = arith.constant 0 : i32
    %c0_i32_1 = arith.constant 0 : i32
    return %c0_i32, %c0_i32_0 : i32, i32
  }
  func.func @transform_8(%arg0: i32) -> (i32, i32) {
    %c0_i32 = arith.constant 0 : i32
    %c0_i32_0 = arith.constant 0 : i32
    %c0_i32_1 = arith.constant 0 : i32
    return %c0_i32, %c0_i32_0 : i32, i32
  }
}

</mosaic_0001>

<sc_bundles>
// kernel: gather_offload_async_start.1
scs
__scs_entry_jumppad:
0x0: {  	(pc) =	sbr.rel $0x88, $3  }
0x1: {  	(tag) =	ssettag $0x0;
	lr =	simm.s32 $0x1  }
0x2: {  	[smem:$0x3F85] =	sst lr;
	_ =	strace $0xD0000000  }
0x3: {  	_ = 	snop  }
0x4: {  	_ = 	snop  }
0x5: {  	_ = 	snop  }
0x6: {  	_ = 	snop  }
0x7: {  	_ = 	snop  }
__scs_overlays_trampoline_lowered:
0x8: {  	[smem:$0x3F94] =	sst s0  }
0x9: {  	[smem:$0x3F95] =	sst s1  }
0xa: {  	[smem:$0x3F96] =	sst s2  }
0xb: {  	[smem:$0x3F97] =	sst s3  }
0xc: {  	[smem:$0x3F98] =	sst s4  }
0xd: {  	[smem:$0x3F99] =	sst s5  }
0xe: {  	[smem:$0x3F9A] =	sst s6  }
0xf: {  	[smem:$0x3F9B] =	sst s7  }
0x10: {  	[smem:$0x3F9C] =	sst s8  }
0x11: {  	[smem:$0x3F9D] =	sst s9;
	s0 =	simm.s32 @!p0 $0x0  }
0x12: {  	s1 =	sld [smem:$0x3F83];
	s0 =	simm.s32 @p0 $0x1  }
0x13: {  	[smem:$0x3F9E] =	sst s0;
	s0 =	simm.s32 @!p1 $0x0  }
0x14: {  	s2 =	sld [smem:$0x3F82];
	s0 =	simm.s32 @p1 $0x1  }
0x15: {  	[smem:$0x3F9F] =	sst s0;
	s0 =	simm.s32 @!p2 $0x0  }
0x16: {  	s3 =	sld [smem:$0x3FDB];
	s0 =	simm.s32 @p2 $0x1  }
0x17: {  	s4 =	simm.s32 $0x1BF5;
	[smem:$0x3FA1] =	sst s0  }
0x18: {  	s0 =	sld [smem:$0x3F84];
	_ =	swait.ge [sflag:s4], $0x0  }
0x19: {  	s7 =	sld [smem:$0x3F85]  }
0x1a: {  	s8 =	sadd.s32 $0xFFFFE003, lr  }
0x1b: {  	s9 =	sadd.s32 $0xFFFFFEF7, lr;
	s5 =	simm.s32 $0xFFFFFFFF;
	p2 =	slt.u32 s8, $0xFFFFF086  }
0x1c: {  	p1 =	slt.u32 s9, $0xF7A;
	s5 =	simm.s32 @!p2 $0x0  }
0x1d: {  	s5 =	simm.s32 @p1 $0x1;
	p0 =	seq.s32 s7, s2  }
0x1e: {  	s7 =	smul.u32 @!p0 $0xF7A, s2;
	p2 =	seq.s32 @!p0 s5, $0x0  }
0x1f: {  	s9 =	smul.u32 $0xF7A, s1;
	s8 =	simm.s32 @!p0 $0x1BF5;
	p2 =	por !p2, p0  }
0x20: {  	[sflag:s8] =	ssyncset.s32 @!p0 $0xFFFFF086;
	s6 =	sadd.s32 @!p0 s3, s7;
	s7 =	simm.s32 @!p0 $0x108  }
0x21: {  	s3 =	sadd.s32 s3, s9;
	s6 =	sadd.s32 @!p0 $0x88, s6;
	s7 =	simm.s32 @p2 $0x1082  }
0x22: {  	[simem:s7], [sflag:s8] =	dma.local @!p0 [hbm:s6], $0xF7A  }
0x23: {  	s9 =	sor.u32 $0xD0000000, s2;
	s6 =	simm.s32 $0x108;
	_ =	swait.ge @!p0 [sflag:s8], $0x0  }
0x24: {  	s3 =	sadd.s32 $0x88, s3;
	s6 =	simm.s32 @!p1 $0x1082;
	[sflag:s4] =	ssyncset.s32 $0xFFFFF086  }
0x25: {  	[simem:s6], [sflag:s4] =	dma.local [hbm:s3], $0xF7A  }
0x26: {  	[smem:$0x3F85] =	sst s1;
	(tag) =	ssettag s2;
	_ =	strace s9  }
0x27: {  	s1 =	sld [smem:$0x3F95]  }
0x28: {  	s2 =	sld [smem:$0x3F96]  }
0x29: {  	s4 =	sld [smem:$0x3F98]  }
0x2a: {  	p0 =	seq.s32 s5, $0x0;
	s5 =	sld [smem:$0x3F99]  }
0x2b: {  	s6 =	sld [smem:$0x3F9A]  }
0x2c: {  	s7 =	sld [smem:$0x3F9B]  }
0x2d: {  	s3 =	simm.s32 $0x108;
	s8 =	sld [smem:$0x3F9C]  }
0x2e: {  	s3 =	simm.s32 @!p0 $0x1082;
	s9 =	sld [smem:$0x3F9D]  }
0x2f: {  	lr =	sadd.s32 s0, s3;
	s0 =	sld [smem:$0x3F94]  }
0x30: {  	s3 =	sld [smem:$0x3F97]  }
0x31: {  	[smem:$0x3FA0] =	sst s10  }
0x32: {  	s10 =	sld [smem:$0x3F9E];
	_ =	sdelay $0x3  }
0x33: {  	p0 =	seq.s32 s10, $0x1;
	s10 =	sld [smem:$0x3FA0];
	_ =	sdelay $0x3  }
0x34: {  	[smem:$0x3FA0] =	sst s10  }
0x35: {  	s10 =	sld [smem:$0x3F9F];
	_ =	sdelay $0x3  }
0x36: {  	p1 =	seq.s32 s10, $0x1;
	s10 =	sld [smem:$0x3FA0];
	_ =	sdelay $0x3  }
0x37: {  	[smem:$0x3FA0] =	sst s10  }
0x38: {  	s10 =	sld [smem:$0x3FA1]  }
0x39: {  	_ = 	snop;
	(pc) =	sbr.ind lr, $3  }
0x3a: {  	_ = 	snop  }
0x3b: {  	_ = 	snop  }
0x3c: {  	p2 =	seq.s32 s10, $0x1;
	s10 =	sld [smem:$0x3FA0]  }
0x3d: {  	_ =	shalt  }
0x3e: {  	_ =	shalt  }
0x3f: {  	_ =	shalt  }
0x40: {  	_ =	shalt  }
0x41: {  	_ =	shalt  }
0x42: {  	_ =	shalt  }
0x43: {  	_ =	shalt  }
0x44: {  	_ =	shalt  }
0x45: {  	_ =	shalt  }
0x46: {  	_ =	shalt  }
0x47: {  	_ =	shalt  }
0x48: {  	_ =	shalt  }
0x49: {  	_ =	shalt  }
0x4a: {  	_ =	shalt  }
0x4b: {  	_ =	shalt  }
0x4c: {  	_ =	shalt  }
0x4d: {  	_ =	shalt  }
0x4e: {  	_ =	shalt  }
0x4f: {  	_ =	shalt  }
0x50: {  	_ =	shalt  }
0x51: {  	_ =	shalt  }
0x52: {  	_ =	shalt  }
0x53: {  	_ =	shalt  }
0x54: {  	_ =	shalt  }
0x55: {  	_ =	shalt  }
0x56: {  	_ =	shalt  }
0x57: {  	_ =	shalt  }
0x58: {  	_ =	shalt  }
0x59: {  	_ =	shalt  }
0x5a: {  	_ =	shalt  }
0x5b: {  	_ =	shalt  }
0x5c: {  	_ =	shalt  }
0x5d: {  	_ =	shalt  }
0x5e: {  	_ =	shalt  }
0x5f: {  	_ =	shalt  }
0x60: {  	_ =	shalt  }
0x61: {  	_ =	shalt  }
0x62: {  	_ =	shalt  }
0x63: {  	_ =	shalt  }
0x64: {  	_ =	shalt  }
0x65: {  	_ =	shalt  }
0x66: {  	_ =	shalt  }
0x67: {  	_ =	shalt  }
0x68: {  	_ =	shalt  }
0x69: {  	_ =	shalt  }
0x6a: {  	_ =	shalt  }
0x6b: {  	_ =	shalt  }
0x6c: {  	_ =	shalt  }
0x6d: {  	_ =	shalt  }
0x6e: {  	_ =	shalt  }
0x6f: {  	_ =	shalt  }
0x70: {  	_ =	shalt  }
0x71: {  	_ =	shalt  }
0x72: {  	_ =	shalt  }
0x73: {  	_ =	shalt  }
0x74: {  	_ =	shalt  }
0x75: {  	_ =	shalt  }
0x76: {  	_ =	shalt  }
0x77: {  	_ =	shalt  }
0x78: {  	_ =	shalt  }
0x79: {  	_ =	shalt  }
0x7a: {  	_ =	shalt  }
0x7b: {  	_ =	shalt  }
0x7c: {  	_ =	shalt  }
0x7d: {  	_ =	shalt  }
0x7e: {  	_ =	shalt  }
0x7f: {  	_ =	shalt  }
0x80: {  	_ =	shalt  }
0x81: {  	_ =	shalt  }
0x82: {  	_ =	shalt  }
0x83: {  	_ =	shalt  }
0x84: {  	_ =	shalt  }
0x85: {  	_ =	shalt  }
0x86: {  	_ =	shalt  }
0x87: {  	_ =	shalt  }
.Lfunc_end0:
.L_simem_size_0:
called_computation.1_lowered:
.L_overlay_start_0:
0x88: {  	s2 =	sld [smem:$0x3FD9]  }
0x89: {  	s3 =	sld [smem:$0x3FFE];
	_ =	sdelay $0x1  }
0x8a: {  	s1 =	srdreg.scid  }
0x8b: {  	s0 =	sand.u32 $0x1, s1  }
0x8c: {  	s16 =	sshll.u32 s0, $0xA;
	s2 =	sadd.s32 s3, s2  }
0x8d: {  	s2 =	sadd.s32 s2, s16  }
0x8e: {  	[smem:$0x3FAC] =	sst s2  }
0x8f: {  	_ = 	snop  }
0x90: {  	(tm) =	ssettm $0x1  }
0x91: {  	s17 =	sld [smem:$0x3FFB];
	_ =	sdelay $0x3  }
0x92: {  	_ =	strace s17  }
0x93: {  	s2 =	sld [smem:$0x3FFC];
	_ =	sdelay $0x3  }
0x94: {  	_ =	strace s2  }
0x95: {  	s2 =	sld [smem:$0x3FFD];
	_ =	sdelay $0x3  }
0x96: {  	_ =	strace s2  }
0x97: {  	_ =	strace $0x8FFFFFFF  }
0x98: {  	s18 =	sld [smem:$0x3FDB];
	_ =	sdelay $0x1  }
0x99: {  	s19 =	simm.s32 $_scs_section_size  }
0x9a: {  	s4 =	simm.s32 $_size__tile_overlayer_lowered;
	s5 =	simm.s32 $_tile_overlayer_lowered  }
0x9b: {  	s22 =	simm.s32 $0x1BFF;
	s21 =	sshll.u32 s5, $0x1;
	s2 =	sadd.s32 s19, s18  }
0x9c: {  	s6 =	simm.s32 $0x0;
	s20 =	sshll.u32 s4, $0x1;
	s4 =	sadd.s32 s21, s2  }
0x9d: {  	[timem:s6], [sflag:s22] =	dma.local [hbm:s4], s20  }
0x9e: {  	_ =	swait.ge [sflag:s22], s20  }
0x9f: {  	s3 =	ssub.s32 $0x0, s20;
	[sflag:s22] =	ssyncset.done $0x0  }
0xa0: {  	[sflag:s22] =	ssyncadd.s32 s3;
	_ =	sdelay $0x1  }
0xa1: {  	s23 =	simm.s32 $0x1B8B  }
0xa2: {  	_ =	swait.ge [sflag:s23], $0x1  }
0xa3: {  	[sflag:s23] =	ssyncset.done $0x0  }
0xa4: {  	s25 =	simm.s32 $0x1B8E;
	s24 =	sld [smem:$0x3FFE];
	[sflag:s23] =	ssyncadd.s32 $0xFFFFFFFF  }
0xa5: {  	s26 =	simm.s32 $execute0_lowered;
	[smem:$0x3FD2] =	sst s25  }
0xa6: {  	s4 =	sshll.u32 s26, $0x1;
	_ =	strace $0x8000004C;
	[dreg:$0x1] =	wrdreg $0xFFFFFFFF  }
0xa7: {  	s28 =	simm.s32 $_size_execute0_lowered;
	s2 =	sadd.s32 s2, s4;
	[dreg:$0x0] =	wrdreg $0x0  }
0xa8: {  	s4 =	sshll.u32 s28, $0x1;
	[dreg:$0x2] =	wrdreg s2  }
0xa9: {  	[dreg:$0x3] =	wrdreg s4  }
0xaa: {  	[dreg:$0x4] =	wrdreg $0xC0  }
0xab: {  	_ =	task [dreg:s6], $0x5FFFF  }
0xac: {  	[dreg:$0x1] =	wrdreg $0xFFFFFFFF  }
0xad: {  	[dreg:$0x0] =	wrdreg $0x60  }
0xae: {  	[dreg:$0x2] =	wrdreg s24  }
0xaf: {  	[dreg:$0x3] =	wrdreg $0x9  }
0xb0: {  	_ =	task.clear_ibuf [dreg:s6], $0x4FFFF;
	_ =	strace $0x9000004C  }
0xb1: {  	s29 =	simm.s32 $0x9;
	_ =	strace $0x8000004E  }
0xb2: {  	_ =	swait.ge [sflag:s29], $0x1  }
0xb3: {  	[sflag:s29] =	ssyncadd.s32 $0xFFFFFFFF  }
0xb4: {  	_ =	strace $0x9000004E  }
0xb5: {  	_ =	sfence  }
0xb6: {  	s30 =	sld [smem:$0x0];
	_ =	sdelay $0x2  }
0xb7: {  	s31 =	sshll.u32 s1, $0xD;
	s1 =	sshrl.u32 s1, $0x2  }
0xb8: {  	s3 =	sand.u32 $0x4000, s31;
	s1 =	sadd.s32 s1, s30  }
0xb9: {  	s0 =	sor.u32 s3, s0;
	s1 =	sshll.u32 s1, $0x11  }
0xba: {  	s0 =	sor.u32 s1, s0  }
0xbb: {  	s0 =	sadd.s32 $0x8F2B, s0  }
0xbc: {  	[sflag:s0] =	ssyncadd.remote.s32 $0x1  }
0xbd: {  	_ =	sfence.sel $0xFFFF  }
0xbe: {  	[dreg:$0x0] =	wrdreg $0xFFFFFFFF;
	(pc) =	sbr.abs _section_cstart, $3  }
0xbf: {  	[dreg:$0x1] =	wrdreg $0xFFFFFFFF  }
0xc0: {  	_ =	task.clear_ibuf [dreg:s6], $0x2FFFF;
	_ =	strace $0x9FFFFFFF  }
0xc1: {  	(tm) =	ssettm $0x7FFFFFFF  }
tec
execute0_lowered:
.L_overlay_start_1:
0x0: {  	(tag) =	ssettag $0x1  }
0x1: {  	s0 =	srdreg.scid;
	s5 =	rddreg [dreg:$0x0]  }
0x2: {  	s1 =	stileid.u32;
	s6 =	simm.s32 $0x1;
	s9 =	simm.s32 $0x1  }
0x3: {  	s10 =	simm.s32 $0x3;
	s13 =	simm.s32 $0x0;
	s2 =	sshll.u32 s0, $0x8  }
0x4: {  	s12 =	simm.s32 $0x0;
	s3 =	sshll.u32 s1, $0x9;
	s2 =	sand.u32 $0x100, s2  }
0x5: {  	s0 =	rddreg [dreg:$0x1];
	_ =	strace $0x8000004D;
	s2 =	sor.u32 s3, s2  }
0x6: {  	s4 =	sadd.s32 $0x5B400, s5;
	[sflag:s6] =	ssyncpa.u1 $0x0;
	s8 =	ssub.s32 $0x2800, s2  }
.Ltmp0:
0x7: {  	s3 =	sadd.s32 $0x5BA00, s5;
	s7 =	sand.u32 $0x1F00, s8;
	(pc) =	sbr.rel .LBB2_1-.Ltmp0, $4  }
0x8: {  	s5 =	sadd.s32 $0x13C00, s5;
	s11 =	smov.u32 s2;
	p0 =	sne.s32 s7, $0x0  }
0x9: {  	s8 =	sshrl.u32 s8, $0xD;
	s7 =	simm.s32 $0x2;
	s9 =	simm.s32 @!p0 $0x0  }
0xa: {  	[sflag:s7] =	ssyncpa.u1 $0x0;
	p0 =	por $0x0, $0x0;
	s8 =	sadd.s32 s9, s8  }
0xb: {  	vm0 =	vmmov $0xffff;
	[sflag:s10] =	ssyncpa.u1 $0x0;
	s10 =	simm.s32 $0x0;
	s9 =	sadd.s32 $0x1, s8  }
.LBB2_4:
0xc: {  	v2 =	vnsel vm1, $0x0, v2  }
0xd: {  	vm1 =	vgt.s32 v0, $0x0;
	v2 =	vmin.u32 v2, $0x2710  }
0xe: {  	v0 =	vnsel vm1, $0x0, v0  }
0xf: {  	v0 =	vmin.u32 v0, $0x2710  }
0x10: {  	[tilespmem:s15], [sflag:$0x1] =	stream.indirect_vreg.gather [hbm4b:s3+s10], $0x1, v1, vm0, $0x4038;
	[tilespmem:$0x400] =	vst v63  }
0x11: {  	(ifvalue) =	ssetifvalue $0x7FFFFFFF  }
0x12: {  	[tilespmem:s16], [sflag:$0x1] =	stream.indirect_vreg.gather [hbm4b:s3+s10], $0x1, v2, vm0, $0x4038;
	[tilespmem:$0x400] =	vst v63  }
0x13: {  	s29 =	sadd.s32 $0x10, s16;
	(ifvalue) =	ssetifvalue $0x7FFFFFFF  }
0x14: {  	[tilespmem:s29], [sflag:$0x1] =	stream.indirect_vreg.gather [hbm4b:s3+s10], $0x1, v0, vm0, $0x4038;
	[tilespmem:$0x400] =	vst v63  }
0x15: {  	_ =	swait.ge [sflag:s6], $0x100  }
0x16: {  	s30 =	sshrl.u32 s13, $0x3;
	[sflag:s6] =	ssyncset.done $0x0  }
0x17: {  	s31 =	sand.u32 $0x7, s13;
	s15 =	sadd.s32 s5, s30;
	[sflag:s6] =	ssyncadd.s32 $0xFFFFFF00  }
0x18: {  	[hbm4b:s15+s31] =	stream.linear.scatter [tilespmem:s14], [sflag:$0x3], $0x100, $0x38;
	[tilespmem:$0x400] =	vst v63  }
.LBB2_5:
0x19: {  	s15 =	sadd.s32 $0x2000, s11  }
0x1a: {  	p2 =	sgt.s32 s15, $0x27FF  }
0x1b: {  	s15 =	smov.u32 @p2 s2;
	p2 =	sne.s32 s12, s9  }
.Ltmp1:
0x1c: {  	p1 =	slt.u32 s12, $0x2;
	(pc) =	sbr.rel @!p2 .LBB2_6-.Ltmp1, $4  }
0x1d: {  	s14 =	simm.s32 @!p1 $0x3  }
0x1e: {  	s16 =	sadd.s32 $0x1, s12;
	_ =	swait.ge @!p1 [sflag:s14], $0x100  }
0x1f: {  	s13 =	smov.u32 s11;
	p0 =	por !p0, !p0;
	[sflag:s14] =	ssyncset.done @!p1 $0x0  }
0x20: {  	s12 =	smov.u32 s16;
	s11 =	smov.u32 s15;
	[sflag:s14] =	ssyncadd.s32 @!p1 $0xFFFFFF00  }
.LBB2_1:
0x21: {  	p1 =	sge.u32 s12, s8  }
0x22: {  	s14 =	sxor.u32 @!p1 $0xFFFFFFFF, s12  }
0x23: {  	s31 =	sadd.s32 $0xFFFFFFFF, s12;
	s15 =	sshrl.u32 @!p1 s11, $0x3;
	s14 =	sshll.u32 @!p1 s14, $0x8  }
0x24: {  	s16 =	sand.u32 @!p1 $0x7, s11;
	s15 =	sadd.s32 @!p1 s4, s15;
	s14 =	sand.u32 @!p1 $0x100, s14  }
0x25: {  	[tilespmem:s14], [sflag:$0x2] =	stream.linear.gather @!p1 [hbm4b:s15+s16], $0x100, $0x38;
	[tilespmem:$0x400] =	vst v63  }
0x26: {  	p1 =	sge.u32 s31, s8  }
.Ltmp2:
0x27: {  	_ = 	snop;
	(pc) =	sbr.rel @p1 .LBB2_5-.Ltmp2, $1  }
0x28: {  	_ =	sdelay $0x3  }
0x29: {  	s14 =	simm.s32 $0x1  }
0x2a: {  	_ =	swait.ge [sflag:s7], $0x100;
	s14 =	simm.s32 @!p0 $0x0  }
0x2b: {  	[sflag:s7] =	ssyncset.done $0x0;
	s14 =	sshll.u32 s14, $0x8  }
0x2c: {  	[sflag:s7] =	ssyncadd.s32 $0xFFFFFF00;
	(ifvalue) =	ssetifvalue $0x7FFFFFFF;
	v0 =	vld.msk [tilespmem:s14+$0x0 ss:$0x1], $0xffff;
	_ =	sdelay $0x4  }
0x2d: {  	s15 =	sadd.s32 $0x10, s14;
	vm1 =	vgt.s32 v0, $0x0  }
0x2e: {  	v2 =	vld.msk [tilespmem:s15+$0x0 ss:$0x1], $0xffff;
	v1 =	vnsel vm1, $0x0, v0  }
0x2f: {  	v1 =	vmin.u32 v1, $0x2710;
	_ =	sdelay $0x1  }
0x30: {  	s16 =	sshll.u32 s12, $0x8;
	s18 =	simm.s32 $0x20  }
0x31: {  	s16 =	sand.u32 $0x100, s16;
	s17 =	sadd.s32 $0x10, s15;
	s15 =	sor.u32 $0x200, s14  }
0x32: {  	s14 =	sor.u32 $0x200, s16;
	s16 =	sadd.s32 $0x10, s15;
	v0 =	vld.msk [tilespmem:s17+$0x0 ss:$0x1], $0xffff;
	vm1 =	vgt.s32 v2, $0x0;
	(ifvalue) =	ssetifvalue $0x7FFFFFFF  }
.LBB2_3:
0x33: {  	[tilespmem:s15], [sflag:$0x1] =	stream.indirect_vreg.gather [hbm4b:s3+s10], $0x1, v1, vm0, $0x4038;
	[tilespmem:$0x400] =	vst v63  }
0x34: {  	s18 =	sadd.s32 $0x10, s18  }
0x35: {  	v2 =	vnsel vm1, $0x0, v2;
	p1 =	slt.u32 s18, $0xF0  }
.Ltmp3:
0x36: {  	s15 =	smov.u32 s16;
	v1 =	vmin.u32 v2, $0x2710;
	(pc) =	sbr.rel @p1 .LBB2_3-.Ltmp3, $3  }
0x37: {  	_ =	sdelay $0x1  }
0x38: {  	s17 =	sadd.s32 $0x10, s17  }
0x39: {  	vm1 =	vgt.s32 v0, $0x0;
	s16 =	sadd.s32 $0x10, s16;
	v2 =	vmov v0;
	(ifvalue) =	ssetifvalue $0x7FFFFFFF;
	v0 =	vld.msk [tilespmem:s17+$0x0 ss:$0x1], $0xffff  }
.Ltmp4:
0x3a: {  	_ = 	snop;
	(pc) =	sbr.rel .LBB2_4-.Ltmp4, $1  }
0x3b: {  	_ =	sdelay $0x3  }
.LBB2_6:
0x3c: {  	_ =	sfence.sel $0x180000  }
0x3d: {  	s2 =	simm.s32 $0x2;
	[bflag:$0x0] =	sbarrier.arrive $0xFFFF  }
0x3e: {  	s30 =	simm.s32 $0x3;
	[sflag:s2] =	ssyncpa.u1 $0x1  }
0x3f: {  	s31 =	simm.s32 $0x1;
	[sflag:s30] =	ssyncpa.u1 $0x1  }
0x40: {  	[sflag:s31] =	ssyncpa.u1 $0x1  }
0x41: {  	p0 =	sne.s32 s1, $0x0;
	_ =	strace $0x9000004D  }
0x42: {  	s0 =	sadd.s32 @!p0 $0x100000, s0;
	[bflag:$0x2] =	sbarrier.arrive $0xFFFF  }
0x43: {  	[sflag:s0] =	ssyncadd.tile.s32 @!p0 $0x1;
	_ =	shalt  }
.Lfunc_end2:
_tile_overlayer_lowered:
.L_overlay_start_2:
0x44: {  	(tag) =	ssettag $0x2  }
0x45: {  	s0 =	rddreg [dreg:$0x0];
	s2 =	stileid.u32  }
0x46: {  	s1 =	rddreg [dreg:$0x1];
	p0 =	sne.s32 s2, $0x0  }
0x47: {  	s3 =	rddreg [dreg:$0x2];
	[bflag:$0x3] =	sbarrier.arrive $0xFFFF;
	s2 =	simm.s32 @!p0 $0x1C01  }
0x48: {  	[timem:s3], [sflag:s2] =	dma.local @!p0 [hbm:s0], s1  }
0x49: {  	s0 =	simm.s32 @!p0 $0x1  }
0x4a: {  	_ =	swait.ge @!p0 [sflag:s0], s1  }
0x4b: {  	s1 =	ssub.s32 @!p0 $0x0, s1;
	[sflag:s0] =	ssyncset.done @!p0 $0x0  }
0x4c: {  	[sflag:s0] =	ssyncadd.s32 @!p0 s1  }
0x4d: {  	[bflag:$0x3] =	sbarrier.arrive $0xFFFF  }
0x4e: {  	_ =	shalt  }

// kernel: gather_offload_async_start.2
scs
__scs_entry_jumppad:
0x0: {  	(pc) =	sbr.rel $0x88, $3  }
0x1: {  	(tag) =	ssettag $0x0;
	lr =	simm.s32 $0x1  }
0x2: {  	[smem:$0x3F85] =	sst lr;
	_ =	strace $0xD0000000  }
0x3: {  	_ = 	snop  }
0x4: {  	_ = 	snop  }
0x5: {  	_ = 	snop  }
0x6: {  	_ = 	snop  }
0x7: {  	_ = 	snop  }
__scs_overlays_trampoline_lowered:
0x8: {  	[smem:$0x3F94] =	sst s0  }
0x9: {  	[smem:$0x3F95] =	sst s1  }
0xa: {  	[smem:$0x3F96] =	sst s2  }
0xb: {  	[smem:$0x3F97] =	sst s3  }
0xc: {  	[smem:$0x3F98] =	sst s4  }
0xd: {  	[smem:$0x3F99] =	sst s5  }
0xe: {  	[smem:$0x3F9A] =	sst s6  }
0xf: {  	[smem:$0x3F9B] =	sst s7  }
0x10: {  	[smem:$0x3F9C] =	sst s8  }
0x11: {  	[smem:$0x3F9D] =	sst s9;
	s0 =	simm.s32 @!p0 $0x0  }
0x12: {  	s1 =	sld [smem:$0x3F83];
	s0 =	simm.s32 @p0 $0x1  }
0x13: {  	[smem:$0x3F9E] =	sst s0;
	s0 =	simm.s32 @!p1 $0x0  }
0x14: {  	s2 =	sld [smem:$0x3F82];
	s0 =	simm.s32 @p1 $0x1  }
0x15: {  	[smem:$0x3F9F] =	sst s0;
	s0 =	simm.s32 @!p2 $0x0  }
0x16: {  	s3 =	sld [smem:$0x3FDB];
	s0 =	simm.s32 @p2 $0x1  }
0x17: {  	s4 =	simm.s32 $0x1BF5;
	[smem:$0x3FA1] =	sst s0  }
0x18: {  	s0 =	sld [smem:$0x3F84];
	_ =	swait.ge [sflag:s4], $0x0  }
0x19: {  	s7 =	sld [smem:$0x3F85]  }
0x1a: {  	s8 =	sadd.s32 $0xFFFFE003, lr  }
0x1b: {  	s9 =	sadd.s32 $0xFFFFFEF7, lr;
	s5 =	simm.s32 $0xFFFFFFFF;
	p2 =	slt.u32 s8, $0xFFFFF086  }
0x1c: {  	p1 =	slt.u32 s9, $0xF7A;
	s5 =	simm.s32 @!p2 $0x0  }
0x1d: {  	s5 =	simm.s32 @p1 $0x1;
	p0 =	seq.s32 s7, s2  }
0x1e: {  	s7 =	smul.u32 @!p0 $0xF7A, s2;
	p2 =	seq.s32 @!p0 s5, $0x0  }
0x1f: {  	s9 =	smul.u32 $0xF7A, s1;
	s8 =	simm.s32 @!p0 $0x1BF5;
	p2 =	por !p2, p0  }
0x20: {  	[sflag:s8] =	ssyncset.s32 @!p0 $0xFFFFF086;
	s6 =	sadd.s32 @!p0 s3, s7;
	s7 =	simm.s32 @!p0 $0x108  }
0x21: {  	s3 =	sadd.s32 s3, s9;
	s6 =	sadd.s32 @!p0 $0x88, s6;
	s7 =	simm.s32 @p2 $0x1082  }
0x22: {  	[simem:s7], [sflag:s8] =	dma.local @!p0 [hbm:s6], $0xF7A  }
0x23: {  	s9 =	sor.u32 $0xD0000000, s2;
	s6 =	simm.s32 $0x108;
	_ =	swait.ge @!p0 [sflag:s8], $0x0  }
0x24: {  	s3 =	sadd.s32 $0x88, s3;
	s6 =	simm.s32 @!p1 $0x1082;
	[sflag:s4] =	ssyncset.s32 $0xFFFFF086  }
0x25: {  	[simem:s6], [sflag:s4] =	dma.local [hbm:s3], $0xF7A  }
0x26: {  	[smem:$0x3F85] =	sst s1;
	(tag) =	ssettag s2;
	_ =	strace s9  }
0x27: {  	s1 =	sld [smem:$0x3F95]  }
0x28: {  	s2 =	sld [smem:$0x3F96]  }
0x29: {  	s4 =	sld [smem:$0x3F98]  }
0x2a: {  	p0 =	seq.s32 s5, $0x0;
	s5 =	sld [smem:$0x3F99]  }
0x2b: {  	s6 =	sld [smem:$0x3F9A]  }
0x2c: {  	s7 =	sld [smem:$0x3F9B]  }
0x2d: {  	s3 =	simm.s32 $0x108;
	s8 =	sld [smem:$0x3F9C]  }
0x2e: {  	s3 =	simm.s32 @!p0 $0x1082;
	s9 =	sld [smem:$0x3F9D]  }
0x2f: {  	lr =	sadd.s32 s0, s3;
	s0 =	sld [smem:$0x3F94]  }
0x30: {  	s3 =	sld [smem:$0x3F97]  }
0x31: {  	[smem:$0x3FA0] =	sst s10  }
0x32: {  	s10 =	sld [smem:$0x3F9E];
	_ =	sdelay $0x3  }
0x33: {  	p0 =	seq.s32 s10, $0x1;
	s10 =	sld [smem:$0x3FA0];
	_ =	sdelay $0x3  }
0x34: {  	[smem:$0x3FA0] =	sst s10  }
0x35: {  	s10 =	sld [smem:$0x3F9F];
	_ =	sdelay $0x3  }
0x36: {  	p1 =	seq.s32 s10, $0x1;
	s10 =	sld [smem:$0x3FA0];
	_ =	sdelay $0x3  }
0x37: {  	[smem:$0x3FA0] =	sst s10  }
0x38: {  	s10 =	sld [smem:$0x3FA1]  }
0x39: {  	_ = 	snop;
	(pc) =	sbr.ind lr, $3  }
0x3a: {  	_ = 	snop  }
0x3b: {  	_ = 	snop  }
0x3c: {  	p2 =	seq.s32 s10, $0x1;
	s10 =	sld [smem:$0x3FA0]  }
0x3d: {  	_ =	shalt  }
0x3e: {  	_ =	shalt  }
0x3f: {  	_ =	shalt  }
0x40: {  	_ =	shalt  }
0x41: {  	_ =	shalt  }
0x42: {  	_ =	shalt  }
0x43: {  	_ =	shalt  }
0x44: {  	_ =	shalt  }
0x45: {  	_ =	shalt  }
0x46: {  	_ =	shalt  }
0x47: {  	_ =	shalt  }
0x48: {  	_ =	shalt  }
0x49: {  	_ =	shalt  }
0x4a: {  	_ =	shalt  }
0x4b: {  	_ =	shalt  }
0x4c: {  	_ =	shalt  }
0x4d: {  	_ =	shalt  }
0x4e: {  	_ =	shalt  }
0x4f: {  	_ =	shalt  }
0x50: {  	_ =	shalt  }
0x51: {  	_ =	shalt  }
0x52: {  	_ =	shalt  }
0x53: {  	_ =	shalt  }
0x54: {  	_ =	shalt  }
0x55: {  	_ =	shalt  }
0x56: {  	_ =	shalt  }
0x57: {  	_ =	shalt  }
0x58: {  	_ =	shalt  }
0x59: {  	_ =	shalt  }
0x5a: {  	_ =	shalt  }
0x5b: {  	_ =	shalt  }
0x5c: {  	_ =	shalt  }
0x5d: {  	_ =	shalt  }
0x5e: {  	_ =	shalt  }
0x5f: {  	_ =	shalt  }
0x60: {  	_ =	shalt  }
0x61: {  	_ =	shalt  }
0x62: {  	_ =	shalt  }
0x63: {  	_ =	shalt  }
0x64: {  	_ =	shalt  }
0x65: {  	_ =	shalt  }
0x66: {  	_ =	shalt  }
0x67: {  	_ =	shalt  }
0x68: {  	_ =	shalt  }
0x69: {  	_ =	shalt  }
0x6a: {  	_ =	shalt  }
0x6b: {  	_ =	shalt  }
0x6c: {  	_ =	shalt  }
0x6d: {  	_ =	shalt  }
0x6e: {  	_ =	shalt  }
0x6f: {  	_ =	shalt  }
0x70: {  	_ =	shalt  }
0x71: {  	_ =	shalt  }
0x72: {  	_ =	shalt  }
0x73: {  	_ =	shalt  }
0x74: {  	_ =	shalt  }
0x75: {  	_ =	shalt  }
0x76: {  	_ =	shalt  }
0x77: {  	_ =	shalt  }
0x78: {  	_ =	shalt  }
0x79: {  	_ =	shalt  }
0x7a: {  	_ =	shalt  }
0x7b: {  	_ =	shalt  }
0x7c: {  	_ =	shalt  }
0x7d: {  	_ =	shalt  }
0x7e: {  	_ =	shalt  }
0x7f: {  	_ =	shalt  }
0x80: {  	_ =	shalt  }
0x81: {  	_ =	shalt  }
0x82: {  	_ =	shalt  }
0x83: {  	_ =	shalt  }
0x84: {  	_ =	shalt  }
0x85: {  	_ =	shalt  }
0x86: {  	_ =	shalt  }
0x87: {  	_ =	shalt  }
.Lfunc_end0:
.L_simem_size_0:
called_computation.2_lowered:
.L_overlay_start_0:
0x88: {  	s2 =	sld [smem:$0x3FD9]  }
0x89: {  	s3 =	sld [smem:$0x3FFE];
	_ =	sdelay $0x1  }
0x8a: {  	s1 =	srdreg.scid  }
0x8b: {  	s0 =	sand.u32 $0x1, s1  }
0x8c: {  	s16 =	sshll.u32 s0, $0xA;
	s2 =	sadd.s32 s3, s2  }
0x8d: {  	s2 =	sadd.s32 s2, s16  }
0x8e: {  	[smem:$0x3FAC] =	sst s2  }
0x8f: {  	_ = 	snop  }
0x90: {  	(tm) =	ssettm $0x1  }
0x91: {  	s17 =	sld [smem:$0x3FFB];
	_ =	sdelay $0x3  }
0x92: {  	_ =	strace s17  }
0x93: {  	s2 =	sld [smem:$0x3FFC];
	_ =	sdelay $0x3  }
0x94: {  	_ =	strace s2  }
0x95: {  	s2 =	sld [smem:$0x3FFD];
	_ =	sdelay $0x3  }
0x96: {  	_ =	strace s2  }
0x97: {  	_ =	strace $0x8FFFFFFF  }
0x98: {  	s18 =	sld [smem:$0x3FDB];
	_ =	sdelay $0x1  }
0x99: {  	s19 =	simm.s32 $_scs_section_size  }
0x9a: {  	s4 =	simm.s32 $_size__tile_overlayer_lowered;
	s5 =	simm.s32 $_tile_overlayer_lowered  }
0x9b: {  	s22 =	simm.s32 $0x1BFF;
	s21 =	sshll.u32 s5, $0x1;
	s2 =	sadd.s32 s19, s18  }
0x9c: {  	s6 =	simm.s32 $0x0;
	s20 =	sshll.u32 s4, $0x1;
	s4 =	sadd.s32 s21, s2  }
0x9d: {  	[timem:s6], [sflag:s22] =	dma.local [hbm:s4], s20  }
0x9e: {  	_ =	swait.ge [sflag:s22], s20  }
0x9f: {  	s3 =	ssub.s32 $0x0, s20;
	[sflag:s22] =	ssyncset.done $0x0  }
0xa0: {  	[sflag:s22] =	ssyncadd.s32 s3;
	_ =	sdelay $0x1  }
0xa1: {  	s23 =	simm.s32 $0x1B8B  }
0xa2: {  	_ =	swait.ge [sflag:s23], $0x1  }
0xa3: {  	[sflag:s23] =	ssyncset.done $0x0  }
0xa4: {  	s25 =	simm.s32 $0x1B8E;
	s24 =	sld [smem:$0x3FFE];
	[sflag:s23] =	ssyncadd.s32 $0xFFFFFFFF  }
0xa5: {  	s26 =	simm.s32 $execute0_lowered;
	[smem:$0x3FD2] =	sst s25  }
0xa6: {  	s4 =	sshll.u32 s26, $0x1;
	_ =	strace $0x80000052;
	[dreg:$0x1] =	wrdreg $0xFFFFFFFF  }
0xa7: {  	s28 =	simm.s32 $_size_execute0_lowered;
	s2 =	sadd.s32 s2, s4;
	[dreg:$0x0] =	wrdreg $0x0  }
0xa8: {  	s4 =	sshll.u32 s28, $0x1;
	[dreg:$0x2] =	wrdreg s2  }
0xa9: {  	[dreg:$0x3] =	wrdreg s4  }
0xaa: {  	[dreg:$0x4] =	wrdreg $0xC0  }
0xab: {  	_ =	task [dreg:s6], $0x5FFFF  }
0xac: {  	[dreg:$0x1] =	wrdreg $0xFFFFFFFF  }
0xad: {  	[dreg:$0x0] =	wrdreg $0x60  }
0xae: {  	[dreg:$0x2] =	wrdreg s24  }
0xaf: {  	[dreg:$0x3] =	wrdreg $0x9  }
0xb0: {  	_ =	task.clear_ibuf [dreg:s6], $0x4FFFF;
	_ =	strace $0x90000052  }
0xb1: {  	s29 =	simm.s32 $0x9;
	_ =	strace $0x80000054  }
0xb2: {  	_ =	swait.ge [sflag:s29], $0x1  }
0xb3: {  	[sflag:s29] =	ssyncadd.s32 $0xFFFFFFFF  }
0xb4: {  	_ =	strace $0x90000054  }
0xb5: {  	_ =	sfence  }
0xb6: {  	s30 =	sld [smem:$0x0];
	_ =	sdelay $0x2  }
0xb7: {  	s31 =	sshll.u32 s1, $0xD;
	s1 =	sshrl.u32 s1, $0x2  }
0xb8: {  	s3 =	sand.u32 $0x4000, s31;
	s1 =	sadd.s32 s1, s30  }
0xb9: {  	s0 =	sor.u32 s3, s0;
	s1 =	sshll.u32 s1, $0x11  }
0xba: {  	s0 =	sor.u32 s1, s0  }
0xbb: {  	s0 =	sadd.s32 $0x8F2B, s0  }
0xbc: {  	[sflag:s0] =	ssyncadd.remote.s32 $0x1  }
0xbd: {  	_ =	sfence.sel $0xFFFF  }
0xbe: {  	[dreg:$0x0] =	wrdreg $0xFFFFFFFF;
	(pc) =	sbr.abs _section_cstart, $3  }
0xbf: {  	[dreg:$0x1] =	wrdreg $0xFFFFFFFF  }
0xc0: {  	_ =	task.clear_ibuf [dreg:s6], $0x2FFFF;
	_ =	strace $0x9FFFFFFF  }
0xc1: {  	(tm) =	ssettm $0x7FFFFFFF  }
tec
execute0_lowered:
.L_overlay_start_1:
0x0: {  	(tag) =	ssettag $0x1  }
0x1: {  	s0 =	srdreg.scid  }
0x2: {  	s1 =	sshll.u32 s0, $0x4  }
0x3: {  	s0 =	stileid.u32;
	s1 =	sand.u32 $0x10, s1  }
0x4: {  	s1 =	sor.u32 s0, s1  }
0x5: {  	s2 =	smin.u32 s1, $0x8  }
0x6: {  	s2 =	sadd.s32 s1, s2  }
0x7: {  	p0 =	slt.u32 s1, $0x8;
	s1 =	simm.s32 $0x140;
	s2 =	smul.u32 $0xA0, s2  }
0x8: {  	s1 =	simm.s32 @!p0 $0xA0  }
0x9: {  	s1 =	sadd.s32 s1, s2  }
0xa: {  	s3 =	smin.u32 s1, $0x1900  }
0xb: {  	s7 =	ssub.s32 s3, s2  }
0xc: {  	p0 =	sgt.s32 s7, $0x0  }
0xd: {  	s7 =	simm.s32 @!p0 $0x0  }
0xe: {  	s31 =	smul.u32 $0xCCCD, s7  }
0xf: {  	s9 =	rddreg [dreg:$0x0];
	s6 =	simm.s32 $0x1;
	s11 =	simm.s32 $0x3  }
0x10: {  	s13 =	simm.s32 $0x0;
	s12 =	simm.s32 $0x0;
	s8 =	sshrl.u32 s31, $0x17  }
0x11: {  	s4 =	sadd.s32 $0x14200, s9;
	s5 =	sadd.s32 $0x34400, s9;
	s10 =	smul.u32 $0xA0, s8  }
.Ltmp0:
0x12: {  	s9 =	sadd.s32 $0x34800, s9;
	s1 =	rddreg [dreg:$0x1];
	(pc) =	sbr.rel .LBB2_1-.Ltmp0, $4  }
0x13: {  	_ =	strace $0x80000053;
	p0 =	sne.s32 s7, s10;
	s10 =	simm.s32 $0x1  }
0x14: {  	[sflag:s6] =	ssyncpa.u1 $0x0;
	s7 =	simm.s32 $0x2;
	s10 =	simm.s32 @!p0 $0x0  }
0x15: {  	[sflag:s7] =	ssyncpa.u1 $0x0;
	p0 =	por $0x0, $0x0;
	s8 =	sadd.s32 s8, s10  }
0x16: {  	vm0 =	vmmov $0xff;
	vm1 =	vcmask $0x3F20;
	[sflag:s11] =	ssyncpa.u1 $0x0;
	s11 =	smov.u32 s2;
	s10 =	sadd.s32 $0x1, s8  }
.LBB2_6:
0x17: {  	[hbm:s17] =	stream.linear.scatter [tilespmem:s14], [sflag:$0x3], $0x400, $0x38;
	[tilespmem:$0xA140] =	vst v63  }
.LBB2_7:
0x18: {  	s13 =	sadd.s32 $0xA0, s11  }
0x19: {  	s15 =	smov.u32 s2;
	p2 =	slt.s32 s13, s3  }
0x1a: {  	s15 =	smov.u32 @p2 s13;
	p2 =	sne.s32 s12, s10  }
.Ltmp1:
0x1b: {  	p1 =	slt.u32 s12, $0x2;
	(pc) =	sbr.rel @!p2 .LBB2_8-.Ltmp1, $4  }
0x1c: {  	s14 =	simm.s32 @!p1 $0x3  }
0x1d: {  	s16 =	sadd.s32 $0x1, s12;
	_ =	swait.ge @!p1 [sflag:s14], $0x5000  }
0x1e: {  	p0 =	por !p0, !p0;
	s13 =	smov.u32 s11;
	[sflag:s14] =	ssyncset.done @!p1 $0x0  }
0x1f: {  	s12 =	smov.u32 s16;
	s11 =	smov.u32 s15;
	[sflag:s14] =	ssyncadd.s32 @!p1 $0xFFFFB000  }
.LBB2_1:
0x20: {  	p1 =	sge.u32 s12, s8  }
0x21: {  	s14 =	sxor.u32 @!p1 $0xFFFFFFFF, s12  }
0x22: {  	s14 =	sand.u32 @!p1 $0x1, s14  }
0x23: {  	s14 =	smul.u32 @!p1 $0x280, s14  }
0x24: {  	s31 =	sadd.s32 $0xFFFFFFFF, s12;
	s15 =	sshrl.u32 @!p1 s11, $0x3  }
0x25: {  	s16 =	sand.u32 @!p1 $0x7, s11;
	s15 =	sadd.s32 @!p1 s5, s15;
	s14 =	sshrl.u32 @!p1 s14, $0x2  }
0x26: {  	[tilespmem:s14], [sflag:$0x2] =	stream.linear.gather @!p1 [hbm4b:s15+s16], $0xA0, $0x38;
	[tilespmem:$0xA140] =	vst v63  }
0x27: {  	p1 =	sge.u32 s31, s8  }
.Ltmp2:
0x28: {  	_ = 	snop;
	(pc) =	sbr.rel @p1 .LBB2_7-.Ltmp2, $1  }
0x29: {  	_ =	sdelay $0x3  }
0x2a: {  	s14 =	simm.s32 $0x1  }
0x2b: {  	s14 =	simm.s32 @!p0 $0x0  }
0x2c: {  	s15 =	smul.u32 $0x280, s14  }
0x2d: {  	_ =	swait.ge [sflag:s7], $0xA0  }
0x2e: {  	[sflag:s7] =	ssyncset.done $0x0;
	s16 =	sshrl.u32 s15, $0x2  }
0x2f: {  	[sflag:s7] =	ssyncadd.s32 $0xFFFFFF60;
	s15 =	sadd.s32 $0x0, s16  }
0x30: {  	v0 =	vld.msk [tilespmem:s15+$0x0 ss:$0x1], $0xffff;
	_ =	sdelay $0x4  }
0x31: {  	vm2 =	vgt.s32 v0, $0x0  }
0x32: {  	v0 =	vnsel vm2, $0x0, v0  }
0x33: {  	v0 =	vmin.u32 v0, $0x1FFF  }
0x34: {  	v0 =	vshll.u32 v0, $0x4  }
0x35: {  	s14 =	smul.u32 $0x14000, s14;
	_ =	sdelay $0x1  }
0x36: {  	s14 =	sshrl.u32 s14, $0x2  }
0x37: {  	s14 =	sor.u32 $0x140, s14  }
0x38: {  	[tilespmem:s14], [sflag:$0x1] =	stream.indirect_vreg.gather [hbm:s4], $0x80, v0, vm0, $0x38;
	[tilespmem:$0xA140] =	vst v63  }
0x39: {  	s17 =	sadd.s32 $0x10, s16;
	s15 =	sadd.s32 $0x400, s14  }
0x3a: {  	[tilespmem:s15], [sflag:$0x1] =	stream.indirect_vreg.gather [hbm:s4], $0x80, v0, vm1, $0x38;
	[tilespmem:$0xA140] =	vst v63  }
0x3b: {  	s18 =	simm.s32 $0x80;
	v0 =	vld.msk [tilespmem:s17+$0x0 ss:$0x1], $0xffff;
	s17 =	smov.u32 s14  }
.LBB2_3:
0x3c: {  	p1 =	sne.s32 s18, $0x240;
	_ =	sdelay $0x4  }
0x3d: {  	vm2 =	vgt.s32 v0, $0x0  }
0x3e: {  	v0 =	vnsel vm2, $0x0, v0  }
0x3f: {  	v0 =	vmin.u32 v0, $0x1FFF  }
0x40: {  	v0 =	vshll.u32 v0, $0x4;
	_ =	sdelay $0x3  }
.Ltmp3:
0x41: {  	s19 =	sshra.s32 s18, $0x2;
	s17 =	sadd.s32 $0x800, s17;
	(pc) =	sbr.rel @p1 .LBB2_3-.Ltmp3, $4  }
0x42: {  	[tilespmem:s17], [sflag:$0x1] =	stream.indirect_vreg.gather [hbm:s4], $0x80, v0, vm0, $0x38;
	[tilespmem:$0xA140] =	vst v63  }
0x43: {  	s19 =	sadd.s32 s19, s16;
	s20 =	sadd.s32 $0x400, s17  }
0x44: {  	[tilespmem:s20], [sflag:$0x1] =	stream.indirect_vreg.gather [hbm:s4], $0x80, v0, vm1, $0x38;
	[tilespmem:$0xA140] =	vst v63  }
0x45: {  	s18 =	sadd.s32 $0x40, s18;
	v0 =	vld.msk [tilespmem:s19+$0x0 ss:$0x1], $0xffff  }
0x46: {  	_ =	sdelay $0x3  }
0x47: {  	vm2 =	vgt.s32 v0, $0x0  }
0x48: {  	v0 =	vnsel vm2, $0x0, v0  }
0x49: {  	v0 =	vmin.u32 v0, $0x1FFF  }
0x4a: {  	v0 =	vshll.u32 v0, $0x4;
	_ =	sdelay $0x3  }
0x4b: {  	s16 =	sadd.s32 $0x800, s17  }
0x4c: {  	[tilespmem:s16], [sflag:$0x1] =	stream.indirect_vreg.gather [hbm:s4], $0x80, v0, vm0, $0x38;
	[tilespmem:$0xA140] =	vst v63  }
0x4d: {  	s16 =	sadd.s32 $0x400, s16  }
0x4e: {  	[tilespmem:s16], [sflag:$0x1] =	stream.indirect_vreg.gather [hbm:s4], $0x80, v0, vm1, $0x38;
	[tilespmem:$0xA140] =	vst v63  }
0x4f: {  	s13 =	sshll.u32 s13, $0x4;
	_ =	swait.ge [sflag:s6], $0x5000  }
0x50: {  	s13 =	sadd.s32 s13, s9;
	[sflag:s6] =	ssyncset.done $0x0  }
0x51: {  	s17 =	sadd.s32 $0x0, s13;
	s16 =	simm.s32 $0x80;
	[sflag:s6] =	ssyncadd.s32 $0xFFFFB000  }
.LBB2_5:
0x52: {  	[hbm:s17] =	stream.linear.scatter [tilespmem:s14], [sflag:$0x3], $0x400, $0x38;
	[tilespmem:$0xA140] =	vst v63  }
0x53: {  	s17 =	smov.u32 s16;
	s14 =	smov.u32 s15;
	p1 =	sne.s32 s16, $0x980  }
.Ltmp4:
0x54: {  	s16 =	sadd.s32 $0x80, s16;
	(pc) =	sbr.rel @p1 .LBB2_5-.Ltmp4, $2  }
0x55: {  	_ =	sdelay $0x2  }
0x56: {  	s15 =	sadd.s32 $0x400, s15;
	s17 =	sadd.s32 s17, s13  }
.Ltmp5:
0x57: {  	_ = 	snop;
	(pc) =	sbr.rel .LBB2_6-.Ltmp5, $1  }
0x58: {  	_ =	sdelay $0x3  }
.LBB2_8:
0x59: {  	_ =	sfence.sel $0x180000  }
0x5a: {  	s2 =	simm.s32 $0x2;
	[bflag:$0x0] =	sbarrier.arrive $0xFFFF  }
0x5b: {  	s30 =	simm.s32 $0x3;
	[sflag:s2] =	ssyncpa.u1 $0x1  }
0x5c: {  	s31 =	simm.s32 $0x1;
	[sflag:s30] =	ssyncpa.u1 $0x1  }
0x5d: {  	[sflag:s31] =	ssyncpa.u1 $0x1  }
0x5e: {  	p0 =	sne.s32 s0, $0x0;
	_ =	strace $0x90000053  }
0x5f: {  	s0 =	sadd.s32 @!p0 $0x100000, s1;
	[bflag:$0x2] =	sbarrier.arrive $0xFFFF  }
0x60: {  	[sflag:s0] =	ssyncadd.tile.s32 @!p0 $0x1;
	_ =	shalt  }
.Lfunc_end2:
_tile_overlayer_lowered:
.L_overlay_start_2:
0x61: {  	(tag) =	ssettag $0x2  }
0x62: {  	s0 =	rddreg [dreg:$0x0];
	s2 =	stileid.u32  }
0x63: {  	s1 =	rddreg [dreg:$0x1];
	p0 =	sne.s32 s2, $0x0  }
0x64: {  	s3 =	rddreg [dreg:$0x2];
	[bflag:$0x3] =	sbarrier.arrive $0xFFFF;
	s2 =	simm.s32 @!p0 $0x1C01  }
0x65: {  	[timem:s3], [sflag:s2] =	dma.local @!p0 [hbm:s0], s1  }
0x66: {  	s0 =	simm.s32 @!p0 $0x1  }
0x67: {  	_ =	swait.ge @!p0 [sflag:s0], s1  }
0x68: {  	s1 =	ssub.s32 @!p0 $0x0, s1;
	[sflag:s0] =	ssyncset.done @!p0 $0x0  }
0x69: {  	[sflag:s0] =	ssyncadd.s32 @!p0 s1  }
0x6a: {  	[bflag:$0x3] =	sbarrier.arrive $0xFFFF  }
0x6b: {  	_ =	shalt  }

// kernel: gather_offload_async_start.3
scs
__scs_entry_jumppad:
0x0: {  	(pc) =	sbr.rel $0x88, $3  }
0x1: {  	(tag) =	ssettag $0x0;
	lr =	simm.s32 $0x1  }
0x2: {  	[smem:$0x3F85] =	sst lr;
	_ =	strace $0xD0000000  }
0x3: {  	_ = 	snop  }
0x4: {  	_ = 	snop  }
0x5: {  	_ = 	snop  }
0x6: {  	_ = 	snop  }
0x7: {  	_ = 	snop  }
__scs_overlays_trampoline_lowered:
0x8: {  	[smem:$0x3F94] =	sst s0  }
0x9: {  	[smem:$0x3F95] =	sst s1  }
0xa: {  	[smem:$0x3F96] =	sst s2  }
0xb: {  	[smem:$0x3F97] =	sst s3  }
0xc: {  	[smem:$0x3F98] =	sst s4  }
0xd: {  	[smem:$0x3F99] =	sst s5  }
0xe: {  	[smem:$0x3F9A] =	sst s6  }
0xf: {  	[smem:$0x3F9B] =	sst s7  }
0x10: {  	[smem:$0x3F9C] =	sst s8  }
0x11: {  	[smem:$0x3F9D] =	sst s9;
	s0 =	simm.s32 @!p0 $0x0  }
0x12: {  	s1 =	sld [smem:$0x3F83];
	s0 =	simm.s32 @p0 $0x1  }
0x13: {  	[smem:$0x3F9E] =	sst s0;
	s0 =	simm.s32 @!p1 $0x0  }
0x14: {  	s2 =	sld [smem:$0x3F82];
	s0 =	simm.s32 @p1 $0x1  }
0x15: {  	[smem:$0x3F9F] =	sst s0;
	s0 =	simm.s32 @!p2 $0x0  }
0x16: {  	s3 =	sld [smem:$0x3FDB];
	s0 =	simm.s32 @p2 $0x1  }
0x17: {  	s4 =	simm.s32 $0x1BF5;
	[smem:$0x3FA1] =	sst s0  }
0x18: {  	s0 =	sld [smem:$0x3F84];
	_ =	swait.ge [sflag:s4], $0x0  }
0x19: {  	s7 =	sld [smem:$0x3F85]  }
0x1a: {  	s8 =	sadd.s32 $0xFFFFE003, lr  }
0x1b: {  	s9 =	sadd.s32 $0xFFFFFEF7, lr;
	s5 =	simm.s32 $0xFFFFFFFF;
	p2 =	slt.u32 s8, $0xFFFFF086  }
0x1c: {  	p1 =	slt.u32 s9, $0xF7A;
	s5 =	simm.s32 @!p2 $0x0  }
0x1d: {  	s5 =	simm.s32 @p1 $0x1;
	p0 =	seq.s32 s7, s2  }
0x1e: {  	s7 =	smul.u32 @!p0 $0xF7A, s2;
	p2 =	seq.s32 @!p0 s5, $0x0  }
0x1f: {  	s9 =	smul.u32 $0xF7A, s1;
	s8 =	simm.s32 @!p0 $0x1BF5;
	p2 =	por !p2, p0  }
0x20: {  	[sflag:s8] =	ssyncset.s32 @!p0 $0xFFFFF086;
	s6 =	sadd.s32 @!p0 s3, s7;
	s7 =	simm.s32 @!p0 $0x108  }
0x21: {  	s3 =	sadd.s32 s3, s9;
	s6 =	sadd.s32 @!p0 $0x88, s6;
	s7 =	simm.s32 @p2 $0x1082  }
0x22: {  	[simem:s7], [sflag:s8] =	dma.local @!p0 [hbm:s6], $0xF7A  }
0x23: {  	s9 =	sor.u32 $0xD0000000, s2;
	s6 =	simm.s32 $0x108;
	_ =	swait.ge @!p0 [sflag:s8], $0x0  }
0x24: {  	s3 =	sadd.s32 $0x88, s3;
	s6 =	simm.s32 @!p1 $0x1082;
	[sflag:s4] =	ssyncset.s32 $0xFFFFF086  }
0x25: {  	[simem:s6], [sflag:s4] =	dma.local [hbm:s3], $0xF7A  }
0x26: {  	[smem:$0x3F85] =	sst s1;
	(tag) =	ssettag s2;
	_ =	strace s9  }
0x27: {  	s1 =	sld [smem:$0x3F95]  }
0x28: {  	s2 =	sld [smem:$0x3F96]  }
0x29: {  	s4 =	sld [smem:$0x3F98]  }
0x2a: {  	p0 =	seq.s32 s5, $0x0;
	s5 =	sld [smem:$0x3F99]  }
0x2b: {  	s6 =	sld [smem:$0x3F9A]  }
0x2c: {  	s7 =	sld [smem:$0x3F9B]  }
0x2d: {  	s3 =	simm.s32 $0x108;
	s8 =	sld [smem:$0x3F9C]  }
0x2e: {  	s3 =	simm.s32 @!p0 $0x1082;
	s9 =	sld [smem:$0x3F9D]  }
0x2f: {  	lr =	sadd.s32 s0, s3;
	s0 =	sld [smem:$0x3F94]  }
0x30: {  	s3 =	sld [smem:$0x3F97]  }
0x31: {  	[smem:$0x3FA0] =	sst s10  }
0x32: {  	s10 =	sld [smem:$0x3F9E];
	_ =	sdelay $0x3  }
0x33: {  	p0 =	seq.s32 s10, $0x1;
	s10 =	sld [smem:$0x3FA0];
	_ =	sdelay $0x3  }
0x34: {  	[smem:$0x3FA0] =	sst s10  }
0x35: {  	s10 =	sld [smem:$0x3F9F];
	_ =	sdelay $0x3  }
0x36: {  	p1 =	seq.s32 s10, $0x1;
	s10 =	sld [smem:$0x3FA0];
	_ =	sdelay $0x3  }
0x37: {  	[smem:$0x3FA0] =	sst s10  }
0x38: {  	s10 =	sld [smem:$0x3FA1]  }
0x39: {  	_ = 	snop;
	(pc) =	sbr.ind lr, $3  }
0x3a: {  	_ = 	snop  }
0x3b: {  	_ = 	snop  }
0x3c: {  	p2 =	seq.s32 s10, $0x1;
	s10 =	sld [smem:$0x3FA0]  }
0x3d: {  	_ =	shalt  }
0x3e: {  	_ =	shalt  }
0x3f: {  	_ =	shalt  }
0x40: {  	_ =	shalt  }
0x41: {  	_ =	shalt  }
0x42: {  	_ =	shalt  }
0x43: {  	_ =	shalt  }
0x44: {  	_ =	shalt  }
0x45: {  	_ =	shalt  }
0x46: {  	_ =	shalt  }
0x47: {  	_ =	shalt  }
0x48: {  	_ =	shalt  }
0x49: {  	_ =	shalt  }
0x4a: {  	_ =	shalt  }
0x4b: {  	_ =	shalt  }
0x4c: {  	_ =	shalt  }
0x4d: {  	_ =	shalt  }
0x4e: {  	_ =	shalt  }
0x4f: {  	_ =	shalt  }
0x50: {  	_ =	shalt  }
0x51: {  	_ =	shalt  }
0x52: {  	_ =	shalt  }
0x53: {  	_ =	shalt  }
0x54: {  	_ =	shalt  }
0x55: {  	_ =	shalt  }
0x56: {  	_ =	shalt  }
0x57: {  	_ =	shalt  }
0x58: {  	_ =	shalt  }
0x59: {  	_ =	shalt  }
0x5a: {  	_ =	shalt  }
0x5b: {  	_ =	shalt  }
0x5c: {  	_ =	shalt  }
0x5d: {  	_ =	shalt  }
0x5e: {  	_ =	shalt  }
0x5f: {  	_ =	shalt  }
0x60: {  	_ =	shalt  }
0x61: {  	_ =	shalt  }
0x62: {  	_ =	shalt  }
0x63: {  	_ =	shalt  }
0x64: {  	_ =	shalt  }
0x65: {  	_ =	shalt  }
0x66: {  	_ =	shalt  }
0x67: {  	_ =	shalt  }
0x68: {  	_ =	shalt  }
0x69: {  	_ =	shalt  }
0x6a: {  	_ =	shalt  }
0x6b: {  	_ =	shalt  }
0x6c: {  	_ =	shalt  }
0x6d: {  	_ =	shalt  }
0x6e: {  	_ =	shalt  }
0x6f: {  	_ =	shalt  }
0x70: {  	_ =	shalt  }
0x71: {  	_ =	shalt  }
0x72: {  	_ =	shalt  }
0x73: {  	_ =	shalt  }
0x74: {  	_ =	shalt  }
0x75: {  	_ =	shalt  }
0x76: {  	_ =	shalt  }
0x77: {  	_ =	shalt  }
0x78: {  	_ =	shalt  }
0x79: {  	_ =	shalt  }
0x7a: {  	_ =	shalt  }
0x7b: {  	_ =	shalt  }
0x7c: {  	_ =	shalt  }
0x7d: {  	_ =	shalt  }
0x7e: {  	_ =	shalt  }
0x7f: {  	_ =	shalt  }
0x80: {  	_ =	shalt  }
0x81: {  	_ =	shalt  }
0x82: {  	_ =	shalt  }
0x83: {  	_ =	shalt  }
0x84: {  	_ =	shalt  }
0x85: {  	_ =	shalt  }
0x86: {  	_ =	shalt  }
0x87: {  	_ =	shalt  }
.Lfunc_end0:
.L_simem_size_0:
called_computation.3_lowered:
.L_overlay_start_0:
0x88: {  	s2 =	sld [smem:$0x3FD9]  }
0x89: {  	s3 =	sld [smem:$0x3FFE];
	_ =	sdelay $0x1  }
0x8a: {  	s1 =	srdreg.scid  }
0x8b: {  	s0 =	sand.u32 $0x1, s1  }
0x8c: {  	s16 =	sshll.u32 s0, $0xA;
	s2 =	sadd.s32 s3, s2  }
0x8d: {  	s2 =	sadd.s32 s2, s16  }
0x8e: {  	[smem:$0x3FAC] =	sst s2  }
0x8f: {  	_ = 	snop  }
0x90: {  	(tm) =	ssettm $0x1  }
0x91: {  	s17 =	sld [smem:$0x3FFB];
	_ =	sdelay $0x3  }
0x92: {  	_ =	strace s17  }
0x93: {  	s2 =	sld [smem:$0x3FFC];
	_ =	sdelay $0x3  }
0x94: {  	_ =	strace s2  }
0x95: {  	s2 =	sld [smem:$0x3FFD];
	_ =	sdelay $0x3  }
0x96: {  	_ =	strace s2  }
0x97: {  	_ =	strace $0x8FFFFFFF  }
0x98: {  	s18 =	sld [smem:$0x3FDB];
	_ =	sdelay $0x1  }
0x99: {  	s19 =	simm.s32 $_scs_section_size  }
0x9a: {  	s4 =	simm.s32 $_size__tile_overlayer_lowered;
	s5 =	simm.s32 $_tile_overlayer_lowered  }
0x9b: {  	s22 =	simm.s32 $0x1BFF;
	s21 =	sshll.u32 s5, $0x1;
	s2 =	sadd.s32 s19, s18  }
0x9c: {  	s6 =	simm.s32 $0x0;
	s20 =	sshll.u32 s4, $0x1;
	s4 =	sadd.s32 s21, s2  }
0x9d: {  	[timem:s6], [sflag:s22] =	dma.local [hbm:s4], s20  }
0x9e: {  	_ =	swait.ge [sflag:s22], s20  }
0x9f: {  	s3 =	ssub.s32 $0x0, s20;
	[sflag:s22] =	ssyncset.done $0x0  }
0xa0: {  	[sflag:s22] =	ssyncadd.s32 s3;
	_ =	sdelay $0x1  }
0xa1: {  	s23 =	simm.s32 $0x1B8B  }
0xa2: {  	_ =	swait.ge [sflag:s23], $0x1  }
0xa3: {  	[sflag:s23] =	ssyncset.done $0x0  }
0xa4: {  	s25 =	simm.s32 $0x1B8E;
	s24 =	sld [smem:$0x3FFE];
	[sflag:s23] =	ssyncadd.s32 $0xFFFFFFFF  }
0xa5: {  	s26 =	simm.s32 $execute0_lowered;
	[smem:$0x3FD2] =	sst s25  }
0xa6: {  	s4 =	sshll.u32 s26, $0x1;
	_ =	strace $0x80000055;
	[dreg:$0x1] =	wrdreg $0xFFFFFFFF  }
0xa7: {  	s28 =	simm.s32 $_size_execute0_lowered;
	s2 =	sadd.s32 s2, s4;
	[dreg:$0x0] =	wrdreg $0x0  }
0xa8: {  	s4 =	sshll.u32 s28, $0x1;
	[dreg:$0x2] =	wrdreg s2  }
0xa9: {  	[dreg:$0x3] =	wrdreg s4  }
0xaa: {  	[dreg:$0x4] =	wrdreg $0xC0  }
0xab: {  	_ =	task [dreg:s6], $0x5FFFF  }
0xac: {  	[dreg:$0x1] =	wrdreg $0xFFFFFFFF  }
0xad: {  	[dreg:$0x0] =	wrdreg $0x60  }
0xae: {  	[dreg:$0x2] =	wrdreg s24  }
0xaf: {  	[dreg:$0x3] =	wrdreg $0x9  }
0xb0: {  	_ =	task.clear_ibuf [dreg:s6], $0x4FFFF;
	_ =	strace $0x90000055  }
0xb1: {  	s29 =	simm.s32 $0x9;
	_ =	strace $0x80000057  }
0xb2: {  	_ =	swait.ge [sflag:s29], $0x1  }
0xb3: {  	[sflag:s29] =	ssyncadd.s32 $0xFFFFFFFF  }
0xb4: {  	_ =	strace $0x90000057  }
0xb5: {  	_ =	sfence  }
0xb6: {  	s30 =	sld [smem:$0x0];
	_ =	sdelay $0x2  }
0xb7: {  	s31 =	sshll.u32 s1, $0xD;
	s1 =	sshrl.u32 s1, $0x2  }
0xb8: {  	s3 =	sand.u32 $0x4000, s31;
	s1 =	sadd.s32 s1, s30  }
0xb9: {  	s0 =	sor.u32 s3, s0;
	s1 =	sshll.u32 s1, $0x11  }
0xba: {  	s0 =	sor.u32 s1, s0  }
0xbb: {  	s0 =	sadd.s32 $0x8F2B, s0  }
0xbc: {  	[sflag:s0] =	ssyncadd.remote.s32 $0x1  }
0xbd: {  	_ =	sfence.sel $0xFFFF  }
0xbe: {  	[dreg:$0x0] =	wrdreg $0xFFFFFFFF;
	(pc) =	sbr.abs _section_cstart, $3  }
0xbf: {  	[dreg:$0x1] =	wrdreg $0xFFFFFFFF  }
0xc0: {  	_ =	task.clear_ibuf [dreg:s6], $0x2FFFF;
	_ =	strace $0x9FFFFFFF  }
0xc1: {  	(tm) =	ssettm $0x7FFFFFFF  }
tec
execute0_lowered:
.L_overlay_start_1:
0x0: {  	(tag) =	ssettag $0x1  }
0x1: {  	s0 =	srdreg.scid;
	s5 =	rddreg [dreg:$0x0]  }
0x2: {  	s1 =	stileid.u32;
	s6 =	simm.s32 $0x1;
	s9 =	simm.s32 $0x1  }
0x3: {  	s10 =	simm.s32 $0x3;
	s13 =	simm.s32 $0x0;
	s2 =	sshll.u32 s0, $0x8  }
0x4: {  	s12 =	simm.s32 $0x0;
	s3 =	sshll.u32 s1, $0x9;
	s2 =	sand.u32 $0x100, s2  }
0x5: {  	s0 =	rddreg [dreg:$0x1];
	_ =	strace $0x80000056;
	s2 =	sor.u32 s3, s2  }
0x6: {  	s4 =	sadd.s32 $0x13C00, s5;
	[sflag:s6] =	ssyncpa.u1 $0x0;
	s8 =	ssub.s32 $0x2800, s2  }
.Ltmp0:
0x7: {  	s3 =	sadd.s32 $0x4D800, s5;
	s7 =	sand.u32 $0x1F00, s8;
	(pc) =	sbr.rel .LBB2_1-.Ltmp0, $4  }
0x8: {  	s5 =	sadd.s32 $0x34400, s5;
	s11 =	smov.u32 s2;
	p0 =	sne.s32 s7, $0x0  }
0x9: {  	s8 =	sshrl.u32 s8, $0xD;
	s7 =	simm.s32 $0x2;
	s9 =	simm.s32 @!p0 $0x0  }
0xa: {  	[sflag:s7] =	ssyncpa.u1 $0x0;
	p0 =	por $0x0, $0x0;
	s8 =	sadd.s32 s9, s8  }
0xb: {  	vm0 =	vmmov $0xffff;
	[sflag:s10] =	ssyncpa.u1 $0x0;
	s10 =	simm.s32 $0x0;
	s9 =	sadd.s32 $0x1, s8  }
.LBB2_4:
0xc: {  	v2 =	vnsel vm1, $0x0, v2  }
0xd: {  	vm1 =	vgt.s32 v0, $0x0;
	v2 =	vmin.u32 v2, $0x1F40  }
0xe: {  	v0 =	vnsel vm1, $0x0, v0  }
0xf: {  	v0 =	vmin.u32 v0, $0x1F40  }
0x10: {  	[tilespmem:s15], [sflag:$0x1] =	stream.indirect_vreg.gather [hbm4b:s3+s10], $0x1, v1, vm0, $0x4038;
	[tilespmem:$0x400] =	vst v63  }
0x11: {  	(ifvalue) =	ssetifvalue $0x7FFFFFFF  }
0x12: {  	[tilespmem:s16], [sflag:$0x1] =	stream.indirect_vreg.gather [hbm4b:s3+s10], $0x1, v2, vm0, $0x4038;
	[tilespmem:$0x400] =	vst v63  }
0x13: {  	s29 =	sadd.s32 $0x10, s16;
	(ifvalue) =	ssetifvalue $0x7FFFFFFF  }
0x14: {  	[tilespmem:s29], [sflag:$0x1] =	stream.indirect_vreg.gather [hbm4b:s3+s10], $0x1, v0, vm0, $0x4038;
	[tilespmem:$0x400] =	vst v63  }
0x15: {  	_ =	swait.ge [sflag:s6], $0x100  }
0x16: {  	s30 =	sshrl.u32 s13, $0x3;
	[sflag:s6] =	ssyncset.done $0x0  }
0x17: {  	s31 =	sand.u32 $0x7, s13;
	s15 =	sadd.s32 s5, s30;
	[sflag:s6] =	ssyncadd.s32 $0xFFFFFF00  }
0x18: {  	[hbm4b:s15+s31] =	stream.linear.scatter [tilespmem:s14], [sflag:$0x3], $0x100, $0x38;
	[tilespmem:$0x400] =	vst v63  }
.LBB2_5:
0x19: {  	s15 =	sadd.s32 $0x2000, s11  }
0x1a: {  	p2 =	sgt.s32 s15, $0x27FF  }
0x1b: {  	s15 =	smov.u32 @p2 s2;
	p2 =	sne.s32 s12, s9  }
.Ltmp1:
0x1c: {  	p1 =	slt.u32 s12, $0x2;
	(pc) =	sbr.rel @!p2 .LBB2_6-.Ltmp1, $4  }
0x1d: {  	s14 =	simm.s32 @!p1 $0x3  }
0x1e: {  	s16 =	sadd.s32 $0x1, s12;
	_ =	swait.ge @!p1 [sflag:s14], $0x100  }
0x1f: {  	s13 =	smov.u32 s11;
	p0 =	por !p0, !p0;
	[sflag:s14] =	ssyncset.done @!p1 $0x0  }
0x20: {  	s12 =	smov.u32 s16;
	s11 =	smov.u32 s15;
	[sflag:s14] =	ssyncadd.s32 @!p1 $0xFFFFFF00  }
.LBB2_1:
0x21: {  	p1 =	sge.u32 s12, s8  }
0x22: {  	s14 =	sxor.u32 @!p1 $0xFFFFFFFF, s12  }
0x23: {  	s31 =	sadd.s32 $0xFFFFFFFF, s12;
	s15 =	sshrl.u32 @!p1 s11, $0x3;
	s14 =	sshll.u32 @!p1 s14, $0x8  }
0x24: {  	s16 =	sand.u32 @!p1 $0x7, s11;
	s15 =	sadd.s32 @!p1 s4, s15;
	s14 =	sand.u32 @!p1 $0x100, s14  }
0x25: {  	[tilespmem:s14], [sflag:$0x2] =	stream.linear.gather @!p1 [hbm4b:s15+s16], $0x100, $0x38;
	[tilespmem:$0x400] =	vst v63  }
0x26: {  	p1 =	sge.u32 s31, s8  }
.Ltmp2:
0x27: {  	_ = 	snop;
	(pc) =	sbr.rel @p1 .LBB2_5-.Ltmp2, $1  }
0x28: {  	_ =	sdelay $0x3  }
0x29: {  	s14 =	simm.s32 $0x1  }
0x2a: {  	_ =	swait.ge [sflag:s7], $0x100;
	s14 =	simm.s32 @!p0 $0x0  }
0x2b: {  	[sflag:s7] =	ssyncset.done $0x0;
	s14 =	sshll.u32 s14, $0x8  }
0x2c: {  	[sflag:s7] =	ssyncadd.s32 $0xFFFFFF00;
	(ifvalue) =	ssetifvalue $0x7FFFFFFF;
	v0 =	vld.msk [tilespmem:s14+$0x0 ss:$0x1], $0xffff;
	_ =	sdelay $0x4  }
0x2d: {  	s15 =	sadd.s32 $0x10, s14;
	vm1 =	vgt.s32 v0, $0x0  }
0x2e: {  	v2 =	vld.msk [tilespmem:s15+$0x0 ss:$0x1], $0xffff;
	v1 =	vnsel vm1, $0x0, v0  }
0x2f: {  	v1 =	vmin.u32 v1, $0x1F40;
	_ =	sdelay $0x1  }
0x30: {  	s16 =	sshll.u32 s12, $0x8;
	s18 =	simm.s32 $0x20  }
0x31: {  	s16 =	sand.u32 $0x100, s16;
	s17 =	sadd.s32 $0x10, s15;
	s15 =	sor.u32 $0x200, s14  }
0x32: {  	s14 =	sor.u32 $0x200, s16;
	s16 =	sadd.s32 $0x10, s15;
	v0 =	vld.msk [tilespmem:s17+$0x0 ss:$0x1], $0xffff;
	vm1 =	vgt.s32 v2, $0x0;
	(ifvalue) =	ssetifvalue $0x7FFFFFFF  }
.LBB2_3:
0x33: {  	[tilespmem:s15], [sflag:$0x1] =	stream.indirect_vreg.gather [hbm4b:s3+s10], $0x1, v1, vm0, $0x4038;
	[tilespmem:$0x400] =	vst v63  }
0x34: {  	s18 =	sadd.s32 $0x10, s18  }
0x35: {  	v2 =	vnsel vm1, $0x0, v2;
	p1 =	slt.u32 s18, $0xF0  }
.Ltmp3:
0x36: {  	s15 =	smov.u32 s16;
	v1 =	vmin.u32 v2, $0x1F40;
	(pc) =	sbr.rel @p1 .LBB2_3-.Ltmp3, $3  }
0x37: {  	_ =	sdelay $0x1  }
0x38: {  	s17 =	sadd.s32 $0x10, s17  }
0x39: {  	vm1 =	vgt.s32 v0, $0x0;
	s16 =	sadd.s32 $0x10, s16;
	v2 =	vmov v0;
	(ifvalue) =	ssetifvalue $0x7FFFFFFF;
	v0 =	vld.msk [tilespmem:s17+$0x0 ss:$0x1], $0xffff  }
.Ltmp4:
0x3a: {  	_ = 	snop;
	(pc) =	sbr.rel .LBB2_4-.Ltmp4, $1  }
0x3b: {  	_ =	sdelay $0x3  }
.LBB2_6:
0x3c: {  	_ =	sfence.sel $0x180000  }
0x3d: {  	s2 =	simm.s32 $0x2;
	[bflag:$0x0] =	sbarrier.arrive $0xFFFF  }
0x3e: {  	s30 =	simm.s32 $0x3;
	[sflag:s2] =	ssyncpa.u1 $0x1  }
0x3f: {  	s31 =	simm.s32 $0x1;
	[sflag:s30] =	ssyncpa.u1 $0x1  }
0x40: {  	[sflag:s31] =	ssyncpa.u1 $0x1  }
0x41: {  	p0 =	sne.s32 s1, $0x0;
	_ =	strace $0x90000056  }
0x42: {  	s0 =	sadd.s32 @!p0 $0x100000, s0;
	[bflag:$0x2] =	sbarrier.arrive $0xFFFF  }
0x43: {  	[sflag:s0] =	ssyncadd.tile.s32 @!p0 $0x1;
	_ =	shalt  }
.Lfunc_end2:
_tile_overlayer_lowered:
.L_overlay_start_2:
0x44: {  	(tag) =	ssettag $0x2  }
0x45: {  	s0 =	rddreg [dreg:$0x0];
	s2 =	stileid.u32  }
0x46: {  	s1 =	rddreg [dreg:$0x1];
	p0 =	sne.s32 s2, $0x0  }
0x47: {  	s3 =	rddreg [dreg:$0x2];
	[bflag:$0x3] =	sbarrier.arrive $0xFFFF;
	s2 =	simm.s32 @!p0 $0x1C01  }
0x48: {  	[timem:s3], [sflag:s2] =	dma.local @!p0 [hbm:s0], s1  }
0x49: {  	s0 =	simm.s32 @!p0 $0x1  }
0x4a: {  	_ =	swait.ge @!p0 [sflag:s0], s1  }
0x4b: {  	s1 =	ssub.s32 @!p0 $0x0, s1;
	[sflag:s0] =	ssyncset.done @!p0 $0x0  }
0x4c: {  	[sflag:s0] =	ssyncadd.s32 @!p0 s1  }
0x4d: {  	[bflag:$0x3] =	sbarrier.arrive $0xFFFF  }
0x4e: {  	_ =	shalt  }

// kernel: gather_offload_async_start.4
scs
__scs_entry_jumppad:
0x0: {  	(pc) =	sbr.rel $0x88, $3  }
0x1: {  	(tag) =	ssettag $0x0;
	lr =	simm.s32 $0x1  }
0x2: {  	[smem:$0x3F85] =	sst lr;
	_ =	strace $0xD0000000  }
0x3: {  	_ = 	snop  }
0x4: {  	_ = 	snop  }
0x5: {  	_ = 	snop  }
0x6: {  	_ = 	snop  }
0x7: {  	_ = 	snop  }
__scs_overlays_trampoline_lowered:
0x8: {  	[smem:$0x3F94] =	sst s0  }
0x9: {  	[smem:$0x3F95] =	sst s1  }
0xa: {  	[smem:$0x3F96] =	sst s2  }
0xb: {  	[smem:$0x3F97] =	sst s3  }
0xc: {  	[smem:$0x3F98] =	sst s4  }
0xd: {  	[smem:$0x3F99] =	sst s5  }
0xe: {  	[smem:$0x3F9A] =	sst s6  }
0xf: {  	[smem:$0x3F9B] =	sst s7  }
0x10: {  	[smem:$0x3F9C] =	sst s8  }
0x11: {  	[smem:$0x3F9D] =	sst s9;
	s0 =	simm.s32 @!p0 $0x0  }
0x12: {  	s1 =	sld [smem:$0x3F83];
	s0 =	simm.s32 @p0 $0x1  }
0x13: {  	[smem:$0x3F9E] =	sst s0;
	s0 =	simm.s32 @!p1 $0x0  }
0x14: {  	s2 =	sld [smem:$0x3F82];
	s0 =	simm.s32 @p1 $0x1  }
0x15: {  	[smem:$0x3F9F] =	sst s0;
	s0 =	simm.s32 @!p2 $0x0  }
0x16: {  	s3 =	sld [smem:$0x3FDB];
	s0 =	simm.s32 @p2 $0x1  }
0x17: {  	s4 =	simm.s32 $0x1BF5;
	[smem:$0x3FA1] =	sst s0  }
0x18: {  	s0 =	sld [smem:$0x3F84];
	_ =	swait.ge [sflag:s4], $0x0  }
0x19: {  	s7 =	sld [smem:$0x3F85]  }
0x1a: {  	s8 =	sadd.s32 $0xFFFFE003, lr  }
0x1b: {  	s9 =	sadd.s32 $0xFFFFFEF7, lr;
	s5 =	simm.s32 $0xFFFFFFFF;
	p2 =	slt.u32 s8, $0xFFFFF086  }
0x1c: {  	p1 =	slt.u32 s9, $0xF7A;
	s5 =	simm.s32 @!p2 $0x0  }
0x1d: {  	s5 =	simm.s32 @p1 $0x1;
	p0 =	seq.s32 s7, s2  }
0x1e: {  	s7 =	smul.u32 @!p0 $0xF7A, s2;
	p2 =	seq.s32 @!p0 s5, $0x0  }
0x1f: {  	s9 =	smul.u32 $0xF7A, s1;
	s8 =	simm.s32 @!p0 $0x1BF5;
	p2 =	por !p2, p0  }
0x20: {  	[sflag:s8] =	ssyncset.s32 @!p0 $0xFFFFF086;
	s6 =	sadd.s32 @!p0 s3, s7;
	s7 =	simm.s32 @!p0 $0x108  }
0x21: {  	s3 =	sadd.s32 s3, s9;
	s6 =	sadd.s32 @!p0 $0x88, s6;
	s7 =	simm.s32 @p2 $0x1082  }
0x22: {  	[simem:s7], [sflag:s8] =	dma.local @!p0 [hbm:s6], $0xF7A  }
0x23: {  	s9 =	sor.u32 $0xD0000000, s2;
	s6 =	simm.s32 $0x108;
	_ =	swait.ge @!p0 [sflag:s8], $0x0  }
0x24: {  	s3 =	sadd.s32 $0x88, s3;
	s6 =	simm.s32 @!p1 $0x1082;
	[sflag:s4] =	ssyncset.s32 $0xFFFFF086  }
0x25: {  	[simem:s6], [sflag:s4] =	dma.local [hbm:s3], $0xF7A  }
0x26: {  	[smem:$0x3F85] =	sst s1;
	(tag) =	ssettag s2;
	_ =	strace s9  }
0x27: {  	s1 =	sld [smem:$0x3F95]  }
0x28: {  	s2 =	sld [smem:$0x3F96]  }
0x29: {  	s4 =	sld [smem:$0x3F98]  }
0x2a: {  	p0 =	seq.s32 s5, $0x0;
	s5 =	sld [smem:$0x3F99]  }
0x2b: {  	s6 =	sld [smem:$0x3F9A]  }
0x2c: {  	s7 =	sld [smem:$0x3F9B]  }
0x2d: {  	s3 =	simm.s32 $0x108;
	s8 =	sld [smem:$0x3F9C]  }
0x2e: {  	s3 =	simm.s32 @!p0 $0x1082;
	s9 =	sld [smem:$0x3F9D]  }
0x2f: {  	lr =	sadd.s32 s0, s3;
	s0 =	sld [smem:$0x3F94]  }
0x30: {  	s3 =	sld [smem:$0x3F97]  }
0x31: {  	[smem:$0x3FA0] =	sst s10  }
0x32: {  	s10 =	sld [smem:$0x3F9E];
	_ =	sdelay $0x3  }
0x33: {  	p0 =	seq.s32 s10, $0x1;
	s10 =	sld [smem:$0x3FA0];
	_ =	sdelay $0x3  }
0x34: {  	[smem:$0x3FA0] =	sst s10  }
0x35: {  	s10 =	sld [smem:$0x3F9F];
	_ =	sdelay $0x3  }
0x36: {  	p1 =	seq.s32 s10, $0x1;
	s10 =	sld [smem:$0x3FA0];
	_ =	sdelay $0x3  }
0x37: {  	[smem:$0x3FA0] =	sst s10  }
0x38: {  	s10 =	sld [smem:$0x3FA1]  }
0x39: {  	_ = 	snop;
	(pc) =	sbr.ind lr, $3  }
0x3a: {  	_ = 	snop  }
0x3b: {  	_ = 	snop  }
0x3c: {  	p2 =	seq.s32 s10, $0x1;
	s10 =	sld [smem:$0x3FA0]  }
0x3d: {  	_ =	shalt  }
0x3e: {  	_ =	shalt  }
0x3f: {  	_ =	shalt  }
0x40: {  	_ =	shalt  }
0x41: {  	_ =	shalt  }
0x42: {  	_ =	shalt  }
0x43: {  	_ =	shalt  }
0x44: {  	_ =	shalt  }
0x45: {  	_ =	shalt  }
0x46: {  	_ =	shalt  }
0x47: {  	_ =	shalt  }
0x48: {  	_ =	shalt  }
0x49: {  	_ =	shalt  }
0x4a: {  	_ =	shalt  }
0x4b: {  	_ =	shalt  }
0x4c: {  	_ =	shalt  }
0x4d: {  	_ =	shalt  }
0x4e: {  	_ =	shalt  }
0x4f: {  	_ =	shalt  }
0x50: {  	_ =	shalt  }
0x51: {  	_ =	shalt  }
0x52: {  	_ =	shalt  }
0x53: {  	_ =	shalt  }
0x54: {  	_ =	shalt  }
0x55: {  	_ =	shalt  }
0x56: {  	_ =	shalt  }
0x57: {  	_ =	shalt  }
0x58: {  	_ =	shalt  }
0x59: {  	_ =	shalt  }
0x5a: {  	_ =	shalt  }
0x5b: {  	_ =	shalt  }
0x5c: {  	_ =	shalt  }
0x5d: {  	_ =	shalt  }
0x5e: {  	_ =	shalt  }
0x5f: {  	_ =	shalt  }
0x60: {  	_ =	shalt  }
0x61: {  	_ =	shalt  }
0x62: {  	_ =	shalt  }
0x63: {  	_ =	shalt  }
0x64: {  	_ =	shalt  }
0x65: {  	_ =	shalt  }
0x66: {  	_ =	shalt  }
0x67: {  	_ =	shalt  }
0x68: {  	_ =	shalt  }
0x69: {  	_ =	shalt  }
0x6a: {  	_ =	shalt  }
0x6b: {  	_ =	shalt  }
0x6c: {  	_ =	shalt  }
0x6d: {  	_ =	shalt  }
0x6e: {  	_ =	shalt  }
0x6f: {  	_ =	shalt  }
0x70: {  	_ =	shalt  }
0x71: {  	_ =	shalt  }
0x72: {  	_ =	shalt  }
0x73: {  	_ =	shalt  }
0x74: {  	_ =	shalt  }
0x75: {  	_ =	shalt  }
0x76: {  	_ =	shalt  }
0x77: {  	_ =	shalt  }
0x78: {  	_ =	shalt  }
0x79: {  	_ =	shalt  }
0x7a: {  	_ =	shalt  }
0x7b: {  	_ =	shalt  }
0x7c: {  	_ =	shalt  }
0x7d: {  	_ =	shalt  }
0x7e: {  	_ =	shalt  }
0x7f: {  	_ =	shalt  }
0x80: {  	_ =	shalt  }
0x81: {  	_ =	shalt  }
0x82: {  	_ =	shalt  }
0x83: {  	_ =	shalt  }
0x84: {  	_ =	shalt  }
0x85: {  	_ =	shalt  }
0x86: {  	_ =	shalt  }
0x87: {  	_ =	shalt  }
.Lfunc_end0:
.L_simem_size_0:
called_computation.4_lowered:
.L_overlay_start_0:
0x88: {  	s2 =	sld [smem:$0x3FD9]  }
0x89: {  	s3 =	sld [smem:$0x3FFE];
	_ =	sdelay $0x1  }
0x8a: {  	s1 =	srdreg.scid  }
0x8b: {  	s0 =	sand.u32 $0x1, s1  }
0x8c: {  	s16 =	sshll.u32 s0, $0xA;
	s2 =	sadd.s32 s3, s2  }
0x8d: {  	s2 =	sadd.s32 s2, s16  }
0x8e: {  	[smem:$0x3FAC] =	sst s2  }
0x8f: {  	_ = 	snop  }
0x90: {  	(tm) =	ssettm $0x1  }
0x91: {  	s17 =	sld [smem:$0x3FFB];
	_ =	sdelay $0x3  }
0x92: {  	_ =	strace s17  }
0x93: {  	s2 =	sld [smem:$0x3FFC];
	_ =	sdelay $0x3  }
0x94: {  	_ =	strace s2  }
0x95: {  	s2 =	sld [smem:$0x3FFD];
	_ =	sdelay $0x3  }
0x96: {  	_ =	strace s2  }
0x97: {  	_ =	strace $0x8FFFFFFF  }
0x98: {  	s18 =	sld [smem:$0x3FDB];
	_ =	sdelay $0x1  }
0x99: {  	s19 =	simm.s32 $_scs_section_size  }
0x9a: {  	s4 =	simm.s32 $_size__tile_overlayer_lowered;
	s5 =	simm.s32 $_tile_overlayer_lowered  }
0x9b: {  	s22 =	simm.s32 $0x1BFF;
	s21 =	sshll.u32 s5, $0x1;
	s2 =	sadd.s32 s19, s18  }
0x9c: {  	s6 =	simm.s32 $0x0;
	s20 =	sshll.u32 s4, $0x1;
	s4 =	sadd.s32 s21, s2  }
0x9d: {  	[timem:s6], [sflag:s22] =	dma.local [hbm:s4], s20  }
0x9e: {  	_ =	swait.ge [sflag:s22], s20  }
0x9f: {  	s3 =	ssub.s32 $0x0, s20;
	[sflag:s22] =	ssyncset.done $0x0  }
0xa0: {  	[sflag:s22] =	ssyncadd.s32 s3;
	_ =	sdelay $0x1  }
0xa1: {  	s23 =	simm.s32 $0x1B8B  }
0xa2: {  	_ =	swait.ge [sflag:s23], $0x1  }
0xa3: {  	[sflag:s23] =	ssyncset.done $0x0  }
0xa4: {  	s25 =	simm.s32 $0x1B8E;
	s24 =	sld [smem:$0x3FFE];
	[sflag:s23] =	ssyncadd.s32 $0xFFFFFFFF  }
0xa5: {  	s26 =	simm.s32 $execute0_lowered;
	[smem:$0x3FD2] =	sst s25  }
0xa6: {  	s4 =	sshll.u32 s26, $0x1;
	_ =	strace $0x8000005B;
	[dreg:$0x1] =	wrdreg $0xFFFFFFFF  }
0xa7: {  	s28 =	simm.s32 $_size_execute0_lowered;
	s2 =	sadd.s32 s2, s4;
	[dreg:$0x0] =	wrdreg $0x0  }
0xa8: {  	s4 =	sshll.u32 s28, $0x1;
	[dreg:$0x2] =	wrdreg s2  }
0xa9: {  	[dreg:$0x3] =	wrdreg s4  }
0xaa: {  	[dreg:$0x4] =	wrdreg $0xC0  }
0xab: {  	_ =	task [dreg:s6], $0x5FFFF  }
0xac: {  	[dreg:$0x1] =	wrdreg $0xFFFFFFFF  }
0xad: {  	[dreg:$0x0] =	wrdreg $0x60  }
0xae: {  	[dreg:$0x2] =	wrdreg s24  }
0xaf: {  	[dreg:$0x3] =	wrdreg $0x9  }
0xb0: {  	_ =	task.clear_ibuf [dreg:s6], $0x4FFFF;
	_ =	strace $0x9000005B  }
0xb1: {  	s29 =	simm.s32 $0x9;
	_ =	strace $0x8000005D  }
0xb2: {  	_ =	swait.ge [sflag:s29], $0x1  }
0xb3: {  	[sflag:s29] =	ssyncadd.s32 $0xFFFFFFFF  }
0xb4: {  	_ =	strace $0x9000005D  }
0xb5: {  	_ =	sfence  }
0xb6: {  	s30 =	sld [smem:$0x0];
	_ =	sdelay $0x2  }
0xb7: {  	s31 =	sshll.u32 s1, $0xD;
	s1 =	sshrl.u32 s1, $0x2  }
0xb8: {  	s3 =	sand.u32 $0x4000, s31;
	s1 =	sadd.s32 s1, s30  }
0xb9: {  	s0 =	sor.u32 s3, s0;
	s1 =	sshll.u32 s1, $0x11  }
0xba: {  	s0 =	sor.u32 s1, s0  }
0xbb: {  	s0 =	sadd.s32 $0x8F2B, s0  }
0xbc: {  	[sflag:s0] =	ssyncadd.remote.s32 $0x1  }
0xbd: {  	_ =	sfence.sel $0xFFFF  }
0xbe: {  	[dreg:$0x0] =	wrdreg $0xFFFFFFFF;
	(pc) =	sbr.abs _section_cstart, $3  }
0xbf: {  	[dreg:$0x1] =	wrdreg $0xFFFFFFFF  }
0xc0: {  	_ =	task.clear_ibuf [dreg:s6], $0x2FFFF;
	_ =	strace $0x9FFFFFFF  }
0xc1: {  	(tm) =	ssettm $0x7FFFFFFF  }
tec
execute0_lowered:
.L_overlay_start_1:
0x0: {  	(tag) =	ssettag $0x1  }
0x1: {  	s0 =	srdreg.scid  }
0x2: {  	s1 =	sshll.u32 s0, $0x4  }
0x3: {  	s0 =	stileid.u32;
	s1 =	sand.u32 $0x10, s1  }
0x4: {  	s1 =	sor.u32 s0, s1  }
0x5: {  	s9 =	rddreg [dreg:$0x0];
	s6 =	simm.s32 $0x1;
	s2 =	smin.u32 s1, $0x8  }
0x6: {  	p0 =	slt.u32 s1, $0x8;
	s2 =	sadd.s32 s1, s2;
	s1 =	simm.s32 $0x100  }
0x7: {  	s7 =	simm.s32 $0x2;
	s2 =	sshll.u32 s2, $0x7;
	s1 =	simm.s32 @!p0 $0x80  }
0x8: {  	s10 =	simm.s32 $0x3;
	s13 =	simm.s32 $0x0;
	s3 =	sadd.s32 s1, s2  }
0x9: {  	s12 =	simm.s32 $0x0;
	s4 =	sadd.s32 $0x13C00, s9;
	s3 =	smin.u32 s3, $0x1400  }
.Ltmp0:
0xa: {  	s5 =	sadd.s32 $0x33C00, s9;
	s8 =	ssub.s32 s3, s2;
	(pc) =	sbr.rel .LBB2_1-.Ltmp0, $4  }
0xb: {  	s1 =	rddreg [dreg:$0x1];
	_ =	strace $0x8000005C;
	p0 =	sgt.s32 s8, $0x0  }
0xc: {  	s9 =	sadd.s32 $0x34400, s9;
	[sflag:s6] =	ssyncpa.u1 $0x0;
	s8 =	simm.s32 @!p0 $0x0  }
0xd: {  	s11 =	smov.u32 s2;
	[sflag:s7] =	ssyncpa.u1 $0x0;
	s8 =	sshrl.u32 s8, $0x7  }
0xe: {  	vm0 =	vmmov $0xff;
	vm1 =	vcmask $0x3F20;
	[sflag:s10] =	ssyncpa.u1 $0x0;
	p0 =	por $0x0, $0x0;
	s10 =	sadd.s32 $0x1, s8  }
.LBB2_6:
0xf: {  	[hbm:s17] =	stream.linear.scatter [tilespmem:s14], [sflag:$0x3], $0x400, $0x38;
	[tilespmem:$0x8100] =	vst v63  }
.LBB2_7:
0x10: {  	s13 =	sadd.s32 $0x80, s11  }
0x11: {  	s15 =	smov.u32 s2;
	p2 =	slt.s32 s13, s3  }
0x12: {  	s15 =	smov.u32 @p2 s13;
	p2 =	sne.s32 s12, s10  }
.Ltmp1:
0x13: {  	p1 =	slt.u32 s12, $0x2;
	(pc) =	sbr.rel @!p2 .LBB2_8-.Ltmp1, $4  }
0x14: {  	s14 =	simm.s32 @!p1 $0x3  }
0x15: {  	s16 =	sadd.s32 $0x1, s12;
	_ =	swait.ge @!p1 [sflag:s14], $0x4000  }
0x16: {  	p0 =	por !p0, !p0;
	s13 =	smov.u32 s11;
	[sflag:s14] =	ssyncset.done @!p1 $0x0  }
0x17: {  	s12 =	smov.u32 s16;
	s11 =	smov.u32 s15;
	[sflag:s14] =	ssyncadd.s32 @!p1 $0xFFFFC000  }
.LBB2_1:
0x18: {  	p1 =	sge.u32 s12, s8  }
0x19: {  	s14 =	sxor.u32 @!p1 $0xFFFFFFFF, s12  }
0x1a: {  	s31 =	sadd.s32 $0xFFFFFFFF, s12;
	s15 =	sshrl.u32 @!p1 s11, $0x3;
	s14 =	sshll.u32 @!p1 s14, $0x7  }
0x1b: {  	s16 =	sand.u32 @!p1 $0x7, s11;
	s15 =	sadd.s32 @!p1 s5, s15;
	s14 =	sand.u32 @!p1 $0x80, s14  }
0x1c: {  	[tilespmem:s14], [sflag:$0x2] =	stream.linear.gather @!p1 [hbm4b:s15+s16], $0x80, $0x38;
	[tilespmem:$0x8100] =	vst v63  }
0x1d: {  	p1 =	sge.u32 s31, s8  }
.Ltmp2:
0x1e: {  	_ = 	snop;
	(pc) =	sbr.rel @p1 .LBB2_7-.Ltmp2, $1  }
0x1f: {  	_ =	sdelay $0x3  }
0x20: {  	s14 =	simm.s32 $0x1  }
0x21: {  	_ =	swait.ge [sflag:s7], $0x80;
	s14 =	simm.s32 @!p0 $0x0  }
0x22: {  	[sflag:s7] =	ssyncset.done $0x0;
	s16 =	sshll.u32 s14, $0x7  }
0x23: {  	[sflag:s7] =	ssyncadd.s32 $0xFFFFFF80;
	s15 =	sadd.s32 $0x0, s16  }
0x24: {  	v0 =	vld.msk [tilespmem:s15+$0x0 ss:$0x1], $0xffff;
	_ =	sdelay $0x4  }
0x25: {  	vm2 =	vgt.s32 v0, $0x0  }
0x26: {  	v0 =	vnsel vm2, $0x0, v0  }
0x27: {  	v0 =	vmin.u32 v0, $0x1FFF  }
0x28: {  	v0 =	vshll.u32 v0, $0x4;
	_ =	sdelay $0x2  }
0x29: {  	s14 =	sshll.u32 s14, $0xE  }
0x2a: {  	s14 =	sor.u32 $0x100, s14  }
0x2b: {  	[tilespmem:s14], [sflag:$0x1] =	stream.indirect_vreg.gather [hbm:s4], $0x80, v0, vm0, $0x38;
	[tilespmem:$0x8100] =	vst v63  }
0x2c: {  	s17 =	sadd.s32 $0x10, s16;
	s15 =	sadd.s32 $0x400, s14  }
0x2d: {  	[tilespmem:s15], [sflag:$0x1] =	stream.indirect_vreg.gather [hbm:s4], $0x80, v0, vm1, $0x38;
	[tilespmem:$0x8100] =	vst v63  }
0x2e: {  	s18 =	simm.s32 $0x80;
	v0 =	vld.msk [tilespmem:s17+$0x0 ss:$0x1], $0xffff;
	s17 =	smov.u32 s14  }
.LBB2_3:
0x2f: {  	p1 =	sne.s32 s18, $0x1C0;
	_ =	sdelay $0x4  }
0x30: {  	vm2 =	vgt.s32 v0, $0x0  }
0x31: {  	v0 =	vnsel vm2, $0x0, v0  }
0x32: {  	v0 =	vmin.u32 v0, $0x1FFF  }
0x33: {  	v0 =	vshll.u32 v0, $0x4;
	_ =	sdelay $0x3  }
.Ltmp3:
0x34: {  	s19 =	sshra.s32 s18, $0x2;
	s17 =	sadd.s32 $0x800, s17;
	(pc) =	sbr.rel @p1 .LBB2_3-.Ltmp3, $4  }
0x35: {  	[tilespmem:s17], [sflag:$0x1] =	stream.indirect_vreg.gather [hbm:s4], $0x80, v0, vm0, $0x38;
	[tilespmem:$0x8100] =	vst v63  }
0x36: {  	s19 =	sadd.s32 s19, s16;
	s20 =	sadd.s32 $0x400, s17  }
0x37: {  	[tilespmem:s20], [sflag:$0x1] =	stream.indirect_vreg.gather [hbm:s4], $0x80, v0, vm1, $0x38;
	[tilespmem:$0x8100] =	vst v63  }
0x38: {  	s18 =	sadd.s32 $0x40, s18;
	v0 =	vld.msk [tilespmem:s19+$0x0 ss:$0x1], $0xffff  }
0x39: {  	_ =	sdelay $0x3  }
0x3a: {  	vm2 =	vgt.s32 v0, $0x0  }
0x3b: {  	v0 =	vnsel vm2, $0x0, v0  }
0x3c: {  	v0 =	vmin.u32 v0, $0x1FFF  }
0x3d: {  	v0 =	vshll.u32 v0, $0x4;
	_ =	sdelay $0x3  }
0x3e: {  	s16 =	sadd.s32 $0x800, s17  }
0x3f: {  	[tilespmem:s16], [sflag:$0x1] =	stream.indirect_vreg.gather [hbm:s4], $0x80, v0, vm0, $0x38;
	[tilespmem:$0x8100] =	vst v63  }
0x40: {  	s16 =	sadd.s32 $0x400, s16  }
0x41: {  	[tilespmem:s16], [sflag:$0x1] =	stream.indirect_vreg.gather [hbm:s4], $0x80, v0, vm1, $0x38;
	[tilespmem:$0x8100] =	vst v63  }
0x42: {  	s13 =	sshll.u32 s13, $0x4;
	_ =	swait.ge [sflag:s6], $0x4000  }
0x43: {  	s13 =	sadd.s32 s13, s9;
	[sflag:s6] =	ssyncset.done $0x0  }
0x44: {  	s17 =	sadd.s32 $0x0, s13;
	s16 =	simm.s32 $0x80;
	[sflag:s6] =	ssyncadd.s32 $0xFFFFC000  }
.LBB2_5:
0x45: {  	[hbm:s17] =	stream.linear.scatter [tilespmem:s14], [sflag:$0x3], $0x400, $0x38;
	[tilespmem:$0x8100] =	vst v63  }
0x46: {  	s17 =	smov.u32 s16;
	s14 =	smov.u32 s15;
	p1 =	sne.s32 s16, $0x780  }
.Ltmp4:
0x47: {  	s16 =	sadd.s32 $0x80, s16;
	(pc) =	sbr.rel @p1 .LBB2_5-.Ltmp4, $2  }
0x48: {  	_ =	sdelay $0x2  }
0x49: {  	s15 =	sadd.s32 $0x400, s15;
	s17 =	sadd.s32 s17, s13  }
.Ltmp5:
0x4a: {  	_ = 	snop;
	(pc) =	sbr.rel .LBB2_6-.Ltmp5, $1  }
0x4b: {  	_ =	sdelay $0x3  }
.LBB2_8:
0x4c: {  	_ =	sfence.sel $0x180000  }
0x4d: {  	s2 =	simm.s32 $0x2;
	[bflag:$0x0] =	sbarrier.arrive $0xFFFF  }
0x4e: {  	s30 =	simm.s32 $0x3;
	[sflag:s2] =	ssyncpa.u1 $0x1  }
0x4f: {  	s31 =	simm.s32 $0x1;
	[sflag:s30] =	ssyncpa.u1 $0x1  }
0x50: {  	[sflag:s31] =	ssyncpa.u1 $0x1  }
0x51: {  	p0 =	sne.s32 s0, $0x0;
	_ =	strace $0x9000005C  }
0x52: {  	s0 =	sadd.s32 @!p0 $0x100000, s1;
	[bflag:$0x2] =	sbarrier.arrive $0xFFFF  }
0x53: {  	[sflag:s0] =	ssyncadd.tile.s32 @!p0 $0x1;
	_ =	shalt  }
.Lfunc_end2:
_tile_overlayer_lowered:
.L_overlay_start_2:
0x54: {  	(tag) =	ssettag $0x2  }
0x55: {  	s0 =	rddreg [dreg:$0x0];
	s2 =	stileid.u32  }
0x56: {  	s1 =	rddreg [dreg:$0x1];
	p0 =	sne.s32 s2, $0x0  }
0x57: {  	s3 =	rddreg [dreg:$0x2];
	[bflag:$0x3] =	sbarrier.arrive $0xFFFF;
	s2 =	simm.s32 @!p0 $0x1C01  }
0x58: {  	[timem:s3], [sflag:s2] =	dma.local @!p0 [hbm:s0], s1  }
0x59: {  	s0 =	simm.s32 @!p0 $0x1  }
0x5a: {  	_ =	swait.ge @!p0 [sflag:s0], s1  }
0x5b: {  	s1 =	ssub.s32 @!p0 $0x0, s1;
	[sflag:s0] =	ssyncset.done @!p0 $0x0  }
0x5c: {  	[sflag:s0] =	ssyncadd.s32 @!p0 s1  }
0x5d: {  	[bflag:$0x3] =	sbarrier.arrive $0xFFFF  }
0x5e: {  	_ =	shalt  }

// kernel: gather_offload_async_start.5
scs
__scs_entry_jumppad:
0x0: {  	(pc) =	sbr.rel $0x88, $3  }
0x1: {  	(tag) =	ssettag $0x0;
	lr =	simm.s32 $0x1  }
0x2: {  	[smem:$0x3F85] =	sst lr;
	_ =	strace $0xD0000000  }
0x3: {  	_ = 	snop  }
0x4: {  	_ = 	snop  }
0x5: {  	_ = 	snop  }
0x6: {  	_ = 	snop  }
0x7: {  	_ = 	snop  }
__scs_overlays_trampoline_lowered:
0x8: {  	[smem:$0x3F94] =	sst s0  }
0x9: {  	[smem:$0x3F95] =	sst s1  }
0xa: {  	[smem:$0x3F96] =	sst s2  }
0xb: {  	[smem:$0x3F97] =	sst s3  }
0xc: {  	[smem:$0x3F98] =	sst s4  }
0xd: {  	[smem:$0x3F99] =	sst s5  }
0xe: {  	[smem:$0x3F9A] =	sst s6  }
0xf: {  	[smem:$0x3F9B] =	sst s7  }
0x10: {  	[smem:$0x3F9C] =	sst s8  }
0x11: {  	[smem:$0x3F9D] =	sst s9;
	s0 =	simm.s32 @!p0 $0x0  }
0x12: {  	s1 =	sld [smem:$0x3F83];
	s0 =	simm.s32 @p0 $0x1  }
0x13: {  	[smem:$0x3F9E] =	sst s0;
	s0 =	simm.s32 @!p1 $0x0  }
0x14: {  	s2 =	sld [smem:$0x3F82];
	s0 =	simm.s32 @p1 $0x1  }
0x15: {  	[smem:$0x3F9F] =	sst s0;
	s0 =	simm.s32 @!p2 $0x0  }
0x16: {  	s3 =	sld [smem:$0x3FDB];
	s0 =	simm.s32 @p2 $0x1  }
0x17: {  	s4 =	simm.s32 $0x1BF5;
	[smem:$0x3FA1] =	sst s0  }
0x18: {  	s0 =	sld [smem:$0x3F84];
	_ =	swait.ge [sflag:s4], $0x0  }
0x19: {  	s7 =	sld [smem:$0x3F85]  }
0x1a: {  	s8 =	sadd.s32 $0xFFFFE003, lr  }
0x1b: {  	s9 =	sadd.s32 $0xFFFFFEF7, lr;
	s5 =	simm.s32 $0xFFFFFFFF;
	p2 =	slt.u32 s8, $0xFFFFF086  }
0x1c: {  	p1 =	slt.u32 s9, $0xF7A;
	s5 =	simm.s32 @!p2 $0x0  }
0x1d: {  	s5 =	simm.s32 @p1 $0x1;
	p0 =	seq.s32 s7, s2  }
0x1e: {  	s7 =	smul.u32 @!p0 $0xF7A, s2;
	p2 =	seq.s32 @!p0 s5, $0x0  }
0x1f: {  	s9 =	smul.u32 $0xF7A, s1;
	s8 =	simm.s32 @!p0 $0x1BF5;
	p2 =	por !p2, p0  }
0x20: {  	[sflag:s8] =	ssyncset.s32 @!p0 $0xFFFFF086;
	s6 =	sadd.s32 @!p0 s3, s7;
	s7 =	simm.s32 @!p0 $0x108  }
0x21: {  	s3 =	sadd.s32 s3, s9;
	s6 =	sadd.s32 @!p0 $0x88, s6;
	s7 =	simm.s32 @p2 $0x1082  }
0x22: {  	[simem:s7], [sflag:s8] =	dma.local @!p0 [hbm:s6], $0xF7A  }
0x23: {  	s9 =	sor.u32 $0xD0000000, s2;
	s6 =	simm.s32 $0x108;
	_ =	swait.ge @!p0 [sflag:s8], $0x0  }
0x24: {  	s3 =	sadd.s32 $0x88, s3;
	s6 =	simm.s32 @!p1 $0x1082;
	[sflag:s4] =	ssyncset.s32 $0xFFFFF086  }
0x25: {  	[simem:s6], [sflag:s4] =	dma.local [hbm:s3], $0xF7A  }
0x26: {  	[smem:$0x3F85] =	sst s1;
	(tag) =	ssettag s2;
	_ =	strace s9  }
0x27: {  	s1 =	sld [smem:$0x3F95]  }
0x28: {  	s2 =	sld [smem:$0x3F96]  }
0x29: {  	s4 =	sld [smem:$0x3F98]  }
0x2a: {  	p0 =	seq.s32 s5, $0x0;
	s5 =	sld [smem:$0x3F99]  }
0x2b: {  	s6 =	sld [smem:$0x3F9A]  }
0x2c: {  	s7 =	sld [smem:$0x3F9B]  }
0x2d: {  	s3 =	simm.s32 $0x108;
	s8 =	sld [smem:$0x3F9C]  }
0x2e: {  	s3 =	simm.s32 @!p0 $0x1082;
	s9 =	sld [smem:$0x3F9D]  }
0x2f: {  	lr =	sadd.s32 s0, s3;
	s0 =	sld [smem:$0x3F94]  }
0x30: {  	s3 =	sld [smem:$0x3F97]  }
0x31: {  	[smem:$0x3FA0] =	sst s10  }
0x32: {  	s10 =	sld [smem:$0x3F9E];
	_ =	sdelay $0x3  }
0x33: {  	p0 =	seq.s32 s10, $0x1;
	s10 =	sld [smem:$0x3FA0];
	_ =	sdelay $0x3  }
0x34: {  	[smem:$0x3FA0] =	sst s10  }
0x35: {  	s10 =	sld [smem:$0x3F9F];
	_ =	sdelay $0x3  }
0x36: {  	p1 =	seq.s32 s10, $0x1;
	s10 =	sld [smem:$0x3FA0];
	_ =	sdelay $0x3  }
0x37: {  	[smem:$0x3FA0] =	sst s10  }
0x38: {  	s10 =	sld [smem:$0x3FA1]  }
0x39: {  	_ = 	snop;
	(pc) =	sbr.ind lr, $3  }
0x3a: {  	_ = 	snop  }
0x3b: {  	_ = 	snop  }
0x3c: {  	p2 =	seq.s32 s10, $0x1;
	s10 =	sld [smem:$0x3FA0]  }
0x3d: {  	_ =	shalt  }
0x3e: {  	_ =	shalt  }
0x3f: {  	_ =	shalt  }
0x40: {  	_ =	shalt  }
0x41: {  	_ =	shalt  }
0x42: {  	_ =	shalt  }
0x43: {  	_ =	shalt  }
0x44: {  	_ =	shalt  }
0x45: {  	_ =	shalt  }
0x46: {  	_ =	shalt  }
0x47: {  	_ =	shalt  }
0x48: {  	_ =	shalt  }
0x49: {  	_ =	shalt  }
0x4a: {  	_ =	shalt  }
0x4b: {  	_ =	shalt  }
0x4c: {  	_ =	shalt  }
0x4d: {  	_ =	shalt  }
0x4e: {  	_ =	shalt  }
0x4f: {  	_ =	shalt  }
0x50: {  	_ =	shalt  }
0x51: {  	_ =	shalt  }
0x52: {  	_ =	shalt  }
0x53: {  	_ =	shalt  }
0x54: {  	_ =	shalt  }
0x55: {  	_ =	shalt  }
0x56: {  	_ =	shalt  }
0x57: {  	_ =	shalt  }
0x58: {  	_ =	shalt  }
0x59: {  	_ =	shalt  }
0x5a: {  	_ =	shalt  }
0x5b: {  	_ =	shalt  }
0x5c: {  	_ =	shalt  }
0x5d: {  	_ =	shalt  }
0x5e: {  	_ =	shalt  }
0x5f: {  	_ =	shalt  }
0x60: {  	_ =	shalt  }
0x61: {  	_ =	shalt  }
0x62: {  	_ =	shalt  }
0x63: {  	_ =	shalt  }
0x64: {  	_ =	shalt  }
0x65: {  	_ =	shalt  }
0x66: {  	_ =	shalt  }
0x67: {  	_ =	shalt  }
0x68: {  	_ =	shalt  }
0x69: {  	_ =	shalt  }
0x6a: {  	_ =	shalt  }
0x6b: {  	_ =	shalt  }
0x6c: {  	_ =	shalt  }
0x6d: {  	_ =	shalt  }
0x6e: {  	_ =	shalt  }
0x6f: {  	_ =	shalt  }
0x70: {  	_ =	shalt  }
0x71: {  	_ =	shalt  }
0x72: {  	_ =	shalt  }
0x73: {  	_ =	shalt  }
0x74: {  	_ =	shalt  }
0x75: {  	_ =	shalt  }
0x76: {  	_ =	shalt  }
0x77: {  	_ =	shalt  }
0x78: {  	_ =	shalt  }
0x79: {  	_ =	shalt  }
0x7a: {  	_ =	shalt  }
0x7b: {  	_ =	shalt  }
0x7c: {  	_ =	shalt  }
0x7d: {  	_ =	shalt  }
0x7e: {  	_ =	shalt  }
0x7f: {  	_ =	shalt  }
0x80: {  	_ =	shalt  }
0x81: {  	_ =	shalt  }
0x82: {  	_ =	shalt  }
0x83: {  	_ =	shalt  }
0x84: {  	_ =	shalt  }
0x85: {  	_ =	shalt  }
0x86: {  	_ =	shalt  }
0x87: {  	_ =	shalt  }
.Lfunc_end0:
.L_simem_size_0:
called_computation.5_lowered:
.L_overlay_start_0:
0x88: {  	s2 =	sld [smem:$0x3FD9]  }
0x89: {  	s3 =	sld [smem:$0x3FFE];
	_ =	sdelay $0x1  }
0x8a: {  	s1 =	srdreg.scid  }
0x8b: {  	s0 =	sand.u32 $0x1, s1  }
0x8c: {  	s16 =	sshll.u32 s0, $0xA;
	s2 =	sadd.s32 s3, s2  }
0x8d: {  	s2 =	sadd.s32 s2, s16  }
0x8e: {  	[smem:$0x3FAC] =	sst s2  }
0x8f: {  	_ = 	snop  }
0x90: {  	(tm) =	ssettm $0x1  }
0x91: {  	s17 =	sld [smem:$0x3FFB];
	_ =	sdelay $0x3  }
0x92: {  	_ =	strace s17  }
0x93: {  	s2 =	sld [smem:$0x3FFC];
	_ =	sdelay $0x3  }
0x94: {  	_ =	strace s2  }
0x95: {  	s2 =	sld [smem:$0x3FFD];
	_ =	sdelay $0x3  }
0x96: {  	_ =	strace s2  }
0x97: {  	_ =	strace $0x8FFFFFFF  }
0x98: {  	s18 =	sld [smem:$0x3FDB];
	_ =	sdelay $0x1  }
0x99: {  	s19 =	simm.s32 $_scs_section_size  }
0x9a: {  	s4 =	simm.s32 $_size__tile_overlayer_lowered;
	s5 =	simm.s32 $_tile_overlayer_lowered  }
0x9b: {  	s22 =	simm.s32 $0x1BFF;
	s21 =	sshll.u32 s5, $0x1;
	s2 =	sadd.s32 s19, s18  }
0x9c: {  	s6 =	simm.s32 $0x0;
	s20 =	sshll.u32 s4, $0x1;
	s4 =	sadd.s32 s21, s2  }
0x9d: {  	[timem:s6], [sflag:s22] =	dma.local [hbm:s4], s20  }
0x9e: {  	_ =	swait.ge [sflag:s22], s20  }
0x9f: {  	s3 =	ssub.s32 $0x0, s20;
	[sflag:s22] =	ssyncset.done $0x0  }
0xa0: {  	[sflag:s22] =	ssyncadd.s32 s3;
	_ =	sdelay $0x1  }
0xa1: {  	s23 =	simm.s32 $0x1B8B  }
0xa2: {  	_ =	swait.ge [sflag:s23], $0x1  }
0xa3: {  	[sflag:s23] =	ssyncset.done $0x0  }
0xa4: {  	s25 =	simm.s32 $0x1B8E;
	s24 =	sld [smem:$0x3FFE];
	[sflag:s23] =	ssyncadd.s32 $0xFFFFFFFF  }
0xa5: {  	s26 =	simm.s32 $execute0_lowered;
	[smem:$0x3FD2] =	sst s25  }
0xa6: {  	s4 =	sshll.u32 s26, $0x1;
	_ =	strace $0x8000005E;
	[dreg:$0x1] =	wrdreg $0xFFFFFFFF  }
0xa7: {  	s28 =	simm.s32 $_size_execute0_lowered;
	s2 =	sadd.s32 s2, s4;
	[dreg:$0x0] =	wrdreg $0x0  }
0xa8: {  	s4 =	sshll.u32 s28, $0x1;
	[dreg:$0x2] =	wrdreg s2  }
0xa9: {  	[dreg:$0x3] =	wrdreg s4  }
0xaa: {  	[dreg:$0x4] =	wrdreg $0xC0  }
0xab: {  	_ =	task [dreg:s6], $0x5FFFF  }
0xac: {  	[dreg:$0x1] =	wrdreg $0xFFFFFFFF  }
0xad: {  	[dreg:$0x0] =	wrdreg $0x60  }
0xae: {  	[dreg:$0x2] =	wrdreg s24  }
0xaf: {  	[dreg:$0x3] =	wrdreg $0x9  }
0xb0: {  	_ =	task.clear_ibuf [dreg:s6], $0x4FFFF;
	_ =	strace $0x9000005E  }
0xb1: {  	s29 =	simm.s32 $0x9;
	_ =	strace $0x80000060  }
0xb2: {  	_ =	swait.ge [sflag:s29], $0x1  }
0xb3: {  	[sflag:s29] =	ssyncadd.s32 $0xFFFFFFFF  }
0xb4: {  	_ =	strace $0x90000060  }
0xb5: {  	_ =	sfence  }
0xb6: {  	s30 =	sld [smem:$0x0];
	_ =	sdelay $0x2  }
0xb7: {  	s31 =	sshll.u32 s1, $0xD;
	s1 =	sshrl.u32 s1, $0x2  }
0xb8: {  	s3 =	sand.u32 $0x4000, s31;
	s1 =	sadd.s32 s1, s30  }
0xb9: {  	s0 =	sor.u32 s3, s0;
	s1 =	sshll.u32 s1, $0x11  }
0xba: {  	s0 =	sor.u32 s1, s0  }
0xbb: {  	s0 =	sadd.s32 $0x8F2B, s0  }
0xbc: {  	[sflag:s0] =	ssyncadd.remote.s32 $0x1  }
0xbd: {  	_ =	sfence.sel $0xFFFF  }
0xbe: {  	[dreg:$0x0] =	wrdreg $0xFFFFFFFF;
	(pc) =	sbr.abs _section_cstart, $3  }
0xbf: {  	[dreg:$0x1] =	wrdreg $0xFFFFFFFF  }
0xc0: {  	_ =	task.clear_ibuf [dreg:s6], $0x2FFFF;
	_ =	strace $0x9FFFFFFF  }
0xc1: {  	(tm) =	ssettm $0x7FFFFFFF  }
tec
execute0_lowered:
.L_overlay_start_1:
0x0: {  	(tag) =	ssettag $0x1  }
0x1: {  	s0 =	srdreg.scid;
	s5 =	rddreg [dreg:$0x0]  }
0x2: {  	s1 =	stileid.u32;
	s6 =	simm.s32 $0x1;
	s9 =	simm.s32 $0x1  }
0x3: {  	s10 =	simm.s32 $0x3;
	s13 =	simm.s32 $0x0;
	s2 =	sshll.u32 s0, $0x8  }
0x4: {  	s12 =	simm.s32 $0x0;
	s3 =	sshll.u32 s1, $0x9;
	s2 =	sand.u32 $0x100, s2  }
0x5: {  	s0 =	rddreg [dreg:$0x1];
	_ =	strace $0x8000005F;
	s2 =	sor.u32 s3, s2  }
0x6: {  	s4 =	sadd.s32 $0x48400, s5;
	[sflag:s6] =	ssyncpa.u1 $0x0;
	s8 =	ssub.s32 $0x2800, s2  }
.Ltmp0:
0x7: {  	s3 =	sadd.s32 $0x48A00, s5;
	s7 =	sand.u32 $0x1F00, s8;
	(pc) =	sbr.rel .LBB2_1-.Ltmp0, $4  }
0x8: {  	s5 =	sadd.s32 $0x34400, s5;
	s11 =	smov.u32 s2;
	p0 =	sne.s32 s7, $0x0  }
0x9: {  	s8 =	sshrl.u32 s8, $0xD;
	s7 =	simm.s32 $0x2;
	s9 =	simm.s32 @!p0 $0x0  }
0xa: {  	[sflag:s7] =	ssyncpa.u1 $0x0;
	p0 =	por $0x0, $0x0;
	s8 =	sadd.s32 s9, s8  }
0xb: {  	vm0 =	vmmov $0xffff;
	[sflag:s10] =	ssyncpa.u1 $0x0;
	s10 =	simm.s32 $0x0;
	s9 =	sadd.s32 $0x1, s8  }
.LBB2_4:
0xc: {  	v2 =	vnsel vm1, $0x0, v2  }
0xd: {  	vm1 =	vgt.s32 v0, $0x0;
	v2 =	vmin.u32 v2, $0x1900  }
0xe: {  	v0 =	vnsel vm1, $0x0, v0  }
0xf: {  	v0 =	vmin.u32 v0, $0x1900  }
0x10: {  	[tilespmem:s15], [sflag:$0x1] =	stream.indirect_vreg.gather [hbm4b:s3+s10], $0x1, v1, vm0, $0x4038;
	[tilespmem:$0x400] =	vst v63  }
0x11: {  	(ifvalue) =	ssetifvalue $0x7FFFFFFF  }
0x12: {  	[tilespmem:s16], [sflag:$0x1] =	stream.indirect_vreg.gather [hbm4b:s3+s10], $0x1, v2, vm0, $0x4038;
	[tilespmem:$0x400] =	vst v63  }
0x13: {  	s29 =	sadd.s32 $0x10, s16;
	(ifvalue) =	ssetifvalue $0x7FFFFFFF  }
0x14: {  	[tilespmem:s29], [sflag:$0x1] =	stream.indirect_vreg.gather [hbm4b:s3+s10], $0x1, v0, vm0, $0x4038;
	[tilespmem:$0x400] =	vst v63  }
0x15: {  	_ =	swait.ge [sflag:s6], $0x100  }
0x16: {  	s30 =	sshrl.u32 s13, $0x3;
	[sflag:s6] =	ssyncset.done $0x0  }
0x17: {  	s31 =	sand.u32 $0x7, s13;
	s15 =	sadd.s32 s5, s30;
	[sflag:s6] =	ssyncadd.s32 $0xFFFFFF00  }
0x18: {  	[hbm4b:s15+s31] =	stream.linear.scatter [tilespmem:s14], [sflag:$0x3], $0x100, $0x38;
	[tilespmem:$0x400] =	vst v63  }
.LBB2_5:
0x19: {  	s15 =	sadd.s32 $0x2000, s11  }
0x1a: {  	p2 =	sgt.s32 s15, $0x27FF  }
0x1b: {  	s15 =	smov.u32 @p2 s2;
	p2 =	sne.s32 s12, s9  }
.Ltmp1:
0x1c: {  	p1 =	slt.u32 s12, $0x2;
	(pc) =	sbr.rel @!p2 .LBB2_6-.Ltmp1, $4  }
0x1d: {  	s14 =	simm.s32 @!p1 $0x3  }
0x1e: {  	s16 =	sadd.s32 $0x1, s12;
	_ =	swait.ge @!p1 [sflag:s14], $0x100  }
0x1f: {  	s13 =	smov.u32 s11;
	p0 =	por !p0, !p0;
	[sflag:s14] =	ssyncset.done @!p1 $0x0  }
0x20: {  	s12 =	smov.u32 s16;
	s11 =	smov.u32 s15;
	[sflag:s14] =	ssyncadd.s32 @!p1 $0xFFFFFF00  }
.LBB2_1:
0x21: {  	p1 =	sge.u32 s12, s8  }
0x22: {  	s14 =	sxor.u32 @!p1 $0xFFFFFFFF, s12  }
0x23: {  	s31 =	sadd.s32 $0xFFFFFFFF, s12;
	s15 =	sshrl.u32 @!p1 s11, $0x3;
	s14 =	sshll.u32 @!p1 s14, $0x8  }
0x24: {  	s16 =	sand.u32 @!p1 $0x7, s11;
	s15 =	sadd.s32 @!p1 s4, s15;
	s14 =	sand.u32 @!p1 $0x100, s14  }
0x25: {  	[tilespmem:s14], [sflag:$0x2] =	stream.linear.gather @!p1 [hbm4b:s15+s16], $0x100, $0x38;
	[tilespmem:$0x400] =	vst v63  }
0x26: {  	p1 =	sge.u32 s31, s8  }
.Ltmp2:
0x27: {  	_ = 	snop;
	(pc) =	sbr.rel @p1 .LBB2_5-.Ltmp2, $1  }
0x28: {  	_ =	sdelay $0x3  }
0x29: {  	s14 =	simm.s32 $0x1  }
0x2a: {  	_ =	swait.ge [sflag:s7], $0x100;
	s14 =	simm.s32 @!p0 $0x0  }
0x2b: {  	[sflag:s7] =	ssyncset.done $0x0;
	s14 =	sshll.u32 s14, $0x8  }
0x2c: {  	[sflag:s7] =	ssyncadd.s32 $0xFFFFFF00;
	(ifvalue) =	ssetifvalue $0x7FFFFFFF;
	v0 =	vld.msk [tilespmem:s14+$0x0 ss:$0x1], $0xffff;
	_ =	sdelay $0x4  }
0x2d: {  	s15 =	sadd.s32 $0x10, s14;
	vm1 =	vgt.s32 v0, $0x0  }
0x2e: {  	v2 =	vld.msk [tilespmem:s15+$0x0 ss:$0x1], $0xffff;
	v1 =	vnsel vm1, $0x0, v0  }
0x2f: {  	v1 =	vmin.u32 v1, $0x1900;
	_ =	sdelay $0x1  }
0x30: {  	s16 =	sshll.u32 s12, $0x8;
	s18 =	simm.s32 $0x20  }
0x31: {  	s16 =	sand.u32 $0x100, s16;
	s17 =	sadd.s32 $0x10, s15;
	s15 =	sor.u32 $0x200, s14  }
0x32: {  	s14 =	sor.u32 $0x200, s16;
	s16 =	sadd.s32 $0x10, s15;
	v0 =	vld.msk [tilespmem:s17+$0x0 ss:$0x1], $0xffff;
	vm1 =	vgt.s32 v2, $0x0;
	(ifvalue) =	ssetifvalue $0x7FFFFFFF  }
.LBB2_3:
0x33: {  	[tilespmem:s15], [sflag:$0x1] =	stream.indirect_vreg.gather [hbm4b:s3+s10], $0x1, v1, vm0, $0x4038;
	[tilespmem:$0x400] =	vst v63  }
0x34: {  	s18 =	sadd.s32 $0x10, s18  }
0x35: {  	v2 =	vnsel vm1, $0x0, v2;
	p1 =	slt.u32 s18, $0xF0  }
.Ltmp3:
0x36: {  	s15 =	smov.u32 s16;
	v1 =	vmin.u32 v2, $0x1900;
	(pc) =	sbr.rel @p1 .LBB2_3-.Ltmp3, $3  }
0x37: {  	_ =	sdelay $0x1  }
0x38: {  	s17 =	sadd.s32 $0x10, s17  }
0x39: {  	vm1 =	vgt.s32 v0, $0x0;
	s16 =	sadd.s32 $0x10, s16;
	v2 =	vmov v0;
	(ifvalue) =	ssetifvalue $0x7FFFFFFF;
	v0 =	vld.msk [tilespmem:s17+$0x0 ss:$0x1], $0xffff  }
.Ltmp4:
0x3a: {  	_ = 	snop;
	(pc) =	sbr.rel .LBB2_4-.Ltmp4, $1  }
0x3b: {  	_ =	sdelay $0x3  }
.LBB2_6:
0x3c: {  	_ =	sfence.sel $0x180000  }
0x3d: {  	s2 =	simm.s32 $0x2;
	[bflag:$0x0] =	sbarrier.arrive $0xFFFF  }
0x3e: {  	s30 =	simm.s32 $0x3;
	[sflag:s2] =	ssyncpa.u1 $0x1  }
0x3f: {  	s31 =	simm.s32 $0x1;
	[sflag:s30] =	ssyncpa.u1 $0x1  }
0x40: {  	[sflag:s31] =	ssyncpa.u1 $0x1  }
0x41: {  	p0 =	sne.s32 s1, $0x0;
	_ =	strace $0x9000005F  }
0x42: {  	s0 =	sadd.s32 @!p0 $0x100000, s0;
	[bflag:$0x2] =	sbarrier.arrive $0xFFFF  }
0x43: {  	[sflag:s0] =	ssyncadd.tile.s32 @!p0 $0x1;
	_ =	shalt  }
.Lfunc_end2:
_tile_overlayer_lowered:
.L_overlay_start_2:
0x44: {  	(tag) =	ssettag $0x2  }
0x45: {  	s0 =	rddreg [dreg:$0x0];
	s2 =	stileid.u32  }
0x46: {  	s1 =	rddreg [dreg:$0x1];
	p0 =	sne.s32 s2, $0x0  }
0x47: {  	s3 =	rddreg [dreg:$0x2];
	[bflag:$0x3] =	sbarrier.arrive $0xFFFF;
	s2 =	simm.s32 @!p0 $0x1C01  }
0x48: {  	[timem:s3], [sflag:s2] =	dma.local @!p0 [hbm:s0], s1  }
0x49: {  	s0 =	simm.s32 @!p0 $0x1  }
0x4a: {  	_ =	swait.ge @!p0 [sflag:s0], s1  }
0x4b: {  	s1 =	ssub.s32 @!p0 $0x0, s1;
	[sflag:s0] =	ssyncset.done @!p0 $0x0  }
0x4c: {  	[sflag:s0] =	ssyncadd.s32 @!p0 s1  }
0x4d: {  	[bflag:$0x3] =	sbarrier.arrive $0xFFFF  }
0x4e: {  	_ =	shalt  }

// kernel: gather_offload_async_start.6
scs
__scs_entry_jumppad:
0x0: {  	(pc) =	sbr.rel $0x88, $3  }
0x1: {  	(tag) =	ssettag $0x0;
	lr =	simm.s32 $0x1  }
0x2: {  	[smem:$0x3F85] =	sst lr;
	_ =	strace $0xD0000000  }
0x3: {  	_ = 	snop  }
0x4: {  	_ = 	snop  }
0x5: {  	_ = 	snop  }
0x6: {  	_ = 	snop  }
0x7: {  	_ = 	snop  }
__scs_overlays_trampoline_lowered:
0x8: {  	[smem:$0x3F94] =	sst s0  }
0x9: {  	[smem:$0x3F95] =	sst s1  }
0xa: {  	[smem:$0x3F96] =	sst s2  }
0xb: {  	[smem:$0x3F97] =	sst s3  }
0xc: {  	[smem:$0x3F98] =	sst s4  }
0xd: {  	[smem:$0x3F99] =	sst s5  }
0xe: {  	[smem:$0x3F9A] =	sst s6  }
0xf: {  	[smem:$0x3F9B] =	sst s7  }
0x10: {  	[smem:$0x3F9C] =	sst s8  }
0x11: {  	[smem:$0x3F9D] =	sst s9;
	s0 =	simm.s32 @!p0 $0x0  }
0x12: {  	s1 =	sld [smem:$0x3F83];
	s0 =	simm.s32 @p0 $0x1  }
0x13: {  	[smem:$0x3F9E] =	sst s0;
	s0 =	simm.s32 @!p1 $0x0  }
0x14: {  	s2 =	sld [smem:$0x3F82];
	s0 =	simm.s32 @p1 $0x1  }
0x15: {  	[smem:$0x3F9F] =	sst s0;
	s0 =	simm.s32 @!p2 $0x0  }
0x16: {  	s3 =	sld [smem:$0x3FDB];
	s0 =	simm.s32 @p2 $0x1  }
0x17: {  	s4 =	simm.s32 $0x1BF5;
	[smem:$0x3FA1] =	sst s0  }
0x18: {  	s0 =	sld [smem:$0x3F84];
	_ =	swait.ge [sflag:s4], $0x0  }
0x19: {  	s7 =	sld [smem:$0x3F85]  }
0x1a: {  	s8 =	sadd.s32 $0xFFFFE003, lr  }
0x1b: {  	s9 =	sadd.s32 $0xFFFFFEF7, lr;
	s5 =	simm.s32 $0xFFFFFFFF;
	p2 =	slt.u32 s8, $0xFFFFF086  }
0x1c: {  	p1 =	slt.u32 s9, $0xF7A;
	s5 =	simm.s32 @!p2 $0x0  }
0x1d: {  	s5 =	simm.s32 @p1 $0x1;
	p0 =	seq.s32 s7, s2  }
0x1e: {  	s7 =	smul.u32 @!p0 $0xF7A, s2;
	p2 =	seq.s32 @!p0 s5, $0x0  }
0x1f: {  	s9 =	smul.u32 $0xF7A, s1;
	s8 =	simm.s32 @!p0 $0x1BF5;
	p2 =	por !p2, p0  }
0x20: {  	[sflag:s8] =	ssyncset.s32 @!p0 $0xFFFFF086;
	s6 =	sadd.s32 @!p0 s3, s7;
	s7 =	simm.s32 @!p0 $0x108  }
0x21: {  	s3 =	sadd.s32 s3, s9;
	s6 =	sadd.s32 @!p0 $0x88, s6;
	s7 =	simm.s32 @p2 $0x1082  }
0x22: {  	[simem:s7], [sflag:s8] =	dma.local @!p0 [hbm:s6], $0xF7A  }
0x23: {  	s9 =	sor.u32 $0xD0000000, s2;
	s6 =	simm.s32 $0x108;
	_ =	swait.ge @!p0 [sflag:s8], $0x0  }
0x24: {  	s3 =	sadd.s32 $0x88, s3;
	s6 =	simm.s32 @!p1 $0x1082;
	[sflag:s4] =	ssyncset.s32 $0xFFFFF086  }
0x25: {  	[simem:s6], [sflag:s4] =	dma.local [hbm:s3], $0xF7A  }
0x26: {  	[smem:$0x3F85] =	sst s1;
	(tag) =	ssettag s2;
	_ =	strace s9  }
0x27: {  	s1 =	sld [smem:$0x3F95]  }
0x28: {  	s2 =	sld [smem:$0x3F96]  }
0x29: {  	s4 =	sld [smem:$0x3F98]  }
0x2a: {  	p0 =	seq.s32 s5, $0x0;
	s5 =	sld [smem:$0x3F99]  }
0x2b: {  	s6 =	sld [smem:$0x3F9A]  }
0x2c: {  	s7 =	sld [smem:$0x3F9B]  }
0x2d: {  	s3 =	simm.s32 $0x108;
	s8 =	sld [smem:$0x3F9C]  }
0x2e: {  	s3 =	simm.s32 @!p0 $0x1082;
	s9 =	sld [smem:$0x3F9D]  }
0x2f: {  	lr =	sadd.s32 s0, s3;
	s0 =	sld [smem:$0x3F94]  }
0x30: {  	s3 =	sld [smem:$0x3F97]  }
0x31: {  	[smem:$0x3FA0] =	sst s10  }
0x32: {  	s10 =	sld [smem:$0x3F9E];
	_ =	sdelay $0x3  }
0x33: {  	p0 =	seq.s32 s10, $0x1;
	s10 =	sld [smem:$0x3FA0];
	_ =	sdelay $0x3  }
0x34: {  	[smem:$0x3FA0] =	sst s10  }
0x35: {  	s10 =	sld [smem:$0x3F9F];
	_ =	sdelay $0x3  }
0x36: {  	p1 =	seq.s32 s10, $0x1;
	s10 =	sld [smem:$0x3FA0];
	_ =	sdelay $0x3  }
0x37: {  	[smem:$0x3FA0] =	sst s10  }
0x38: {  	s10 =	sld [smem:$0x3FA1]  }
0x39: {  	_ = 	snop;
	(pc) =	sbr.ind lr, $3  }
0x3a: {  	_ = 	snop  }
0x3b: {  	_ = 	snop  }
0x3c: {  	p2 =	seq.s32 s10, $0x1;
	s10 =	sld [smem:$0x3FA0]  }
0x3d: {  	_ =	shalt  }
0x3e: {  	_ =	shalt  }
0x3f: {  	_ =	shalt  }
0x40: {  	_ =	shalt  }
0x41: {  	_ =	shalt  }
0x42: {  	_ =	shalt  }
0x43: {  	_ =	shalt  }
0x44: {  	_ =	shalt  }
0x45: {  	_ =	shalt  }
0x46: {  	_ =	shalt  }
0x47: {  	_ =	shalt  }
0x48: {  	_ =	shalt  }
0x49: {  	_ =	shalt  }
0x4a: {  	_ =	shalt  }
0x4b: {  	_ =	shalt  }
0x4c: {  	_ =	shalt  }
0x4d: {  	_ =	shalt  }
0x4e: {  	_ =	shalt  }
0x4f: {  	_ =	shalt  }
0x50: {  	_ =	shalt  }
0x51: {  	_ =	shalt  }
0x52: {  	_ =	shalt  }
0x53: {  	_ =	shalt  }
0x54: {  	_ =	shalt  }
0x55: {  	_ =	shalt  }
0x56: {  	_ =	shalt  }
0x57: {  	_ =	shalt  }
0x58: {  	_ =	shalt  }
0x59: {  	_ =	shalt  }
0x5a: {  	_ =	shalt  }
0x5b: {  	_ =	shalt  }
0x5c: {  	_ =	shalt  }
0x5d: {  	_ =	shalt  }
0x5e: {  	_ =	shalt  }
0x5f: {  	_ =	shalt  }
0x60: {  	_ =	shalt  }
0x61: {  	_ =	shalt  }
0x62: {  	_ =	shalt  }
0x63: {  	_ =	shalt  }
0x64: {  	_ =	shalt  }
0x65: {  	_ =	shalt  }
0x66: {  	_ =	shalt  }
0x67: {  	_ =	shalt  }
0x68: {  	_ =	shalt  }
0x69: {  	_ =	shalt  }
0x6a: {  	_ =	shalt  }
0x6b: {  	_ =	shalt  }
0x6c: {  	_ =	shalt  }
0x6d: {  	_ =	shalt  }
0x6e: {  	_ =	shalt  }
0x6f: {  	_ =	shalt  }
0x70: {  	_ =	shalt  }
0x71: {  	_ =	shalt  }
0x72: {  	_ =	shalt  }
0x73: {  	_ =	shalt  }
0x74: {  	_ =	shalt  }
0x75: {  	_ =	shalt  }
0x76: {  	_ =	shalt  }
0x77: {  	_ =	shalt  }
0x78: {  	_ =	shalt  }
0x79: {  	_ =	shalt  }
0x7a: {  	_ =	shalt  }
0x7b: {  	_ =	shalt  }
0x7c: {  	_ =	shalt  }
0x7d: {  	_ =	shalt  }
0x7e: {  	_ =	shalt  }
0x7f: {  	_ =	shalt  }
0x80: {  	_ =	shalt  }
0x81: {  	_ =	shalt  }
0x82: {  	_ =	shalt  }
0x83: {  	_ =	shalt  }
0x84: {  	_ =	shalt  }
0x85: {  	_ =	shalt  }
0x86: {  	_ =	shalt  }
0x87: {  	_ =	shalt  }
.Lfunc_end0:
.L_simem_size_0:
called_computation.6_lowered:
.L_overlay_start_0:
0x88: {  	s2 =	sld [smem:$0x3FD9]  }
0x89: {  	s3 =	sld [smem:$0x3FFE];
	_ =	sdelay $0x1  }
0x8a: {  	s1 =	srdreg.scid  }
0x8b: {  	s0 =	sand.u32 $0x1, s1  }
0x8c: {  	s16 =	sshll.u32 s0, $0xA;
	s2 =	sadd.s32 s3, s2  }
0x8d: {  	s2 =	sadd.s32 s2, s16  }
0x8e: {  	[smem:$0x3FAC] =	sst s2  }
0x8f: {  	_ = 	snop  }
0x90: {  	(tm) =	ssettm $0x1  }
0x91: {  	s17 =	sld [smem:$0x3FFB];
	_ =	sdelay $0x3  }
0x92: {  	_ =	strace s17  }
0x93: {  	s2 =	sld [smem:$0x3FFC];
	_ =	sdelay $0x3  }
0x94: {  	_ =	strace s2  }
0x95: {  	s2 =	sld [smem:$0x3FFD];
	_ =	sdelay $0x3  }
0x96: {  	_ =	strace s2  }
0x97: {  	_ =	strace $0x8FFFFFFF  }
0x98: {  	s18 =	sld [smem:$0x3FDB];
	_ =	sdelay $0x1  }
0x99: {  	s19 =	simm.s32 $_scs_section_size  }
0x9a: {  	s4 =	simm.s32 $_size__tile_overlayer_lowered;
	s5 =	simm.s32 $_tile_overlayer_lowered  }
0x9b: {  	s22 =	simm.s32 $0x1BFF;
	s21 =	sshll.u32 s5, $0x1;
	s2 =	sadd.s32 s19, s18  }
0x9c: {  	s6 =	simm.s32 $0x0;
	s20 =	sshll.u32 s4, $0x1;
	s4 =	sadd.s32 s21, s2  }
0x9d: {  	[timem:s6], [sflag:s22] =	dma.local [hbm:s4], s20  }
0x9e: {  	_ =	swait.ge [sflag:s22], s20  }
0x9f: {  	s3 =	ssub.s32 $0x0, s20;
	[sflag:s22] =	ssyncset.done $0x0  }
0xa0: {  	[sflag:s22] =	ssyncadd.s32 s3;
	_ =	sdelay $0x1  }
0xa1: {  	s23 =	simm.s32 $0x1B8B  }
0xa2: {  	_ =	swait.ge [sflag:s23], $0x1  }
0xa3: {  	[sflag:s23] =	ssyncset.done $0x0  }
0xa4: {  	s25 =	simm.s32 $0x1B8E;
	s24 =	sld [smem:$0x3FFE];
	[sflag:s23] =	ssyncadd.s32 $0xFFFFFFFF  }
0xa5: {  	s26 =	simm.s32 $execute0_lowered;
	[smem:$0x3FD2] =	sst s25  }
0xa6: {  	s4 =	sshll.u32 s26, $0x1;
	_ =	strace $0x80000064;
	[dreg:$0x1] =	wrdreg $0xFFFFFFFF  }
0xa7: {  	s28 =	simm.s32 $_size_execute0_lowered;
	s2 =	sadd.s32 s2, s4;
	[dreg:$0x0] =	wrdreg $0x0  }
0xa8: {  	s4 =	sshll.u32 s28, $0x1;
	[dreg:$0x2] =	wrdreg s2  }
0xa9: {  	[dreg:$0x3] =	wrdreg s4  }
0xaa: {  	[dreg:$0x4] =	wrdreg $0xC0  }
0xab: {  	_ =	task [dreg:s6], $0x5FFFF  }
0xac: {  	[dreg:$0x1] =	wrdreg $0xFFFFFFFF  }
0xad: {  	[dreg:$0x0] =	wrdreg $0x60  }
0xae: {  	[dreg:$0x2] =	wrdreg s24  }
0xaf: {  	[dreg:$0x3] =	wrdreg $0x9  }
0xb0: {  	_ =	task.clear_ibuf [dreg:s6], $0x4FFFF;
	_ =	strace $0x90000064  }
0xb1: {  	s29 =	simm.s32 $0x9;
	_ =	strace $0x80000066  }
0xb2: {  	_ =	swait.ge [sflag:s29], $0x1  }
0xb3: {  	[sflag:s29] =	ssyncadd.s32 $0xFFFFFFFF  }
0xb4: {  	_ =	strace $0x90000066  }
0xb5: {  	_ =	sfence  }
0xb6: {  	s30 =	sld [smem:$0x0];
	_ =	sdelay $0x2  }
0xb7: {  	s31 =	sshll.u32 s1, $0xD;
	s1 =	sshrl.u32 s1, $0x2  }
0xb8: {  	s3 =	sand.u32 $0x4000, s31;
	s1 =	sadd.s32 s1, s30  }
0xb9: {  	s0 =	sor.u32 s3, s0;
	s1 =	sshll.u32 s1, $0x11  }
0xba: {  	s0 =	sor.u32 s1, s0  }
0xbb: {  	s0 =	sadd.s32 $0x8F2B, s0  }
0xbc: {  	[sflag:s0] =	ssyncadd.remote.s32 $0x1  }
0xbd: {  	_ =	sfence.sel $0xFFFF  }
0xbe: {  	[dreg:$0x0] =	wrdreg $0xFFFFFFFF;
	(pc) =	sbr.abs _section_cstart, $3  }
0xbf: {  	[dreg:$0x1] =	wrdreg $0xFFFFFFFF  }
0xc0: {  	_ =	task.clear_ibuf [dreg:s6], $0x2FFFF;
	_ =	strace $0x9FFFFFFF  }
0xc1: {  	(tm) =	ssettm $0x7FFFFFFF  }
tec
execute0_lowered:
.L_overlay_start_1:
0x0: {  	(tag) =	ssettag $0x1  }
0x1: {  	s2 =	rddreg [dreg:$0x0]  }
0x2: {  	s0 =	rddreg [dreg:$0x1]  }
0x3: {  	s1 =	srdreg.scid;
	_ =	strace $0x80000065;
	s4 =	simm.s32 $0x1  }
0x4: {  	s9 =	simm.s32 $0x3;
	s12 =	simm.s32 $0x0;
	s5 =	sshll.u32 s1, $0x4  }
.Ltmp0:
0x5: {  	s1 =	stileid.u32;
	s5 =	sand.u32 $0x10, s5;
	(pc) =	sbr.rel .LBB2_1-.Ltmp0, $4  }
0x6: {  	s10 =	simm.s32 $0x0;
	s3 =	sadd.s32 $0x18000, s2;
	s6 =	sor.u32 s1, s5  }
0x7: {  	[sflag:s4] =	ssyncpa.u1 $0x0;
	s5 =	simm.s32 $0x2;
	s6 =	sshll.u32 s6, $0x7  }
0x8: {  	s7 =	sadd.s32 $0x18200, s2;
	[sflag:s5] =	ssyncpa.u1 $0x0;
	s8 =	sadd.s32 $0x80, s6  }
0x9: {  	vm0 =	vmmov $0xff;
	vm1 =	vcmask $0x3F20;
	[sflag:s9] =	ssyncpa.u1 $0x0;
	s9 =	simm.s32 $0x80;
	s11 =	smov.u32 s6  }
.LBB2_9:
0xa: {  	p0 =	seq.s32 s10, $0x2  }
.Ltmp1:
0xb: {  	_ = 	snop;
	(pc) =	sbr.rel @p0 .LBB2_11-.Ltmp1, $1  }
0xc: {  	_ =	sdelay $0x3  }
.LBB2_10:
0xd: {  	s12 =	sadd.s32 $0x80, s11  }
0xe: {  	s13 =	smov.u32 s6;
	p0 =	slt.s32 s12, s8  }
0xf: {  	s13 =	smov.u32 @p0 s12  }
0x10: {  	s10 =	sadd.s32 $0x1, s10;
	s12 =	smov.u32 s11;
	s11 =	smov.u32 s13  }
.LBB2_1:
0x11: {  	p0 =	sne.s32 s10, $0x0  }
.Ltmp2:
0x12: {  	_ = 	snop;
	(pc) =	sbr.rel @!p0 .LBB2_2-.Ltmp2, $1  }
0x13: {  	_ =	sdelay $0x3  }
0x14: {  	s13 =	sand.u32 $0x1, s10  }
0x15: {  	p0 =	seq.s32 s13, $0x0  }
.Ltmp3:
0x16: {  	_ = 	snop;
	(pc) =	sbr.rel @p0 .LBB2_9-.Ltmp3, $1  }
0x17: {  	_ =	sdelay $0x3  }
0x18: {  	_ =	swait.ge [sflag:s5], $0x80  }
0x19: {  	[sflag:s5] =	ssyncset.done $0x0  }
0x1a: {  	s13 =	simm.s32 $0x0;
	[sflag:s5] =	ssyncadd.s32 $0xFFFFFF80  }
0x1b: {  	v0 =	vld.msk [tilespmem:s13+$0x80 ss:$0x1], $0xffff;
	_ =	sdelay $0x4  }
0x1c: {  	vm2 =	vgt.s32 v0, $0x0  }
0x1d: {  	v0 =	vnsel vm2, $0x0, v0  }
0x1e: {  	v0 =	vmin.u32 v0, $0x17FF  }
0x1f: {  	v0 =	vshll.u32 v0, $0x4;
	_ =	sdelay $0x3  }
0x20: {  	s13 =	simm.s32 $0x4100  }
0x21: {  	[tilespmem:s13], [sflag:$0x1] =	stream.indirect_vreg.gather [hbm:s2], $0x80, v0, vm0, $0x38;
	[tilespmem:$0x8100] =	vst v63  }
0x22: {  	s14 =	simm.s32 $0x4500;
	s31 =	simm.s32 $0x10  }
0x23: {  	[tilespmem:s14], [sflag:$0x1] =	stream.indirect_vreg.gather [hbm:s2], $0x80, v0, vm1, $0x38;
	[tilespmem:$0x8100] =	vst v63  }
0x24: {  	s14 =	simm.s32 $0x80;
	v0 =	vld.msk [tilespmem:s31+$0x80 ss:$0x1], $0xffff  }
.LBB2_5:
0x25: {  	p0 =	sne.s32 s14, $0x1C0;
	_ =	sdelay $0x4  }
0x26: {  	vm2 =	vgt.s32 v0, $0x0  }
0x27: {  	v0 =	vnsel vm2, $0x0, v0  }
0x28: {  	v0 =	vmin.u32 v0, $0x17FF  }
0x29: {  	v0 =	vshll.u32 v0, $0x4;
	_ =	sdelay $0x3  }
.Ltmp4:
0x2a: {  	s13 =	sadd.s32 $0x800, s13;
	(pc) =	sbr.rel @p0 .LBB2_5-.Ltmp4, $4  }
0x2b: {  	[tilespmem:s13], [sflag:$0x1] =	stream.indirect_vreg.gather [hbm:s2], $0x80, v0, vm0, $0x38;
	[tilespmem:$0x8100] =	vst v63  }
0x2c: {  	s15 =	sshra.s32 s14, $0x2;
	s16 =	sadd.s32 $0x400, s13  }
0x2d: {  	[tilespmem:s16], [sflag:$0x1] =	stream.indirect_vreg.gather [hbm:s2], $0x80, v0, vm1, $0x38;
	[tilespmem:$0x8100] =	vst v63  }
0x2e: {  	s14 =	sadd.s32 $0x40, s14;
	v0 =	vld.msk [tilespmem:s15+$0x80 ss:$0x1], $0xffff  }
0x2f: {  	_ =	sdelay $0x3  }
0x30: {  	vm2 =	vgt.s32 v0, $0x0  }
0x31: {  	v0 =	vnsel vm2, $0x0, v0  }
0x32: {  	v0 =	vmin.u32 v0, $0x17FF  }
0x33: {  	v0 =	vshll.u32 v0, $0x4;
	_ =	sdelay $0x3  }
0x34: {  	s13 =	sadd.s32 $0x800, s13  }
0x35: {  	[tilespmem:s13], [sflag:$0x1] =	stream.indirect_vreg.gather [hbm:s2], $0x80, v0, vm0, $0x38;
	[tilespmem:$0x8100] =	vst v63  }
0x36: {  	s13 =	sadd.s32 $0x400, s13  }
0x37: {  	[tilespmem:s13], [sflag:$0x1] =	stream.indirect_vreg.gather [hbm:s2], $0x80, v0, vm1, $0x38;
	[tilespmem:$0x8100] =	vst v63  }
0x38: {  	s12 =	sshll.u32 s12, $0x4;
	s14 =	simm.s32 $0x80;
	_ =	swait.ge [sflag:s4], $0x4000  }
0x39: {  	s15 =	simm.s32 $0x4500;
	s12 =	sadd.s32 s12, s7;
	[sflag:s4] =	ssyncset.done $0x0  }
0x3a: {  	s16 =	sadd.s32 $0x0, s12;
	s13 =	simm.s32 $0x4100;
	[sflag:s4] =	ssyncadd.s32 $0xFFFFC000  }
.LBB2_7:
0x3b: {  	[hbm:s16] =	stream.linear.scatter [tilespmem:s13], [sflag:$0x3], $0x400, $0x38;
	[tilespmem:$0x8100] =	vst v63  }
0x3c: {  	s16 =	smov.u32 s14;
	s13 =	smov.u32 s15;
	p0 =	sne.s32 s14, $0x780  }
.Ltmp5:
0x3d: {  	s14 =	sadd.s32 $0x80, s14;
	(pc) =	sbr.rel @p0 .LBB2_7-.Ltmp5, $2  }
0x3e: {  	_ =	sdelay $0x2  }
0x3f: {  	s15 =	sadd.s32 $0x400, s15;
	s16 =	sadd.s32 s16, s12  }
.Ltmp6:
0x40: {  	(pc) =	sbr.rel .LBB2_9-.Ltmp6, $2  }
0x41: {  	_ =	sdelay $0x2  }
0x42: {  	[hbm:s16] =	stream.linear.scatter [tilespmem:s13], [sflag:$0x3], $0x400, $0x38;
	[tilespmem:$0x8100] =	vst v63  }
.LBB2_2:
.Ltmp7:
0x43: {  	(pc) =	sbr.rel .LBB2_10-.Ltmp7, $4  }
0x44: {  	_ = 	snop  }
0x45: {  	s12 =	sshrl.u32 s11, $0x3  }
0x46: {  	s13 =	sand.u32 $0x7, s11;
	s12 =	sadd.s32 s3, s12  }
0x47: {  	[tilespmem:s9], [sflag:$0x2] =	stream.linear.gather [hbm4b:s12+s13], $0x80, $0x38;
	[tilespmem:$0x8100] =	vst v63  }
.LBB2_11:
0x48: {  	s2 =	simm.s32 $0x3  }
0x49: {  	_ =	swait.ge [sflag:s2], $0x4000  }
0x4a: {  	[sflag:s2] =	ssyncset.done $0x0  }
0x4b: {  	[sflag:s2] =	ssyncadd.s32 $0xFFFFC000  }
0x4c: {  	_ =	sfence.sel $0x180000  }
0x4d: {  	s3 =	simm.s32 $0x2;
	[bflag:$0x0] =	sbarrier.arrive $0xFFFF  }
0x4e: {  	[sflag:s3] =	ssyncpa.u1 $0x1  }
0x4f: {  	s31 =	simm.s32 $0x1;
	[sflag:s2] =	ssyncpa.u1 $0x1  }
0x50: {  	[sflag:s31] =	ssyncpa.u1 $0x1  }
0x51: {  	p0 =	sne.s32 s1, $0x0;
	_ =	strace $0x90000065  }
0x52: {  	s0 =	sadd.s32 @!p0 $0x100000, s0;
	[bflag:$0x2] =	sbarrier.arrive $0xFFFF  }
0x53: {  	[sflag:s0] =	ssyncadd.tile.s32 @!p0 $0x1;
	_ =	shalt  }
.Lfunc_end2:
_tile_overlayer_lowered:
.L_overlay_start_2:
0x54: {  	(tag) =	ssettag $0x2  }
0x55: {  	s0 =	rddreg [dreg:$0x0];
	s2 =	stileid.u32  }
0x56: {  	s1 =	rddreg [dreg:$0x1];
	p0 =	sne.s32 s2, $0x0  }
0x57: {  	s3 =	rddreg [dreg:$0x2];
	[bflag:$0x3] =	sbarrier.arrive $0xFFFF;
	s2 =	simm.s32 @!p0 $0x1C01  }
0x58: {  	[timem:s3], [sflag:s2] =	dma.local @!p0 [hbm:s0], s1  }
0x59: {  	s0 =	simm.s32 @!p0 $0x1  }
0x5a: {  	_ =	swait.ge @!p0 [sflag:s0], s1  }
0x5b: {  	s1 =	ssub.s32 @!p0 $0x0, s1;
	[sflag:s0] =	ssyncset.done @!p0 $0x0  }
0x5c: {  	[sflag:s0] =	ssyncadd.s32 @!p0 s1  }
0x5d: {  	[bflag:$0x3] =	sbarrier.arrive $0xFFFF  }
0x5e: {  	_ =	shalt  }

// kernel: gather_offload_async_start
scs
__scs_entry_jumppad:
0x0: {  	(pc) =	sbr.rel $0x88, $3  }
0x1: {  	(tag) =	ssettag $0x0;
	lr =	simm.s32 $0x1  }
0x2: {  	[smem:$0x3F85] =	sst lr;
	_ =	strace $0xD0000000  }
0x3: {  	_ = 	snop  }
0x4: {  	_ = 	snop  }
0x5: {  	_ = 	snop  }
0x6: {  	_ = 	snop  }
0x7: {  	_ = 	snop  }
__scs_overlays_trampoline_lowered:
0x8: {  	[smem:$0x3F94] =	sst s0  }
0x9: {  	[smem:$0x3F95] =	sst s1  }
0xa: {  	[smem:$0x3F96] =	sst s2  }
0xb: {  	[smem:$0x3F97] =	sst s3  }
0xc: {  	[smem:$0x3F98] =	sst s4  }
0xd: {  	[smem:$0x3F99] =	sst s5  }
0xe: {  	[smem:$0x3F9A] =	sst s6  }
0xf: {  	[smem:$0x3F9B] =	sst s7  }
0x10: {  	[smem:$0x3F9C] =	sst s8  }
0x11: {  	[smem:$0x3F9D] =	sst s9;
	s0 =	simm.s32 @!p0 $0x0  }
0x12: {  	s1 =	sld [smem:$0x3F83];
	s0 =	simm.s32 @p0 $0x1  }
0x13: {  	[smem:$0x3F9E] =	sst s0;
	s0 =	simm.s32 @!p1 $0x0  }
0x14: {  	s2 =	sld [smem:$0x3F82];
	s0 =	simm.s32 @p1 $0x1  }
0x15: {  	[smem:$0x3F9F] =	sst s0;
	s0 =	simm.s32 @!p2 $0x0  }
0x16: {  	s3 =	sld [smem:$0x3FDB];
	s0 =	simm.s32 @p2 $0x1  }
0x17: {  	s4 =	simm.s32 $0x1BF5;
	[smem:$0x3FA1] =	sst s0  }
0x18: {  	s0 =	sld [smem:$0x3F84];
	_ =	swait.ge [sflag:s4], $0x0  }
0x19: {  	s7 =	sld [smem:$0x3F85]  }
0x1a: {  	s8 =	sadd.s32 $0xFFFFE003, lr  }
0x1b: {  	s9 =	sadd.s32 $0xFFFFFEF7, lr;
	s5 =	simm.s32 $0xFFFFFFFF;
	p2 =	slt.u32 s8, $0xFFFFF086  }
0x1c: {  	p1 =	slt.u32 s9, $0xF7A;
	s5 =	simm.s32 @!p2 $0x0  }
0x1d: {  	s5 =	simm.s32 @p1 $0x1;
	p0 =	seq.s32 s7, s2  }
0x1e: {  	s7 =	smul.u32 @!p0 $0xF7A, s2;
	p2 =	seq.s32 @!p0 s5, $0x0  }
0x1f: {  	s9 =	smul.u32 $0xF7A, s1;
	s8 =	simm.s32 @!p0 $0x1BF5;
	p2 =	por !p2, p0  }
0x20: {  	[sflag:s8] =	ssyncset.s32 @!p0 $0xFFFFF086;
	s6 =	sadd.s32 @!p0 s3, s7;
	s7 =	simm.s32 @!p0 $0x108  }
0x21: {  	s3 =	sadd.s32 s3, s9;
	s6 =	sadd.s32 @!p0 $0x88, s6;
	s7 =	simm.s32 @p2 $0x1082  }
0x22: {  	[simem:s7], [sflag:s8] =	dma.local @!p0 [hbm:s6], $0xF7A  }
0x23: {  	s9 =	sor.u32 $0xD0000000, s2;
	s6 =	simm.s32 $0x108;
	_ =	swait.ge @!p0 [sflag:s8], $0x0  }
0x24: {  	s3 =	sadd.s32 $0x88, s3;
	s6 =	simm.s32 @!p1 $0x1082;
	[sflag:s4] =	ssyncset.s32 $0xFFFFF086  }
0x25: {  	[simem:s6], [sflag:s4] =	dma.local [hbm:s3], $0xF7A  }
0x26: {  	[smem:$0x3F85] =	sst s1;
	(tag) =	ssettag s2;
	_ =	strace s9  }
0x27: {  	s1 =	sld [smem:$0x3F95]  }
0x28: {  	s2 =	sld [smem:$0x3F96]  }
0x29: {  	s4 =	sld [smem:$0x3F98]  }
0x2a: {  	p0 =	seq.s32 s5, $0x0;
	s5 =	sld [smem:$0x3F99]  }
0x2b: {  	s6 =	sld [smem:$0x3F9A]  }
0x2c: {  	s7 =	sld [smem:$0x3F9B]  }
0x2d: {  	s3 =	simm.s32 $0x108;
	s8 =	sld [smem:$0x3F9C]  }
0x2e: {  	s3 =	simm.s32 @!p0 $0x1082;
	s9 =	sld [smem:$0x3F9D]  }
0x2f: {  	lr =	sadd.s32 s0, s3;
	s0 =	sld [smem:$0x3F94]  }
0x30: {  	s3 =	sld [smem:$0x3F97]  }
0x31: {  	[smem:$0x3FA0] =	sst s10  }
0x32: {  	s10 =	sld [smem:$0x3F9E];
	_ =	sdelay $0x3  }
0x33: {  	p0 =	seq.s32 s10, $0x1;
	s10 =	sld [smem:$0x3FA0];
	_ =	sdelay $0x3  }
0x34: {  	[smem:$0x3FA0] =	sst s10  }
0x35: {  	s10 =	sld [smem:$0x3F9F];
	_ =	sdelay $0x3  }
0x36: {  	p1 =	seq.s32 s10, $0x1;
	s10 =	sld [smem:$0x3FA0];
	_ =	sdelay $0x3  }
0x37: {  	[smem:$0x3FA0] =	sst s10  }
0x38: {  	s10 =	sld [smem:$0x3FA1]  }
0x39: {  	_ = 	snop;
	(pc) =	sbr.ind lr, $3  }
0x3a: {  	_ = 	snop  }
0x3b: {  	_ = 	snop  }
0x3c: {  	p2 =	seq.s32 s10, $0x1;
	s10 =	sld [smem:$0x3FA0]  }
0x3d: {  	_ =	shalt  }
0x3e: {  	_ =	shalt  }
0x3f: {  	_ =	shalt  }
0x40: {  	_ =	shalt  }
0x41: {  	_ =	shalt  }
0x42: {  	_ =	shalt  }
0x43: {  	_ =	shalt  }
0x44: {  	_ =	shalt  }
0x45: {  	_ =	shalt  }
0x46: {  	_ =	shalt  }
0x47: {  	_ =	shalt  }
0x48: {  	_ =	shalt  }
0x49: {  	_ =	shalt  }
0x4a: {  	_ =	shalt  }
0x4b: {  	_ =	shalt  }
0x4c: {  	_ =	shalt  }
0x4d: {  	_ =	shalt  }
0x4e: {  	_ =	shalt  }
0x4f: {  	_ =	shalt  }
0x50: {  	_ =	shalt  }
0x51: {  	_ =	shalt  }
0x52: {  	_ =	shalt  }
0x53: {  	_ =	shalt  }
0x54: {  	_ =	shalt  }
0x55: {  	_ =	shalt  }
0x56: {  	_ =	shalt  }
0x57: {  	_ =	shalt  }
0x58: {  	_ =	shalt  }
0x59: {  	_ =	shalt  }
0x5a: {  	_ =	shalt  }
0x5b: {  	_ =	shalt  }
0x5c: {  	_ =	shalt  }
0x5d: {  	_ =	shalt  }
0x5e: {  	_ =	shalt  }
0x5f: {  	_ =	shalt  }
0x60: {  	_ =	shalt  }
0x61: {  	_ =	shalt  }
0x62: {  	_ =	shalt  }
0x63: {  	_ =	shalt  }
0x64: {  	_ =	shalt  }
0x65: {  	_ =	shalt  }
0x66: {  	_ =	shalt  }
0x67: {  	_ =	shalt  }
0x68: {  	_ =	shalt  }
0x69: {  	_ =	shalt  }
0x6a: {  	_ =	shalt  }
0x6b: {  	_ =	shalt  }
0x6c: {  	_ =	shalt  }
0x6d: {  	_ =	shalt  }
0x6e: {  	_ =	shalt  }
0x6f: {  	_ =	shalt  }
0x70: {  	_ =	shalt  }
0x71: {  	_ =	shalt  }
0x72: {  	_ =	shalt  }
0x73: {  	_ =	shalt  }
0x74: {  	_ =	shalt  }
0x75: {  	_ =	shalt  }
0x76: {  	_ =	shalt  }
0x77: {  	_ =	shalt  }
0x78: {  	_ =	shalt  }
0x79: {  	_ =	shalt  }
0x7a: {  	_ =	shalt  }
0x7b: {  	_ =	shalt  }
0x7c: {  	_ =	shalt  }
0x7d: {  	_ =	shalt  }
0x7e: {  	_ =	shalt  }
0x7f: {  	_ =	shalt  }
0x80: {  	_ =	shalt  }
0x81: {  	_ =	shalt  }
0x82: {  	_ =	shalt  }
0x83: {  	_ =	shalt  }
0x84: {  	_ =	shalt  }
0x85: {  	_ =	shalt  }
0x86: {  	_ =	shalt  }
0x87: {  	_ =	shalt  }
.Lfunc_end0:
.L_simem_size_0:
called_computation_lowered:
.L_overlay_start_0:
0x88: {  	s2 =	sld [smem:$0x3FD9]  }
0x89: {  	s3 =	sld [smem:$0x3FFE];
	_ =	sdelay $0x1  }
0x8a: {  	s1 =	srdreg.scid  }
0x8b: {  	s0 =	sand.u32 $0x1, s1  }
0x8c: {  	s16 =	sshll.u32 s0, $0xA;
	s2 =	sadd.s32 s3, s2  }
0x8d: {  	s2 =	sadd.s32 s2, s16  }
0x8e: {  	[smem:$0x3FAC] =	sst s2  }
0x8f: {  	_ = 	snop  }
0x90: {  	(tm) =	ssettm $0x1  }
0x91: {  	s17 =	sld [smem:$0x3FFB];
	_ =	sdelay $0x3  }
0x92: {  	_ =	strace s17  }
0x93: {  	s2 =	sld [smem:$0x3FFC];
	_ =	sdelay $0x3  }
0x94: {  	_ =	strace s2  }
0x95: {  	s2 =	sld [smem:$0x3FFD];
	_ =	sdelay $0x3  }
0x96: {  	_ =	strace s2  }
0x97: {  	_ =	strace $0x8FFFFFFF  }
0x98: {  	s18 =	sld [smem:$0x3FDB];
	_ =	sdelay $0x1  }
0x99: {  	s19 =	simm.s32 $_scs_section_size  }
0x9a: {  	s4 =	simm.s32 $_size__tile_overlayer_lowered;
	s5 =	simm.s32 $_tile_overlayer_lowered  }
0x9b: {  	s22 =	simm.s32 $0x1BFF;
	s21 =	sshll.u32 s5, $0x1;
	s2 =	sadd.s32 s19, s18  }
0x9c: {  	s6 =	simm.s32 $0x0;
	s20 =	sshll.u32 s4, $0x1;
	s4 =	sadd.s32 s21, s2  }
0x9d: {  	[timem:s6], [sflag:s22] =	dma.local [hbm:s4], s20  }
0x9e: {  	_ =	swait.ge [sflag:s22], s20  }
0x9f: {  	s3 =	ssub.s32 $0x0, s20;
	[sflag:s22] =	ssyncset.done $0x0  }
0xa0: {  	[sflag:s22] =	ssyncadd.s32 s3;
	_ =	sdelay $0x1  }
0xa1: {  	s23 =	simm.s32 $0x1B8B  }
0xa2: {  	_ =	swait.ge [sflag:s23], $0x1  }
0xa3: {  	[sflag:s23] =	ssyncset.done $0x0  }
0xa4: {  	s25 =	simm.s32 $0x1B8E;
	s24 =	sld [smem:$0x3FFE];
	[sflag:s23] =	ssyncadd.s32 $0xFFFFFFFF  }
0xa5: {  	s26 =	simm.s32 $execute0_lowered;
	[smem:$0x3FD2] =	sst s25  }
0xa6: {  	s4 =	sshll.u32 s26, $0x1;
	_ =	strace $0x80000049;
	[dreg:$0x1] =	wrdreg $0xFFFFFFFF  }
0xa7: {  	s28 =	simm.s32 $_size_execute0_lowered;
	s2 =	sadd.s32 s2, s4;
	[dreg:$0x0] =	wrdreg $0x0  }
0xa8: {  	s4 =	sshll.u32 s28, $0x1;
	[dreg:$0x2] =	wrdreg s2  }
0xa9: {  	[dreg:$0x3] =	wrdreg s4  }
0xaa: {  	[dreg:$0x4] =	wrdreg $0xC0  }
0xab: {  	_ =	task [dreg:s6], $0x5FFFF  }
0xac: {  	[dreg:$0x1] =	wrdreg $0xFFFFFFFF  }
0xad: {  	[dreg:$0x0] =	wrdreg $0x60  }
0xae: {  	[dreg:$0x2] =	wrdreg s24  }
0xaf: {  	[dreg:$0x3] =	wrdreg $0x9  }
0xb0: {  	_ =	task.clear_ibuf [dreg:s6], $0x4FFFF;
	_ =	strace $0x90000049  }
0xb1: {  	s29 =	simm.s32 $0x9;
	_ =	strace $0x8000004B  }
0xb2: {  	_ =	swait.ge [sflag:s29], $0x1  }
0xb3: {  	[sflag:s29] =	ssyncadd.s32 $0xFFFFFFFF  }
0xb4: {  	_ =	strace $0x9000004B  }
0xb5: {  	_ =	sfence  }
0xb6: {  	s30 =	sld [smem:$0x0];
	_ =	sdelay $0x2  }
0xb7: {  	s31 =	sshll.u32 s1, $0xD;
	s1 =	sshrl.u32 s1, $0x2  }
0xb8: {  	s3 =	sand.u32 $0x4000, s31;
	s1 =	sadd.s32 s1, s30  }
0xb9: {  	s0 =	sor.u32 s3, s0;
	s1 =	sshll.u32 s1, $0x11  }
0xba: {  	s0 =	sor.u32 s1, s0  }
0xbb: {  	s0 =	sadd.s32 $0x8F2B, s0  }
0xbc: {  	[sflag:s0] =	ssyncadd.remote.s32 $0x1  }
0xbd: {  	_ =	sfence.sel $0xFFFF  }
0xbe: {  	[dreg:$0x0] =	wrdreg $0xFFFFFFFF;
	(pc) =	sbr.abs _section_cstart, $3  }
0xbf: {  	[dreg:$0x1] =	wrdreg $0xFFFFFFFF  }
0xc0: {  	_ =	task.clear_ibuf [dreg:s6], $0x2FFFF;
	_ =	strace $0x9FFFFFFF  }
0xc1: {  	(tm) =	ssettm $0x7FFFFFFF  }
tec
execute0_lowered:
.L_overlay_start_1:
0x0: {  	(tag) =	ssettag $0x1  }
0x1: {  	s0 =	srdreg.scid  }
0x2: {  	s1 =	sshll.u32 s0, $0x4  }
0x3: {  	s0 =	stileid.u32;
	s1 =	sand.u32 $0x10, s1  }
0x4: {  	s1 =	sor.u32 s0, s1  }
0x5: {  	s2 =	smin.u32 s1, $0x12  }
0x6: {  	s2 =	sadd.s32 s1, s2  }
0x7: {  	p0 =	slt.u32 s1, $0x12;
	s1 =	simm.s32 $0x140;
	s2 =	smul.u32 $0xA0, s2  }
0x8: {  	s1 =	simm.s32 @!p0 $0xA0  }
0x9: {  	s1 =	sadd.s32 s1, s2  }
0xa: {  	s3 =	smin.u32 s1, $0x1F40  }
0xb: {  	s7 =	ssub.s32 s3, s2  }
0xc: {  	p0 =	sgt.s32 s7, $0x0  }
0xd: {  	s7 =	simm.s32 @!p0 $0x0  }
0xe: {  	s31 =	smul.u32 $0xCCCD, s7  }
0xf: {  	s9 =	rddreg [dreg:$0x0];
	s6 =	simm.s32 $0x1;
	s11 =	simm.s32 $0x3  }
0x10: {  	s13 =	simm.s32 $0x0;
	s12 =	simm.s32 $0x0;
	s8 =	sshrl.u32 s31, $0x17  }
0x11: {  	s4 =	sadd.s32 $0x13C00, s9;
	s5 =	sadd.s32 $0x3BC00, s9;
	s10 =	smul.u32 $0xA0, s8  }
.Ltmp0:
0x12: {  	s9 =	sadd.s32 $0x3C000, s9;
	s1 =	rddreg [dreg:$0x1];
	(pc) =	sbr.rel .LBB2_1-.Ltmp0, $4  }
0x13: {  	_ =	strace $0x8000004A;
	p0 =	sne.s32 s7, s10;
	s10 =	simm.s32 $0x1  }
0x14: {  	[sflag:s6] =	ssyncpa.u1 $0x0;
	s7 =	simm.s32 $0x2;
	s10 =	simm.s32 @!p0 $0x0  }
0x15: {  	[sflag:s7] =	ssyncpa.u1 $0x0;
	p0 =	por $0x0, $0x0;
	s8 =	sadd.s32 s8, s10  }
0x16: {  	vm0 =	vmmov $0xff;
	vm1 =	vcmask $0x3F20;
	[sflag:s11] =	ssyncpa.u1 $0x0;
	s11 =	smov.u32 s2;
	s10 =	sadd.s32 $0x1, s8  }
.LBB2_6:
0x17: {  	[hbm:s17] =	stream.linear.scatter [tilespmem:s14], [sflag:$0x3], $0x400, $0x38;
	[tilespmem:$0xA140] =	vst v63  }
.LBB2_7:
0x18: {  	s13 =	sadd.s32 $0xA0, s11  }
0x19: {  	s15 =	smov.u32 s2;
	p2 =	slt.s32 s13, s3  }
0x1a: {  	s15 =	smov.u32 @p2 s13;
	p2 =	sne.s32 s12, s10  }
.Ltmp1:
0x1b: {  	p1 =	slt.u32 s12, $0x2;
	(pc) =	sbr.rel @!p2 .LBB2_8-.Ltmp1, $4  }
0x1c: {  	s14 =	simm.s32 @!p1 $0x3  }
0x1d: {  	s16 =	sadd.s32 $0x1, s12;
	_ =	swait.ge @!p1 [sflag:s14], $0x5000  }
0x1e: {  	p0 =	por !p0, !p0;
	s13 =	smov.u32 s11;
	[sflag:s14] =	ssyncset.done @!p1 $0x0  }
0x1f: {  	s12 =	smov.u32 s16;
	s11 =	smov.u32 s15;
	[sflag:s14] =	ssyncadd.s32 @!p1 $0xFFFFB000  }
.LBB2_1:
0x20: {  	p1 =	sge.u32 s12, s8  }
0x21: {  	s14 =	sxor.u32 @!p1 $0xFFFFFFFF, s12  }
0x22: {  	s14 =	sand.u32 @!p1 $0x1, s14  }
0x23: {  	s14 =	smul.u32 @!p1 $0x280, s14  }
0x24: {  	s31 =	sadd.s32 $0xFFFFFFFF, s12;
	s15 =	sshrl.u32 @!p1 s11, $0x3  }
0x25: {  	s16 =	sand.u32 @!p1 $0x7, s11;
	s15 =	sadd.s32 @!p1 s5, s15;
	s14 =	sshrl.u32 @!p1 s14, $0x2  }
0x26: {  	[tilespmem:s14], [sflag:$0x2] =	stream.linear.gather @!p1 [hbm4b:s15+s16], $0xA0, $0x38;
	[tilespmem:$0xA140] =	vst v63  }
0x27: {  	p1 =	sge.u32 s31, s8  }
.Ltmp2:
0x28: {  	_ = 	snop;
	(pc) =	sbr.rel @p1 .LBB2_7-.Ltmp2, $1  }
0x29: {  	_ =	sdelay $0x3  }
0x2a: {  	s14 =	simm.s32 $0x1  }
0x2b: {  	s14 =	simm.s32 @!p0 $0x0  }
0x2c: {  	s15 =	smul.u32 $0x280, s14  }
0x2d: {  	_ =	swait.ge [sflag:s7], $0xA0  }
0x2e: {  	[sflag:s7] =	ssyncset.done $0x0;
	s16 =	sshrl.u32 s15, $0x2  }
0x2f: {  	[sflag:s7] =	ssyncadd.s32 $0xFFFFFF60;
	s15 =	sadd.s32 $0x0, s16  }
0x30: {  	v0 =	vld.msk [tilespmem:s15+$0x0 ss:$0x1], $0xffff;
	_ =	sdelay $0x4  }
0x31: {  	vm2 =	vgt.s32 v0, $0x0  }
0x32: {  	v0 =	vnsel vm2, $0x0, v0  }
0x33: {  	v0 =	vmin.u32 v0, $0x27FF  }
0x34: {  	v0 =	vshll.u32 v0, $0x4  }
0x35: {  	s14 =	smul.u32 $0x14000, s14;
	_ =	sdelay $0x1  }
0x36: {  	s14 =	sshrl.u32 s14, $0x2  }
0x37: {  	s14 =	sor.u32 $0x140, s14  }
0x38: {  	[tilespmem:s14], [sflag:$0x1] =	stream.indirect_vreg.gather [hbm:s4], $0x80, v0, vm0, $0x38;
	[tilespmem:$0xA140] =	vst v63  }
0x39: {  	s17 =	sadd.s32 $0x10, s16;
	s15 =	sadd.s32 $0x400, s14  }
0x3a: {  	[tilespmem:s15], [sflag:$0x1] =	stream.indirect_vreg.gather [hbm:s4], $0x80, v0, vm1, $0x38;
	[tilespmem:$0xA140] =	vst v63  }
0x3b: {  	s18 =	simm.s32 $0x80;
	v0 =	vld.msk [tilespmem:s17+$0x0 ss:$0x1], $0xffff;
	s17 =	smov.u32 s14  }
.LBB2_3:
0x3c: {  	p1 =	sne.s32 s18, $0x240;
	_ =	sdelay $0x4  }
0x3d: {  	vm2 =	vgt.s32 v0, $0x0  }
0x3e: {  	v0 =	vnsel vm2, $0x0, v0  }
0x3f: {  	v0 =	vmin.u32 v0, $0x27FF  }
0x40: {  	v0 =	vshll.u32 v0, $0x4;
	_ =	sdelay $0x3  }
.Ltmp3:
0x41: {  	s19 =	sshra.s32 s18, $0x2;
	s17 =	sadd.s32 $0x800, s17;
	(pc) =	sbr.rel @p1 .LBB2_3-.Ltmp3, $4  }
0x42: {  	[tilespmem:s17], [sflag:$0x1] =	stream.indirect_vreg.gather [hbm:s4], $0x80, v0, vm0, $0x38;
	[tilespmem:$0xA140] =	vst v63  }
0x43: {  	s19 =	sadd.s32 s19, s16;
	s20 =	sadd.s32 $0x400, s17  }
0x44: {  	[tilespmem:s20], [sflag:$0x1] =	stream.indirect_vreg.gather [hbm:s4], $0x80, v0, vm1, $0x38;
	[tilespmem:$0xA140] =	vst v63  }
0x45: {  	s18 =	sadd.s32 $0x40, s18;
	v0 =	vld.msk [tilespmem:s19+$0x0 ss:$0x1], $0xffff  }
0x46: {  	_ =	sdelay $0x3  }
0x47: {  	vm2 =	vgt.s32 v0, $0x0  }
0x48: {  	v0 =	vnsel vm2, $0x0, v0  }
0x49: {  	v0 =	vmin.u32 v0, $0x27FF  }
0x4a: {  	v0 =	vshll.u32 v0, $0x4;
	_ =	sdelay $0x3  }
0x4b: {  	s16 =	sadd.s32 $0x800, s17  }
0x4c: {  	[tilespmem:s16], [sflag:$0x1] =	stream.indirect_vreg.gather [hbm:s4], $0x80, v0, vm0, $0x38;
	[tilespmem:$0xA140] =	vst v63  }
0x4d: {  	s16 =	sadd.s32 $0x400, s16  }
0x4e: {  	[tilespmem:s16], [sflag:$0x1] =	stream.indirect_vreg.gather [hbm:s4], $0x80, v0, vm1, $0x38;
	[tilespmem:$0xA140] =	vst v63  }
0x4f: {  	s13 =	sshll.u32 s13, $0x4;
	_ =	swait.ge [sflag:s6], $0x5000  }
0x50: {  	s13 =	sadd.s32 s13, s9;
	[sflag:s6] =	ssyncset.done $0x0  }
0x51: {  	s17 =	sadd.s32 $0x0, s13;
	s16 =	simm.s32 $0x80;
	[sflag:s6] =	ssyncadd.s32 $0xFFFFB000  }
.LBB2_5:
0x52: {  	[hbm:s17] =	stream.linear.scatter [tilespmem:s14], [sflag:$0x3], $0x400, $0x38;
	[tilespmem:$0xA140] =	vst v63  }
0x53: {  	s17 =	smov.u32 s16;
	s14 =	smov.u32 s15;
	p1 =	sne.s32 s16, $0x980  }
.Ltmp4:
0x54: {  	s16 =	sadd.s32 $0x80, s16;
	(pc) =	sbr.rel @p1 .LBB2_5-.Ltmp4, $2  }
0x55: {  	_ =	sdelay $0x2  }
0x56: {  	s15 =	sadd.s32 $0x400, s15;
	s17 =	sadd.s32 s17, s13  }
.Ltmp5:
0x57: {  	_ = 	snop;
	(pc) =	sbr.rel .LBB2_6-.Ltmp5, $1  }
0x58: {  	_ =	sdelay $0x3  }
.LBB2_8:
0x59: {  	_ =	sfence.sel $0x180000  }
0x5a: {  	s2 =	simm.s32 $0x2;
	[bflag:$0x0] =	sbarrier.arrive $0xFFFF  }
0x5b: {  	s30 =	simm.s32 $0x3;
	[sflag:s2] =	ssyncpa.u1 $0x1  }
0x5c: {  	s31 =	simm.s32 $0x1;
	[sflag:s30] =	ssyncpa.u1 $0x1  }
0x5d: {  	[sflag:s31] =	ssyncpa.u1 $0x1  }
0x5e: {  	p0 =	sne.s32 s0, $0x0;
	_ =	strace $0x9000004A  }
0x5f: {  	s0 =	sadd.s32 @!p0 $0x100000, s1;
	[bflag:$0x2] =	sbarrier.arrive $0xFFFF  }
0x60: {  	[sflag:s0] =	ssyncadd.tile.s32 @!p0 $0x1;
	_ =	shalt  }
.Lfunc_end2:
_tile_overlayer_lowered:
.L_overlay_start_2:
0x61: {  	(tag) =	ssettag $0x2  }
0x62: {  	s0 =	rddreg [dreg:$0x0];
	s2 =	stileid.u32  }
0x63: {  	s1 =	rddreg [dreg:$0x1];
	p0 =	sne.s32 s2, $0x0  }
0x64: {  	s3 =	rddreg [dreg:$0x2];
	[bflag:$0x3] =	sbarrier.arrive $0xFFFF;
	s2 =	simm.s32 @!p0 $0x1C01  }
0x65: {  	[timem:s3], [sflag:s2] =	dma.local @!p0 [hbm:s0], s1  }
0x66: {  	s0 =	simm.s32 @!p0 $0x1  }
0x67: {  	_ =	swait.ge @!p0 [sflag:s0], s1  }
0x68: {  	s1 =	ssub.s32 @!p0 $0x0, s1;
	[sflag:s0] =	ssyncset.done @!p0 $0x0  }
0x69: {  	[sflag:s0] =	ssyncadd.s32 @!p0 s1  }
0x6a: {  	[bflag:$0x3] =	sbarrier.arrive $0xFFFF  }
0x6b: {  	_ =	shalt  }

// kernel: gin_agg_10001_0.3.cloned.1.call-start
scs
__scs_entry_jumppad:
0x0: {  	(pc) =	sbr.rel $0x88, $3  }
0x1: {  	(tag) =	ssettag $0x0;
	lr =	simm.s32 $0x1  }
0x2: {  	[smem:$0x3F85] =	sst lr;
	_ =	strace $0xD0000000  }
0x3: {  	_ = 	snop  }
0x4: {  	_ = 	snop  }
0x5: {  	_ = 	snop  }
0x6: {  	_ = 	snop  }
0x7: {  	_ = 	snop  }
__scs_overlays_trampoline_lowered:
0x8: {  	[smem:$0x3F94] =	sst s0  }
0x9: {  	[smem:$0x3F95] =	sst s1  }
0xa: {  	[smem:$0x3F96] =	sst s2  }
0xb: {  	[smem:$0x3F97] =	sst s3  }
0xc: {  	[smem:$0x3F98] =	sst s4  }
0xd: {  	[smem:$0x3F99] =	sst s5  }
0xe: {  	[smem:$0x3F9A] =	sst s6  }
0xf: {  	[smem:$0x3F9B] =	sst s7  }
0x10: {  	[smem:$0x3F9C] =	sst s8  }
0x11: {  	[smem:$0x3F9D] =	sst s9;
	s0 =	simm.s32 @!p0 $0x0  }
0x12: {  	s1 =	sld [smem:$0x3F83];
	s0 =	simm.s32 @p0 $0x1  }
0x13: {  	[smem:$0x3F9E] =	sst s0;
	s0 =	simm.s32 @!p1 $0x0  }
0x14: {  	s2 =	sld [smem:$0x3F82];
	s0 =	simm.s32 @p1 $0x1  }
0x15: {  	[smem:$0x3F9F] =	sst s0;
	s0 =	simm.s32 @!p2 $0x0  }
0x16: {  	s3 =	sld [smem:$0x3FDB];
	s0 =	simm.s32 @p2 $0x1  }
0x17: {  	s4 =	simm.s32 $0x1BF5;
	[smem:$0x3FA1] =	sst s0  }
0x18: {  	s0 =	sld [smem:$0x3F84];
	_ =	swait.ge [sflag:s4], $0x0  }
0x19: {  	s7 =	sld [smem:$0x3F85]  }
0x1a: {  	s8 =	sadd.s32 $0xFFFFE003, lr  }
0x1b: {  	s9 =	sadd.s32 $0xFFFFFEF7, lr;
	s5 =	simm.s32 $0xFFFFFFFF;
	p2 =	slt.u32 s8, $0xFFFFF086  }
0x1c: {  	p1 =	slt.u32 s9, $0xF7A;
	s5 =	simm.s32 @!p2 $0x0  }
0x1d: {  	s5 =	simm.s32 @p1 $0x1;
	p0 =	seq.s32 s7, s2  }
0x1e: {  	s7 =	smul.u32 @!p0 $0xF7A, s2;
	p2 =	seq.s32 @!p0 s5, $0x0  }
0x1f: {  	s9 =	smul.u32 $0xF7A, s1;
	s8 =	simm.s32 @!p0 $0x1BF5;
	p2 =	por !p2, p0  }
0x20: {  	[sflag:s8] =	ssyncset.s32 @!p0 $0xFFFFF086;
	s6 =	sadd.s32 @!p0 s3, s7;
	s7 =	simm.s32 @!p0 $0x108  }
0x21: {  	s3 =	sadd.s32 s3, s9;
	s6 =	sadd.s32 @!p0 $0x88, s6;
	s7 =	simm.s32 @p2 $0x1082  }
0x22: {  	[simem:s7], [sflag:s8] =	dma.local @!p0 [hbm:s6], $0xF7A  }
0x23: {  	s9 =	sor.u32 $0xD0000000, s2;
	s6 =	simm.s32 $0x108;
	_ =	swait.ge @!p0 [sflag:s8], $0x0  }
0x24: {  	s3 =	sadd.s32 $0x88, s3;
	s6 =	simm.s32 @!p1 $0x1082;
	[sflag:s4] =	ssyncset.s32 $0xFFFFF086  }
0x25: {  	[simem:s6], [sflag:s4] =	dma.local [hbm:s3], $0xF7A  }
0x26: {  	[smem:$0x3F85] =	sst s1;
	(tag) =	ssettag s2;
	_ =	strace s9  }
0x27: {  	s1 =	sld [smem:$0x3F95]  }
0x28: {  	s2 =	sld [smem:$0x3F96]  }
0x29: {  	s4 =	sld [smem:$0x3F98]  }
0x2a: {  	p0 =	seq.s32 s5, $0x0;
	s5 =	sld [smem:$0x3F99]  }
0x2b: {  	s6 =	sld [smem:$0x3F9A]  }
0x2c: {  	s7 =	sld [smem:$0x3F9B]  }
0x2d: {  	s3 =	simm.s32 $0x108;
	s8 =	sld [smem:$0x3F9C]  }
0x2e: {  	s3 =	simm.s32 @!p0 $0x1082;
	s9 =	sld [smem:$0x3F9D]  }
0x2f: {  	lr =	sadd.s32 s0, s3;
	s0 =	sld [smem:$0x3F94]  }
0x30: {  	s3 =	sld [smem:$0x3F97]  }
0x31: {  	[smem:$0x3FA0] =	sst s10  }
0x32: {  	s10 =	sld [smem:$0x3F9E];
	_ =	sdelay $0x3  }
0x33: {  	p0 =	seq.s32 s10, $0x1;
	s10 =	sld [smem:$0x3FA0];
	_ =	sdelay $0x3  }
0x34: {  	[smem:$0x3FA0] =	sst s10  }
0x35: {  	s10 =	sld [smem:$0x3F9F];
	_ =	sdelay $0x3  }
0x36: {  	p1 =	seq.s32 s10, $0x1;
	s10 =	sld [smem:$0x3FA0];
	_ =	sdelay $0x3  }
0x37: {  	[smem:$0x3FA0] =	sst s10  }
0x38: {  	s10 =	sld [smem:$0x3FA1]  }
0x39: {  	_ = 	snop;
	(pc) =	sbr.ind lr, $3  }
0x3a: {  	_ = 	snop  }
0x3b: {  	_ = 	snop  }
0x3c: {  	p2 =	seq.s32 s10, $0x1;
	s10 =	sld [smem:$0x3FA0]  }
0x3d: {  	_ =	shalt  }
0x3e: {  	_ =	shalt  }
0x3f: {  	_ =	shalt  }
0x40: {  	_ =	shalt  }
0x41: {  	_ =	shalt  }
0x42: {  	_ =	shalt  }
0x43: {  	_ =	shalt  }
0x44: {  	_ =	shalt  }
0x45: {  	_ =	shalt  }
0x46: {  	_ =	shalt  }
0x47: {  	_ =	shalt  }
0x48: {  	_ =	shalt  }
0x49: {  	_ =	shalt  }
0x4a: {  	_ =	shalt  }
0x4b: {  	_ =	shalt  }
0x4c: {  	_ =	shalt  }
0x4d: {  	_ =	shalt  }
0x4e: {  	_ =	shalt  }
0x4f: {  	_ =	shalt  }
0x50: {  	_ =	shalt  }
0x51: {  	_ =	shalt  }
0x52: {  	_ =	shalt  }
0x53: {  	_ =	shalt  }
0x54: {  	_ =	shalt  }
0x55: {  	_ =	shalt  }
0x56: {  	_ =	shalt  }
0x57: {  	_ =	shalt  }
0x58: {  	_ =	shalt  }
0x59: {  	_ =	shalt  }
0x5a: {  	_ =	shalt  }
0x5b: {  	_ =	shalt  }
0x5c: {  	_ =	shalt  }
0x5d: {  	_ =	shalt  }
0x5e: {  	_ =	shalt  }
0x5f: {  	_ =	shalt  }
0x60: {  	_ =	shalt  }
0x61: {  	_ =	shalt  }
0x62: {  	_ =	shalt  }
0x63: {  	_ =	shalt  }
0x64: {  	_ =	shalt  }
0x65: {  	_ =	shalt  }
0x66: {  	_ =	shalt  }
0x67: {  	_ =	shalt  }
0x68: {  	_ =	shalt  }
0x69: {  	_ =	shalt  }
0x6a: {  	_ =	shalt  }
0x6b: {  	_ =	shalt  }
0x6c: {  	_ =	shalt  }
0x6d: {  	_ =	shalt  }
0x6e: {  	_ =	shalt  }
0x6f: {  	_ =	shalt  }
0x70: {  	_ =	shalt  }
0x71: {  	_ =	shalt  }
0x72: {  	_ =	shalt  }
0x73: {  	_ =	shalt  }
0x74: {  	_ =	shalt  }
0x75: {  	_ =	shalt  }
0x76: {  	_ =	shalt  }
0x77: {  	_ =	shalt  }
0x78: {  	_ =	shalt  }
0x79: {  	_ =	shalt  }
0x7a: {  	_ =	shalt  }
0x7b: {  	_ =	shalt  }
0x7c: {  	_ =	shalt  }
0x7d: {  	_ =	shalt  }
0x7e: {  	_ =	shalt  }
0x7f: {  	_ =	shalt  }
0x80: {  	_ =	shalt  }
0x81: {  	_ =	shalt  }
0x82: {  	_ =	shalt  }
0x83: {  	_ =	shalt  }
0x84: {  	_ =	shalt  }
0x85: {  	_ =	shalt  }
0x86: {  	_ =	shalt  }
0x87: {  	_ =	shalt  }
.Lfunc_end0:
.L_simem_size_0:
called_computation.7_lowered:
.L_overlay_start_0:
0x88: {  	s2 =	sld [smem:$0x3FD9]  }
0x89: {  	s3 =	sld [smem:$0x3FFE];
	_ =	sdelay $0x1  }
0x8a: {  	s1 =	srdreg.scid  }
0x8b: {  	s0 =	sand.u32 $0x1, s1  }
0x8c: {  	s16 =	sshll.u32 s0, $0xA;
	s2 =	sadd.s32 s3, s2  }
0x8d: {  	s2 =	sadd.s32 s2, s16  }
0x8e: {  	[smem:$0x3FAC] =	sst s2  }
0x8f: {  	_ = 	snop  }
0x90: {  	(tm) =	ssettm $0x1  }
0x91: {  	s17 =	sld [smem:$0x3FFB];
	_ =	sdelay $0x3  }
0x92: {  	_ =	strace s17  }
0x93: {  	s2 =	sld [smem:$0x3FFC];
	_ =	sdelay $0x3  }
0x94: {  	_ =	strace s2  }
0x95: {  	s2 =	sld [smem:$0x3FFD];
	_ =	sdelay $0x3  }
0x96: {  	_ =	strace s2  }
0x97: {  	_ =	strace $0x8FFFFFFF  }
0x98: {  	s18 =	sld [smem:$0x3FDB];
	_ =	sdelay $0x1  }
0x99: {  	s19 =	simm.s32 $_scs_section_size  }
0x9a: {  	s4 =	simm.s32 $_size__tile_overlayer_lowered;
	s5 =	simm.s32 $_tile_overlayer_lowered  }
0x9b: {  	s22 =	simm.s32 $0x1BFF;
	s21 =	sshll.u32 s5, $0x1;
	s2 =	sadd.s32 s19, s18  }
0x9c: {  	s6 =	simm.s32 $0x0;
	s20 =	sshll.u32 s4, $0x1;
	s4 =	sadd.s32 s21, s2  }
0x9d: {  	[timem:s6], [sflag:s22] =	dma.local [hbm:s4], s20  }
0x9e: {  	_ =	swait.ge [sflag:s22], s20  }
0x9f: {  	s3 =	ssub.s32 $0x0, s20;
	[sflag:s22] =	ssyncset.done $0x0  }
0xa0: {  	[sflag:s22] =	ssyncadd.s32 s3;
	_ =	sdelay $0x1  }
0xa1: {  	s23 =	simm.s32 $0x1B8B  }
0xa2: {  	_ =	swait.ge [sflag:s23], $0x1  }
0xa3: {  	[sflag:s23] =	ssyncset.done $0x0  }
0xa4: {  	s25 =	simm.s32 $0x1B8E;
	s24 =	sld [smem:$0x3FFE];
	[sflag:s23] =	ssyncadd.s32 $0xFFFFFFFF  }
0xa5: {  	s26 =	simm.s32 $execute0_lowered;
	[smem:$0x3FD2] =	sst s25  }
0xa6: {  	s4 =	sshll.u32 s26, $0x1;
	_ =	strace $0x80000046;
	[dreg:$0x1] =	wrdreg $0xFFFFFFFF  }
0xa7: {  	s28 =	simm.s32 $_size_execute0_lowered;
	s2 =	sadd.s32 s2, s4;
	[dreg:$0x0] =	wrdreg $0x0  }
0xa8: {  	s4 =	sshll.u32 s28, $0x1;
	[dreg:$0x2] =	wrdreg s2  }
0xa9: {  	[dreg:$0x3] =	wrdreg s4  }
0xaa: {  	[dreg:$0x4] =	wrdreg $0xC0  }
0xab: {  	_ =	task [dreg:s6], $0x5FFFF  }
0xac: {  	[dreg:$0x1] =	wrdreg $0xFFFFFFFF  }
0xad: {  	[dreg:$0x0] =	wrdreg $0x60  }
0xae: {  	[dreg:$0x2] =	wrdreg s24  }
0xaf: {  	[dreg:$0x3] =	wrdreg $0x61000  }
0xb0: {  	[dreg:$0x4] =	wrdreg $0x9  }
0xb1: {  	_ =	task.clear_ibuf [dreg:s6], $0x5FFFF;
	_ =	strace $0x90000046  }
0xb2: {  	s29 =	simm.s32 $0x9;
	_ =	strace $0x80000048  }
0xb3: {  	_ =	swait.ge [sflag:s29], $0x1  }
0xb4: {  	[sflag:s29] =	ssyncadd.s32 $0xFFFFFFFF  }
0xb5: {  	_ =	strace $0x90000048  }
0xb6: {  	_ =	sfence  }
0xb7: {  	s30 =	sld [smem:$0x0];
	_ =	sdelay $0x2  }
0xb8: {  	s31 =	sshll.u32 s1, $0xD;
	s1 =	sshrl.u32 s1, $0x2  }
0xb9: {  	s3 =	sand.u32 $0x4000, s31;
	s1 =	sadd.s32 s1, s30  }
0xba: {  	s0 =	sor.u32 s3, s0;
	s1 =	sshll.u32 s1, $0x11  }
0xbb: {  	s0 =	sor.u32 s1, s0  }
0xbc: {  	s0 =	sadd.s32 $0x8F2B, s0  }
0xbd: {  	[sflag:s0] =	ssyncadd.remote.s32 $0x1  }
0xbe: {  	_ =	sfence.sel $0xFFFF  }
0xbf: {  	[dreg:$0x0] =	wrdreg $0xFFFFFFFF;
	(pc) =	sbr.abs _section_cstart, $3  }
0xc0: {  	[dreg:$0x1] =	wrdreg $0xFFFFFFFF  }
0xc1: {  	_ =	task.clear_ibuf [dreg:s6], $0x2FFFF;
	_ =	strace $0x9FFFFFFF  }
0xc2: {  	(tm) =	ssettm $0x7FFFFFFF  }
0xc3: {  	_ =	shalt  }
tec
execute0_lowered:
.L_overlay_start_1:
0x0: {  	(tag) =	ssettag $0x1  }
0x1: {  	s13 =	rddreg [dreg:$0x0];
	s0 =	srdreg.scid  }
0x2: {  	s2 =	rddreg [dreg:$0x1];
	s1 =	stileid.u32  }
0x3: {  	s3 =	simm.s32 $0x0;
	s19 =	simm.s32 $0x4100;
	s20 =	simm.s32 $0x2  }
0x4: {  	s21 =	simm.s32 $0x80;
	s22 =	simm.s32 $0x100;
	s5 =	smul.u32 $0x14000, s1  }
0x5: {  	s23 =	simm.s32 $0x1;
	s24 =	simm.s32 $0x0;
	s6 =	smul.u32 $0x50000, s1  }
0x6: {  	s11 =	sand.u32 $0x1, s0;
	s0 =	rddreg [dreg:$0x2];
	s14 =	smul.u32 $0x9E0, s1  }
0x7: {  	[smem:$0x7FF] =	sst s3;
	s4 =	smul.u32 $0x140000, s11;
	s7 =	ssub.s32 $0x2, s11  }
0x8: {  	_ =	strace $0x80000047;
	s15 =	smul.u32 $0x4F0, s11;
	s31 =	sshrl.u32 s7, $0x1  }
0x9: {  	s6 =	sshrl.u32 s6, $0x2;
	s16 =	sadd.s32 s14, s13;
	s5 =	sadd.s32 s5, s4  }
0xa: {  	s4 =	sadd.s32 $0x13C00, s13;
	s7 =	ssub.s32 s7, s31;
	s5 =	sshrl.u32 s5, $0x3  }
0xb: {  	s15 =	sadd.s32 s15, s16;
	s7 =	smax.u32 s7, $0x1;
	s8 =	sadd.s32 s5, s13  }
0xc: {  	s18 =	sadd.s32 $0x9E00, s15;
	s5 =	sadd.s32 s6, s2;
	s6 =	sadd.s32 $0x3BC00, s8  }
0xd: {  	s8 =	sadd.s32 $0x2000, s5;
	s9 =	sadd.s32 $0x4000, s5;
	s10 =	sadd.s32 $0x6000, s5  }
0xe: {  	s11 =	sadd.s32 $0x8000, s5;
	s12 =	sadd.s32 $0xA000, s5;
	s13 =	sadd.s32 $0xC000, s5  }
0xf: {  	v0 =	vimm.f32 $0.0e+00;
	s14 =	sadd.s32 $0xE000, s5;
	s16 =	sadd.s32 $0x10000, s5;
	s17 =	sadd.s32 $0x12000, s5  }
.LBB2_1:
0x10: {  	s25 =	simm.s32 $0x0;
	s26 =	simm.s32 $0x200  }
.LBB2_2:
0x11: {  	p0 =	sne.s32 s26, $0x7E00;
	[tilespmem:s25+$0x4170] =	vst v0  }
0x12: {  	[tilespmem:s25+$0x4100] =	vst v0  }
0x13: {  	[tilespmem:s25+$0x4110] =	vst v0  }
.Ltmp0:
0x14: {  	[tilespmem:s25+$0x4120] =	vst v0;
	(pc) =	sbr.rel @p0 .LBB2_2-.Ltmp0, $4  }
0x15: {  	[tilespmem:s25+$0x4130] =	vst v0  }
0x16: {  	[tilespmem:s25+$0x4140] =	vst v0  }
0x17: {  	[tilespmem:s25+$0x4150] =	vst v0  }
0x18: {  	[tilespmem:s25+$0x4160] =	vst v0;
	s25 =	sshra.s32 s26, $0x2;
	s26 =	sadd.s32 $0x200, s26  }
0x19: {  	[tilespmem:s25+$0x4170] =	vst v0  }
0x1a: {  	[tilespmem:s25+$0x4100] =	vst v0  }
0x1b: {  	[tilespmem:s25+$0x4110] =	vst v0  }
0x1c: {  	[tilespmem:s25+$0x4120] =	vst v0  }
0x1d: {  	[tilespmem:s25+$0x4130] =	vst v0  }
0x1e: {  	[tilespmem:s25+$0x4140] =	vst v0  }
0x1f: {  	[tilespmem:s25+$0x4150] =	vst v0  }
0x20: {  	[tilespmem:s25+$0x4160] =	vst v0  }
0x21: {  	[spmem:s5] =	stream.linear.scatter [tilespmem:s19], [sflag:$0x2], $0x2000, $0x38;
	[tilespmem:$0x1A100] =	vst v63  }
0x22: {  	_ =	swait.ge [sflag:s20], $0x2000  }
0x23: {  	[sflag:s20] =	ssyncset.done $0x0  }
0x24: {  	[sflag:s20] =	ssyncadd.s32 $0xFFFFE000  }
0x25: {  	[spmem:s8] =	stream.linear.scatter [tilespmem:s19], [sflag:$0x2], $0x2000, $0x38;
	[tilespmem:$0x1A100] =	vst v63  }
0x26: {  	_ =	swait.ge [sflag:s20], $0x2000  }
0x27: {  	[sflag:s20] =	ssyncset.done $0x0  }
0x28: {  	[sflag:s20] =	ssyncadd.s32 $0xFFFFE000  }
0x29: {  	[spmem:s9] =	stream.linear.scatter [tilespmem:s19], [sflag:$0x2], $0x2000, $0x38;
	[tilespmem:$0x1A100] =	vst v63  }
0x2a: {  	_ =	swait.ge [sflag:s20], $0x2000  }
0x2b: {  	[sflag:s20] =	ssyncset.done $0x0  }
0x2c: {  	[sflag:s20] =	ssyncadd.s32 $0xFFFFE000  }
0x2d: {  	[spmem:s10] =	stream.linear.scatter [tilespmem:s19], [sflag:$0x2], $0x2000, $0x38;
	[tilespmem:$0x1A100] =	vst v63  }
0x2e: {  	_ =	swait.ge [sflag:s20], $0x2000  }
0x2f: {  	[sflag:s20] =	ssyncset.done $0x0  }
0x30: {  	[sflag:s20] =	ssyncadd.s32 $0xFFFFE000  }
0x31: {  	[spmem:s11] =	stream.linear.scatter [tilespmem:s19], [sflag:$0x2], $0x2000, $0x38;
	[tilespmem:$0x1A100] =	vst v63  }
0x32: {  	_ =	swait.ge [sflag:s20], $0x2000  }
0x33: {  	[sflag:s20] =	ssyncset.done $0x0  }
0x34: {  	[sflag:s20] =	ssyncadd.s32 $0xFFFFE000  }
0x35: {  	[spmem:s12] =	stream.linear.scatter [tilespmem:s19], [sflag:$0x2], $0x2000, $0x38;
	[tilespmem:$0x1A100] =	vst v63  }
0x36: {  	_ =	swait.ge [sflag:s20], $0x2000  }
0x37: {  	[sflag:s20] =	ssyncset.done $0x0  }
0x38: {  	[sflag:s20] =	ssyncadd.s32 $0xFFFFE000  }
0x39: {  	[spmem:s13] =	stream.linear.scatter [tilespmem:s19], [sflag:$0x2], $0x2000, $0x38;
	[tilespmem:$0x1A100] =	vst v63  }
0x3a: {  	_ =	swait.ge [sflag:s20], $0x2000  }
0x3b: {  	[sflag:s20] =	ssyncset.done $0x0  }
0x3c: {  	[sflag:s20] =	ssyncadd.s32 $0xFFFFE000  }
0x3d: {  	[spmem:s14] =	stream.linear.scatter [tilespmem:s19], [sflag:$0x2], $0x2000, $0x38;
	[tilespmem:$0x1A100] =	vst v63  }
0x3e: {  	_ =	swait.ge [sflag:s20], $0x2000  }
0x3f: {  	[sflag:s20] =	ssyncset.done $0x0  }
0x40: {  	[sflag:s20] =	ssyncadd.s32 $0xFFFFE000  }
0x41: {  	[spmem:s16] =	stream.linear.scatter [tilespmem:s19], [sflag:$0x2], $0x2000, $0x38;
	[tilespmem:$0x1A100] =	vst v63  }
0x42: {  	_ =	swait.ge [sflag:s20], $0x2000  }
0x43: {  	[sflag:s20] =	ssyncset.done $0x0  }
0x44: {  	[sflag:s20] =	ssyncadd.s32 $0xFFFFE000  }
0x45: {  	[spmem:s17] =	stream.linear.scatter [tilespmem:s19], [sflag:$0x2], $0x2000, $0x38;
	[tilespmem:$0x1A100] =	vst v63  }
0x46: {  	_ =	swait.ge [sflag:s20], $0x2000  }
0x47: {  	[sflag:s20] =	ssyncset.done $0x0  }
0x48: {  	[sflag:s20] =	ssyncadd.s32 $0xFFFFE000  }
0x49: {  	s30 =	sadd.s32 $0x0, s15;
	[bflag:$0x0] =	sbarrier.arrive $0xFFFF  }
0x4a: {  	[tilespmem:s3], [sflag:$0x2] =	stream.linear.gather [hbm4b:s30+s3], $0x80, $0x38;
	[tilespmem:$0x1A100] =	vst v63  }
0x4b: {  	_ =	swait.ge [sflag:s20], $0x80  }
0x4c: {  	[sflag:s20] =	ssyncset.done $0x0  }
0x4d: {  	s31 =	sadd.s32 $0x0, s18;
	[sflag:s20] =	ssyncadd.s32 $0xFFFFFF80  }
0x4e: {  	[tilespmem:s21], [sflag:$0x2] =	stream.linear.gather [hbm4b:s31+s3], $0x80, $0x38;
	[tilespmem:$0x1A100] =	vst v63  }
0x4f: {  	_ =	swait.ge [sflag:s20], $0x80  }
0x50: {  	[sflag:s20] =	ssyncset.done $0x0  }
0x51: {  	[sflag:s20] =	ssyncadd.s32 $0xFFFFFF80  }
0x52: {  	[tilespmem:s22], [sflag:$0x1] =	stream.indirect.gather [hbm4b:s4+s21], $0x80, s3, s21, $0xb8;
	[tilespmem:$0x1A100] =	vst v63  }
0x53: {  	_ =	swait.ge [sflag:s23], $0x4000  }
0x54: {  	[sflag:s23] =	ssyncset.done $0x0  }
0x55: {  	[sflag:s23] =	ssyncadd.s32 $0xFFFFC000  }
0x56: {  	[spmem:s2] =	stream.indirect.scatter.add.f32 [tilespmem:s22], [sflag:$0x2], $0x80, s21, s21, $0xb8;
	[tilespmem:$0x1A100] =	vst v63  }
0x57: {  	_ =	swait.ge [sflag:s20], $0x4000  }
0x58: {  	s25 =	simm.s32 $0x10;
	s26 =	simm.s32 $0x20;
	[sflag:s20] =	ssyncset.done $0x0  }
.LBB2_4:
0x59: {  	s28 =	sadd.s32 s25, s15  }
0x5a: {  	[sflag:s20] =	ssyncadd.s32 $0xFFFFC000;
	s29 =	smov.u32 s26;
	s30 =	sadd.s32 $0x10, s26  }
0x5b: {  	[tilespmem:s3], [sflag:$0x2] =	stream.linear.gather [hbm4b:s28+s3], $0x80, $0x38;
	[tilespmem:$0x1A100] =	vst v63  }
0x5c: {  	p0 =	sne.s32 s26, $0x4E0;
	_ =	swait.ge [sflag:s20], $0x80  }
0x5d: {  	[sflag:s20] =	ssyncset.done $0x0  }
0x5e: {  	s26 =	sadd.s32 s25, s18;
	s25 =	smov.u32 s29;
	[sflag:s20] =	ssyncadd.s32 $0xFFFFFF80  }
0x5f: {  	[tilespmem:s21], [sflag:$0x2] =	stream.linear.gather [hbm4b:s26+s3], $0x80, $0x38;
	[tilespmem:$0x1A100] =	vst v63  }
0x60: {  	_ =	swait.ge [sflag:s20], $0x80  }
0x61: {  	[sflag:s20] =	ssyncset.done $0x0  }
0x62: {  	[sflag:s20] =	ssyncadd.s32 $0xFFFFFF80  }
0x63: {  	[tilespmem:s22], [sflag:$0x1] =	stream.indirect.gather [hbm4b:s4+s21], $0x80, s3, s21, $0xb8;
	[tilespmem:$0x1A100] =	vst v63  }
0x64: {  	_ =	swait.ge [sflag:s23], $0x4000  }
.Ltmp1:
0x65: {  	[sflag:s23] =	ssyncset.done $0x0;
	(pc) =	sbr.rel @p0 .LBB2_4-.Ltmp1, $4  }
0x66: {  	[sflag:s23] =	ssyncadd.s32 $0xFFFFC000  }
0x67: {  	[spmem:s2] =	stream.indirect.scatter.add.f32 [tilespmem:s22], [sflag:$0x2], $0x80, s21, s21, $0xb8;
	[tilespmem:$0x1A100] =	vst v63  }
0x68: {  	_ =	swait.ge [sflag:s20], $0x4000  }
0x69: {  	s26 =	smov.u32 s30;
	[sflag:s20] =	ssyncset.done $0x0  }
0x6a: {  	s26 =	sadd.s32 s25, s15;
	[sflag:s20] =	ssyncadd.s32 $0xFFFFC000  }
0x6b: {  	[tilespmem:s3], [sflag:$0x2] =	stream.linear.gather [hbm4b:s26+s3], $0x80, $0x38;
	[tilespmem:$0x1A100] =	vst v63  }
0x6c: {  	_ =	swait.ge [sflag:s20], $0x80  }
0x6d: {  	[sflag:s20] =	ssyncset.done $0x0  }
0x6e: {  	s29 =	sadd.s32 s25, s18;
	[sflag:s20] =	ssyncadd.s32 $0xFFFFFF80  }
0x6f: {  	[tilespmem:s21], [sflag:$0x2] =	stream.linear.gather [hbm4b:s29+s3], $0x80, $0x38;
	[tilespmem:$0x1A100] =	vst v63  }
0x70: {  	_ =	swait.ge [sflag:s20], $0x80  }
0x71: {  	[sflag:s20] =	ssyncset.done $0x0  }
0x72: {  	[sflag:s20] =	ssyncadd.s32 $0xFFFFFF80  }
0x73: {  	[tilespmem:s22], [sflag:$0x1] =	stream.indirect.gather [hbm4b:s4+s21], $0x80, s3, s21, $0xb8;
	[tilespmem:$0x1A100] =	vst v63  }
0x74: {  	_ =	swait.ge [sflag:s23], $0x4000  }
0x75: {  	[sflag:s23] =	ssyncset.done $0x0  }
0x76: {  	[sflag:s23] =	ssyncadd.s32 $0xFFFFC000  }
0x77: {  	[spmem:s2] =	stream.indirect.scatter.add.f32 [tilespmem:s22], [sflag:$0x2], $0x80, s21, s21, $0xb8;
	[tilespmem:$0x1A100] =	vst v63  }
0x78: {  	_ =	swait.ge [sflag:s20], $0x4000  }
0x79: {  	s30 =	sshll.u32 s1, $0x6;
	s24 =	sadd.s32 $0x1, s24;
	[sflag:s20] =	ssyncset.done $0x0  }
0x7a: {  	s31 =	sshrl.u32 s5, $0x3;
	p0 =	sne.s32 s24, s7;
	[sflag:s20] =	ssyncadd.s32 $0xFFFFC000  }
.Ltmp2:
0x7b: {  	s25 =	sor.u32 $0x1C02, s30;
	[bflag:$0x0] =	sbarrier.arrive $0xFFFF;
	(pc) =	sbr.rel @p0 .LBB2_1-.Ltmp2, $4  }
0x7c: {  	[hbm:s6], [sflag:s25] =	dma.local [spmem:s31], $0x2800  }
0x7d: {  	_ =	swait.ge [sflag:s20], $0x2800  }
0x7e: {  	[sflag:s20] =	ssyncset.done $0x0  }
0x7f: {  	[sflag:s20] =	ssyncadd.s32 $0xFFFFD800  }
0x80: {  	_ =	sfence.sel $0x180000  }
0x81: {  	[bflag:$0x0] =	sbarrier.arrive $0xFFFF  }
0x82: {  	p0 =	sne.s32 s1, $0x0;
	_ =	strace $0x90000047  }
0x83: {  	s0 =	sadd.s32 @!p0 $0x100000, s0;
	[bflag:$0x2] =	sbarrier.arrive $0xFFFF  }
0x84: {  	[sflag:s0] =	ssyncadd.tile.s32 @!p0 $0x1;
	_ =	shalt  }
.Lfunc_end2:
_tile_overlayer_lowered:
.L_overlay_start_2:
0x85: {  	(tag) =	ssettag $0x2  }
0x86: {  	s0 =	rddreg [dreg:$0x0];
	s2 =	stileid.u32  }
0x87: {  	s1 =	rddreg [dreg:$0x1];
	p0 =	sne.s32 s2, $0x0  }
0x88: {  	s3 =	rddreg [dreg:$0x2];
	[bflag:$0x3] =	sbarrier.arrive $0xFFFF;
	s2 =	simm.s32 @!p0 $0x1C02  }
0x89: {  	[timem:s3], [sflag:s2] =	dma.local @!p0 [hbm:s0], s1  }
0x8a: {  	s0 =	simm.s32 @!p0 $0x2  }
0x8b: {  	_ =	swait.ge @!p0 [sflag:s0], s1  }
0x8c: {  	s1 =	ssub.s32 @!p0 $0x0, s1;
	[sflag:s0] =	ssyncset.done @!p0 $0x0  }
0x8d: {  	[sflag:s0] =	ssyncadd.s32 @!p0 s1  }
0x8e: {  	[bflag:$0x3] =	sbarrier.arrive $0xFFFF  }
0x8f: {  	_ =	shalt  }

// kernel: gin_agg_5121_1.3.cloned.1.call-start
scs
__scs_entry_jumppad:
0x0: {  	(pc) =	sbr.rel $0x88, $3  }
0x1: {  	(tag) =	ssettag $0x0;
	lr =	simm.s32 $0x1  }
0x2: {  	[smem:$0x3F85] =	sst lr;
	_ =	strace $0xD0000000  }
0x3: {  	_ = 	snop  }
0x4: {  	_ = 	snop  }
0x5: {  	_ = 	snop  }
0x6: {  	_ = 	snop  }
0x7: {  	_ = 	snop  }
__scs_overlays_trampoline_lowered:
0x8: {  	[smem:$0x3F94] =	sst s0  }
0x9: {  	[smem:$0x3F95] =	sst s1  }
0xa: {  	[smem:$0x3F96] =	sst s2  }
0xb: {  	[smem:$0x3F97] =	sst s3  }
0xc: {  	[smem:$0x3F98] =	sst s4  }
0xd: {  	[smem:$0x3F99] =	sst s5  }
0xe: {  	[smem:$0x3F9A] =	sst s6  }
0xf: {  	[smem:$0x3F9B] =	sst s7  }
0x10: {  	[smem:$0x3F9C] =	sst s8  }
0x11: {  	[smem:$0x3F9D] =	sst s9;
	s0 =	simm.s32 @!p0 $0x0  }
0x12: {  	s1 =	sld [smem:$0x3F83];
	s0 =	simm.s32 @p0 $0x1  }
0x13: {  	[smem:$0x3F9E] =	sst s0;
	s0 =	simm.s32 @!p1 $0x0  }
0x14: {  	s2 =	sld [smem:$0x3F82];
	s0 =	simm.s32 @p1 $0x1  }
0x15: {  	[smem:$0x3F9F] =	sst s0;
	s0 =	simm.s32 @!p2 $0x0  }
0x16: {  	s3 =	sld [smem:$0x3FDB];
	s0 =	simm.s32 @p2 $0x1  }
0x17: {  	s4 =	simm.s32 $0x1BF5;
	[smem:$0x3FA1] =	sst s0  }
0x18: {  	s0 =	sld [smem:$0x3F84];
	_ =	swait.ge [sflag:s4], $0x0  }
0x19: {  	s7 =	sld [smem:$0x3F85]  }
0x1a: {  	s8 =	sadd.s32 $0xFFFFE003, lr  }
0x1b: {  	s9 =	sadd.s32 $0xFFFFFEF7, lr;
	s5 =	simm.s32 $0xFFFFFFFF;
	p2 =	slt.u32 s8, $0xFFFFF086  }
0x1c: {  	p1 =	slt.u32 s9, $0xF7A;
	s5 =	simm.s32 @!p2 $0x0  }
0x1d: {  	s5 =	simm.s32 @p1 $0x1;
	p0 =	seq.s32 s7, s2  }
0x1e: {  	s7 =	smul.u32 @!p0 $0xF7A, s2;
	p2 =	seq.s32 @!p0 s5, $0x0  }
0x1f: {  	s9 =	smul.u32 $0xF7A, s1;
	s8 =	simm.s32 @!p0 $0x1BF5;
	p2 =	por !p2, p0  }
0x20: {  	[sflag:s8] =	ssyncset.s32 @!p0 $0xFFFFF086;
	s6 =	sadd.s32 @!p0 s3, s7;
	s7 =	simm.s32 @!p0 $0x108  }
0x21: {  	s3 =	sadd.s32 s3, s9;
	s6 =	sadd.s32 @!p0 $0x88, s6;
	s7 =	simm.s32 @p2 $0x1082  }
0x22: {  	[simem:s7], [sflag:s8] =	dma.local @!p0 [hbm:s6], $0xF7A  }
0x23: {  	s9 =	sor.u32 $0xD0000000, s2;
	s6 =	simm.s32 $0x108;
	_ =	swait.ge @!p0 [sflag:s8], $0x0  }
0x24: {  	s3 =	sadd.s32 $0x88, s3;
	s6 =	simm.s32 @!p1 $0x1082;
	[sflag:s4] =	ssyncset.s32 $0xFFFFF086  }
0x25: {  	[simem:s6], [sflag:s4] =	dma.local [hbm:s3], $0xF7A  }
0x26: {  	[smem:$0x3F85] =	sst s1;
	(tag) =	ssettag s2;
	_ =	strace s9  }
0x27: {  	s1 =	sld [smem:$0x3F95]  }
0x28: {  	s2 =	sld [smem:$0x3F96]  }
0x29: {  	s4 =	sld [smem:$0x3F98]  }
0x2a: {  	p0 =	seq.s32 s5, $0x0;
	s5 =	sld [smem:$0x3F99]  }
0x2b: {  	s6 =	sld [smem:$0x3F9A]  }
0x2c: {  	s7 =	sld [smem:$0x3F9B]  }
0x2d: {  	s3 =	simm.s32 $0x108;
	s8 =	sld [smem:$0x3F9C]  }
0x2e: {  	s3 =	simm.s32 @!p0 $0x1082;
	s9 =	sld [smem:$0x3F9D]  }
0x2f: {  	lr =	sadd.s32 s0, s3;
	s0 =	sld [smem:$0x3F94]  }
0x30: {  	s3 =	sld [smem:$0x3F97]  }
0x31: {  	[smem:$0x3FA0] =	sst s10  }
0x32: {  	s10 =	sld [smem:$0x3F9E];
	_ =	sdelay $0x3  }
0x33: {  	p0 =	seq.s32 s10, $0x1;
	s10 =	sld [smem:$0x3FA0];
	_ =	sdelay $0x3  }
0x34: {  	[smem:$0x3FA0] =	sst s10  }
0x35: {  	s10 =	sld [smem:$0x3F9F];
	_ =	sdelay $0x3  }
0x36: {  	p1 =	seq.s32 s10, $0x1;
	s10 =	sld [smem:$0x3FA0];
	_ =	sdelay $0x3  }
0x37: {  	[smem:$0x3FA0] =	sst s10  }
0x38: {  	s10 =	sld [smem:$0x3FA1]  }
0x39: {  	_ = 	snop;
	(pc) =	sbr.ind lr, $3  }
0x3a: {  	_ = 	snop  }
0x3b: {  	_ = 	snop  }
0x3c: {  	p2 =	seq.s32 s10, $0x1;
	s10 =	sld [smem:$0x3FA0]  }
0x3d: {  	_ =	shalt  }
0x3e: {  	_ =	shalt  }
0x3f: {  	_ =	shalt  }
0x40: {  	_ =	shalt  }
0x41: {  	_ =	shalt  }
0x42: {  	_ =	shalt  }
0x43: {  	_ =	shalt  }
0x44: {  	_ =	shalt  }
0x45: {  	_ =	shalt  }
0x46: {  	_ =	shalt  }
0x47: {  	_ =	shalt  }
0x48: {  	_ =	shalt  }
0x49: {  	_ =	shalt  }
0x4a: {  	_ =	shalt  }
0x4b: {  	_ =	shalt  }
0x4c: {  	_ =	shalt  }
0x4d: {  	_ =	shalt  }
0x4e: {  	_ =	shalt  }
0x4f: {  	_ =	shalt  }
0x50: {  	_ =	shalt  }
0x51: {  	_ =	shalt  }
0x52: {  	_ =	shalt  }
0x53: {  	_ =	shalt  }
0x54: {  	_ =	shalt  }
0x55: {  	_ =	shalt  }
0x56: {  	_ =	shalt  }
0x57: {  	_ =	shalt  }
0x58: {  	_ =	shalt  }
0x59: {  	_ =	shalt  }
0x5a: {  	_ =	shalt  }
0x5b: {  	_ =	shalt  }
0x5c: {  	_ =	shalt  }
0x5d: {  	_ =	shalt  }
0x5e: {  	_ =	shalt  }
0x5f: {  	_ =	shalt  }
0x60: {  	_ =	shalt  }
0x61: {  	_ =	shalt  }
0x62: {  	_ =	shalt  }
0x63: {  	_ =	shalt  }
0x64: {  	_ =	shalt  }
0x65: {  	_ =	shalt  }
0x66: {  	_ =	shalt  }
0x67: {  	_ =	shalt  }
0x68: {  	_ =	shalt  }
0x69: {  	_ =	shalt  }
0x6a: {  	_ =	shalt  }
0x6b: {  	_ =	shalt  }
0x6c: {  	_ =	shalt  }
0x6d: {  	_ =	shalt  }
0x6e: {  	_ =	shalt  }
0x6f: {  	_ =	shalt  }
0x70: {  	_ =	shalt  }
0x71: {  	_ =	shalt  }
0x72: {  	_ =	shalt  }
0x73: {  	_ =	shalt  }
0x74: {  	_ =	shalt  }
0x75: {  	_ =	shalt  }
0x76: {  	_ =	shalt  }
0x77: {  	_ =	shalt  }
0x78: {  	_ =	shalt  }
0x79: {  	_ =	shalt  }
0x7a: {  	_ =	shalt  }
0x7b: {  	_ =	shalt  }
0x7c: {  	_ =	shalt  }
0x7d: {  	_ =	shalt  }
0x7e: {  	_ =	shalt  }
0x7f: {  	_ =	shalt  }
0x80: {  	_ =	shalt  }
0x81: {  	_ =	shalt  }
0x82: {  	_ =	shalt  }
0x83: {  	_ =	shalt  }
0x84: {  	_ =	shalt  }
0x85: {  	_ =	shalt  }
0x86: {  	_ =	shalt  }
0x87: {  	_ =	shalt  }
.Lfunc_end0:
.L_simem_size_0:
called_computation.10_lowered:
.L_overlay_start_0:
0x88: {  	s2 =	sld [smem:$0x3FD9]  }
0x89: {  	s3 =	sld [smem:$0x3FFE];
	_ =	sdelay $0x1  }
0x8a: {  	s1 =	srdreg.scid  }
0x8b: {  	s0 =	sand.u32 $0x1, s1  }
0x8c: {  	s16 =	sshll.u32 s0, $0xA;
	s2 =	sadd.s32 s3, s2  }
0x8d: {  	s2 =	sadd.s32 s2, s16  }
0x8e: {  	[smem:$0x3FAC] =	sst s2  }
0x8f: {  	_ = 	snop  }
0x90: {  	(tm) =	ssettm $0x1  }
0x91: {  	s17 =	sld [smem:$0x3FFB];
	_ =	sdelay $0x3  }
0x92: {  	_ =	strace s17  }
0x93: {  	s2 =	sld [smem:$0x3FFC];
	_ =	sdelay $0x3  }
0x94: {  	_ =	strace s2  }
0x95: {  	s2 =	sld [smem:$0x3FFD];
	_ =	sdelay $0x3  }
0x96: {  	_ =	strace s2  }
0x97: {  	_ =	strace $0x8FFFFFFF  }
0x98: {  	s18 =	sld [smem:$0x3FDB];
	_ =	sdelay $0x1  }
0x99: {  	s19 =	simm.s32 $_scs_section_size  }
0x9a: {  	s4 =	simm.s32 $_size__tile_overlayer_lowered;
	s5 =	simm.s32 $_tile_overlayer_lowered  }
0x9b: {  	s22 =	simm.s32 $0x1BFF;
	s21 =	sshll.u32 s5, $0x1;
	s2 =	sadd.s32 s19, s18  }
0x9c: {  	s6 =	simm.s32 $0x0;
	s20 =	sshll.u32 s4, $0x1;
	s4 =	sadd.s32 s21, s2  }
0x9d: {  	[timem:s6], [sflag:s22] =	dma.local [hbm:s4], s20  }
0x9e: {  	_ =	swait.ge [sflag:s22], s20  }
0x9f: {  	s3 =	ssub.s32 $0x0, s20;
	[sflag:s22] =	ssyncset.done $0x0  }
0xa0: {  	[sflag:s22] =	ssyncadd.s32 s3;
	_ =	sdelay $0x1  }
0xa1: {  	s23 =	simm.s32 $0x1B8B  }
0xa2: {  	_ =	swait.ge [sflag:s23], $0x1  }
0xa3: {  	[sflag:s23] =	ssyncset.done $0x0  }
0xa4: {  	s25 =	simm.s32 $0x1B8E;
	s24 =	sld [smem:$0x3FFE];
	[sflag:s23] =	ssyncadd.s32 $0xFFFFFFFF  }
0xa5: {  	s26 =	simm.s32 $execute0_lowered;
	[smem:$0x3FD2] =	sst s25  }
0xa6: {  	s4 =	sshll.u32 s26, $0x1;
	_ =	strace $0x80000061;
	[dreg:$0x1] =	wrdreg $0xFFFFFFFF  }
0xa7: {  	s28 =	simm.s32 $_size_execute0_lowered;
	s2 =	sadd.s32 s2, s4;
	[dreg:$0x0] =	wrdreg $0x0  }
0xa8: {  	s4 =	sshll.u32 s28, $0x1;
	[dreg:$0x2] =	wrdreg s2  }
0xa9: {  	[dreg:$0x3] =	wrdreg s4  }
0xaa: {  	[dreg:$0x4] =	wrdreg $0xC0  }
0xab: {  	_ =	task [dreg:s6], $0x5FFFF  }
0xac: {  	[dreg:$0x1] =	wrdreg $0xFFFFFFFF  }
0xad: {  	[dreg:$0x0] =	wrdreg $0x60  }
0xae: {  	[dreg:$0x2] =	wrdreg s24  }
0xaf: {  	[dreg:$0x3] =	wrdreg $0x62000  }
0xb0: {  	[dreg:$0x4] =	wrdreg $0x9  }
0xb1: {  	_ =	task.clear_ibuf [dreg:s6], $0x5FFFF;
	_ =	strace $0x90000061  }
0xb2: {  	s29 =	simm.s32 $0x9;
	_ =	strace $0x80000063  }
0xb3: {  	_ =	swait.ge [sflag:s29], $0x1  }
0xb4: {  	[sflag:s29] =	ssyncadd.s32 $0xFFFFFFFF  }
0xb5: {  	_ =	strace $0x90000063  }
0xb6: {  	_ =	sfence  }
0xb7: {  	s30 =	sld [smem:$0x0];
	_ =	sdelay $0x2  }
0xb8: {  	s31 =	sshll.u32 s1, $0xD;
	s1 =	sshrl.u32 s1, $0x2  }
0xb9: {  	s3 =	sand.u32 $0x4000, s31;
	s1 =	sadd.s32 s1, s30  }
0xba: {  	s0 =	sor.u32 s3, s0;
	s1 =	sshll.u32 s1, $0x11  }
0xbb: {  	s0 =	sor.u32 s1, s0  }
0xbc: {  	s0 =	sadd.s32 $0x8F2B, s0  }
0xbd: {  	[sflag:s0] =	ssyncadd.remote.s32 $0x1  }
0xbe: {  	_ =	sfence.sel $0xFFFF  }
0xbf: {  	[dreg:$0x0] =	wrdreg $0xFFFFFFFF;
	(pc) =	sbr.abs _section_cstart, $3  }
0xc0: {  	[dreg:$0x1] =	wrdreg $0xFFFFFFFF  }
0xc1: {  	_ =	task.clear_ibuf [dreg:s6], $0x2FFFF;
	_ =	strace $0x9FFFFFFF  }
0xc2: {  	(tm) =	ssettm $0x7FFFFFFF  }
0xc3: {  	_ =	shalt  }
tec
execute0_lowered:
.L_overlay_start_1:
0x0: {  	(tag) =	ssettag $0x1  }
0x1: {  	s12 =	rddreg [dreg:$0x0]  }
0x2: {  	s1 =	rddreg [dreg:$0x1];
	s2 =	srdreg.scid  }
0x3: {  	s0 =	rddreg [dreg:$0x2];
	s3 =	simm.s32 $0x0;
	s16 =	simm.s32 $0x4200  }
0x4: {  	s17 =	simm.s32 $0x2;
	s18 =	simm.s32 $0x80;
	s10 =	sand.u32 $0x1, s2  }
0x5: {  	s19 =	simm.s32 $0x100;
	s2 =	stileid.u32;
	s5 =	smul.u32 $0xC0000, s10  }
0x6: {  	s20 =	simm.s32 $0x1;
	s21 =	simm.s32 $0x180;
	s6 =	smul.u32 $0xC000, s2  }
0x7: {  	s22 =	simm.s32 $0x200;
	s23 =	simm.s32 $0x0;
	s8 =	smul.u32 $0x30000, s2  }
0x8: {  	[smem:$0x7FF] =	sst s3;
	s4 =	sadd.s32 $0x13C00, s12;
	s13 =	smul.u32 $0x9E0, s2  }
0x9: {  	_ =	strace $0x80000062;
	s7 =	ssub.s32 $0x2, s10;
	s14 =	smul.u32 $0x4F0, s10  }
0xa: {  	s9 =	sshrl.u32 s7, $0x1;
	s6 =	sadd.s32 s6, s5;
	s5 =	sadd.s32 $0x34400, s12  }
0xb: {  	s9 =	ssub.s32 s7, s9;
	s31 =	sshrl.u32 s8, $0x2;
	s15 =	sadd.s32 s13, s12  }
0xc: {  	s6 =	sshrl.u32 s6, $0x3;
	s8 =	smax.u32 s9, $0x1;
	s14 =	sadd.s32 s14, s15  }
0xd: {  	s11 =	sadd.s32 s6, s12;
	s6 =	sadd.s32 s31, s1;
	s15 =	sadd.s32 $0x9E00, s14  }
0xe: {  	s7 =	sadd.s32 $0x34A00, s11;
	s9 =	sadd.s32 $0x2000, s6;
	s10 =	sadd.s32 $0x4000, s6  }
0xf: {  	v0 =	vimm.f32 $0.0e+00;
	s11 =	sadd.s32 $0x6000, s6;
	s12 =	sadd.s32 $0x8000, s6;
	s13 =	sadd.s32 $0xA000, s6  }
.LBB2_1:
0x10: {  	s24 =	simm.s32 $0x0;
	s25 =	simm.s32 $0x200  }
.LBB2_2:
0x11: {  	p0 =	sne.s32 s25, $0x7E00;
	[tilespmem:s24+$0x4270] =	vst v0  }
0x12: {  	[tilespmem:s24+$0x4200] =	vst v0  }
0x13: {  	[tilespmem:s24+$0x4210] =	vst v0  }
.Ltmp0:
0x14: {  	[tilespmem:s24+$0x4220] =	vst v0;
	(pc) =	sbr.rel @p0 .LBB2_2-.Ltmp0, $4  }
0x15: {  	[tilespmem:s24+$0x4230] =	vst v0  }
0x16: {  	[tilespmem:s24+$0x4240] =	vst v0  }
0x17: {  	[tilespmem:s24+$0x4250] =	vst v0  }
0x18: {  	[tilespmem:s24+$0x4260] =	vst v0;
	s24 =	sshra.s32 s25, $0x2;
	s25 =	sadd.s32 $0x200, s25  }
0x19: {  	[tilespmem:s24+$0x4270] =	vst v0  }
0x1a: {  	[tilespmem:s24+$0x4200] =	vst v0  }
0x1b: {  	[tilespmem:s24+$0x4210] =	vst v0  }
0x1c: {  	[tilespmem:s24+$0x4220] =	vst v0  }
0x1d: {  	[tilespmem:s24+$0x4230] =	vst v0  }
0x1e: {  	[tilespmem:s24+$0x4240] =	vst v0  }
0x1f: {  	[tilespmem:s24+$0x4250] =	vst v0  }
0x20: {  	[tilespmem:s24+$0x4260] =	vst v0  }
0x21: {  	[spmem:s6] =	stream.linear.scatter [tilespmem:s16], [sflag:$0x2], $0x2000, $0x38;
	[tilespmem:$0x12200] =	vst v63  }
0x22: {  	_ =	swait.ge [sflag:s17], $0x2000  }
0x23: {  	[sflag:s17] =	ssyncset.done $0x0  }
0x24: {  	[sflag:s17] =	ssyncadd.s32 $0xFFFFE000  }
0x25: {  	[spmem:s9] =	stream.linear.scatter [tilespmem:s16], [sflag:$0x2], $0x2000, $0x38;
	[tilespmem:$0x12200] =	vst v63  }
0x26: {  	_ =	swait.ge [sflag:s17], $0x2000  }
0x27: {  	[sflag:s17] =	ssyncset.done $0x0  }
0x28: {  	[sflag:s17] =	ssyncadd.s32 $0xFFFFE000  }
0x29: {  	[spmem:s10] =	stream.linear.scatter [tilespmem:s16], [sflag:$0x2], $0x2000, $0x38;
	[tilespmem:$0x12200] =	vst v63  }
0x2a: {  	_ =	swait.ge [sflag:s17], $0x2000  }
0x2b: {  	[sflag:s17] =	ssyncset.done $0x0  }
0x2c: {  	[sflag:s17] =	ssyncadd.s32 $0xFFFFE000  }
0x2d: {  	[spmem:s11] =	stream.linear.scatter [tilespmem:s16], [sflag:$0x2], $0x2000, $0x38;
	[tilespmem:$0x12200] =	vst v63  }
0x2e: {  	_ =	swait.ge [sflag:s17], $0x2000  }
0x2f: {  	[sflag:s17] =	ssyncset.done $0x0  }
0x30: {  	[sflag:s17] =	ssyncadd.s32 $0xFFFFE000  }
0x31: {  	[spmem:s12] =	stream.linear.scatter [tilespmem:s16], [sflag:$0x2], $0x2000, $0x38;
	[tilespmem:$0x12200] =	vst v63  }
0x32: {  	_ =	swait.ge [sflag:s17], $0x2000  }
0x33: {  	[sflag:s17] =	ssyncset.done $0x0  }
0x34: {  	[sflag:s17] =	ssyncadd.s32 $0xFFFFE000  }
0x35: {  	[spmem:s13] =	stream.linear.scatter [tilespmem:s16], [sflag:$0x2], $0x2000, $0x38;
	[tilespmem:$0x12200] =	vst v63  }
0x36: {  	_ =	swait.ge [sflag:s17], $0x2000  }
0x37: {  	[sflag:s17] =	ssyncset.done $0x0  }
0x38: {  	[sflag:s17] =	ssyncadd.s32 $0xFFFFE000  }
0x39: {  	s30 =	sadd.s32 $0x0, s14;
	[bflag:$0x0] =	sbarrier.arrive $0xFFFF  }
0x3a: {  	[tilespmem:s3], [sflag:$0x2] =	stream.linear.gather [hbm4b:s30+s3], $0x80, $0x38;
	[tilespmem:$0x12200] =	vst v63  }
0x3b: {  	_ =	swait.ge [sflag:s17], $0x80  }
0x3c: {  	[sflag:s17] =	ssyncset.done $0x0  }
0x3d: {  	s31 =	sadd.s32 $0x0, s15;
	[sflag:s17] =	ssyncadd.s32 $0xFFFFFF80  }
0x3e: {  	[tilespmem:s18], [sflag:$0x2] =	stream.linear.gather [hbm4b:s31+s3], $0x80, $0x38;
	[tilespmem:$0x12200] =	vst v63  }
0x3f: {  	_ =	swait.ge [sflag:s17], $0x80  }
0x40: {  	[sflag:s17] =	ssyncset.done $0x0  }
0x41: {  	[sflag:s17] =	ssyncadd.s32 $0xFFFFFF80  }
0x42: {  	[tilespmem:s19], [sflag:$0x1] =	stream.indirect.gather [hbm4b:s5+s18], $0x1, s3, s18, $0xb8;
	[tilespmem:$0x12200] =	vst v63  }
0x43: {  	_ =	swait.ge [sflag:s20], $0x80  }
0x44: {  	[sflag:s20] =	ssyncset.done $0x0  }
0x45: {  	[sflag:s20] =	ssyncadd.s32 $0xFFFFFF80  }
0x46: {  	[tilespmem:s21], [sflag:$0x1] =	stream.indirect.gather [hbm4b:s5+s18], $0x1, s18, s18, $0xb8;
	[tilespmem:$0x12200] =	vst v63  }
0x47: {  	_ =	swait.ge [sflag:s20], $0x80  }
0x48: {  	[sflag:s20] =	ssyncset.done $0x0  }
0x49: {  	[sflag:s20] =	ssyncadd.s32 $0xFFFFFF80  }
0x4a: {  	[tilespmem:s22], [sflag:$0x1] =	stream.indirect.gather [hbm4b:s4+s18], $0x80, s19, s18, $0xb8;
	[tilespmem:$0x12200] =	vst v63  }
0x4b: {  	_ =	swait.ge [sflag:s20], $0x4000  }
0x4c: {  	[sflag:s20] =	ssyncset.done $0x0  }
0x4d: {  	[sflag:s20] =	ssyncadd.s32 $0xFFFFC000  }
0x4e: {  	[spmem:s1] =	stream.indirect.scatter.add.f32 [tilespmem:s22], [sflag:$0x2], $0x80, s21, s18, $0xb8;
	[tilespmem:$0x12200] =	vst v63  }
0x4f: {  	_ =	swait.ge [sflag:s17], $0x4000  }
0x50: {  	s24 =	simm.s32 $0x10;
	s25 =	simm.s32 $0x20;
	[sflag:s17] =	ssyncset.done $0x0  }
.LBB2_4:
0x51: {  	s26 =	sadd.s32 s24, s14  }
0x52: {  	[sflag:s17] =	ssyncadd.s32 $0xFFFFC000;
	s28 =	smov.u32 s25;
	s29 =	sadd.s32 $0x10, s25  }
0x53: {  	[tilespmem:s3], [sflag:$0x2] =	stream.linear.gather [hbm4b:s26+s3], $0x80, $0x38;
	[tilespmem:$0x12200] =	vst v63  }
0x54: {  	p0 =	sne.s32 s25, $0x4E0;
	_ =	swait.ge [sflag:s17], $0x80  }
0x55: {  	[sflag:s17] =	ssyncset.done $0x0  }
0x56: {  	s25 =	sadd.s32 s24, s15;
	s24 =	smov.u32 s28;
	[sflag:s17] =	ssyncadd.s32 $0xFFFFFF80  }
0x57: {  	[tilespmem:s18], [sflag:$0x2] =	stream.linear.gather [hbm4b:s25+s3], $0x80, $0x38;
	[tilespmem:$0x12200] =	vst v63  }
0x58: {  	_ =	swait.ge [sflag:s17], $0x80  }
0x59: {  	[sflag:s17] =	ssyncset.done $0x0  }
0x5a: {  	[sflag:s17] =	ssyncadd.s32 $0xFFFFFF80  }
0x5b: {  	[tilespmem:s19], [sflag:$0x1] =	stream.indirect.gather [hbm4b:s5+s18], $0x1, s3, s18, $0xb8;
	[tilespmem:$0x12200] =	vst v63  }
0x5c: {  	_ =	swait.ge [sflag:s20], $0x80  }
0x5d: {  	[sflag:s20] =	ssyncset.done $0x0  }
0x5e: {  	[sflag:s20] =	ssyncadd.s32 $0xFFFFFF80  }
0x5f: {  	[tilespmem:s21], [sflag:$0x1] =	stream.indirect.gather [hbm4b:s5+s18], $0x1, s18, s18, $0xb8;
	[tilespmem:$0x12200] =	vst v63  }
0x60: {  	_ =	swait.ge [sflag:s20], $0x80  }
0x61: {  	[sflag:s20] =	ssyncset.done $0x0  }
0x62: {  	[sflag:s20] =	ssyncadd.s32 $0xFFFFFF80  }
0x63: {  	[tilespmem:s22], [sflag:$0x1] =	stream.indirect.gather [hbm4b:s4+s18], $0x80, s19, s18, $0xb8;
	[tilespmem:$0x12200] =	vst v63  }
0x64: {  	_ =	swait.ge [sflag:s20], $0x4000  }
.Ltmp1:
0x65: {  	[sflag:s20] =	ssyncset.done $0x0;
	(pc) =	sbr.rel @p0 .LBB2_4-.Ltmp1, $4  }
0x66: {  	[sflag:s20] =	ssyncadd.s32 $0xFFFFC000  }
0x67: {  	[spmem:s1] =	stream.indirect.scatter.add.f32 [tilespmem:s22], [sflag:$0x2], $0x80, s21, s18, $0xb8;
	[tilespmem:$0x12200] =	vst v63  }
0x68: {  	_ =	swait.ge [sflag:s17], $0x4000  }
0x69: {  	s25 =	smov.u32 s29;
	[sflag:s17] =	ssyncset.done $0x0  }
0x6a: {  	s25 =	sadd.s32 s24, s14;
	[sflag:s17] =	ssyncadd.s32 $0xFFFFC000  }
0x6b: {  	[tilespmem:s3], [sflag:$0x2] =	stream.linear.gather [hbm4b:s25+s3], $0x80, $0x38;
	[tilespmem:$0x12200] =	vst v63  }
0x6c: {  	_ =	swait.ge [sflag:s17], $0x80  }
0x6d: {  	[sflag:s17] =	ssyncset.done $0x0  }
0x6e: {  	s29 =	sadd.s32 s24, s15;
	[sflag:s17] =	ssyncadd.s32 $0xFFFFFF80  }
0x6f: {  	[tilespmem:s18], [sflag:$0x2] =	stream.linear.gather [hbm4b:s29+s3], $0x80, $0x38;
	[tilespmem:$0x12200] =	vst v63  }
0x70: {  	_ =	swait.ge [sflag:s17], $0x80  }
0x71: {  	[sflag:s17] =	ssyncset.done $0x0  }
0x72: {  	[sflag:s17] =	ssyncadd.s32 $0xFFFFFF80  }
0x73: {  	[tilespmem:s19], [sflag:$0x1] =	stream.indirect.gather [hbm4b:s5+s18], $0x1, s3, s18, $0xb8;
	[tilespmem:$0x12200] =	vst v63  }
0x74: {  	_ =	swait.ge [sflag:s20], $0x80  }
0x75: {  	[sflag:s20] =	ssyncset.done $0x0  }
0x76: {  	[sflag:s20] =	ssyncadd.s32 $0xFFFFFF80  }
0x77: {  	[tilespmem:s21], [sflag:$0x1] =	stream.indirect.gather [hbm4b:s5+s18], $0x1, s18, s18, $0xb8;
	[tilespmem:$0x12200] =	vst v63  }
0x78: {  	_ =	swait.ge [sflag:s20], $0x80  }
0x79: {  	[sflag:s20] =	ssyncset.done $0x0  }
0x7a: {  	[sflag:s20] =	ssyncadd.s32 $0xFFFFFF80  }
0x7b: {  	[tilespmem:s22], [sflag:$0x1] =	stream.indirect.gather [hbm4b:s4+s18], $0x80, s19, s18, $0xb8;
	[tilespmem:$0x12200] =	vst v63  }
0x7c: {  	_ =	swait.ge [sflag:s20], $0x4000  }
0x7d: {  	[sflag:s20] =	ssyncset.done $0x0  }
0x7e: {  	[sflag:s20] =	ssyncadd.s32 $0xFFFFC000  }
0x7f: {  	[spmem:s1] =	stream.indirect.scatter.add.f32 [tilespmem:s22], [sflag:$0x2], $0x80, s21, s18, $0xb8;
	[tilespmem:$0x12200] =	vst v63  }
0x80: {  	_ =	swait.ge [sflag:s17], $0x4000  }
0x81: {  	s30 =	sshll.u32 s2, $0x6;
	s23 =	sadd.s32 $0x1, s23;
	[sflag:s17] =	ssyncset.done $0x0  }
0x82: {  	s31 =	sshrl.u32 s6, $0x3;
	p0 =	sne.s32 s23, s8;
	[sflag:s17] =	ssyncadd.s32 $0xFFFFC000  }
.Ltmp2:
0x83: {  	s24 =	sor.u32 $0x1C02, s30;
	[bflag:$0x0] =	sbarrier.arrive $0xFFFF;
	(pc) =	sbr.rel @p0 .LBB2_1-.Ltmp2, $4  }
0x84: {  	[hbm:s7], [sflag:s24] =	dma.local [spmem:s31], $0x1800  }
0x85: {  	_ =	swait.ge [sflag:s17], $0x1800  }
0x86: {  	[sflag:s17] =	ssyncset.done $0x0  }
0x87: {  	[sflag:s17] =	ssyncadd.s32 $0xFFFFE800  }
0x88: {  	_ =	sfence.sel $0x180000  }
0x89: {  	[bflag:$0x0] =	sbarrier.arrive $0xFFFF  }
0x8a: {  	p0 =	sne.s32 s2, $0x0;
	_ =	strace $0x90000062  }
0x8b: {  	s0 =	sadd.s32 @!p0 $0x100000, s0;
	[bflag:$0x2] =	sbarrier.arrive $0xFFFF  }
0x8c: {  	[sflag:s0] =	ssyncadd.tile.s32 @!p0 $0x1;
	_ =	shalt  }
.Lfunc_end2:
_tile_overlayer_lowered:
.L_overlay_start_2:
0x8d: {  	(tag) =	ssettag $0x2  }
0x8e: {  	s0 =	rddreg [dreg:$0x0];
	s2 =	stileid.u32  }
0x8f: {  	s1 =	rddreg [dreg:$0x1];
	p0 =	sne.s32 s2, $0x0  }
0x90: {  	s3 =	rddreg [dreg:$0x2];
	[bflag:$0x3] =	sbarrier.arrive $0xFFFF;
	s2 =	simm.s32 @!p0 $0x1C02  }
0x91: {  	[timem:s3], [sflag:s2] =	dma.local @!p0 [hbm:s0], s1  }
0x92: {  	s0 =	simm.s32 @!p0 $0x2  }
0x93: {  	_ =	swait.ge @!p0 [sflag:s0], s1  }
0x94: {  	s1 =	ssub.s32 @!p0 $0x0, s1;
	[sflag:s0] =	ssyncset.done @!p0 $0x0  }
0x95: {  	[sflag:s0] =	ssyncadd.s32 @!p0 s1  }
0x96: {  	[bflag:$0x3] =	sbarrier.arrive $0xFFFF  }
0x97: {  	_ =	shalt  }

// kernel: gin_agg_6401_1.3.cloned.1.call-start
scs
__scs_entry_jumppad:
0x0: {  	(pc) =	sbr.rel $0x88, $3  }
0x1: {  	(tag) =	ssettag $0x0;
	lr =	simm.s32 $0x1  }
0x2: {  	[smem:$0x3F85] =	sst lr;
	_ =	strace $0xD0000000  }
0x3: {  	_ = 	snop  }
0x4: {  	_ = 	snop  }
0x5: {  	_ = 	snop  }
0x6: {  	_ = 	snop  }
0x7: {  	_ = 	snop  }
__scs_overlays_trampoline_lowered:
0x8: {  	[smem:$0x3F94] =	sst s0  }
0x9: {  	[smem:$0x3F95] =	sst s1  }
0xa: {  	[smem:$0x3F96] =	sst s2  }
0xb: {  	[smem:$0x3F97] =	sst s3  }
0xc: {  	[smem:$0x3F98] =	sst s4  }
0xd: {  	[smem:$0x3F99] =	sst s5  }
0xe: {  	[smem:$0x3F9A] =	sst s6  }
0xf: {  	[smem:$0x3F9B] =	sst s7  }
0x10: {  	[smem:$0x3F9C] =	sst s8  }
0x11: {  	[smem:$0x3F9D] =	sst s9;
	s0 =	simm.s32 @!p0 $0x0  }
0x12: {  	s1 =	sld [smem:$0x3F83];
	s0 =	simm.s32 @p0 $0x1  }
0x13: {  	[smem:$0x3F9E] =	sst s0;
	s0 =	simm.s32 @!p1 $0x0  }
0x14: {  	s2 =	sld [smem:$0x3F82];
	s0 =	simm.s32 @p1 $0x1  }
0x15: {  	[smem:$0x3F9F] =	sst s0;
	s0 =	simm.s32 @!p2 $0x0  }
0x16: {  	s3 =	sld [smem:$0x3FDB];
	s0 =	simm.s32 @p2 $0x1  }
0x17: {  	s4 =	simm.s32 $0x1BF5;
	[smem:$0x3FA1] =	sst s0  }
0x18: {  	s0 =	sld [smem:$0x3F84];
	_ =	swait.ge [sflag:s4], $0x0  }
0x19: {  	s7 =	sld [smem:$0x3F85]  }
0x1a: {  	s8 =	sadd.s32 $0xFFFFE003, lr  }
0x1b: {  	s9 =	sadd.s32 $0xFFFFFEF7, lr;
	s5 =	simm.s32 $0xFFFFFFFF;
	p2 =	slt.u32 s8, $0xFFFFF086  }
0x1c: {  	p1 =	slt.u32 s9, $0xF7A;
	s5 =	simm.s32 @!p2 $0x0  }
0x1d: {  	s5 =	simm.s32 @p1 $0x1;
	p0 =	seq.s32 s7, s2  }
0x1e: {  	s7 =	smul.u32 @!p0 $0xF7A, s2;
	p2 =	seq.s32 @!p0 s5, $0x0  }
0x1f: {  	s9 =	smul.u32 $0xF7A, s1;
	s8 =	simm.s32 @!p0 $0x1BF5;
	p2 =	por !p2, p0  }
0x20: {  	[sflag:s8] =	ssyncset.s32 @!p0 $0xFFFFF086;
	s6 =	sadd.s32 @!p0 s3, s7;
	s7 =	simm.s32 @!p0 $0x108  }
0x21: {  	s3 =	sadd.s32 s3, s9;
	s6 =	sadd.s32 @!p0 $0x88, s6;
	s7 =	simm.s32 @p2 $0x1082  }
0x22: {  	[simem:s7], [sflag:s8] =	dma.local @!p0 [hbm:s6], $0xF7A  }
0x23: {  	s9 =	sor.u32 $0xD0000000, s2;
	s6 =	simm.s32 $0x108;
	_ =	swait.ge @!p0 [sflag:s8], $0x0  }
0x24: {  	s3 =	sadd.s32 $0x88, s3;
	s6 =	simm.s32 @!p1 $0x1082;
	[sflag:s4] =	ssyncset.s32 $0xFFFFF086  }
0x25: {  	[simem:s6], [sflag:s4] =	dma.local [hbm:s3], $0xF7A  }
0x26: {  	[smem:$0x3F85] =	sst s1;
	(tag) =	ssettag s2;
	_ =	strace s9  }
0x27: {  	s1 =	sld [smem:$0x3F95]  }
0x28: {  	s2 =	sld [smem:$0x3F96]  }
0x29: {  	s4 =	sld [smem:$0x3F98]  }
0x2a: {  	p0 =	seq.s32 s5, $0x0;
	s5 =	sld [smem:$0x3F99]  }
0x2b: {  	s6 =	sld [smem:$0x3F9A]  }
0x2c: {  	s7 =	sld [smem:$0x3F9B]  }
0x2d: {  	s3 =	simm.s32 $0x108;
	s8 =	sld [smem:$0x3F9C]  }
0x2e: {  	s3 =	simm.s32 @!p0 $0x1082;
	s9 =	sld [smem:$0x3F9D]  }
0x2f: {  	lr =	sadd.s32 s0, s3;
	s0 =	sld [smem:$0x3F94]  }
0x30: {  	s3 =	sld [smem:$0x3F97]  }
0x31: {  	[smem:$0x3FA0] =	sst s10  }
0x32: {  	s10 =	sld [smem:$0x3F9E];
	_ =	sdelay $0x3  }
0x33: {  	p0 =	seq.s32 s10, $0x1;
	s10 =	sld [smem:$0x3FA0];
	_ =	sdelay $0x3  }
0x34: {  	[smem:$0x3FA0] =	sst s10  }
0x35: {  	s10 =	sld [smem:$0x3F9F];
	_ =	sdelay $0x3  }
0x36: {  	p1 =	seq.s32 s10, $0x1;
	s10 =	sld [smem:$0x3FA0];
	_ =	sdelay $0x3  }
0x37: {  	[smem:$0x3FA0] =	sst s10  }
0x38: {  	s10 =	sld [smem:$0x3FA1]  }
0x39: {  	_ = 	snop;
	(pc) =	sbr.ind lr, $3  }
0x3a: {  	_ = 	snop  }
0x3b: {  	_ = 	snop  }
0x3c: {  	p2 =	seq.s32 s10, $0x1;
	s10 =	sld [smem:$0x3FA0]  }
0x3d: {  	_ =	shalt  }
0x3e: {  	_ =	shalt  }
0x3f: {  	_ =	shalt  }
0x40: {  	_ =	shalt  }
0x41: {  	_ =	shalt  }
0x42: {  	_ =	shalt  }
0x43: {  	_ =	shalt  }
0x44: {  	_ =	shalt  }
0x45: {  	_ =	shalt  }
0x46: {  	_ =	shalt  }
0x47: {  	_ =	shalt  }
0x48: {  	_ =	shalt  }
0x49: {  	_ =	shalt  }
0x4a: {  	_ =	shalt  }
0x4b: {  	_ =	shalt  }
0x4c: {  	_ =	shalt  }
0x4d: {  	_ =	shalt  }
0x4e: {  	_ =	shalt  }
0x4f: {  	_ =	shalt  }
0x50: {  	_ =	shalt  }
0x51: {  	_ =	shalt  }
0x52: {  	_ =	shalt  }
0x53: {  	_ =	shalt  }
0x54: {  	_ =	shalt  }
0x55: {  	_ =	shalt  }
0x56: {  	_ =	shalt  }
0x57: {  	_ =	shalt  }
0x58: {  	_ =	shalt  }
0x59: {  	_ =	shalt  }
0x5a: {  	_ =	shalt  }
0x5b: {  	_ =	shalt  }
0x5c: {  	_ =	shalt  }
0x5d: {  	_ =	shalt  }
0x5e: {  	_ =	shalt  }
0x5f: {  	_ =	shalt  }
0x60: {  	_ =	shalt  }
0x61: {  	_ =	shalt  }
0x62: {  	_ =	shalt  }
0x63: {  	_ =	shalt  }
0x64: {  	_ =	shalt  }
0x65: {  	_ =	shalt  }
0x66: {  	_ =	shalt  }
0x67: {  	_ =	shalt  }
0x68: {  	_ =	shalt  }
0x69: {  	_ =	shalt  }
0x6a: {  	_ =	shalt  }
0x6b: {  	_ =	shalt  }
0x6c: {  	_ =	shalt  }
0x6d: {  	_ =	shalt  }
0x6e: {  	_ =	shalt  }
0x6f: {  	_ =	shalt  }
0x70: {  	_ =	shalt  }
0x71: {  	_ =	shalt  }
0x72: {  	_ =	shalt  }
0x73: {  	_ =	shalt  }
0x74: {  	_ =	shalt  }
0x75: {  	_ =	shalt  }
0x76: {  	_ =	shalt  }
0x77: {  	_ =	shalt  }
0x78: {  	_ =	shalt  }
0x79: {  	_ =	shalt  }
0x7a: {  	_ =	shalt  }
0x7b: {  	_ =	shalt  }
0x7c: {  	_ =	shalt  }
0x7d: {  	_ =	shalt  }
0x7e: {  	_ =	shalt  }
0x7f: {  	_ =	shalt  }
0x80: {  	_ =	shalt  }
0x81: {  	_ =	shalt  }
0x82: {  	_ =	shalt  }
0x83: {  	_ =	shalt  }
0x84: {  	_ =	shalt  }
0x85: {  	_ =	shalt  }
0x86: {  	_ =	shalt  }
0x87: {  	_ =	shalt  }
.Lfunc_end0:
.L_simem_size_0:
called_computation.9_lowered:
.L_overlay_start_0:
0x88: {  	s2 =	sld [smem:$0x3FD9]  }
0x89: {  	s3 =	sld [smem:$0x3FFE];
	_ =	sdelay $0x1  }
0x8a: {  	s1 =	srdreg.scid  }
0x8b: {  	s0 =	sand.u32 $0x1, s1  }
0x8c: {  	s16 =	sshll.u32 s0, $0xA;
	s2 =	sadd.s32 s3, s2  }
0x8d: {  	s2 =	sadd.s32 s2, s16  }
0x8e: {  	[smem:$0x3FAC] =	sst s2  }
0x8f: {  	_ = 	snop  }
0x90: {  	(tm) =	ssettm $0x1  }
0x91: {  	s17 =	sld [smem:$0x3FFB];
	_ =	sdelay $0x3  }
0x92: {  	_ =	strace s17  }
0x93: {  	s2 =	sld [smem:$0x3FFC];
	_ =	sdelay $0x3  }
0x94: {  	_ =	strace s2  }
0x95: {  	s2 =	sld [smem:$0x3FFD];
	_ =	sdelay $0x3  }
0x96: {  	_ =	strace s2  }
0x97: {  	_ =	strace $0x8FFFFFFF  }
0x98: {  	s18 =	sld [smem:$0x3FDB];
	_ =	sdelay $0x1  }
0x99: {  	s19 =	simm.s32 $_scs_section_size  }
0x9a: {  	s4 =	simm.s32 $_size__tile_overlayer_lowered;
	s5 =	simm.s32 $_tile_overlayer_lowered  }
0x9b: {  	s22 =	simm.s32 $0x1BFF;
	s21 =	sshll.u32 s5, $0x1;
	s2 =	sadd.s32 s19, s18  }
0x9c: {  	s6 =	simm.s32 $0x0;
	s20 =	sshll.u32 s4, $0x1;
	s4 =	sadd.s32 s21, s2  }
0x9d: {  	[timem:s6], [sflag:s22] =	dma.local [hbm:s4], s20  }
0x9e: {  	_ =	swait.ge [sflag:s22], s20  }
0x9f: {  	s3 =	ssub.s32 $0x0, s20;
	[sflag:s22] =	ssyncset.done $0x0  }
0xa0: {  	[sflag:s22] =	ssyncadd.s32 s3;
	_ =	sdelay $0x1  }
0xa1: {  	s23 =	simm.s32 $0x1B8B  }
0xa2: {  	_ =	swait.ge [sflag:s23], $0x1  }
0xa3: {  	[sflag:s23] =	ssyncset.done $0x0  }
0xa4: {  	s25 =	simm.s32 $0x1B8E;
	s24 =	sld [smem:$0x3FFE];
	[sflag:s23] =	ssyncadd.s32 $0xFFFFFFFF  }
0xa5: {  	s26 =	simm.s32 $execute0_lowered;
	[smem:$0x3FD2] =	sst s25  }
0xa6: {  	s4 =	sshll.u32 s26, $0x1;
	_ =	strace $0x80000058;
	[dreg:$0x1] =	wrdreg $0xFFFFFFFF  }
0xa7: {  	s28 =	simm.s32 $_size_execute0_lowered;
	s2 =	sadd.s32 s2, s4;
	[dreg:$0x0] =	wrdreg $0x0  }
0xa8: {  	s4 =	sshll.u32 s28, $0x1;
	[dreg:$0x2] =	wrdreg s2  }
0xa9: {  	[dreg:$0x3] =	wrdreg s4  }
0xaa: {  	[dreg:$0x4] =	wrdreg $0xC0  }
0xab: {  	_ =	task [dreg:s6], $0x5FFFF  }
0xac: {  	[dreg:$0x1] =	wrdreg $0xFFFFFFFF  }
0xad: {  	[dreg:$0x0] =	wrdreg $0x60  }
0xae: {  	[dreg:$0x2] =	wrdreg s24  }
0xaf: {  	[dreg:$0x3] =	wrdreg $0x62000  }
0xb0: {  	[dreg:$0x4] =	wrdreg $0x9  }
0xb1: {  	_ =	task.clear_ibuf [dreg:s6], $0x5FFFF;
	_ =	strace $0x90000058  }
0xb2: {  	s29 =	simm.s32 $0x9;
	_ =	strace $0x8000005A  }
0xb3: {  	_ =	swait.ge [sflag:s29], $0x1  }
0xb4: {  	[sflag:s29] =	ssyncadd.s32 $0xFFFFFFFF  }
0xb5: {  	_ =	strace $0x9000005A  }
0xb6: {  	_ =	sfence  }
0xb7: {  	s30 =	sld [smem:$0x0];
	_ =	sdelay $0x2  }
0xb8: {  	s31 =	sshll.u32 s1, $0xD;
	s1 =	sshrl.u32 s1, $0x2  }
0xb9: {  	s3 =	sand.u32 $0x4000, s31;
	s1 =	sadd.s32 s1, s30  }
0xba: {  	s0 =	sor.u32 s3, s0;
	s1 =	sshll.u32 s1, $0x11  }
0xbb: {  	s0 =	sor.u32 s1, s0  }
0xbc: {  	s0 =	sadd.s32 $0x8F2B, s0  }
0xbd: {  	[sflag:s0] =	ssyncadd.remote.s32 $0x1  }
0xbe: {  	_ =	sfence.sel $0xFFFF  }
0xbf: {  	[dreg:$0x0] =	wrdreg $0xFFFFFFFF;
	(pc) =	sbr.abs _section_cstart, $3  }
0xc0: {  	[dreg:$0x1] =	wrdreg $0xFFFFFFFF  }
0xc1: {  	_ =	task.clear_ibuf [dreg:s6], $0x2FFFF;
	_ =	strace $0x9FFFFFFF  }
0xc2: {  	(tm) =	ssettm $0x7FFFFFFF  }
0xc3: {  	_ =	shalt  }
tec
execute0_lowered:
.L_overlay_start_1:
0x0: {  	(tag) =	ssettag $0x1  }
0x1: {  	s14 =	rddreg [dreg:$0x0]  }
0x2: {  	s1 =	rddreg [dreg:$0x1]  }
0x3: {  	s0 =	rddreg [dreg:$0x2]  }
0x4: {  	s3 =	simm.s32 $0x0;
	s2 =	stileid.u32;
	s6 =	srdreg.scid  }
0x5: {  	s18 =	simm.s32 $0x4200;
	s19 =	simm.s32 $0x2;
	s20 =	simm.s32 $0x80  }
0x6: {  	s21 =	simm.s32 $0x100;
	s22 =	simm.s32 $0x1;
	s23 =	simm.s32 $0x180  }
0x7: {  	s24 =	simm.s32 $0x200;
	s25 =	simm.s32 $0x0;
	[smem:$0x7FF] =	sst s3  }
0x8: {  	s4 =	sadd.s32 $0x14200, s14;
	s5 =	sadd.s32 $0x34400, s14;
	s7 =	sshll.u32 s2, $0xD  }
0x9: {  	s12 =	sand.u32 $0x1, s6;
	s10 =	sshll.u32 s2, $0x10;
	s15 =	smul.u32 $0x9E0, s2  }
0xa: {  	_ =	strace $0x80000059;
	s30 =	sadd.s32 s7, s14;
	s31 =	ssub.s32 $0x2, s12  }
0xb: {  	s8 =	sshll.u32 s12, $0x11;
	s6 =	sadd.s32 s10, s1;
	s16 =	smul.u32 $0x4F0, s12  }
0xc: {  	s9 =	sshrl.u32 s31, $0x1;
	s8 =	sadd.s32 s8, s30;
	s10 =	sadd.s32 $0x4000, s6  }
0xd: {  	s11 =	sadd.s32 $0x6000, s6;
	s12 =	sadd.s32 $0x8000, s6;
	s13 =	sadd.s32 $0xA000, s6  }
0xe: {  	s17 =	sadd.s32 s15, s14;
	s14 =	sadd.s32 $0xC000, s6;
	s15 =	sadd.s32 $0xE000, s6  }
0xf: {  	s9 =	ssub.s32 s31, s9;
	s7 =	sadd.s32 $0x34A00, s8;
	s16 =	sadd.s32 s16, s17  }
0x10: {  	v0 =	vimm.f32 $0.0e+00;
	s8 =	smax.u32 s9, $0x1;
	s9 =	sadd.s32 $0x2000, s6;
	s17 =	sadd.s32 $0x9E00, s16  }
.LBB2_1:
0x11: {  	s26 =	simm.s32 $0x0;
	s28 =	simm.s32 $0x200  }
.LBB2_2:
0x12: {  	p0 =	sne.s32 s28, $0x7E00;
	[tilespmem:s26+$0x4270] =	vst v0  }
0x13: {  	[tilespmem:s26+$0x4200] =	vst v0  }
0x14: {  	[tilespmem:s26+$0x4210] =	vst v0  }
.Ltmp0:
0x15: {  	[tilespmem:s26+$0x4220] =	vst v0;
	(pc) =	sbr.rel @p0 .LBB2_2-.Ltmp0, $4  }
0x16: {  	[tilespmem:s26+$0x4230] =	vst v0  }
0x17: {  	[tilespmem:s26+$0x4240] =	vst v0  }
0x18: {  	[tilespmem:s26+$0x4250] =	vst v0  }
0x19: {  	[tilespmem:s26+$0x4260] =	vst v0;
	s26 =	sshra.s32 s28, $0x2;
	s28 =	sadd.s32 $0x200, s28  }
0x1a: {  	[tilespmem:s26+$0x4270] =	vst v0  }
0x1b: {  	[tilespmem:s26+$0x4200] =	vst v0  }
0x1c: {  	[tilespmem:s26+$0x4210] =	vst v0  }
0x1d: {  	[tilespmem:s26+$0x4220] =	vst v0  }
0x1e: {  	[tilespmem:s26+$0x4230] =	vst v0  }
0x1f: {  	[tilespmem:s26+$0x4240] =	vst v0  }
0x20: {  	[tilespmem:s26+$0x4250] =	vst v0  }
0x21: {  	[tilespmem:s26+$0x4260] =	vst v0  }
0x22: {  	[spmem:s6] =	stream.linear.scatter [tilespmem:s18], [sflag:$0x2], $0x2000, $0x38;
	[tilespmem:$0x16200] =	vst v63  }
0x23: {  	_ =	swait.ge [sflag:s19], $0x2000  }
0x24: {  	[sflag:s19] =	ssyncset.done $0x0  }
0x25: {  	[sflag:s19] =	ssyncadd.s32 $0xFFFFE000  }
0x26: {  	[spmem:s9] =	stream.linear.scatter [tilespmem:s18], [sflag:$0x2], $0x2000, $0x38;
	[tilespmem:$0x16200] =	vst v63  }
0x27: {  	_ =	swait.ge [sflag:s19], $0x2000  }
0x28: {  	[sflag:s19] =	ssyncset.done $0x0  }
0x29: {  	[sflag:s19] =	ssyncadd.s32 $0xFFFFE000  }
0x2a: {  	[spmem:s10] =	stream.linear.scatter [tilespmem:s18], [sflag:$0x2], $0x2000, $0x38;
	[tilespmem:$0x16200] =	vst v63  }
0x2b: {  	_ =	swait.ge [sflag:s19], $0x2000  }
0x2c: {  	[sflag:s19] =	ssyncset.done $0x0  }
0x2d: {  	[sflag:s19] =	ssyncadd.s32 $0xFFFFE000  }
0x2e: {  	[spmem:s11] =	stream.linear.scatter [tilespmem:s18], [sflag:$0x2], $0x2000, $0x38;
	[tilespmem:$0x16200] =	vst v63  }
0x2f: {  	_ =	swait.ge [sflag:s19], $0x2000  }
0x30: {  	[sflag:s19] =	ssyncset.done $0x0  }
0x31: {  	[sflag:s19] =	ssyncadd.s32 $0xFFFFE000  }
0x32: {  	[spmem:s12] =	stream.linear.scatter [tilespmem:s18], [sflag:$0x2], $0x2000, $0x38;
	[tilespmem:$0x16200] =	vst v63  }
0x33: {  	_ =	swait.ge [sflag:s19], $0x2000  }
0x34: {  	[sflag:s19] =	ssyncset.done $0x0  }
0x35: {  	[sflag:s19] =	ssyncadd.s32 $0xFFFFE000  }
0x36: {  	[spmem:s13] =	stream.linear.scatter [tilespmem:s18], [sflag:$0x2], $0x2000, $0x38;
	[tilespmem:$0x16200] =	vst v63  }
0x37: {  	_ =	swait.ge [sflag:s19], $0x2000  }
0x38: {  	[sflag:s19] =	ssyncset.done $0x0  }
0x39: {  	[sflag:s19] =	ssyncadd.s32 $0xFFFFE000  }
0x3a: {  	[spmem:s14] =	stream.linear.scatter [tilespmem:s18], [sflag:$0x2], $0x2000, $0x38;
	[tilespmem:$0x16200] =	vst v63  }
0x3b: {  	_ =	swait.ge [sflag:s19], $0x2000  }
0x3c: {  	[sflag:s19] =	ssyncset.done $0x0  }
0x3d: {  	[sflag:s19] =	ssyncadd.s32 $0xFFFFE000  }
0x3e: {  	[spmem:s15] =	stream.linear.scatter [tilespmem:s18], [sflag:$0x2], $0x2000, $0x38;
	[tilespmem:$0x16200] =	vst v63  }
0x3f: {  	_ =	swait.ge [sflag:s19], $0x2000  }
0x40: {  	[sflag:s19] =	ssyncset.done $0x0  }
0x41: {  	[sflag:s19] =	ssyncadd.s32 $0xFFFFE000  }
0x42: {  	s30 =	sadd.s32 $0x0, s16;
	[bflag:$0x0] =	sbarrier.arrive $0xFFFF  }
0x43: {  	[tilespmem:s3], [sflag:$0x2] =	stream.linear.gather [hbm4b:s30+s3], $0x80, $0x38;
	[tilespmem:$0x16200] =	vst v63  }
0x44: {  	_ =	swait.ge [sflag:s19], $0x80  }
0x45: {  	[sflag:s19] =	ssyncset.done $0x0  }
0x46: {  	s31 =	sadd.s32 $0x0, s17;
	[sflag:s19] =	ssyncadd.s32 $0xFFFFFF80  }
0x47: {  	[tilespmem:s20], [sflag:$0x2] =	stream.linear.gather [hbm4b:s31+s3], $0x80, $0x38;
	[tilespmem:$0x16200] =	vst v63  }
0x48: {  	_ =	swait.ge [sflag:s19], $0x80  }
0x49: {  	[sflag:s19] =	ssyncset.done $0x0  }
0x4a: {  	[sflag:s19] =	ssyncadd.s32 $0xFFFFFF80  }
0x4b: {  	[tilespmem:s21], [sflag:$0x1] =	stream.indirect.gather [hbm4b:s5+s20], $0x1, s3, s20, $0xb8;
	[tilespmem:$0x16200] =	vst v63  }
0x4c: {  	_ =	swait.ge [sflag:s22], $0x80  }
0x4d: {  	[sflag:s22] =	ssyncset.done $0x0  }
0x4e: {  	[sflag:s22] =	ssyncadd.s32 $0xFFFFFF80  }
0x4f: {  	[tilespmem:s23], [sflag:$0x1] =	stream.indirect.gather [hbm4b:s5+s20], $0x1, s20, s20, $0xb8;
	[tilespmem:$0x16200] =	vst v63  }
0x50: {  	_ =	swait.ge [sflag:s22], $0x80  }
0x51: {  	[sflag:s22] =	ssyncset.done $0x0  }
0x52: {  	[sflag:s22] =	ssyncadd.s32 $0xFFFFFF80  }
0x53: {  	[tilespmem:s24], [sflag:$0x1] =	stream.indirect.gather [hbm4b:s4+s20], $0x80, s21, s20, $0xb8;
	[tilespmem:$0x16200] =	vst v63  }
0x54: {  	_ =	swait.ge [sflag:s22], $0x4000  }
0x55: {  	[sflag:s22] =	ssyncset.done $0x0  }
0x56: {  	[sflag:s22] =	ssyncadd.s32 $0xFFFFC000  }
0x57: {  	[spmem:s1] =	stream.indirect.scatter.add.f32 [tilespmem:s24], [sflag:$0x2], $0x80, s23, s20, $0xb8;
	[tilespmem:$0x16200] =	vst v63  }
0x58: {  	_ =	swait.ge [sflag:s19], $0x4000  }
0x59: {  	s26 =	simm.s32 $0x10;
	s28 =	simm.s32 $0x20;
	[sflag:s19] =	ssyncset.done $0x0  }
.LBB2_4:
0x5a: {  	s29 =	sadd.s32 s26, s16  }
0x5b: {  	[sflag:s19] =	ssyncadd.s32 $0xFFFFC000;
	s30 =	smov.u32 s28;
	s31 =	sadd.s32 $0x10, s28  }
0x5c: {  	[tilespmem:s3], [sflag:$0x2] =	stream.linear.gather [hbm4b:s29+s3], $0x80, $0x38;
	[tilespmem:$0x16200] =	vst v63  }
0x5d: {  	p0 =	sne.s32 s28, $0x4E0;
	_ =	swait.ge [sflag:s19], $0x80  }
0x5e: {  	[sflag:s19] =	ssyncset.done $0x0  }
0x5f: {  	s28 =	sadd.s32 s26, s17;
	s26 =	smov.u32 s30;
	[sflag:s19] =	ssyncadd.s32 $0xFFFFFF80  }
0x60: {  	[tilespmem:s20], [sflag:$0x2] =	stream.linear.gather [hbm4b:s28+s3], $0x80, $0x38;
	[tilespmem:$0x16200] =	vst v63  }
0x61: {  	_ =	swait.ge [sflag:s19], $0x80  }
0x62: {  	[sflag:s19] =	ssyncset.done $0x0  }
0x63: {  	[sflag:s19] =	ssyncadd.s32 $0xFFFFFF80  }
0x64: {  	[tilespmem:s21], [sflag:$0x1] =	stream.indirect.gather [hbm4b:s5+s20], $0x1, s3, s20, $0xb8;
	[tilespmem:$0x16200] =	vst v63  }
0x65: {  	_ =	swait.ge [sflag:s22], $0x80  }
0x66: {  	[sflag:s22] =	ssyncset.done $0x0  }
0x67: {  	[sflag:s22] =	ssyncadd.s32 $0xFFFFFF80  }
0x68: {  	[tilespmem:s23], [sflag:$0x1] =	stream.indirect.gather [hbm4b:s5+s20], $0x1, s20, s20, $0xb8;
	[tilespmem:$0x16200] =	vst v63  }
0x69: {  	_ =	swait.ge [sflag:s22], $0x80  }
0x6a: {  	[sflag:s22] =	ssyncset.done $0x0  }
0x6b: {  	[sflag:s22] =	ssyncadd.s32 $0xFFFFFF80  }
0x6c: {  	[tilespmem:s24], [sflag:$0x1] =	stream.indirect.gather [hbm4b:s4+s20], $0x80, s21, s20, $0xb8;
	[tilespmem:$0x16200] =	vst v63  }
0x6d: {  	_ =	swait.ge [sflag:s22], $0x4000  }
.Ltmp1:
0x6e: {  	[sflag:s22] =	ssyncset.done $0x0;
	(pc) =	sbr.rel @p0 .LBB2_4-.Ltmp1, $4  }
0x6f: {  	[sflag:s22] =	ssyncadd.s32 $0xFFFFC000  }
0x70: {  	[spmem:s1] =	stream.indirect.scatter.add.f32 [tilespmem:s24], [sflag:$0x2], $0x80, s23, s20, $0xb8;
	[tilespmem:$0x16200] =	vst v63  }
0x71: {  	_ =	swait.ge [sflag:s19], $0x4000  }
0x72: {  	s28 =	smov.u32 s31;
	[sflag:s19] =	ssyncset.done $0x0  }
0x73: {  	s28 =	sadd.s32 s26, s16;
	[sflag:s19] =	ssyncadd.s32 $0xFFFFC000  }
0x74: {  	[tilespmem:s3], [sflag:$0x2] =	stream.linear.gather [hbm4b:s28+s3], $0x80, $0x38;
	[tilespmem:$0x16200] =	vst v63  }
0x75: {  	_ =	swait.ge [sflag:s19], $0x80  }
0x76: {  	[sflag:s19] =	ssyncset.done $0x0  }
0x77: {  	s29 =	sadd.s32 s26, s17;
	[sflag:s19] =	ssyncadd.s32 $0xFFFFFF80  }
0x78: {  	[tilespmem:s20], [sflag:$0x2] =	stream.linear.gather [hbm4b:s29+s3], $0x80, $0x38;
	[tilespmem:$0x16200] =	vst v63  }
0x79: {  	_ =	swait.ge [sflag:s19], $0x80  }
0x7a: {  	[sflag:s19] =	ssyncset.done $0x0  }
0x7b: {  	[sflag:s19] =	ssyncadd.s32 $0xFFFFFF80  }
0x7c: {  	[tilespmem:s21], [sflag:$0x1] =	stream.indirect.gather [hbm4b:s5+s20], $0x1, s3, s20, $0xb8;
	[tilespmem:$0x16200] =	vst v63  }
0x7d: {  	_ =	swait.ge [sflag:s22], $0x80  }
0x7e: {  	[sflag:s22] =	ssyncset.done $0x0  }
0x7f: {  	[sflag:s22] =	ssyncadd.s32 $0xFFFFFF80  }
0x80: {  	[tilespmem:s23], [sflag:$0x1] =	stream.indirect.gather [hbm4b:s5+s20], $0x1, s20, s20, $0xb8;
	[tilespmem:$0x16200] =	vst v63  }
0x81: {  	_ =	swait.ge [sflag:s22], $0x80  }
0x82: {  	[sflag:s22] =	ssyncset.done $0x0  }
0x83: {  	[sflag:s22] =	ssyncadd.s32 $0xFFFFFF80  }
0x84: {  	[tilespmem:s24], [sflag:$0x1] =	stream.indirect.gather [hbm4b:s4+s20], $0x80, s21, s20, $0xb8;
	[tilespmem:$0x16200] =	vst v63  }
0x85: {  	_ =	swait.ge [sflag:s22], $0x4000  }
0x86: {  	[sflag:s22] =	ssyncset.done $0x0  }
0x87: {  	[sflag:s22] =	ssyncadd.s32 $0xFFFFC000  }
0x88: {  	[spmem:s1] =	stream.indirect.scatter.add.f32 [tilespmem:s24], [sflag:$0x2], $0x80, s23, s20, $0xb8;
	[tilespmem:$0x16200] =	vst v63  }
0x89: {  	_ =	swait.ge [sflag:s19], $0x4000  }
0x8a: {  	s30 =	sshll.u32 s2, $0x6;
	s25 =	sadd.s32 $0x1, s25;
	[sflag:s19] =	ssyncset.done $0x0  }
0x8b: {  	s31 =	sshrl.u32 s6, $0x3;
	p0 =	sne.s32 s25, s8;
	[sflag:s19] =	ssyncadd.s32 $0xFFFFC000  }
.Ltmp2:
0x8c: {  	s26 =	sor.u32 $0x1C02, s30;
	[bflag:$0x0] =	sbarrier.arrive $0xFFFF;
	(pc) =	sbr.rel @p0 .LBB2_1-.Ltmp2, $4  }
0x8d: {  	[hbm:s7], [sflag:s26] =	dma.local [spmem:s31], $0x2000  }
0x8e: {  	_ =	swait.ge [sflag:s19], $0x2000  }
0x8f: {  	[sflag:s19] =	ssyncset.done $0x0  }
0x90: {  	[sflag:s19] =	ssyncadd.s32 $0xFFFFE000  }
0x91: {  	_ =	sfence.sel $0x180000  }
0x92: {  	[bflag:$0x0] =	sbarrier.arrive $0xFFFF  }
0x93: {  	p0 =	sne.s32 s2, $0x0;
	_ =	strace $0x90000059  }
0x94: {  	s0 =	sadd.s32 @!p0 $0x100000, s0;
	[bflag:$0x2] =	sbarrier.arrive $0xFFFF  }
0x95: {  	[sflag:s0] =	ssyncadd.tile.s32 @!p0 $0x1;
	_ =	shalt  }
.Lfunc_end2:
_tile_overlayer_lowered:
.L_overlay_start_2:
0x96: {  	(tag) =	ssettag $0x2  }
0x97: {  	s0 =	rddreg [dreg:$0x0];
	s2 =	stileid.u32  }
0x98: {  	s1 =	rddreg [dreg:$0x1];
	p0 =	sne.s32 s2, $0x0  }
0x99: {  	s3 =	rddreg [dreg:$0x2];
	[bflag:$0x3] =	sbarrier.arrive $0xFFFF;
	s2 =	simm.s32 @!p0 $0x1C02  }
0x9a: {  	[timem:s3], [sflag:s2] =	dma.local @!p0 [hbm:s0], s1  }
0x9b: {  	s0 =	simm.s32 @!p0 $0x2  }
0x9c: {  	_ =	swait.ge @!p0 [sflag:s0], s1  }
0x9d: {  	s1 =	ssub.s32 @!p0 $0x0, s1;
	[sflag:s0] =	ssyncset.done @!p0 $0x0  }
0x9e: {  	[sflag:s0] =	ssyncadd.s32 @!p0 s1  }
0x9f: {  	[bflag:$0x3] =	sbarrier.arrive $0xFFFF  }
0xa0: {  	_ =	shalt  }

// kernel: gin_agg_8001_1.3.cloned.1.call-start
scs
__scs_entry_jumppad:
0x0: {  	(pc) =	sbr.rel $0x88, $3  }
0x1: {  	(tag) =	ssettag $0x0;
	lr =	simm.s32 $0x1  }
0x2: {  	[smem:$0x3F85] =	sst lr;
	_ =	strace $0xD0000000  }
0x3: {  	_ = 	snop  }
0x4: {  	_ = 	snop  }
0x5: {  	_ = 	snop  }
0x6: {  	_ = 	snop  }
0x7: {  	_ = 	snop  }
__scs_overlays_trampoline_lowered:
0x8: {  	[smem:$0x3F94] =	sst s0  }
0x9: {  	[smem:$0x3F95] =	sst s1  }
0xa: {  	[smem:$0x3F96] =	sst s2  }
0xb: {  	[smem:$0x3F97] =	sst s3  }
0xc: {  	[smem:$0x3F98] =	sst s4  }
0xd: {  	[smem:$0x3F99] =	sst s5  }
0xe: {  	[smem:$0x3F9A] =	sst s6  }
0xf: {  	[smem:$0x3F9B] =	sst s7  }
0x10: {  	[smem:$0x3F9C] =	sst s8  }
0x11: {  	[smem:$0x3F9D] =	sst s9;
	s0 =	simm.s32 @!p0 $0x0  }
0x12: {  	s1 =	sld [smem:$0x3F83];
	s0 =	simm.s32 @p0 $0x1  }
0x13: {  	[smem:$0x3F9E] =	sst s0;
	s0 =	simm.s32 @!p1 $0x0  }
0x14: {  	s2 =	sld [smem:$0x3F82];
	s0 =	simm.s32 @p1 $0x1  }
0x15: {  	[smem:$0x3F9F] =	sst s0;
	s0 =	simm.s32 @!p2 $0x0  }
0x16: {  	s3 =	sld [smem:$0x3FDB];
	s0 =	simm.s32 @p2 $0x1  }
0x17: {  	s4 =	simm.s32 $0x1BF5;
	[smem:$0x3FA1] =	sst s0  }
0x18: {  	s0 =	sld [smem:$0x3F84];
	_ =	swait.ge [sflag:s4], $0x0  }
0x19: {  	s7 =	sld [smem:$0x3F85]  }
0x1a: {  	s8 =	sadd.s32 $0xFFFFE003, lr  }
0x1b: {  	s9 =	sadd.s32 $0xFFFFFEF7, lr;
	s5 =	simm.s32 $0xFFFFFFFF;
	p2 =	slt.u32 s8, $0xFFFFF086  }
0x1c: {  	p1 =	slt.u32 s9, $0xF7A;
	s5 =	simm.s32 @!p2 $0x0  }
0x1d: {  	s5 =	simm.s32 @p1 $0x1;
	p0 =	seq.s32 s7, s2  }
0x1e: {  	s7 =	smul.u32 @!p0 $0xF7A, s2;
	p2 =	seq.s32 @!p0 s5, $0x0  }
0x1f: {  	s9 =	smul.u32 $0xF7A, s1;
	s8 =	simm.s32 @!p0 $0x1BF5;
	p2 =	por !p2, p0  }
0x20: {  	[sflag:s8] =	ssyncset.s32 @!p0 $0xFFFFF086;
	s6 =	sadd.s32 @!p0 s3, s7;
	s7 =	simm.s32 @!p0 $0x108  }
0x21: {  	s3 =	sadd.s32 s3, s9;
	s6 =	sadd.s32 @!p0 $0x88, s6;
	s7 =	simm.s32 @p2 $0x1082  }
0x22: {  	[simem:s7], [sflag:s8] =	dma.local @!p0 [hbm:s6], $0xF7A  }
0x23: {  	s9 =	sor.u32 $0xD0000000, s2;
	s6 =	simm.s32 $0x108;
	_ =	swait.ge @!p0 [sflag:s8], $0x0  }
0x24: {  	s3 =	sadd.s32 $0x88, s3;
	s6 =	simm.s32 @!p1 $0x1082;
	[sflag:s4] =	ssyncset.s32 $0xFFFFF086  }
0x25: {  	[simem:s6], [sflag:s4] =	dma.local [hbm:s3], $0xF7A  }
0x26: {  	[smem:$0x3F85] =	sst s1;
	(tag) =	ssettag s2;
	_ =	strace s9  }
0x27: {  	s1 =	sld [smem:$0x3F95]  }
0x28: {  	s2 =	sld [smem:$0x3F96]  }
0x29: {  	s4 =	sld [smem:$0x3F98]  }
0x2a: {  	p0 =	seq.s32 s5, $0x0;
	s5 =	sld [smem:$0x3F99]  }
0x2b: {  	s6 =	sld [smem:$0x3F9A]  }
0x2c: {  	s7 =	sld [smem:$0x3F9B]  }
0x2d: {  	s3 =	simm.s32 $0x108;
	s8 =	sld [smem:$0x3F9C]  }
0x2e: {  	s3 =	simm.s32 @!p0 $0x1082;
	s9 =	sld [smem:$0x3F9D]  }
0x2f: {  	lr =	sadd.s32 s0, s3;
	s0 =	sld [smem:$0x3F94]  }
0x30: {  	s3 =	sld [smem:$0x3F97]  }
0x31: {  	[smem:$0x3FA0] =	sst s10  }
0x32: {  	s10 =	sld [smem:$0x3F9E];
	_ =	sdelay $0x3  }
0x33: {  	p0 =	seq.s32 s10, $0x1;
	s10 =	sld [smem:$0x3FA0];
	_ =	sdelay $0x3  }
0x34: {  	[smem:$0x3FA0] =	sst s10  }
0x35: {  	s10 =	sld [smem:$0x3F9F];
	_ =	sdelay $0x3  }
0x36: {  	p1 =	seq.s32 s10, $0x1;
	s10 =	sld [smem:$0x3FA0];
	_ =	sdelay $0x3  }
0x37: {  	[smem:$0x3FA0] =	sst s10  }
0x38: {  	s10 =	sld [smem:$0x3FA1]  }
0x39: {  	_ = 	snop;
	(pc) =	sbr.ind lr, $3  }
0x3a: {  	_ = 	snop  }
0x3b: {  	_ = 	snop  }
0x3c: {  	p2 =	seq.s32 s10, $0x1;
	s10 =	sld [smem:$0x3FA0]  }
0x3d: {  	_ =	shalt  }
0x3e: {  	_ =	shalt  }
0x3f: {  	_ =	shalt  }
0x40: {  	_ =	shalt  }
0x41: {  	_ =	shalt  }
0x42: {  	_ =	shalt  }
0x43: {  	_ =	shalt  }
0x44: {  	_ =	shalt  }
0x45: {  	_ =	shalt  }
0x46: {  	_ =	shalt  }
0x47: {  	_ =	shalt  }
0x48: {  	_ =	shalt  }
0x49: {  	_ =	shalt  }
0x4a: {  	_ =	shalt  }
0x4b: {  	_ =	shalt  }
0x4c: {  	_ =	shalt  }
0x4d: {  	_ =	shalt  }
0x4e: {  	_ =	shalt  }
0x4f: {  	_ =	shalt  }
0x50: {  	_ =	shalt  }
0x51: {  	_ =	shalt  }
0x52: {  	_ =	shalt  }
0x53: {  	_ =	shalt  }
0x54: {  	_ =	shalt  }
0x55: {  	_ =	shalt  }
0x56: {  	_ =	shalt  }
0x57: {  	_ =	shalt  }
0x58: {  	_ =	shalt  }
0x59: {  	_ =	shalt  }
0x5a: {  	_ =	shalt  }
0x5b: {  	_ =	shalt  }
0x5c: {  	_ =	shalt  }
0x5d: {  	_ =	shalt  }
0x5e: {  	_ =	shalt  }
0x5f: {  	_ =	shalt  }
0x60: {  	_ =	shalt  }
0x61: {  	_ =	shalt  }
0x62: {  	_ =	shalt  }
0x63: {  	_ =	shalt  }
0x64: {  	_ =	shalt  }
0x65: {  	_ =	shalt  }
0x66: {  	_ =	shalt  }
0x67: {  	_ =	shalt  }
0x68: {  	_ =	shalt  }
0x69: {  	_ =	shalt  }
0x6a: {  	_ =	shalt  }
0x6b: {  	_ =	shalt  }
0x6c: {  	_ =	shalt  }
0x6d: {  	_ =	shalt  }
0x6e: {  	_ =	shalt  }
0x6f: {  	_ =	shalt  }
0x70: {  	_ =	shalt  }
0x71: {  	_ =	shalt  }
0x72: {  	_ =	shalt  }
0x73: {  	_ =	shalt  }
0x74: {  	_ =	shalt  }
0x75: {  	_ =	shalt  }
0x76: {  	_ =	shalt  }
0x77: {  	_ =	shalt  }
0x78: {  	_ =	shalt  }
0x79: {  	_ =	shalt  }
0x7a: {  	_ =	shalt  }
0x7b: {  	_ =	shalt  }
0x7c: {  	_ =	shalt  }
0x7d: {  	_ =	shalt  }
0x7e: {  	_ =	shalt  }
0x7f: {  	_ =	shalt  }
0x80: {  	_ =	shalt  }
0x81: {  	_ =	shalt  }
0x82: {  	_ =	shalt  }
0x83: {  	_ =	shalt  }
0x84: {  	_ =	shalt  }
0x85: {  	_ =	shalt  }
0x86: {  	_ =	shalt  }
0x87: {  	_ =	shalt  }
.Lfunc_end0:
.L_simem_size_0:
called_computation.8_lowered:
.L_overlay_start_0:
0x88: {  	s2 =	sld [smem:$0x3FD9]  }
0x89: {  	s3 =	sld [smem:$0x3FFE];
	_ =	sdelay $0x1  }
0x8a: {  	s1 =	srdreg.scid  }
0x8b: {  	s0 =	sand.u32 $0x1, s1  }
0x8c: {  	s16 =	sshll.u32 s0, $0xA;
	s2 =	sadd.s32 s3, s2  }
0x8d: {  	s2 =	sadd.s32 s2, s16  }
0x8e: {  	[smem:$0x3FAC] =	sst s2  }
0x8f: {  	_ = 	snop  }
0x90: {  	(tm) =	ssettm $0x1  }
0x91: {  	s17 =	sld [smem:$0x3FFB];
	_ =	sdelay $0x3  }
0x92: {  	_ =	strace s17  }
0x93: {  	s2 =	sld [smem:$0x3FFC];
	_ =	sdelay $0x3  }
0x94: {  	_ =	strace s2  }
0x95: {  	s2 =	sld [smem:$0x3FFD];
	_ =	sdelay $0x3  }
0x96: {  	_ =	strace s2  }
0x97: {  	_ =	strace $0x8FFFFFFF  }
0x98: {  	s18 =	sld [smem:$0x3FDB];
	_ =	sdelay $0x1  }
0x99: {  	s19 =	simm.s32 $_scs_section_size  }
0x9a: {  	s4 =	simm.s32 $_size__tile_overlayer_lowered;
	s5 =	simm.s32 $_tile_overlayer_lowered  }
0x9b: {  	s22 =	simm.s32 $0x1BFF;
	s21 =	sshll.u32 s5, $0x1;
	s2 =	sadd.s32 s19, s18  }
0x9c: {  	s6 =	simm.s32 $0x0;
	s20 =	sshll.u32 s4, $0x1;
	s4 =	sadd.s32 s21, s2  }
0x9d: {  	[timem:s6], [sflag:s22] =	dma.local [hbm:s4], s20  }
0x9e: {  	_ =	swait.ge [sflag:s22], s20  }
0x9f: {  	s3 =	ssub.s32 $0x0, s20;
	[sflag:s22] =	ssyncset.done $0x0  }
0xa0: {  	[sflag:s22] =	ssyncadd.s32 s3;
	_ =	sdelay $0x1  }
0xa1: {  	s23 =	simm.s32 $0x1B8B  }
0xa2: {  	_ =	swait.ge [sflag:s23], $0x1  }
0xa3: {  	[sflag:s23] =	ssyncset.done $0x0  }
0xa4: {  	s25 =	simm.s32 $0x1B8E;
	s24 =	sld [smem:$0x3FFE];
	[sflag:s23] =	ssyncadd.s32 $0xFFFFFFFF  }
0xa5: {  	s26 =	simm.s32 $execute0_lowered;
	[smem:$0x3FD2] =	sst s25  }
0xa6: {  	s4 =	sshll.u32 s26, $0x1;
	_ =	strace $0x8000004F;
	[dreg:$0x1] =	wrdreg $0xFFFFFFFF  }
0xa7: {  	s28 =	simm.s32 $_size_execute0_lowered;
	s2 =	sadd.s32 s2, s4;
	[dreg:$0x0] =	wrdreg $0x0  }
0xa8: {  	s4 =	sshll.u32 s28, $0x1;
	[dreg:$0x2] =	wrdreg s2  }
0xa9: {  	[dreg:$0x3] =	wrdreg s4  }
0xaa: {  	[dreg:$0x4] =	wrdreg $0xC0  }
0xab: {  	_ =	task [dreg:s6], $0x5FFFF  }
0xac: {  	[dreg:$0x1] =	wrdreg $0xFFFFFFFF  }
0xad: {  	[dreg:$0x0] =	wrdreg $0x60  }
0xae: {  	[dreg:$0x2] =	wrdreg s24  }
0xaf: {  	[dreg:$0x3] =	wrdreg $0x62000  }
0xb0: {  	[dreg:$0x4] =	wrdreg $0x9  }
0xb1: {  	_ =	task.clear_ibuf [dreg:s6], $0x5FFFF;
	_ =	strace $0x9000004F  }
0xb2: {  	s29 =	simm.s32 $0x9;
	_ =	strace $0x80000051  }
0xb3: {  	_ =	swait.ge [sflag:s29], $0x1  }
0xb4: {  	[sflag:s29] =	ssyncadd.s32 $0xFFFFFFFF  }
0xb5: {  	_ =	strace $0x90000051  }
0xb6: {  	_ =	sfence  }
0xb7: {  	s30 =	sld [smem:$0x0];
	_ =	sdelay $0x2  }
0xb8: {  	s31 =	sshll.u32 s1, $0xD;
	s1 =	sshrl.u32 s1, $0x2  }
0xb9: {  	s3 =	sand.u32 $0x4000, s31;
	s1 =	sadd.s32 s1, s30  }
0xba: {  	s0 =	sor.u32 s3, s0;
	s1 =	sshll.u32 s1, $0x11  }
0xbb: {  	s0 =	sor.u32 s1, s0  }
0xbc: {  	s0 =	sadd.s32 $0x8F2B, s0  }
0xbd: {  	[sflag:s0] =	ssyncadd.remote.s32 $0x1  }
0xbe: {  	_ =	sfence.sel $0xFFFF  }
0xbf: {  	[dreg:$0x0] =	wrdreg $0xFFFFFFFF;
	(pc) =	sbr.abs _section_cstart, $3  }
0xc0: {  	[dreg:$0x1] =	wrdreg $0xFFFFFFFF  }
0xc1: {  	_ =	task.clear_ibuf [dreg:s6], $0x2FFFF;
	_ =	strace $0x9FFFFFFF  }
0xc2: {  	(tm) =	ssettm $0x7FFFFFFF  }
0xc3: {  	_ =	shalt  }
tec
execute0_lowered:
.L_overlay_start_1:
0x0: {  	(tag) =	ssettag $0x1  }
0x1: {  	s14 =	rddreg [dreg:$0x0]  }
0x2: {  	s1 =	rddreg [dreg:$0x1]  }
0x3: {  	s0 =	rddreg [dreg:$0x2]  }
0x4: {  	s3 =	simm.s32 $0x0;
	s2 =	stileid.u32;
	s6 =	srdreg.scid  }
0x5: {  	s18 =	simm.s32 $0x4200;
	s19 =	simm.s32 $0x2;
	s20 =	simm.s32 $0x80  }
0x6: {  	s21 =	simm.s32 $0x100;
	s22 =	simm.s32 $0x1;
	s23 =	simm.s32 $0x180  }
0x7: {  	s24 =	simm.s32 $0x200;
	s25 =	simm.s32 $0x0;
	[smem:$0x7FF] =	sst s3  }
0x8: {  	s4 =	sadd.s32 $0x14200, s14;
	s5 =	sadd.s32 $0x13C00, s14;
	s7 =	sshll.u32 s2, $0xD  }
0x9: {  	s12 =	sand.u32 $0x1, s6;
	s10 =	sshll.u32 s2, $0x10;
	s15 =	smul.u32 $0x9E0, s2  }
0xa: {  	_ =	strace $0x80000050;
	s30 =	sadd.s32 s7, s14;
	s31 =	ssub.s32 $0x2, s12  }
0xb: {  	s8 =	sshll.u32 s12, $0x11;
	s6 =	sadd.s32 s10, s1;
	s16 =	smul.u32 $0x4F0, s12  }
0xc: {  	s9 =	sshrl.u32 s31, $0x1;
	s8 =	sadd.s32 s8, s30;
	s10 =	sadd.s32 $0x4000, s6  }
0xd: {  	s11 =	sadd.s32 $0x6000, s6;
	s12 =	sadd.s32 $0x8000, s6;
	s13 =	sadd.s32 $0xA000, s6  }
0xe: {  	s17 =	sadd.s32 s15, s14;
	s14 =	sadd.s32 $0xC000, s6;
	s15 =	sadd.s32 $0xE000, s6  }
0xf: {  	s9 =	ssub.s32 s31, s9;
	s7 =	sadd.s32 $0x34200, s8;
	s16 =	sadd.s32 s16, s17  }
0x10: {  	v0 =	vimm.f32 $0.0e+00;
	s8 =	smax.u32 s9, $0x1;
	s9 =	sadd.s32 $0x2000, s6;
	s17 =	sadd.s32 $0x9E00, s16  }
.LBB2_1:
0x11: {  	s26 =	simm.s32 $0x0;
	s28 =	simm.s32 $0x200  }
.LBB2_2:
0x12: {  	p0 =	sne.s32 s28, $0x7E00;
	[tilespmem:s26+$0x4270] =	vst v0  }
0x13: {  	[tilespmem:s26+$0x4200] =	vst v0  }
0x14: {  	[tilespmem:s26+$0x4210] =	vst v0  }
.Ltmp0:
0x15: {  	[tilespmem:s26+$0x4220] =	vst v0;
	(pc) =	sbr.rel @p0 .LBB2_2-.Ltmp0, $4  }
0x16: {  	[tilespmem:s26+$0x4230] =	vst v0  }
0x17: {  	[tilespmem:s26+$0x4240] =	vst v0  }
0x18: {  	[tilespmem:s26+$0x4250] =	vst v0  }
0x19: {  	[tilespmem:s26+$0x4260] =	vst v0;
	s26 =	sshra.s32 s28, $0x2;
	s28 =	sadd.s32 $0x200, s28  }
0x1a: {  	[tilespmem:s26+$0x4270] =	vst v0  }
0x1b: {  	[tilespmem:s26+$0x4200] =	vst v0  }
0x1c: {  	[tilespmem:s26+$0x4210] =	vst v0  }
0x1d: {  	[tilespmem:s26+$0x4220] =	vst v0  }
0x1e: {  	[tilespmem:s26+$0x4230] =	vst v0  }
0x1f: {  	[tilespmem:s26+$0x4240] =	vst v0  }
0x20: {  	[tilespmem:s26+$0x4250] =	vst v0  }
0x21: {  	[tilespmem:s26+$0x4260] =	vst v0  }
0x22: {  	[spmem:s6] =	stream.linear.scatter [tilespmem:s18], [sflag:$0x2], $0x2000, $0x38;
	[tilespmem:$0x16200] =	vst v63  }
0x23: {  	_ =	swait.ge [sflag:s19], $0x2000  }
0x24: {  	[sflag:s19] =	ssyncset.done $0x0  }
0x25: {  	[sflag:s19] =	ssyncadd.s32 $0xFFFFE000  }
0x26: {  	[spmem:s9] =	stream.linear.scatter [tilespmem:s18], [sflag:$0x2], $0x2000, $0x38;
	[tilespmem:$0x16200] =	vst v63  }
0x27: {  	_ =	swait.ge [sflag:s19], $0x2000  }
0x28: {  	[sflag:s19] =	ssyncset.done $0x0  }
0x29: {  	[sflag:s19] =	ssyncadd.s32 $0xFFFFE000  }
0x2a: {  	[spmem:s10] =	stream.linear.scatter [tilespmem:s18], [sflag:$0x2], $0x2000, $0x38;
	[tilespmem:$0x16200] =	vst v63  }
0x2b: {  	_ =	swait.ge [sflag:s19], $0x2000  }
0x2c: {  	[sflag:s19] =	ssyncset.done $0x0  }
0x2d: {  	[sflag:s19] =	ssyncadd.s32 $0xFFFFE000  }
0x2e: {  	[spmem:s11] =	stream.linear.scatter [tilespmem:s18], [sflag:$0x2], $0x2000, $0x38;
	[tilespmem:$0x16200] =	vst v63  }
0x2f: {  	_ =	swait.ge [sflag:s19], $0x2000  }
0x30: {  	[sflag:s19] =	ssyncset.done $0x0  }
0x31: {  	[sflag:s19] =	ssyncadd.s32 $0xFFFFE000  }
0x32: {  	[spmem:s12] =	stream.linear.scatter [tilespmem:s18], [sflag:$0x2], $0x2000, $0x38;
	[tilespmem:$0x16200] =	vst v63  }
0x33: {  	_ =	swait.ge [sflag:s19], $0x2000  }
0x34: {  	[sflag:s19] =	ssyncset.done $0x0  }
0x35: {  	[sflag:s19] =	ssyncadd.s32 $0xFFFFE000  }
0x36: {  	[spmem:s13] =	stream.linear.scatter [tilespmem:s18], [sflag:$0x2], $0x2000, $0x38;
	[tilespmem:$0x16200] =	vst v63  }
0x37: {  	_ =	swait.ge [sflag:s19], $0x2000  }
0x38: {  	[sflag:s19] =	ssyncset.done $0x0  }
0x39: {  	[sflag:s19] =	ssyncadd.s32 $0xFFFFE000  }
0x3a: {  	[spmem:s14] =	stream.linear.scatter [tilespmem:s18], [sflag:$0x2], $0x2000, $0x38;
	[tilespmem:$0x16200] =	vst v63  }
0x3b: {  	_ =	swait.ge [sflag:s19], $0x2000  }
0x3c: {  	[sflag:s19] =	ssyncset.done $0x0  }
0x3d: {  	[sflag:s19] =	ssyncadd.s32 $0xFFFFE000  }
0x3e: {  	[spmem:s15] =	stream.linear.scatter [tilespmem:s18], [sflag:$0x2], $0x2000, $0x38;
	[tilespmem:$0x16200] =	vst v63  }
0x3f: {  	_ =	swait.ge [sflag:s19], $0x2000  }
0x40: {  	[sflag:s19] =	ssyncset.done $0x0  }
0x41: {  	[sflag:s19] =	ssyncadd.s32 $0xFFFFE000  }
0x42: {  	s30 =	sadd.s32 $0x0, s16;
	[bflag:$0x0] =	sbarrier.arrive $0xFFFF  }
0x43: {  	[tilespmem:s3], [sflag:$0x2] =	stream.linear.gather [hbm4b:s30+s3], $0x80, $0x38;
	[tilespmem:$0x16200] =	vst v63  }
0x44: {  	_ =	swait.ge [sflag:s19], $0x80  }
0x45: {  	[sflag:s19] =	ssyncset.done $0x0  }
0x46: {  	s31 =	sadd.s32 $0x0, s17;
	[sflag:s19] =	ssyncadd.s32 $0xFFFFFF80  }
0x47: {  	[tilespmem:s20], [sflag:$0x2] =	stream.linear.gather [hbm4b:s31+s3], $0x80, $0x38;
	[tilespmem:$0x16200] =	vst v63  }
0x48: {  	_ =	swait.ge [sflag:s19], $0x80  }
0x49: {  	[sflag:s19] =	ssyncset.done $0x0  }
0x4a: {  	[sflag:s19] =	ssyncadd.s32 $0xFFFFFF80  }
0x4b: {  	[tilespmem:s21], [sflag:$0x1] =	stream.indirect.gather [hbm4b:s5+s20], $0x1, s3, s20, $0xb8;
	[tilespmem:$0x16200] =	vst v63  }
0x4c: {  	_ =	swait.ge [sflag:s22], $0x80  }
0x4d: {  	[sflag:s22] =	ssyncset.done $0x0  }
0x4e: {  	[sflag:s22] =	ssyncadd.s32 $0xFFFFFF80  }
0x4f: {  	[tilespmem:s23], [sflag:$0x1] =	stream.indirect.gather [hbm4b:s5+s20], $0x1, s20, s20, $0xb8;
	[tilespmem:$0x16200] =	vst v63  }
0x50: {  	_ =	swait.ge [sflag:s22], $0x80  }
0x51: {  	[sflag:s22] =	ssyncset.done $0x0  }
0x52: {  	[sflag:s22] =	ssyncadd.s32 $0xFFFFFF80  }
0x53: {  	[tilespmem:s24], [sflag:$0x1] =	stream.indirect.gather [hbm4b:s4+s20], $0x80, s21, s20, $0xb8;
	[tilespmem:$0x16200] =	vst v63  }
0x54: {  	_ =	swait.ge [sflag:s22], $0x4000  }
0x55: {  	[sflag:s22] =	ssyncset.done $0x0  }
0x56: {  	[sflag:s22] =	ssyncadd.s32 $0xFFFFC000  }
0x57: {  	[spmem:s1] =	stream.indirect.scatter.add.f32 [tilespmem:s24], [sflag:$0x2], $0x80, s23, s20, $0xb8;
	[tilespmem:$0x16200] =	vst v63  }
0x58: {  	_ =	swait.ge [sflag:s19], $0x4000  }
0x59: {  	s26 =	simm.s32 $0x10;
	s28 =	simm.s32 $0x20;
	[sflag:s19] =	ssyncset.done $0x0  }
.LBB2_4:
0x5a: {  	s29 =	sadd.s32 s26, s16  }
0x5b: {  	[sflag:s19] =	ssyncadd.s32 $0xFFFFC000;
	s30 =	smov.u32 s28;
	s31 =	sadd.s32 $0x10, s28  }
0x5c: {  	[tilespmem:s3], [sflag:$0x2] =	stream.linear.gather [hbm4b:s29+s3], $0x80, $0x38;
	[tilespmem:$0x16200] =	vst v63  }
0x5d: {  	p0 =	sne.s32 s28, $0x4E0;
	_ =	swait.ge [sflag:s19], $0x80  }
0x5e: {  	[sflag:s19] =	ssyncset.done $0x0  }
0x5f: {  	s28 =	sadd.s32 s26, s17;
	s26 =	smov.u32 s30;
	[sflag:s19] =	ssyncadd.s32 $0xFFFFFF80  }
0x60: {  	[tilespmem:s20], [sflag:$0x2] =	stream.linear.gather [hbm4b:s28+s3], $0x80, $0x38;
	[tilespmem:$0x16200] =	vst v63  }
0x61: {  	_ =	swait.ge [sflag:s19], $0x80  }
0x62: {  	[sflag:s19] =	ssyncset.done $0x0  }
0x63: {  	[sflag:s19] =	ssyncadd.s32 $0xFFFFFF80  }
0x64: {  	[tilespmem:s21], [sflag:$0x1] =	stream.indirect.gather [hbm4b:s5+s20], $0x1, s3, s20, $0xb8;
	[tilespmem:$0x16200] =	vst v63  }
0x65: {  	_ =	swait.ge [sflag:s22], $0x80  }
0x66: {  	[sflag:s22] =	ssyncset.done $0x0  }
0x67: {  	[sflag:s22] =	ssyncadd.s32 $0xFFFFFF80  }
0x68: {  	[tilespmem:s23], [sflag:$0x1] =	stream.indirect.gather [hbm4b:s5+s20], $0x1, s20, s20, $0xb8;
	[tilespmem:$0x16200] =	vst v63  }
0x69: {  	_ =	swait.ge [sflag:s22], $0x80  }
0x6a: {  	[sflag:s22] =	ssyncset.done $0x0  }
0x6b: {  	[sflag:s22] =	ssyncadd.s32 $0xFFFFFF80  }
0x6c: {  	[tilespmem:s24], [sflag:$0x1] =	stream.indirect.gather [hbm4b:s4+s20], $0x80, s21, s20, $0xb8;
	[tilespmem:$0x16200] =	vst v63  }
0x6d: {  	_ =	swait.ge [sflag:s22], $0x4000  }
.Ltmp1:
0x6e: {  	[sflag:s22] =	ssyncset.done $0x0;
	(pc) =	sbr.rel @p0 .LBB2_4-.Ltmp1, $4  }
0x6f: {  	[sflag:s22] =	ssyncadd.s32 $0xFFFFC000  }
0x70: {  	[spmem:s1] =	stream.indirect.scatter.add.f32 [tilespmem:s24], [sflag:$0x2], $0x80, s23, s20, $0xb8;
	[tilespmem:$0x16200] =	vst v63  }
0x71: {  	_ =	swait.ge [sflag:s19], $0x4000  }
0x72: {  	s28 =	smov.u32 s31;
	[sflag:s19] =	ssyncset.done $0x0  }
0x73: {  	s28 =	sadd.s32 s26, s16;
	[sflag:s19] =	ssyncadd.s32 $0xFFFFC000  }
0x74: {  	[tilespmem:s3], [sflag:$0x2] =	stream.linear.gather [hbm4b:s28+s3], $0x80, $0x38;
	[tilespmem:$0x16200] =	vst v63  }
0x75: {  	_ =	swait.ge [sflag:s19], $0x80  }
0x76: {  	[sflag:s19] =	ssyncset.done $0x0  }
0x77: {  	s29 =	sadd.s32 s26, s17;
	[sflag:s19] =	ssyncadd.s32 $0xFFFFFF80  }
0x78: {  	[tilespmem:s20], [sflag:$0x2] =	stream.linear.gather [hbm4b:s29+s3], $0x80, $0x38;
	[tilespmem:$0x16200] =	vst v63  }
0x79: {  	_ =	swait.ge [sflag:s19], $0x80  }
0x7a: {  	[sflag:s19] =	ssyncset.done $0x0  }
0x7b: {  	[sflag:s19] =	ssyncadd.s32 $0xFFFFFF80  }
0x7c: {  	[tilespmem:s21], [sflag:$0x1] =	stream.indirect.gather [hbm4b:s5+s20], $0x1, s3, s20, $0xb8;
	[tilespmem:$0x16200] =	vst v63  }
0x7d: {  	_ =	swait.ge [sflag:s22], $0x80  }
0x7e: {  	[sflag:s22] =	ssyncset.done $0x0  }
0x7f: {  	[sflag:s22] =	ssyncadd.s32 $0xFFFFFF80  }
0x80: {  	[tilespmem:s23], [sflag:$0x1] =	stream.indirect.gather [hbm4b:s5+s20], $0x1, s20, s20, $0xb8;
	[tilespmem:$0x16200] =	vst v63  }
0x81: {  	_ =	swait.ge [sflag:s22], $0x80  }
0x82: {  	[sflag:s22] =	ssyncset.done $0x0  }
0x83: {  	[sflag:s22] =	ssyncadd.s32 $0xFFFFFF80  }
0x84: {  	[tilespmem:s24], [sflag:$0x1] =	stream.indirect.gather [hbm4b:s4+s20], $0x80, s21, s20, $0xb8;
	[tilespmem:$0x16200] =	vst v63  }
0x85: {  	_ =	swait.ge [sflag:s22], $0x4000  }
0x86: {  	[sflag:s22] =	ssyncset.done $0x0  }
0x87: {  	[sflag:s22] =	ssyncadd.s32 $0xFFFFC000  }
0x88: {  	[spmem:s1] =	stream.indirect.scatter.add.f32 [tilespmem:s24], [sflag:$0x2], $0x80, s23, s20, $0xb8;
	[tilespmem:$0x16200] =	vst v63  }
0x89: {  	_ =	swait.ge [sflag:s19], $0x4000  }
0x8a: {  	s30 =	sshll.u32 s2, $0x6;
	s25 =	sadd.s32 $0x1, s25;
	[sflag:s19] =	ssyncset.done $0x0  }
0x8b: {  	s31 =	sshrl.u32 s6, $0x3;
	p0 =	sne.s32 s25, s8;
	[sflag:s19] =	ssyncadd.s32 $0xFFFFC000  }
.Ltmp2:
0x8c: {  	s26 =	sor.u32 $0x1C02, s30;
	[bflag:$0x0] =	sbarrier.arrive $0xFFFF;
	(pc) =	sbr.rel @p0 .LBB2_1-.Ltmp2, $4  }
0x8d: {  	[hbm:s7], [sflag:s26] =	dma.local [spmem:s31], $0x2000  }
0x8e: {  	_ =	swait.ge [sflag:s19], $0x2000  }
0x8f: {  	[sflag:s19] =	ssyncset.done $0x0  }
0x90: {  	[sflag:s19] =	ssyncadd.s32 $0xFFFFE000  }
0x91: {  	_ =	sfence.sel $0x180000  }
0x92: {  	[bflag:$0x0] =	sbarrier.arrive $0xFFFF  }
0x93: {  	p0 =	sne.s32 s2, $0x0;
	_ =	strace $0x90000050  }
0x94: {  	s0 =	sadd.s32 @!p0 $0x100000, s0;
	[bflag:$0x2] =	sbarrier.arrive $0xFFFF  }
0x95: {  	[sflag:s0] =	ssyncadd.tile.s32 @!p0 $0x1;
	_ =	shalt  }
.Lfunc_end2:
_tile_overlayer_lowered:
.L_overlay_start_2:
0x96: {  	(tag) =	ssettag $0x2  }
0x97: {  	s0 =	rddreg [dreg:$0x0];
	s2 =	stileid.u32  }
0x98: {  	s1 =	rddreg [dreg:$0x1];
	p0 =	sne.s32 s2, $0x0  }
0x99: {  	s3 =	rddreg [dreg:$0x2];
	[bflag:$0x3] =	sbarrier.arrive $0xFFFF;
	s2 =	simm.s32 @!p0 $0x1C02  }
0x9a: {  	[timem:s3], [sflag:s2] =	dma.local @!p0 [hbm:s0], s1  }
0x9b: {  	s0 =	simm.s32 @!p0 $0x2  }
0x9c: {  	_ =	swait.ge @!p0 [sflag:s0], s1  }
0x9d: {  	s1 =	ssub.s32 @!p0 $0x0, s1;
	[sflag:s0] =	ssyncset.done @!p0 $0x0  }
0x9e: {  	[sflag:s0] =	ssyncadd.s32 @!p0 s1  }
0x9f: {  	[bflag:$0x3] =	sbarrier.arrive $0xFFFF  }
0xa0: {  	_ =	shalt  }

</sc_bundles>
